<compile_context>
chip_gen: v7x
topology: tpu7x:2x2x1
jax: 0.10.2.dev20260603
libtpu: 0.0.44.dev20260713+nightly
codegen_flags: <defaults>
</compile_context>

<pallas_src>
import functools

import jax
import jax.numpy as jnp
from jax import lax
from jax.experimental import pallas as pl
from jax.experimental.pallas import tpu as pltpu
from jax.experimental.pallas import tpu_sc as plsc

N = 10000
NP = 10240
E = 320000
EP = 327680
D = 128
CH = 128
NW = 32
EPW = EP // NW
NCHUNK = EPW // CH
RPT = NP // 16
LN_EPS = 1e-5
DH = 64

_mesh = plsc.VectorSubcoreMesh(core_axis_name="c", subcore_axis_name="s")



NBUF = 4
_DNCH = (EP // CH) // 32
_DNGRP = _DNCH // NBUF
_DPLAST = (_DNGRP - 1) % 2


@functools.partial(
    pl.kernel,
    out_type=jax.ShapeDtypeStruct((2 * NP, 8), jnp.float32),
    mesh=_mesh,
    scratch_types=[
        pltpu.VMEM((2, NBUF, CH), jnp.int32),
        pltpu.VMEM((CH, 8), jnp.float32),
        pltpu.VMEM_SHARED((NP, 8), jnp.float32),
        pltpu.SemaphoreType.DMA((2,)),
        pltpu.SemaphoreType.DMA((NBUF,)),
    ],
    compiler_params=pltpu.CompilerParams(use_tc_tiling_on_sc=False),
)
def _deg_kernel(dst_hbm, ones_hbm, zeros_hbm, out_hbm,
                didx, ones_v, acc_sh, isem, ssem):
    c = lax.axis_index("c")
    s = lax.axis_index("s")
    doff = (s * 2 + c) * _DNCH

    def load_idx(g, ph):
        pltpu.async_copy(dst_hbm.at[pl.ds(doff + g * NBUF, NBUF)],
                         didx.at[ph], isem.at[ph])

    def wait_idx(ph):
        pltpu.make_async_copy(dst_hbm.at[pl.ds(doff, NBUF)],
                              didx.at[ph], isem.at[ph]).wait()

    pltpu.sync_copy(zeros_hbm, acc_sh.at[pl.ds(s * RPT, RPT)])
    pltpu.sync_copy(ones_hbm, ones_v)
    load_idx(0, 0)
    wait_idx(0)
    load_idx(1, 1)
    plsc.subcore_barrier()

    def group(g, carry):
        p = lax.rem(g, 2)
        q = 1 - p
        for b in range(NBUF):
            pltpu.async_copy(ones_v, acc_sh.at[didx.at[p, b]],
                             ssem.at[b], add=True)
        wait_idx(q)
        for b in range(NBUF):
            pltpu.make_async_copy(ones_v, acc_sh.at[didx.at[p, b]],
                                  ssem.at[b]).wait()

        @pl.when(g < _DNGRP - 2)
        def _():
            load_idx(g + 2, p)

        return carry

    lax.fori_loop(0, _DNGRP - 1, group, 0)
    for b in range(NBUF):
        pltpu.async_copy(ones_v, acc_sh.at[didx.at[_DPLAST, b]],
                         ssem.at[b], add=True)
    for b in range(NBUF):
        pltpu.make_async_copy(ones_v, acc_sh.at[didx.at[_DPLAST, b]],
                              ssem.at[b]).wait()

    plsc.subcore_barrier()
    out_off = c * NP + s * RPT
    pltpu.sync_copy(acc_sh.at[pl.ds(s * RPT, RPT)],
                    out_hbm.at[pl.ds(out_off, RPT)])




def _make_agg(edge_split, dh=DH):
  ncht = ((EP // CH) // 32) if edge_split else ((EP // CH) // 16)
  ngrp = ncht // NBUF
  p_last = (ngrp - 1) % 2

  @functools.partial(
      pl.kernel,
      out_type=jax.ShapeDtypeStruct((2 * NP, dh), jnp.float32),
      mesh=_mesh,
      scratch_types=[
          pltpu.VMEM((2, NBUF, CH), jnp.int32),
          pltpu.VMEM((2, NBUF, CH), jnp.int32),
          pltpu.VMEM((NBUF, CH, dh), jnp.float32),
          pltpu.VMEM_SHARED((NP, dh), jnp.float32),
          pltpu.SemaphoreType.DMA((2,)),
          pltpu.SemaphoreType.DMA((NBUF,)),
          pltpu.SemaphoreType.DMA((NBUF,)),
      ],
      compiler_params=pltpu.CompilerParams(use_tc_tiling_on_sc=False),
  )
  def _agg_kernel(table_hbm, srcx_hbm, dst_hbm, zeros_hbm, out_hbm,
                  sidx, didx, rows_v, acc_sh, isem, gsem, ssem):
    c = lax.axis_index("c")
    s = lax.axis_index("s")
    pltpu.sync_copy(zeros_hbm, acc_sh.at[pl.ds(s * RPT, RPT)])
    if edge_split:
        soff = (s * 2 + c) * ncht
        doff = soff
    else:
        soff = c * (EP // CH) + s * ncht
        doff = s * ncht

    def load_idx(g, ph):
        pltpu.async_copy(srcx_hbm.at[pl.ds(soff + g * NBUF, NBUF)],
                         sidx.at[ph], isem.at[ph])
        pltpu.async_copy(dst_hbm.at[pl.ds(doff + g * NBUF, NBUF)],
                         didx.at[ph], isem.at[ph])

    def wait_idx(ph):
        pltpu.make_async_copy(srcx_hbm.at[pl.ds(soff, NBUF)],
                              sidx.at[ph], isem.at[ph]).wait()
        pltpu.make_async_copy(dst_hbm.at[pl.ds(doff, NBUF)],
                              didx.at[ph], isem.at[ph]).wait()

    load_idx(0, 0)
    wait_idx(0)
    load_idx(1, 1)
    plsc.subcore_barrier()

    for b in range(NBUF):
        pltpu.async_copy(table_hbm.at[sidx.at[0, b]], rows_v.at[b], gsem.at[b])

    def group(g, carry):
        p = lax.rem(g, 2)
        q = 1 - p
        for b in range(NBUF):
            pltpu.make_async_copy(table_hbm.at[sidx.at[p, b]], rows_v.at[b],
                                  gsem.at[b]).wait()
            pltpu.async_copy(rows_v.at[b], acc_sh.at[didx.at[p, b]],
                             ssem.at[b], add=True)
        wait_idx(q)
        for b in range(NBUF):
            pltpu.make_async_copy(rows_v.at[b], acc_sh.at[didx.at[p, b]],
                                  ssem.at[b]).wait()
            pltpu.async_copy(table_hbm.at[sidx.at[q, b]], rows_v.at[b],
                             gsem.at[b])

        @pl.when(g < ngrp - 2)
        def _():
            load_idx(g + 2, p)

        return carry

    lax.fori_loop(0, ngrp - 1, group, 0)
    for b in range(NBUF):
        pltpu.make_async_copy(table_hbm.at[sidx.at[p_last, b]], rows_v.at[b],
                              gsem.at[b]).wait()
        pltpu.async_copy(rows_v.at[b], acc_sh.at[didx.at[p_last, b]],
                         ssem.at[b], add=True)
    for b in range(NBUF):
        pltpu.make_async_copy(rows_v.at[b], acc_sh.at[didx.at[p_last, b]],
                              ssem.at[b]).wait()

    plsc.subcore_barrier()
    out_off = c * NP + s * RPT
    pltpu.sync_copy(acc_sh.at[pl.ds(s * RPT, RPT)],
                    out_hbm.at[pl.ds(out_off, RPT)])

  return _agg_kernel


_agg64 = _make_agg(edge_split=False)
_agg32 = _make_agg(edge_split=False, dh=32)



BM = 1024
GRID = NP // BM


def _dinv_block(degp_ref):
    deg = degp_ref[0, :, 0:1] + degp_ref[1, :, 0:1] + 1.0
    return lax.rsqrt(deg)


def _split_store(out_ref, res, dh):
    out_ref[0] = res[:, :dh]
    out_ref[1] = res[:, dh:]


def _merge(ref2):
    return jnp.concatenate([ref2[0], ref2[1]], axis=1)


def _prep_body(degp_ref, x_ref, w_ref, out_ref):
    dinv = _dinv_block(degp_ref)
    h = jnp.dot(x_ref[...], w_ref[...], preferred_element_type=jnp.float32)
    _split_store(out_ref, h * dinv, DH)


def _mid_body(dh_out, agg_ref, hp_ref, degp_ref, b_ref, g_ref, be_ref, w_ref,
              out_ref):
    dinv = _dinv_block(degp_ref)
    t = _merge(agg_ref) + _merge(hp_ref)
    z = t * dinv + b_ref[...]
    mu = jnp.mean(z, axis=1, keepdims=True)
    zc = z - mu
    var = jnp.mean(zc * zc, axis=1, keepdims=True)
    zn = zc * lax.rsqrt(var + LN_EPS) * g_ref[...] + be_ref[...]
    r = jnp.maximum(zn, 0.0)
    res = jnp.dot(r, w_ref[...], preferred_element_type=jnp.float32) * dinv
    _split_store(out_ref, res, dh_out)


def _final_body(agg_ref, hp_ref, degp_ref, b_ref, out_ref):
    dinv = _dinv_block(degp_ref)
    t = _merge(agg_ref) + _merge(hp_ref)
    z = t * dinv + b_ref[...]
    col = lax.broadcasted_iota(jnp.int32, z.shape, 1)
    valid = col < 40
    zm = jnp.where(valid, z, -jnp.inf)
    m = jnp.max(zm, axis=1, keepdims=True)
    e = jnp.where(valid, jnp.exp(z - m), 0.0)
    lse = jnp.log(jnp.sum(e, axis=1, keepdims=True))
    out_ref[...] = z - m - lse


_DEGP_SPEC = pl.BlockSpec((2, BM, 8), lambda i: (0, i, 0))
_ROWS_SPEC = pl.BlockSpec((BM, D), lambda i: (i, 0))
_SPLIT_SPEC = pl.BlockSpec((2, BM, DH), lambda i: (0, i, 0))
_HALF_SPEC = pl.BlockSpec((1, BM, DH), lambda i: (0, i, 0))
_SPLIT32_SPEC = pl.BlockSpec((2, BM, 32), lambda i: (0, i, 0))
_SPLIT32_SDS = jax.ShapeDtypeStruct((2, NP, 32), jnp.float32)
_W64_SPEC = pl.BlockSpec((D, 64), lambda i: (0, 0))
_VEC64_SPEC = pl.BlockSpec((1, 64), lambda i: (0, 0))
_OUT64_SPEC = pl.BlockSpec((BM, 64), lambda i: (i, 0))
_OUT64_SDS = jax.ShapeDtypeStruct((NP, 64), jnp.float32)
_W_SPEC = pl.BlockSpec((D, D), lambda i: (0, 0))
_VEC_SPEC = pl.BlockSpec((1, D), lambda i: (0, 0))
_OUT_SDS = jax.ShapeDtypeStruct((NP, D), jnp.float32)
_SPLIT_SDS = jax.ShapeDtypeStruct((2, NP, DH), jnp.float32)


def _prep_call(degp, x_p, w):
    return pl.pallas_call(
        _prep_body, grid=(GRID,),
        in_specs=[_DEGP_SPEC, _ROWS_SPEC, _W_SPEC],
        out_specs=_SPLIT_SPEC, out_shape=_SPLIT_SDS,
    )(degp, x_p, w)


def _mid_call(agg, hp, degp, b, g, be, w):
    return pl.pallas_call(
        functools.partial(_mid_body, DH), grid=(GRID,),
        in_specs=[_SPLIT_SPEC, _SPLIT_SPEC, _DEGP_SPEC,
                  _VEC_SPEC, _VEC_SPEC, _VEC_SPEC, _W_SPEC],
        out_specs=_SPLIT_SPEC, out_shape=_SPLIT_SDS,
    )(agg, hp, degp, b, g, be, w)


def _mid32_call(agg, hp, degp, b, g, be, w):
    return pl.pallas_call(
        functools.partial(_mid_body, 32), grid=(GRID,),
        in_specs=[_SPLIT_SPEC, _SPLIT_SPEC, _DEGP_SPEC,
                  _VEC_SPEC, _VEC_SPEC, _VEC_SPEC, _W64_SPEC],
        out_specs=_SPLIT32_SPEC, out_shape=_SPLIT32_SDS,
    )(agg, hp, degp, b, g, be, w)


def _final_call(agg, hp, degp, b):
    return pl.pallas_call(
        _final_body, grid=(GRID,),
        in_specs=[_SPLIT32_SPEC, _SPLIT32_SPEC, _DEGP_SPEC, _VEC64_SPEC],
        out_specs=_OUT64_SPEC, out_shape=_OUT64_SDS,
    )(agg, hp, degp, b)



def kernel(x, adj_t, W1, b1, g1, be1, W2, b2, g2, be2, W3, b3):
    src = adj_t[0].astype(jnp.int32)
    dst = adj_t[1].astype(jnp.int32)
    pad_idx = jnp.full((EP - E,), N, jnp.int32)
    src_p = jnp.concatenate([src, pad_idx])
    dst_p = jnp.concatenate([dst, pad_idx])
    src2d = src_p.reshape(EP // CH, CH)
    dst2d = dst_p.reshape(EP // CH, CH)
    srcx = jnp.concatenate([src2d, src2d + NP]).astype(jnp.int32)
    x_p = jnp.pad(x, ((0, NP - N), (0, 0)))
    ones8 = jnp.ones((CH, 8), jnp.float32)
    zeros8 = jnp.zeros((RPT, 8), jnp.float32)
    zerosH = jnp.zeros((RPT, DH), jnp.float32)
    W3p = jnp.pad(W3, ((0, 0), (0, 64 - 40)))
    b1r = b1.reshape(1, D)
    g1r = g1.reshape(1, D)
    be1r = be1.reshape(1, D)
    b2r = b2.reshape(1, D)
    g2r = g2.reshape(1, D)
    be2r = be2.reshape(1, D)
    b3r = jnp.pad(b3, (0, 64 - 40)).reshape(1, 64)
    zeros32 = jnp.zeros((RPT, 32), jnp.float32)

    degp = _deg_kernel(dst2d, ones8, zeros8).reshape(2, NP, 8)
    h1 = _prep_call(degp, x_p, W1)
    agg1 = _agg64(h1.reshape(2 * NP, DH), srcx, dst2d, zerosH)
    h2 = _mid_call(agg1.reshape(2, NP, DH), h1, degp, b1r, g1r, be1r, W2)
    agg2 = _agg64(h2.reshape(2 * NP, DH), srcx, dst2d, zerosH)
    h3 = _mid32_call(agg2.reshape(2, NP, DH), h2, degp, b2r, g2r, be2r, W3p)
    agg3 = _agg32(h3.reshape(2 * NP, 32), srcx, dst2d, zeros32)
    out = _final_call(agg3.reshape(2, NP, 32), h3, degp, b3r)
    return out[:N, :40]

# --- scband reference (transcript-rebuilt; emitter-appended) ---
"""Pipeline reference for scband-gcn-28166395527417 (READ-ONLY COPY).

The authoritative reference and input builder live on the scoring server;
editing this copy changes nothing except your own understanding.
"""

import jax, jax.numpy as jnp
import numpy as np

N = 10000
E = 320000
D_IN = 128
D_HID = 128
D_OUT = 40


def setup_inputs(seed: int = 0) -> dict:
    key = jax.random.key(seed)
    ks = jax.random.split(key, 12)
    x = jax.random.normal(ks[0], (N, D_IN), dtype=jnp.float32)
    adj_t = jax.random.randint(ks[1], (2, E), 0, N, dtype=jnp.int64)
    W1 = jax.random.normal(ks[2], (D_IN, D_HID), dtype=jnp.float32) * 0.05
    b1 = jnp.zeros((D_HID,), dtype=jnp.float32)
    g1 = jnp.ones((D_HID,), dtype=jnp.float32)
    be1 = jnp.zeros((D_HID,), dtype=jnp.float32)
    W2 = jax.random.normal(ks[3], (D_HID, D_HID), dtype=jnp.float32) * 0.05
    b2 = jnp.zeros((D_HID,), dtype=jnp.float32)
    g2 = jnp.ones((D_HID,), dtype=jnp.float32)
    be2 = jnp.zeros((D_HID,), dtype=jnp.float32)
    W3 = jax.random.normal(ks[4], (D_HID, D_OUT), dtype=jnp.float32) * 0.05
    b3 = jnp.zeros((D_OUT,), dtype=jnp.float32)
    return {"x": x, "adj_t": adj_t, "W1": W1, "b1": b1, "g1": g1, "be1": be1,
            "W2": W2, "b2": b2, "g2": g2, "be2": be2, "W3": W3, "b3": b3}


def _gcn_conv(x, W, b, src, dst, n):
    # GCNConv: linear transform, add self-loops, symmetric normalization, scatter-add
    h = x @ W
    loop = jnp.arange(n, dtype=src.dtype)
    src_f = jnp.concatenate([src, loop])
    dst_f = jnp.concatenate([dst, loop])
    deg = jnp.zeros((n,), dtype=h.dtype).at[dst_f].add(1.0)
    dinv = jnp.where(deg > 0, 1.0 / jnp.sqrt(deg), 0.0)
    norm = dinv[src_f] * dinv[dst_f]
    msg = h[src_f] * norm[:, None]
    out = jnp.zeros((n, h.shape[1]), dtype=h.dtype).at[dst_f].add(msg)
    return out + b


def _layer_norm(x, g, b, eps=1e-5):
    mu = jnp.mean(x, axis=-1, keepdims=True)
    var = jnp.mean((x - mu) ** 2, axis=-1, keepdims=True)
    return (x - mu) / jnp.sqrt(var + eps) * g + b


def reference(x, adj_t, W1, b1, g1, be1, W2, b2, g2, be2, W3, b3):
    src, dst = adj_t[0], adj_t[1]
    n = x.shape[0]
    # layer 1 (eval mode: dropout disabled, drop_edge_p=0)
    h = _gcn_conv(x, W1, b1, src, dst, n)
    h = _layer_norm(h, g1, be1)
    h = jax.nn.relu(h)
    # layer 2 (use_residual=False)
    h = _gcn_conv(h, W2, b2, src, dst, n)
    h = _layer_norm(h, g2, be2)
    h = jax.nn.relu(h)
    # layer 3
    h = _gcn_conv(h, W3, b3, src, dst, n)
    return jax.nn.log_softmax(h, axis=1)

if __name__ == "__main__":
    import jax
    _d = setup_inputs()
    print(jax.jit(kernel)(*tuple(_d.values())))

</pallas_src>

<mosaic_0001>
#map = affine_map<(d0, d1) -> (0, 0)>
module attributes {stable_mosaic.version = 14 : i64} {
  func.func @_agg_kernel(%arg0: i32, %arg1: i32, %arg2: memref<20480x64xf32, #tpu.memory_space<hbm>>, %arg3: memref<5120x128xi32, #tpu.memory_space<hbm>>, %arg4: memref<2560x128xi32, #tpu.memory_space<hbm>>, %arg5: memref<640x64xf32, #tpu.memory_space<hbm>>, %arg6: memref<20480x64xf32, #tpu.memory_space<hbm>>, %arg7: memref<2x4x128xi32, #tpu.memory_space<vmem>>, %arg8: memref<2x4x128xi32, #tpu.memory_space<vmem>>, %arg9: memref<4x128x64xf32, #tpu.memory_space<vmem>>, %arg10: memref<10240x64xf32, #tpu.memory_space<vmem_shared>>, %arg11: memref<2x!tpu.dma_semaphore, #tpu.memory_space<semaphore_mem>>, %arg12: memref<4x!tpu.dma_semaphore, #tpu.memory_space<semaphore_mem>>, %arg13: memref<4x!tpu.dma_semaphore, #tpu.memory_space<semaphore_mem>>) attributes {dimension_semantics = [#tpu.dimension_semantics<core_parallel>, #tpu.dimension_semantics<subcore_parallel>], iteration_bounds = array<i64: 2, 16>, scalar_prefetch = 0 : i64, scratch_operands = 7 : i64, tpu.core_type = #tpu.core_type<sc_vector_subcore>, window_params = [{transform_indices = #map}, {transform_indices = #map}, {transform_indices = #map}, {transform_indices = #map}, {transform_indices = #map}]} {
    %mul3A = arith.constant 640 : i32
    %mul3A_0 = arith.muli %arg1, %mul3A : i32
    "tpu.region"() ({
      %run_scoped3A = tpu.sem_alloc : memref<!tpu.dma_semaphore, #tpu.memory_space<semaphore_mem>>
      %dma_start3A_378 = arith.constant 0 : i32
      %dma_start3A_379 = tpu.memref_slice %arg10[%mul3A_0, %dma_start3A_378] : memref<10240x64xf32, #tpu.memory_space<vmem_shared>> -> memref<640x64xf32, #tpu.memory_space<vmem_shared>>
      tpu.enqueue_dma source(%arg5 : memref<640x64xf32, #tpu.memory_space<hbm>>) target(%dma_start3A_379 : memref<640x64xf32, #tpu.memory_space<vmem_shared>>) target_semaphore(%run_scoped3A : memref<!tpu.dma_semaphore, #tpu.memory_space<semaphore_mem>>)
      %dma_wait3A_380 = arith.constant 0 : i32
      %dma_wait3A_381 = tpu.memref_slice %arg10[%mul3A_0, %dma_wait3A_380] : memref<10240x64xf32, #tpu.memory_space<vmem_shared>> -> memref<640x64xf32, #tpu.memory_space<vmem_shared>>
      tpu.wait_dma2 semaphore(%run_scoped3A : memref<!tpu.dma_semaphore, #tpu.memory_space<semaphore_mem>>) src(%arg5 : memref<640x64xf32, #tpu.memory_space<hbm>>) dst(%dma_wait3A_381 : memref<640x64xf32, #tpu.memory_space<vmem_shared>>)
      tpu.yield
    }) : () -> ()
    %mul3A_1 = arith.constant 2560 : i32
    %mul3A_2 = arith.muli %arg0, %mul3A_1 : i32
    %mul3A_3 = arith.constant 160 : i32
    %mul3A_4 = arith.muli %arg1, %mul3A_3 : i32
    %add3A = arith.addi %mul3A_2, %mul3A_4 : i32
    %mul3A_5 = arith.constant 160 : i32
    %mul3A_6 = arith.muli %arg1, %mul3A_5 : i32
    %add3A_7 = arith.constant 0 : i32
    %add3A_8 = arith.addi %add3A, %add3A_7 : i32
    %dma_start3A = arith.constant 0 : i32
    %dma_start3A_9 = arith.constant 0 : i32
    %dma_start3A_10 = arith.constant 0 : i32
    %dma_start3A_11 = arith.constant 0 : i32
    %dma_start3A_12 = tpu.memref_slice %arg7[%dma_start3A, %dma_start3A_10, %dma_start3A_11] : memref<2x4x128xi32, #tpu.memory_space<vmem>> -> memref<1x4x128xi32, #tpu.memory_space<vmem>>
    %dma_start3A_13 = tpu.memref_squeeze %dma_start3A_12 : memref<1x4x128xi32, #tpu.memory_space<vmem>> -> memref<4x128xi32, #tpu.memory_space<vmem>>
    %dma_start3A_14 = arith.constant 0 : i32
    %dma_start3A_15 = tpu.memref_slice %arg3[%add3A_8, %dma_start3A_14] : memref<5120x128xi32, #tpu.memory_space<hbm>> -> memref<4x128xi32, #tpu.memory_space<hbm>>
    %dma_start3A_16 = tpu.memref_slice %arg11[%dma_start3A_9] : memref<2x!tpu.dma_semaphore, #tpu.memory_space<semaphore_mem>> -> memref<1x!tpu.dma_semaphore, #tpu.memory_space<semaphore_mem>>
    %dma_start3A_17 = tpu.memref_squeeze %dma_start3A_16 : memref<1x!tpu.dma_semaphore, #tpu.memory_space<semaphore_mem>> -> memref<!tpu.dma_semaphore, #tpu.memory_space<semaphore_mem>>
    %dma_start3A_18 = arith.constant 0 : i32
    %dma_start3A_19 = arith.constant 0 : i32
    %dma_start3A_20 = tpu.memref_slice %arg7[%dma_start3A, %dma_start3A_18, %dma_start3A_19] : memref<2x4x128xi32, #tpu.memory_space<vmem>> -> memref<1x4x128xi32, #tpu.memory_space<vmem>>
    %dma_start3A_21 = tpu.memref_squeeze %dma_start3A_20 : memref<1x4x128xi32, #tpu.memory_space<vmem>> -> memref<4x128xi32, #tpu.memory_space<vmem>>
    %dma_start3A_22 = arith.constant 0 : i32
    %dma_start3A_23 = tpu.memref_slice %arg3[%add3A_8, %dma_start3A_22] : memref<5120x128xi32, #tpu.memory_space<hbm>> -> memref<4x128xi32, #tpu.memory_space<hbm>>
    tpu.enqueue_dma source(%dma_start3A_23 : memref<4x128xi32, #tpu.memory_space<hbm>>) target(%dma_start3A_21 : memref<4x128xi32, #tpu.memory_space<vmem>>) target_semaphore(%dma_start3A_17 : memref<!tpu.dma_semaphore, #tpu.memory_space<semaphore_mem>>)
    %add3A_24 = arith.constant 0 : i32
    %add3A_25 = arith.addi %mul3A_6, %add3A_24 : i32
    %dma_start3A_26 = arith.constant 0 : i32
    %dma_start3A_27 = arith.constant 0 : i32
    %dma_start3A_28 = arith.constant 0 : i32
    %dma_start3A_29 = arith.constant 0 : i32
    %dma_start3A_30 = tpu.memref_slice %arg8[%dma_start3A_26, %dma_start3A_28, %dma_start3A_29] : memref<2x4x128xi32, #tpu.memory_space<vmem>> -> memref<1x4x128xi32, #tpu.memory_space<vmem>>
    %dma_start3A_31 = tpu.memref_squeeze %dma_start3A_30 : memref<1x4x128xi32, #tpu.memory_space<vmem>> -> memref<4x128xi32, #tpu.memory_space<vmem>>
    %dma_start3A_32 = arith.constant 0 : i32
    %dma_start3A_33 = tpu.memref_slice %arg4[%add3A_25, %dma_start3A_32] : memref<2560x128xi32, #tpu.memory_space<hbm>> -> memref<4x128xi32, #tpu.memory_space<hbm>>
    %dma_start3A_34 = tpu.memref_slice %arg11[%dma_start3A_27] : memref<2x!tpu.dma_semaphore, #tpu.memory_space<semaphore_mem>> -> memref<1x!tpu.dma_semaphore, #tpu.memory_space<semaphore_mem>>
    %dma_start3A_35 = tpu.memref_squeeze %dma_start3A_34 : memref<1x!tpu.dma_semaphore, #tpu.memory_space<semaphore_mem>> -> memref<!tpu.dma_semaphore, #tpu.memory_space<semaphore_mem>>
    %dma_start3A_36 = arith.constant 0 : i32
    %dma_start3A_37 = arith.constant 0 : i32
    %dma_start3A_38 = tpu.memref_slice %arg8[%dma_start3A_26, %dma_start3A_36, %dma_start3A_37] : memref<2x4x128xi32, #tpu.memory_space<vmem>> -> memref<1x4x128xi32, #tpu.memory_space<vmem>>
    %dma_start3A_39 = tpu.memref_squeeze %dma_start3A_38 : memref<1x4x128xi32, #tpu.memory_space<vmem>> -> memref<4x128xi32, #tpu.memory_space<vmem>>
    %dma_start3A_40 = arith.constant 0 : i32
    %dma_start3A_41 = tpu.memref_slice %arg4[%add3A_25, %dma_start3A_40] : memref<2560x128xi32, #tpu.memory_space<hbm>> -> memref<4x128xi32, #tpu.memory_space<hbm>>
    tpu.enqueue_dma source(%dma_start3A_41 : memref<4x128xi32, #tpu.memory_space<hbm>>) target(%dma_start3A_39 : memref<4x128xi32, #tpu.memory_space<vmem>>) target_semaphore(%dma_start3A_35 : memref<!tpu.dma_semaphore, #tpu.memory_space<semaphore_mem>>)
    %dma_wait3A = arith.constant 0 : i32
    %dma_wait3A_42 = arith.constant 0 : i32
    %dma_wait3A_43 = arith.constant 0 : i32
    %dma_wait3A_44 = arith.constant 0 : i32
    %dma_wait3A_45 = tpu.memref_slice %arg7[%dma_wait3A, %dma_wait3A_43, %dma_wait3A_44] : memref<2x4x128xi32, #tpu.memory_space<vmem>> -> memref<1x4x128xi32, #tpu.memory_space<vmem>>
    %dma_wait3A_46 = tpu.memref_squeeze %dma_wait3A_45 : memref<1x4x128xi32, #tpu.memory_space<vmem>> -> memref<4x128xi32, #tpu.memory_space<vmem>>
    %dma_wait3A_47 = arith.constant 0 : i32
    %dma_wait3A_48 = tpu.memref_slice %arg3[%add3A, %dma_wait3A_47] : memref<5120x128xi32, #tpu.memory_space<hbm>> -> memref<4x128xi32, #tpu.memory_space<hbm>>
    %dma_wait3A_49 = tpu.memref_slice %arg11[%dma_wait3A_42] : memref<2x!tpu.dma_semaphore, #tpu.memory_space<semaphore_mem>> -> memref<1x!tpu.dma_semaphore, #tpu.memory_space<semaphore_mem>>
    %dma_wait3A_50 = tpu.memref_squeeze %dma_wait3A_49 : memref<1x!tpu.dma_semaphore, #tpu.memory_space<semaphore_mem>> -> memref<!tpu.dma_semaphore, #tpu.memory_space<semaphore_mem>>
    %dma_wait3A_51 = arith.constant 0 : i32
    %dma_wait3A_52 = arith.constant 0 : i32
    %dma_wait3A_53 = tpu.memref_slice %arg7[%dma_wait3A, %dma_wait3A_51, %dma_wait3A_52] : memref<2x4x128xi32, #tpu.memory_space<vmem>> -> memref<1x4x128xi32, #tpu.memory_space<vmem>>
    %dma_wait3A_54 = tpu.memref_squeeze %dma_wait3A_53 : memref<1x4x128xi32, #tpu.memory_space<vmem>> -> memref<4x128xi32, #tpu.memory_space<vmem>>
    %dma_wait3A_55 = arith.constant 0 : i32
    %dma_wait3A_56 = tpu.memref_slice %arg3[%add3A, %dma_wait3A_55] : memref<5120x128xi32, #tpu.memory_space<hbm>> -> memref<4x128xi32, #tpu.memory_space<hbm>>
    tpu.wait_dma2 semaphore(%dma_wait3A_50 : memref<!tpu.dma_semaphore, #tpu.memory_space<semaphore_mem>>) src(%dma_wait3A_56 : memref<4x128xi32, #tpu.memory_space<hbm>>) dst(%dma_wait3A_54 : memref<4x128xi32, #tpu.memory_space<vmem>>)
    %dma_wait3A_57 = arith.constant 0 : i32
    %dma_wait3A_58 = arith.constant 0 : i32
    %dma_wait3A_59 = arith.constant 0 : i32
    %dma_wait3A_60 = arith.constant 0 : i32
    %dma_wait3A_61 = tpu.memref_slice %arg8[%dma_wait3A_57, %dma_wait3A_59, %dma_wait3A_60] : memref<2x4x128xi32, #tpu.memory_space<vmem>> -> memref<1x4x128xi32, #tpu.memory_space<vmem>>
    %dma_wait3A_62 = tpu.memref_squeeze %dma_wait3A_61 : memref<1x4x128xi32, #tpu.memory_space<vmem>> -> memref<4x128xi32, #tpu.memory_space<vmem>>
    %dma_wait3A_63 = arith.constant 0 : i32
    %dma_wait3A_64 = tpu.memref_slice %arg4[%mul3A_6, %dma_wait3A_63] : memref<2560x128xi32, #tpu.memory_space<hbm>> -> memref<4x128xi32, #tpu.memory_space<hbm>>
    %dma_wait3A_65 = tpu.memref_slice %arg11[%dma_wait3A_58] : memref<2x!tpu.dma_semaphore, #tpu.memory_space<semaphore_mem>> -> memref<1x!tpu.dma_semaphore, #tpu.memory_space<semaphore_mem>>
    %dma_wait3A_66 = tpu.memref_squeeze %dma_wait3A_65 : memref<1x!tpu.dma_semaphore, #tpu.memory_space<semaphore_mem>> -> memref<!tpu.dma_semaphore, #tpu.memory_space<semaphore_mem>>
    %dma_wait3A_67 = arith.constant 0 : i32
    %dma_wait3A_68 = arith.constant 0 : i32
    %dma_wait3A_69 = tpu.memref_slice %arg8[%dma_wait3A_57, %dma_wait3A_67, %dma_wait3A_68] : memref<2x4x128xi32, #tpu.memory_space<vmem>> -> memref<1x4x128xi32, #tpu.memory_space<vmem>>
    %dma_wait3A_70 = tpu.memref_squeeze %dma_wait3A_69 : memref<1x4x128xi32, #tpu.memory_space<vmem>> -> memref<4x128xi32, #tpu.memory_space<vmem>>
    %dma_wait3A_71 = arith.constant 0 : i32
    %dma_wait3A_72 = tpu.memref_slice %arg4[%mul3A_6, %dma_wait3A_71] : memref<2560x128xi32, #tpu.memory_space<hbm>> -> memref<4x128xi32, #tpu.memory_space<hbm>>
    tpu.wait_dma2 semaphore(%dma_wait3A_66 : memref<!tpu.dma_semaphore, #tpu.memory_space<semaphore_mem>>) src(%dma_wait3A_72 : memref<4x128xi32, #tpu.memory_space<hbm>>) dst(%dma_wait3A_70 : memref<4x128xi32, #tpu.memory_space<vmem>>)
    %add3A_73 = arith.constant 4 : i32
    %add3A_74 = arith.addi %add3A, %add3A_73 : i32
    %dma_start3A_75 = arith.constant 1 : i32
    %dma_start3A_76 = arith.constant 1 : i32
    %dma_start3A_77 = arith.constant 0 : i32
    %dma_start3A_78 = arith.constant 0 : i32
    %dma_start3A_79 = tpu.memref_slice %arg7[%dma_start3A_75, %dma_start3A_77, %dma_start3A_78] : memref<2x4x128xi32, #tpu.memory_space<vmem>> -> memref<1x4x128xi32, #tpu.memory_space<vmem>>
    %dma_start3A_80 = tpu.memref_squeeze %dma_start3A_79 : memref<1x4x128xi32, #tpu.memory_space<vmem>> -> memref<4x128xi32, #tpu.memory_space<vmem>>
    %dma_start3A_81 = arith.constant 0 : i32
    %dma_start3A_82 = tpu.memref_slice %arg3[%add3A_74, %dma_start3A_81] : memref<5120x128xi32, #tpu.memory_space<hbm>> -> memref<4x128xi32, #tpu.memory_space<hbm>>
    %dma_start3A_83 = tpu.memref_slice %arg11[%dma_start3A_76] : memref<2x!tpu.dma_semaphore, #tpu.memory_space<semaphore_mem>> -> memref<1x!tpu.dma_semaphore, #tpu.memory_space<semaphore_mem>>
    %dma_start3A_84 = tpu.memref_squeeze %dma_start3A_83 : memref<1x!tpu.dma_semaphore, #tpu.memory_space<semaphore_mem>> -> memref<!tpu.dma_semaphore, #tpu.memory_space<semaphore_mem>>
    %dma_start3A_85 = arith.constant 0 : i32
    %dma_start3A_86 = arith.constant 0 : i32
    %dma_start3A_87 = tpu.memref_slice %arg7[%dma_start3A_75, %dma_start3A_85, %dma_start3A_86] : memref<2x4x128xi32, #tpu.memory_space<vmem>> -> memref<1x4x128xi32, #tpu.memory_space<vmem>>
    %dma_start3A_88 = tpu.memref_squeeze %dma_start3A_87 : memref<1x4x128xi32, #tpu.memory_space<vmem>> -> memref<4x128xi32, #tpu.memory_space<vmem>>
    %dma_start3A_89 = arith.constant 0 : i32
    %dma_start3A_90 = tpu.memref_slice %arg3[%add3A_74, %dma_start3A_89] : memref<5120x128xi32, #tpu.memory_space<hbm>> -> memref<4x128xi32, #tpu.memory_space<hbm>>
    tpu.enqueue_dma source(%dma_start3A_90 : memref<4x128xi32, #tpu.memory_space<hbm>>) target(%dma_start3A_88 : memref<4x128xi32, #tpu.memory_space<vmem>>) target_semaphore(%dma_start3A_84 : memref<!tpu.dma_semaphore, #tpu.memory_space<semaphore_mem>>)
    %add3A_91 = arith.constant 4 : i32
    %add3A_92 = arith.addi %mul3A_6, %add3A_91 : i32
    %dma_start3A_93 = arith.constant 1 : i32
    %dma_start3A_94 = arith.constant 1 : i32
    %dma_start3A_95 = arith.constant 0 : i32
    %dma_start3A_96 = arith.constant 0 : i32
    %dma_start3A_97 = tpu.memref_slice %arg8[%dma_start3A_93, %dma_start3A_95, %dma_start3A_96] : memref<2x4x128xi32, #tpu.memory_space<vmem>> -> memref<1x4x128xi32, #tpu.memory_space<vmem>>
    %dma_start3A_98 = tpu.memref_squeeze %dma_start3A_97 : memref<1x4x128xi32, #tpu.memory_space<vmem>> -> memref<4x128xi32, #tpu.memory_space<vmem>>
    %dma_start3A_99 = arith.constant 0 : i32
    %dma_start3A_100 = tpu.memref_slice %arg4[%add3A_92, %dma_start3A_99] : memref<2560x128xi32, #tpu.memory_space<hbm>> -> memref<4x128xi32, #tpu.memory_space<hbm>>
    %dma_start3A_101 = tpu.memref_slice %arg11[%dma_start3A_94] : memref<2x!tpu.dma_semaphore, #tpu.memory_space<semaphore_mem>> -> memref<1x!tpu.dma_semaphore, #tpu.memory_space<semaphore_mem>>
    %dma_start3A_102 = tpu.memref_squeeze %dma_start3A_101 : memref<1x!tpu.dma_semaphore, #tpu.memory_space<semaphore_mem>> -> memref<!tpu.dma_semaphore, #tpu.memory_space<semaphore_mem>>
    %dma_start3A_103 = arith.constant 0 : i32
    %dma_start3A_104 = arith.constant 0 : i32
    %dma_start3A_105 = tpu.memref_slice %arg8[%dma_start3A_93, %dma_start3A_103, %dma_start3A_104] : memref<2x4x128xi32, #tpu.memory_space<vmem>> -> memref<1x4x128xi32, #tpu.memory_space<vmem>>
    %dma_start3A_106 = tpu.memref_squeeze %dma_start3A_105 : memref<1x4x128xi32, #tpu.memory_space<vmem>> -> memref<4x128xi32, #tpu.memory_space<vmem>>
    %dma_start3A_107 = arith.constant 0 : i32
    %dma_start3A_108 = tpu.memref_slice %arg4[%add3A_92, %dma_start3A_107] : memref<2560x128xi32, #tpu.memory_space<hbm>> -> memref<4x128xi32, #tpu.memory_space<hbm>>
    tpu.enqueue_dma source(%dma_start3A_108 : memref<4x128xi32, #tpu.memory_space<hbm>>) target(%dma_start3A_106 : memref<4x128xi32, #tpu.memory_space<vmem>>) target_semaphore(%dma_start3A_102 : memref<!tpu.dma_semaphore, #tpu.memory_space<semaphore_mem>>)
    %barrier3A = arith.constant 0 : index
    tpu.barrier barrier_id(%barrier3A)
    %dma_start3A_109 = arith.constant 0 : i32
    %dma_start3A_110 = arith.constant 0 : i32
    %dma_start3A_111 = arith.constant 0 : i32
    %dma_start3A_112 = arith.constant 0 : i32
    %dma_start3A_113 = arith.constant 0 : i32
    %dma_start3A_114 = arith.constant 0 : i32
    %dma_start3A_115 = tpu.memref_slice %arg9[%dma_start3A_111, %dma_start3A_113, %dma_start3A_114] : memref<4x128x64xf32, #tpu.memory_space<vmem>> -> memref<1x128x64xf32, #tpu.memory_space<vmem>>
    %dma_start3A_116 = tpu.memref_squeeze %dma_start3A_115 : memref<1x128x64xf32, #tpu.memory_space<vmem>> -> memref<128x64xf32, #tpu.memory_space<vmem>>
    %dma_start3A_117 = arith.constant 0 : i32
    %dma_start3A_118 = tpu.memref_slice %arg7[%dma_start3A_109, %dma_start3A_110, %dma_start3A_117] : memref<2x4x128xi32, #tpu.memory_space<vmem>> -> memref<1x1x128xi32, #tpu.memory_space<vmem>>
    %dma_start3A_119 = tpu.memref_squeeze %dma_start3A_118 : memref<1x1x128xi32, #tpu.memory_space<vmem>> -> memref<128xi32, #tpu.memory_space<vmem>>
    %dma_start3A_120 = arith.constant 0 : i32
    %dma_start3A_121 = arith.constant 0 : i32
    %dma_start3A_122 = tpu.memref_slice %arg2[%dma_start3A_120, %dma_start3A_121] : memref<20480x64xf32, #tpu.memory_space<hbm>> -> memref<20480x64xf32, #tpu.memory_space<hbm>>
    %dma_start3A_123 = tpu.memref_slice %arg12[%dma_start3A_112] : memref<4x!tpu.dma_semaphore, #tpu.memory_space<semaphore_mem>> -> memref<1x!tpu.dma_semaphore, #tpu.memory_space<semaphore_mem>>
    %dma_start3A_124 = tpu.memref_squeeze %dma_start3A_123 : memref<1x!tpu.dma_semaphore, #tpu.memory_space<semaphore_mem>> -> memref<!tpu.dma_semaphore, #tpu.memory_space<semaphore_mem>>
    tpu.enqueue_indirect_dma source(%dma_start3A_122 : memref<20480x64xf32, #tpu.memory_space<hbm>>) target(%dma_start3A_116 : memref<128x64xf32, #tpu.memory_space<vmem>>) offsets(%dma_start3A_119 : memref<128xi32, #tpu.memory_space<vmem>>) semaphore(%dma_start3A_124 : memref<!tpu.dma_semaphore, #tpu.memory_space<semaphore_mem>>)
    %dma_start3A_125 = arith.constant 0 : i32
    %dma_start3A_126 = arith.constant 1 : i32
    %dma_start3A_127 = arith.constant 1 : i32
    %dma_start3A_128 = arith.constant 1 : i32
    %dma_start3A_129 = arith.constant 0 : i32
    %dma_start3A_130 = arith.constant 0 : i32
    %dma_start3A_131 = tpu.memref_slice %arg9[%dma_start3A_127, %dma_start3A_129, %dma_start3A_130] : memref<4x128x64xf32, #tpu.memory_space<vmem>> -> memref<1x128x64xf32, #tpu.memory_space<vmem>>
    %dma_start3A_132 = tpu.memref_squeeze %dma_start3A_131 : memref<1x128x64xf32, #tpu.memory_space<vmem>> -> memref<128x64xf32, #tpu.memory_space<vmem>>
    %dma_start3A_133 = arith.constant 0 : i32
    %dma_start3A_134 = tpu.memref_slice %arg7[%dma_start3A_125, %dma_start3A_126, %dma_start3A_133] : memref<2x4x128xi32, #tpu.memory_space<vmem>> -> memref<1x1x128xi32, #tpu.memory_space<vmem>>
    %dma_start3A_135 = tpu.memref_squeeze %dma_start3A_134 : memref<1x1x128xi32, #tpu.memory_space<vmem>> -> memref<128xi32, #tpu.memory_space<vmem>>
    %dma_start3A_136 = arith.constant 0 : i32
    %dma_start3A_137 = arith.constant 0 : i32
    %dma_start3A_138 = tpu.memref_slice %arg2[%dma_start3A_136, %dma_start3A_137] : memref<20480x64xf32, #tpu.memory_space<hbm>> -> memref<20480x64xf32, #tpu.memory_space<hbm>>
    %dma_start3A_139 = tpu.memref_slice %arg12[%dma_start3A_128] : memref<4x!tpu.dma_semaphore, #tpu.memory_space<semaphore_mem>> -> memref<1x!tpu.dma_semaphore, #tpu.memory_space<semaphore_mem>>
    %dma_start3A_140 = tpu.memref_squeeze %dma_start3A_139 : memref<1x!tpu.dma_semaphore, #tpu.memory_space<semaphore_mem>> -> memref<!tpu.dma_semaphore, #tpu.memory_space<semaphore_mem>>
    tpu.enqueue_indirect_dma source(%dma_start3A_138 : memref<20480x64xf32, #tpu.memory_space<hbm>>) target(%dma_start3A_132 : memref<128x64xf32, #tpu.memory_space<vmem>>) offsets(%dma_start3A_135 : memref<128xi32, #tpu.memory_space<vmem>>) semaphore(%dma_start3A_140 : memref<!tpu.dma_semaphore, #tpu.memory_space<semaphore_mem>>)
    %dma_start3A_141 = arith.constant 0 : i32
    %dma_start3A_142 = arith.constant 2 : i32
    %dma_start3A_143 = arith.constant 2 : i32
    %dma_start3A_144 = arith.constant 2 : i32
    %dma_start3A_145 = arith.constant 0 : i32
    %dma_start3A_146 = arith.constant 0 : i32
    %dma_start3A_147 = tpu.memref_slice %arg9[%dma_start3A_143, %dma_start3A_145, %dma_start3A_146] : memref<4x128x64xf32, #tpu.memory_space<vmem>> -> memref<1x128x64xf32, #tpu.memory_space<vmem>>
    %dma_start3A_148 = tpu.memref_squeeze %dma_start3A_147 : memref<1x128x64xf32, #tpu.memory_space<vmem>> -> memref<128x64xf32, #tpu.memory_space<vmem>>
    %dma_start3A_149 = arith.constant 0 : i32
    %dma_start3A_150 = tpu.memref_slice %arg7[%dma_start3A_141, %dma_start3A_142, %dma_start3A_149] : memref<2x4x128xi32, #tpu.memory_space<vmem>> -> memref<1x1x128xi32, #tpu.memory_space<vmem>>
    %dma_start3A_151 = tpu.memref_squeeze %dma_start3A_150 : memref<1x1x128xi32, #tpu.memory_space<vmem>> -> memref<128xi32, #tpu.memory_space<vmem>>
    %dma_start3A_152 = arith.constant 0 : i32
    %dma_start3A_153 = arith.constant 0 : i32
    %dma_start3A_154 = tpu.memref_slice %arg2[%dma_start3A_152, %dma_start3A_153] : memref<20480x64xf32, #tpu.memory_space<hbm>> -> memref<20480x64xf32, #tpu.memory_space<hbm>>
    %dma_start3A_155 = tpu.memref_slice %arg12[%dma_start3A_144] : memref<4x!tpu.dma_semaphore, #tpu.memory_space<semaphore_mem>> -> memref<1x!tpu.dma_semaphore, #tpu.memory_space<semaphore_mem>>
    %dma_start3A_156 = tpu.memref_squeeze %dma_start3A_155 : memref<1x!tpu.dma_semaphore, #tpu.memory_space<semaphore_mem>> -> memref<!tpu.dma_semaphore, #tpu.memory_space<semaphore_mem>>
    tpu.enqueue_indirect_dma source(%dma_start3A_154 : memref<20480x64xf32, #tpu.memory_space<hbm>>) target(%dma_start3A_148 : memref<128x64xf32, #tpu.memory_space<vmem>>) offsets(%dma_start3A_151 : memref<128xi32, #tpu.memory_space<vmem>>) semaphore(%dma_start3A_156 : memref<!tpu.dma_semaphore, #tpu.memory_space<semaphore_mem>>)
    %dma_start3A_157 = arith.constant 0 : i32
    %dma_start3A_158 = arith.constant 3 : i32
    %dma_start3A_159 = arith.constant 3 : i32
    %dma_start3A_160 = arith.constant 3 : i32
    %dma_start3A_161 = arith.constant 0 : i32
    %dma_start3A_162 = arith.constant 0 : i32
    %dma_start3A_163 = tpu.memref_slice %arg9[%dma_start3A_159, %dma_start3A_161, %dma_start3A_162] : memref<4x128x64xf32, #tpu.memory_space<vmem>> -> memref<1x128x64xf32, #tpu.memory_space<vmem>>
    %dma_start3A_164 = tpu.memref_squeeze %dma_start3A_163 : memref<1x128x64xf32, #tpu.memory_space<vmem>> -> memref<128x64xf32, #tpu.memory_space<vmem>>
    %dma_start3A_165 = arith.constant 0 : i32
    %dma_start3A_166 = tpu.memref_slice %arg7[%dma_start3A_157, %dma_start3A_158, %dma_start3A_165] : memref<2x4x128xi32, #tpu.memory_space<vmem>> -> memref<1x1x128xi32, #tpu.memory_space<vmem>>
    %dma_start3A_167 = tpu.memref_squeeze %dma_start3A_166 : memref<1x1x128xi32, #tpu.memory_space<vmem>> -> memref<128xi32, #tpu.memory_space<vmem>>
    %dma_start3A_168 = arith.constant 0 : i32
    %dma_start3A_169 = arith.constant 0 : i32
    %dma_start3A_170 = tpu.memref_slice %arg2[%dma_start3A_168, %dma_start3A_169] : memref<20480x64xf32, #tpu.memory_space<hbm>> -> memref<20480x64xf32, #tpu.memory_space<hbm>>
    %dma_start3A_171 = tpu.memref_slice %arg12[%dma_start3A_160] : memref<4x!tpu.dma_semaphore, #tpu.memory_space<semaphore_mem>> -> memref<1x!tpu.dma_semaphore, #tpu.memory_space<semaphore_mem>>
    %dma_start3A_172 = tpu.memref_squeeze %dma_start3A_171 : memref<1x!tpu.dma_semaphore, #tpu.memory_space<semaphore_mem>> -> memref<!tpu.dma_semaphore, #tpu.memory_space<semaphore_mem>>
    tpu.enqueue_indirect_dma source(%dma_start3A_170 : memref<20480x64xf32, #tpu.memory_space<hbm>>) target(%dma_start3A_164 : memref<128x64xf32, #tpu.memory_space<vmem>>) offsets(%dma_start3A_167 : memref<128xi32, #tpu.memory_space<vmem>>) semaphore(%dma_start3A_172 : memref<!tpu.dma_semaphore, #tpu.memory_space<semaphore_mem>>)
    %scan3A = arith.constant 0 : i32
    %scan3A_173 = arith.constant 0 : i32
    %scan3A_174 = arith.constant 39 : i32
    %scan3A_175 = arith.addi %scan3A_173, %scan3A_174 : i32
    %scan3A_176 = arith.constant 1 : i32
    scf.for %scan3A_378 = %scan3A_173 to %scan3A_175 step %scan3A_176  : i32 {
      %rem3A = arith.constant 2 : i32
      %rem3A_379 = arith.remsi %scan3A_378, %rem3A : i32
      %sub3A = arith.constant 1 : i32
      %sub3A_380 = arith.subi %sub3A, %rem3A_379 : i32
      %dma_wait3A_381 = arith.constant 0 : i32
      %dma_wait3A_382 = arith.constant 0 : i32
      %dma_wait3A_383 = arith.constant 0 : i32
      %dma_wait3A_384 = arith.constant 0 : i32
      %dma_wait3A_385 = arith.constant 0 : i32
      %dma_wait3A_386 = tpu.memref_slice %arg9[%dma_wait3A_382, %dma_wait3A_384, %dma_wait3A_385] : memref<4x128x64xf32, #tpu.memory_space<vmem>> -> memref<1x128x64xf32, #tpu.memory_space<vmem>>
      %dma_wait3A_387 = tpu.memref_squeeze %dma_wait3A_386 : memref<1x128x64xf32, #tpu.memory_space<vmem>> -> memref<128x64xf32, #tpu.memory_space<vmem>>
      %dma_wait3A_388 = arith.constant 0 : i32
      %dma_wait3A_389 = tpu.memref_slice %arg7[%rem3A_379, %dma_wait3A_381, %dma_wait3A_388] : memref<2x4x128xi32, #tpu.memory_space<vmem>> -> memref<1x1x128xi32, #tpu.memory_space<vmem>>
      %dma_wait3A_390 = tpu.memref_squeeze %dma_wait3A_389 : memref<1x1x128xi32, #tpu.memory_space<vmem>> -> memref<128xi32, #tpu.memory_space<vmem>>
      %dma_wait3A_391 = arith.constant 0 : i32
      %dma_wait3A_392 = arith.constant 0 : i32
      %dma_wait3A_393 = tpu.memref_slice %arg2[%dma_wait3A_391, %dma_wait3A_392] : memref<20480x64xf32, #tpu.memory_space<hbm>> -> memref<20480x64xf32, #tpu.memory_space<hbm>>
      %dma_wait3A_394 = tpu.memref_slice %arg12[%dma_wait3A_383] : memref<4x!tpu.dma_semaphore, #tpu.memory_space<semaphore_mem>> -> memref<1x!tpu.dma_semaphore, #tpu.memory_space<semaphore_mem>>
      %dma_wait3A_395 = tpu.memref_squeeze %dma_wait3A_394 : memref<1x!tpu.dma_semaphore, #tpu.memory_space<semaphore_mem>> -> memref<!tpu.dma_semaphore, #tpu.memory_space<semaphore_mem>>
      tpu.wait_indirect_dma semaphore(%dma_wait3A_395 : memref<!tpu.dma_semaphore, #tpu.memory_space<semaphore_mem>>) src(%dma_wait3A_393 : memref<20480x64xf32, #tpu.memory_space<hbm>>) dst(%dma_wait3A_387 : memref<128x64xf32, #tpu.memory_space<vmem>>)
      %dma_start3A_396 = arith.constant 0 : i32
      %dma_start3A_397 = arith.constant 0 : i32
      %dma_start3A_398 = arith.constant 0 : i32
      %dma_start3A_399 = arith.constant 0 : i32
      %dma_start3A_400 = arith.constant 0 : i32
      %dma_start3A_401 = tpu.memref_slice %arg9[%dma_start3A_396, %dma_start3A_399, %dma_start3A_400] : memref<4x128x64xf32, #tpu.memory_space<vmem>> -> memref<1x128x64xf32, #tpu.memory_space<vmem>>
      %dma_start3A_402 = tpu.memref_squeeze %dma_start3A_401 : memref<1x128x64xf32, #tpu.memory_space<vmem>> -> memref<128x64xf32, #tpu.memory_space<vmem>>
      %dma_start3A_403 = arith.constant 0 : i32
      %dma_start3A_404 = tpu.memref_slice %arg8[%rem3A_379, %dma_start3A_397, %dma_start3A_403] : memref<2x4x128xi32, #tpu.memory_space<vmem>> -> memref<1x1x128xi32, #tpu.memory_space<vmem>>
      %dma_start3A_405 = tpu.memref_squeeze %dma_start3A_404 : memref<1x1x128xi32, #tpu.memory_space<vmem>> -> memref<128xi32, #tpu.memory_space<vmem>>
      %dma_start3A_406 = arith.constant 0 : i32
      %dma_start3A_407 = arith.constant 0 : i32
      %dma_start3A_408 = tpu.memref_slice %arg10[%dma_start3A_406, %dma_start3A_407] : memref<10240x64xf32, #tpu.memory_space<vmem_shared>> -> memref<10240x64xf32, #tpu.memory_space<vmem_shared>>
      %dma_start3A_409 = tpu.memref_slice %arg13[%dma_start3A_398] : memref<4x!tpu.dma_semaphore, #tpu.memory_space<semaphore_mem>> -> memref<1x!tpu.dma_semaphore, #tpu.memory_space<semaphore_mem>>
      %dma_start3A_410 = tpu.memref_squeeze %dma_start3A_409 : memref<1x!tpu.dma_semaphore, #tpu.memory_space<semaphore_mem>> -> memref<!tpu.dma_semaphore, #tpu.memory_space<semaphore_mem>>
      tpu.enqueue_indirect_dma source(%dma_start3A_402 : memref<128x64xf32, #tpu.memory_space<vmem>>) target(%dma_start3A_408 : memref<10240x64xf32, #tpu.memory_space<vmem_shared>>) offsets(%dma_start3A_405 : memref<128xi32, #tpu.memory_space<vmem>>) semaphore(%dma_start3A_410 : memref<!tpu.dma_semaphore, #tpu.memory_space<semaphore_mem>>) {add = true}
      %dma_wait3A_411 = arith.constant 1 : i32
      %dma_wait3A_412 = arith.constant 1 : i32
      %dma_wait3A_413 = arith.constant 1 : i32
      %dma_wait3A_414 = arith.constant 0 : i32
      %dma_wait3A_415 = arith.constant 0 : i32
      %dma_wait3A_416 = tpu.memref_slice %arg9[%dma_wait3A_412, %dma_wait3A_414, %dma_wait3A_415] : memref<4x128x64xf32, #tpu.memory_space<vmem>> -> memref<1x128x64xf32, #tpu.memory_space<vmem>>
      %dma_wait3A_417 = tpu.memref_squeeze %dma_wait3A_416 : memref<1x128x64xf32, #tpu.memory_space<vmem>> -> memref<128x64xf32, #tpu.memory_space<vmem>>
      %dma_wait3A_418 = arith.constant 0 : i32
      %dma_wait3A_419 = tpu.memref_slice %arg7[%rem3A_379, %dma_wait3A_411, %dma_wait3A_418] : memref<2x4x128xi32, #tpu.memory_space<vmem>> -> memref<1x1x128xi32, #tpu.memory_space<vmem>>
      %dma_wait3A_420 = tpu.memref_squeeze %dma_wait3A_419 : memref<1x1x128xi32, #tpu.memory_space<vmem>> -> memref<128xi32, #tpu.memory_space<vmem>>
      %dma_wait3A_421 = arith.constant 0 : i32
      %dma_wait3A_422 = arith.constant 0 : i32
      %dma_wait3A_423 = tpu.memref_slice %arg2[%dma_wait3A_421, %dma_wait3A_422] : memref<20480x64xf32, #tpu.memory_space<hbm>> -> memref<20480x64xf32, #tpu.memory_space<hbm>>
      %dma_wait3A_424 = tpu.memref_slice %arg12[%dma_wait3A_413] : memref<4x!tpu.dma_semaphore, #tpu.memory_space<semaphore_mem>> -> memref<1x!tpu.dma_semaphore, #tpu.memory_space<semaphore_mem>>
      %dma_wait3A_425 = tpu.memref_squeeze %dma_wait3A_424 : memref<1x!tpu.dma_semaphore, #tpu.memory_space<semaphore_mem>> -> memref<!tpu.dma_semaphore, #tpu.memory_space<semaphore_mem>>
      tpu.wait_indirect_dma semaphore(%dma_wait3A_425 : memref<!tpu.dma_semaphore, #tpu.memory_space<semaphore_mem>>) src(%dma_wait3A_423 : memref<20480x64xf32, #tpu.memory_space<hbm>>) dst(%dma_wait3A_417 : memref<128x64xf32, #tpu.memory_space<vmem>>)
      %dma_start3A_426 = arith.constant 1 : i32
      %dma_start3A_427 = arith.constant 1 : i32
      %dma_start3A_428 = arith.constant 1 : i32
      %dma_start3A_429 = arith.constant 0 : i32
      %dma_start3A_430 = arith.constant 0 : i32
      %dma_start3A_431 = tpu.memref_slice %arg9[%dma_start3A_426, %dma_start3A_429, %dma_start3A_430] : memref<4x128x64xf32, #tpu.memory_space<vmem>> -> memref<1x128x64xf32, #tpu.memory_space<vmem>>
      %dma_start3A_432 = tpu.memref_squeeze %dma_start3A_431 : memref<1x128x64xf32, #tpu.memory_space<vmem>> -> memref<128x64xf32, #tpu.memory_space<vmem>>
      %dma_start3A_433 = arith.constant 0 : i32
      %dma_start3A_434 = tpu.memref_slice %arg8[%rem3A_379, %dma_start3A_427, %dma_start3A_433] : memref<2x4x128xi32, #tpu.memory_space<vmem>> -> memref<1x1x128xi32, #tpu.memory_space<vmem>>
      %dma_start3A_435 = tpu.memref_squeeze %dma_start3A_434 : memref<1x1x128xi32, #tpu.memory_space<vmem>> -> memref<128xi32, #tpu.memory_space<vmem>>
      %dma_start3A_436 = arith.constant 0 : i32
      %dma_start3A_437 = arith.constant 0 : i32
      %dma_start3A_438 = tpu.memref_slice %arg10[%dma_start3A_436, %dma_start3A_437] : memref<10240x64xf32, #tpu.memory_space<vmem_shared>> -> memref<10240x64xf32, #tpu.memory_space<vmem_shared>>
      %dma_start3A_439 = tpu.memref_slice %arg13[%dma_start3A_428] : memref<4x!tpu.dma_semaphore, #tpu.memory_space<semaphore_mem>> -> memref<1x!tpu.dma_semaphore, #tpu.memory_space<semaphore_mem>>
      %dma_start3A_440 = tpu.memref_squeeze %dma_start3A_439 : memref<1x!tpu.dma_semaphore, #tpu.memory_space<semaphore_mem>> -> memref<!tpu.dma_semaphore, #tpu.memory_space<semaphore_mem>>
      tpu.enqueue_indirect_dma source(%dma_start3A_432 : memref<128x64xf32, #tpu.memory_space<vmem>>) target(%dma_start3A_438 : memref<10240x64xf32, #tpu.memory_space<vmem_shared>>) offsets(%dma_start3A_435 : memref<128xi32, #tpu.memory_space<vmem>>) semaphore(%dma_start3A_440 : memref<!tpu.dma_semaphore, #tpu.memory_space<semaphore_mem>>) {add = true}
      %dma_wait3A_441 = arith.constant 2 : i32
      %dma_wait3A_442 = arith.constant 2 : i32
      %dma_wait3A_443 = arith.constant 2 : i32
      %dma_wait3A_444 = arith.constant 0 : i32
      %dma_wait3A_445 = arith.constant 0 : i32
      %dma_wait3A_446 = tpu.memref_slice %arg9[%dma_wait3A_442, %dma_wait3A_444, %dma_wait3A_445] : memref<4x128x64xf32, #tpu.memory_space<vmem>> -> memref<1x128x64xf32, #tpu.memory_space<vmem>>
      %dma_wait3A_447 = tpu.memref_squeeze %dma_wait3A_446 : memref<1x128x64xf32, #tpu.memory_space<vmem>> -> memref<128x64xf32, #tpu.memory_space<vmem>>
      %dma_wait3A_448 = arith.constant 0 : i32
      %dma_wait3A_449 = tpu.memref_slice %arg7[%rem3A_379, %dma_wait3A_441, %dma_wait3A_448] : memref<2x4x128xi32, #tpu.memory_space<vmem>> -> memref<1x1x128xi32, #tpu.memory_space<vmem>>
      %dma_wait3A_450 = tpu.memref_squeeze %dma_wait3A_449 : memref<1x1x128xi32, #tpu.memory_space<vmem>> -> memref<128xi32, #tpu.memory_space<vmem>>
      %dma_wait3A_451 = arith.constant 0 : i32
      %dma_wait3A_452 = arith.constant 0 : i32
      %dma_wait3A_453 = tpu.memref_slice %arg2[%dma_wait3A_451, %dma_wait3A_452] : memref<20480x64xf32, #tpu.memory_space<hbm>> -> memref<20480x64xf32, #tpu.memory_space<hbm>>
      %dma_wait3A_454 = tpu.memref_slice %arg12[%dma_wait3A_443] : memref<4x!tpu.dma_semaphore, #tpu.memory_space<semaphore_mem>> -> memref<1x!tpu.dma_semaphore, #tpu.memory_space<semaphore_mem>>
      %dma_wait3A_455 = tpu.memref_squeeze %dma_wait3A_454 : memref<1x!tpu.dma_semaphore, #tpu.memory_space<semaphore_mem>> -> memref<!tpu.dma_semaphore, #tpu.memory_space<semaphore_mem>>
      tpu.wait_indirect_dma semaphore(%dma_wait3A_455 : memref<!tpu.dma_semaphore, #tpu.memory_space<semaphore_mem>>) src(%dma_wait3A_453 : memref<20480x64xf32, #tpu.memory_space<hbm>>) dst(%dma_wait3A_447 : memref<128x64xf32, #tpu.memory_space<vmem>>)
      %dma_start3A_456 = arith.constant 2 : i32
      %dma_start3A_457 = arith.constant 2 : i32
      %dma_start3A_458 = arith.constant 2 : i32
      %dma_start3A_459 = arith.constant 0 : i32
      %dma_start3A_460 = arith.constant 0 : i32
      %dma_start3A_461 = tpu.memref_slice %arg9[%dma_start3A_456, %dma_start3A_459, %dma_start3A_460] : memref<4x128x64xf32, #tpu.memory_space<vmem>> -> memref<1x128x64xf32, #tpu.memory_space<vmem>>
      %dma_start3A_462 = tpu.memref_squeeze %dma_start3A_461 : memref<1x128x64xf32, #tpu.memory_space<vmem>> -> memref<128x64xf32, #tpu.memory_space<vmem>>
      %dma_start3A_463 = arith.constant 0 : i32
      %dma_start3A_464 = tpu.memref_slice %arg8[%rem3A_379, %dma_start3A_457, %dma_start3A_463] : memref<2x4x128xi32, #tpu.memory_space<vmem>> -> memref<1x1x128xi32, #tpu.memory_space<vmem>>
      %dma_start3A_465 = tpu.memref_squeeze %dma_start3A_464 : memref<1x1x128xi32, #tpu.memory_space<vmem>> -> memref<128xi32, #tpu.memory_space<vmem>>
      %dma_start3A_466 = arith.constant 0 : i32
      %dma_start3A_467 = arith.constant 0 : i32
      %dma_start3A_468 = tpu.memref_slice %arg10[%dma_start3A_466, %dma_start3A_467] : memref<10240x64xf32, #tpu.memory_space<vmem_shared>> -> memref<10240x64xf32, #tpu.memory_space<vmem_shared>>
      %dma_start3A_469 = tpu.memref_slice %arg13[%dma_start3A_458] : memref<4x!tpu.dma_semaphore, #tpu.memory_space<semaphore_mem>> -> memref<1x!tpu.dma_semaphore, #tpu.memory_space<semaphore_mem>>
      %dma_start3A_470 = tpu.memref_squeeze %dma_start3A_469 : memref<1x!tpu.dma_semaphore, #tpu.memory_space<semaphore_mem>> -> memref<!tpu.dma_semaphore, #tpu.memory_space<semaphore_mem>>
      tpu.enqueue_indirect_dma source(%dma_start3A_462 : memref<128x64xf32, #tpu.memory_space<vmem>>) target(%dma_start3A_468 : memref<10240x64xf32, #tpu.memory_space<vmem_shared>>) offsets(%dma_start3A_465 : memref<128xi32, #tpu.memory_space<vmem>>) semaphore(%dma_start3A_470 : memref<!tpu.dma_semaphore, #tpu.memory_space<semaphore_mem>>) {add = true}
      %dma_wait3A_471 = arith.constant 3 : i32
      %dma_wait3A_472 = arith.constant 3 : i32
      %dma_wait3A_473 = arith.constant 3 : i32
      %dma_wait3A_474 = arith.constant 0 : i32
      %dma_wait3A_475 = arith.constant 0 : i32
      %dma_wait3A_476 = tpu.memref_slice %arg9[%dma_wait3A_472, %dma_wait3A_474, %dma_wait3A_475] : memref<4x128x64xf32, #tpu.memory_space<vmem>> -> memref<1x128x64xf32, #tpu.memory_space<vmem>>
      %dma_wait3A_477 = tpu.memref_squeeze %dma_wait3A_476 : memref<1x128x64xf32, #tpu.memory_space<vmem>> -> memref<128x64xf32, #tpu.memory_space<vmem>>
      %dma_wait3A_478 = arith.constant 0 : i32
      %dma_wait3A_479 = tpu.memref_slice %arg7[%rem3A_379, %dma_wait3A_471, %dma_wait3A_478] : memref<2x4x128xi32, #tpu.memory_space<vmem>> -> memref<1x1x128xi32, #tpu.memory_space<vmem>>
      %dma_wait3A_480 = tpu.memref_squeeze %dma_wait3A_479 : memref<1x1x128xi32, #tpu.memory_space<vmem>> -> memref<128xi32, #tpu.memory_space<vmem>>
      %dma_wait3A_481 = arith.constant 0 : i32
      %dma_wait3A_482 = arith.constant 0 : i32
      %dma_wait3A_483 = tpu.memref_slice %arg2[%dma_wait3A_481, %dma_wait3A_482] : memref<20480x64xf32, #tpu.memory_space<hbm>> -> memref<20480x64xf32, #tpu.memory_space<hbm>>
      %dma_wait3A_484 = tpu.memref_slice %arg12[%dma_wait3A_473] : memref<4x!tpu.dma_semaphore, #tpu.memory_space<semaphore_mem>> -> memref<1x!tpu.dma_semaphore, #tpu.memory_space<semaphore_mem>>
      %dma_wait3A_485 = tpu.memref_squeeze %dma_wait3A_484 : memref<1x!tpu.dma_semaphore, #tpu.memory_space<semaphore_mem>> -> memref<!tpu.dma_semaphore, #tpu.memory_space<semaphore_mem>>
      tpu.wait_indirect_dma semaphore(%dma_wait3A_485 : memref<!tpu.dma_semaphore, #tpu.memory_space<semaphore_mem>>) src(%dma_wait3A_483 : memref<20480x64xf32, #tpu.memory_space<hbm>>) dst(%dma_wait3A_477 : memref<128x64xf32, #tpu.memory_space<vmem>>)
      %dma_start3A_486 = arith.constant 3 : i32
      %dma_start3A_487 = arith.constant 3 : i32
      %dma_start3A_488 = arith.constant 3 : i32
      %dma_start3A_489 = arith.constant 0 : i32
      %dma_start3A_490 = arith.constant 0 : i32
      %dma_start3A_491 = tpu.memref_slice %arg9[%dma_start3A_486, %dma_start3A_489, %dma_start3A_490] : memref<4x128x64xf32, #tpu.memory_space<vmem>> -> memref<1x128x64xf32, #tpu.memory_space<vmem>>
      %dma_start3A_492 = tpu.memref_squeeze %dma_start3A_491 : memref<1x128x64xf32, #tpu.memory_space<vmem>> -> memref<128x64xf32, #tpu.memory_space<vmem>>
      %dma_start3A_493 = arith.constant 0 : i32
      %dma_start3A_494 = tpu.memref_slice %arg8[%rem3A_379, %dma_start3A_487, %dma_start3A_493] : memref<2x4x128xi32, #tpu.memory_space<vmem>> -> memref<1x1x128xi32, #tpu.memory_space<vmem>>
      %dma_start3A_495 = tpu.memref_squeeze %dma_start3A_494 : memref<1x1x128xi32, #tpu.memory_space<vmem>> -> memref<128xi32, #tpu.memory_space<vmem>>
      %dma_start3A_496 = arith.constant 0 : i32
      %dma_start3A_497 = arith.constant 0 : i32
      %dma_start3A_498 = tpu.memref_slice %arg10[%dma_start3A_496, %dma_start3A_497] : memref<10240x64xf32, #tpu.memory_space<vmem_shared>> -> memref<10240x64xf32, #tpu.memory_space<vmem_shared>>
      %dma_start3A_499 = tpu.memref_slice %arg13[%dma_start3A_488] : memref<4x!tpu.dma_semaphore, #tpu.memory_space<semaphore_mem>> -> memref<1x!tpu.dma_semaphore, #tpu.memory_space<semaphore_mem>>
      %dma_start3A_500 = tpu.memref_squeeze %dma_start3A_499 : memref<1x!tpu.dma_semaphore, #tpu.memory_space<semaphore_mem>> -> memref<!tpu.dma_semaphore, #tpu.memory_space<semaphore_mem>>
      tpu.enqueue_indirect_dma source(%dma_start3A_492 : memref<128x64xf32, #tpu.memory_space<vmem>>) target(%dma_start3A_498 : memref<10240x64xf32, #tpu.memory_space<vmem_shared>>) offsets(%dma_start3A_495 : memref<128xi32, #tpu.memory_space<vmem>>) semaphore(%dma_start3A_500 : memref<!tpu.dma_semaphore, #tpu.memory_space<semaphore_mem>>) {add = true}
      %dma_wait3A_501 = arith.constant 0 : i32
      %dma_wait3A_502 = arith.constant 0 : i32
      %dma_wait3A_503 = tpu.memref_slice %arg7[%sub3A_380, %dma_wait3A_501, %dma_wait3A_502] : memref<2x4x128xi32, #tpu.memory_space<vmem>> -> memref<1x4x128xi32, #tpu.memory_space<vmem>>
      %dma_wait3A_504 = tpu.memref_squeeze %dma_wait3A_503 : memref<1x4x128xi32, #tpu.memory_space<vmem>> -> memref<4x128xi32, #tpu.memory_space<vmem>>
      %dma_wait3A_505 = arith.constant 0 : i32
      %dma_wait3A_506 = tpu.memref_slice %arg3[%add3A, %dma_wait3A_505] : memref<5120x128xi32, #tpu.memory_space<hbm>> -> memref<4x128xi32, #tpu.memory_space<hbm>>
      %dma_wait3A_507 = tpu.memref_slice %arg11[%sub3A_380] : memref<2x!tpu.dma_semaphore, #tpu.memory_space<semaphore_mem>> -> memref<1x!tpu.dma_semaphore, #tpu.memory_space<semaphore_mem>>
      %dma_wait3A_508 = tpu.memref_squeeze %dma_wait3A_507 : memref<1x!tpu.dma_semaphore, #tpu.memory_space<semaphore_mem>> -> memref<!tpu.dma_semaphore, #tpu.memory_space<semaphore_mem>>
      %dma_wait3A_509 = arith.constant 0 : i32
      %dma_wait3A_510 = arith.constant 0 : i32
      %dma_wait3A_511 = tpu.memref_slice %arg7[%sub3A_380, %dma_wait3A_509, %dma_wait3A_510] : memref<2x4x128xi32, #tpu.memory_space<vmem>> -> memref<1x4x128xi32, #tpu.memory_space<vmem>>
      %dma_wait3A_512 = tpu.memref_squeeze %dma_wait3A_511 : memref<1x4x128xi32, #tpu.memory_space<vmem>> -> memref<4x128xi32, #tpu.memory_space<vmem>>
      %dma_wait3A_513 = arith.constant 0 : i32
      %dma_wait3A_514 = tpu.memref_slice %arg3[%add3A, %dma_wait3A_513] : memref<5120x128xi32, #tpu.memory_space<hbm>> -> memref<4x128xi32, #tpu.memory_space<hbm>>
      tpu.wait_dma2 semaphore(%dma_wait3A_508 : memref<!tpu.dma_semaphore, #tpu.memory_space<semaphore_mem>>) src(%dma_wait3A_514 : memref<4x128xi32, #tpu.memory_space<hbm>>) dst(%dma_wait3A_512 : memref<4x128xi32, #tpu.memory_space<vmem>>)
      %dma_wait3A_515 = arith.constant 0 : i32
      %dma_wait3A_516 = arith.constant 0 : i32
      %dma_wait3A_517 = tpu.memref_slice %arg8[%sub3A_380, %dma_wait3A_515, %dma_wait3A_516] : memref<2x4x128xi32, #tpu.memory_space<vmem>> -> memref<1x4x128xi32, #tpu.memory_space<vmem>>
      %dma_wait3A_518 = tpu.memref_squeeze %dma_wait3A_517 : memref<1x4x128xi32, #tpu.memory_space<vmem>> -> memref<4x128xi32, #tpu.memory_space<vmem>>
      %dma_wait3A_519 = arith.constant 0 : i32
      %dma_wait3A_520 = tpu.memref_slice %arg4[%mul3A_6, %dma_wait3A_519] : memref<2560x128xi32, #tpu.memory_space<hbm>> -> memref<4x128xi32, #tpu.memory_space<hbm>>
      %dma_wait3A_521 = tpu.memref_slice %arg11[%sub3A_380] : memref<2x!tpu.dma_semaphore, #tpu.memory_space<semaphore_mem>> -> memref<1x!tpu.dma_semaphore, #tpu.memory_space<semaphore_mem>>
      %dma_wait3A_522 = tpu.memref_squeeze %dma_wait3A_521 : memref<1x!tpu.dma_semaphore, #tpu.memory_space<semaphore_mem>> -> memref<!tpu.dma_semaphore, #tpu.memory_space<semaphore_mem>>
      %dma_wait3A_523 = arith.constant 0 : i32
      %dma_wait3A_524 = arith.constant 0 : i32
      %dma_wait3A_525 = tpu.memref_slice %arg8[%sub3A_380, %dma_wait3A_523, %dma_wait3A_524] : memref<2x4x128xi32, #tpu.memory_space<vmem>> -> memref<1x4x128xi32, #tpu.memory_space<vmem>>
      %dma_wait3A_526 = tpu.memref_squeeze %dma_wait3A_525 : memref<1x4x128xi32, #tpu.memory_space<vmem>> -> memref<4x128xi32, #tpu.memory_space<vmem>>
      %dma_wait3A_527 = arith.constant 0 : i32
      %dma_wait3A_528 = tpu.memref_slice %arg4[%mul3A_6, %dma_wait3A_527] : memref<2560x128xi32, #tpu.memory_space<hbm>> -> memref<4x128xi32, #tpu.memory_space<hbm>>
      tpu.wait_dma2 semaphore(%dma_wait3A_522 : memref<!tpu.dma_semaphore, #tpu.memory_space<semaphore_mem>>) src(%dma_wait3A_528 : memref<4x128xi32, #tpu.memory_space<hbm>>) dst(%dma_wait3A_526 : memref<4x128xi32, #tpu.memory_space<vmem>>)
      %dma_wait3A_529 = arith.constant 0 : i32
      %dma_wait3A_530 = arith.constant 0 : i32
      %dma_wait3A_531 = arith.constant 0 : i32
      %dma_wait3A_532 = arith.constant 0 : i32
      %dma_wait3A_533 = arith.constant 0 : i32
      %dma_wait3A_534 = tpu.memref_slice %arg9[%dma_wait3A_529, %dma_wait3A_532, %dma_wait3A_533] : memref<4x128x64xf32, #tpu.memory_space<vmem>> -> memref<1x128x64xf32, #tpu.memory_space<vmem>>
      %dma_wait3A_535 = tpu.memref_squeeze %dma_wait3A_534 : memref<1x128x64xf32, #tpu.memory_space<vmem>> -> memref<128x64xf32, #tpu.memory_space<vmem>>
      %dma_wait3A_536 = arith.constant 0 : i32
      %dma_wait3A_537 = tpu.memref_slice %arg8[%rem3A_379, %dma_wait3A_530, %dma_wait3A_536] : memref<2x4x128xi32, #tpu.memory_space<vmem>> -> memref<1x1x128xi32, #tpu.memory_space<vmem>>
      %dma_wait3A_538 = tpu.memref_squeeze %dma_wait3A_537 : memref<1x1x128xi32, #tpu.memory_space<vmem>> -> memref<128xi32, #tpu.memory_space<vmem>>
      %dma_wait3A_539 = arith.constant 0 : i32
      %dma_wait3A_540 = arith.constant 0 : i32
      %dma_wait3A_541 = tpu.memref_slice %arg10[%dma_wait3A_539, %dma_wait3A_540] : memref<10240x64xf32, #tpu.memory_space<vmem_shared>> -> memref<10240x64xf32, #tpu.memory_space<vmem_shared>>
      %dma_wait3A_542 = tpu.memref_slice %arg13[%dma_wait3A_531] : memref<4x!tpu.dma_semaphore, #tpu.memory_space<semaphore_mem>> -> memref<1x!tpu.dma_semaphore, #tpu.memory_space<semaphore_mem>>
      %dma_wait3A_543 = tpu.memref_squeeze %dma_wait3A_542 : memref<1x!tpu.dma_semaphore, #tpu.memory_space<semaphore_mem>> -> memref<!tpu.dma_semaphore, #tpu.memory_space<semaphore_mem>>
      tpu.wait_indirect_dma semaphore(%dma_wait3A_543 : memref<!tpu.dma_semaphore, #tpu.memory_space<semaphore_mem>>) src(%dma_wait3A_535 : memref<128x64xf32, #tpu.memory_space<vmem>>) dst(%dma_wait3A_541 : memref<10240x64xf32, #tpu.memory_space<vmem_shared>>)
      %dma_start3A_544 = arith.constant 0 : i32
      %dma_start3A_545 = arith.constant 0 : i32
      %dma_start3A_546 = arith.constant 0 : i32
      %dma_start3A_547 = arith.constant 0 : i32
      %dma_start3A_548 = arith.constant 0 : i32
      %dma_start3A_549 = tpu.memref_slice %arg9[%dma_start3A_545, %dma_start3A_547, %dma_start3A_548] : memref<4x128x64xf32, #tpu.memory_space<vmem>> -> memref<1x128x64xf32, #tpu.memory_space<vmem>>
      %dma_start3A_550 = tpu.memref_squeeze %dma_start3A_549 : memref<1x128x64xf32, #tpu.memory_space<vmem>> -> memref<128x64xf32, #tpu.memory_space<vmem>>
      %dma_start3A_551 = arith.constant 0 : i32
      %dma_start3A_552 = tpu.memref_slice %arg7[%sub3A_380, %dma_start3A_544, %dma_start3A_551] : memref<2x4x128xi32, #tpu.memory_space<vmem>> -> memref<1x1x128xi32, #tpu.memory_space<vmem>>
      %dma_start3A_553 = tpu.memref_squeeze %dma_start3A_552 : memref<1x1x128xi32, #tpu.memory_space<vmem>> -> memref<128xi32, #tpu.memory_space<vmem>>
      %dma_start3A_554 = arith.constant 0 : i32
      %dma_start3A_555 = arith.constant 0 : i32
      %dma_start3A_556 = tpu.memref_slice %arg2[%dma_start3A_554, %dma_start3A_555] : memref<20480x64xf32, #tpu.memory_space<hbm>> -> memref<20480x64xf32, #tpu.memory_space<hbm>>
      %dma_start3A_557 = tpu.memref_slice %arg12[%dma_start3A_546] : memref<4x!tpu.dma_semaphore, #tpu.memory_space<semaphore_mem>> -> memref<1x!tpu.dma_semaphore, #tpu.memory_space<semaphore_mem>>
      %dma_start3A_558 = tpu.memref_squeeze %dma_start3A_557 : memref<1x!tpu.dma_semaphore, #tpu.memory_space<semaphore_mem>> -> memref<!tpu.dma_semaphore, #tpu.memory_space<semaphore_mem>>
      tpu.enqueue_indirect_dma source(%dma_start3A_556 : memref<20480x64xf32, #tpu.memory_space<hbm>>) target(%dma_start3A_550 : memref<128x64xf32, #tpu.memory_space<vmem>>) offsets(%dma_start3A_553 : memref<128xi32, #tpu.memory_space<vmem>>) semaphore(%dma_start3A_558 : memref<!tpu.dma_semaphore, #tpu.memory_space<semaphore_mem>>)
      %dma_wait3A_559 = arith.constant 1 : i32
      %dma_wait3A_560 = arith.constant 1 : i32
      %dma_wait3A_561 = arith.constant 1 : i32
      %dma_wait3A_562 = arith.constant 0 : i32
      %dma_wait3A_563 = arith.constant 0 : i32
      %dma_wait3A_564 = tpu.memref_slice %arg9[%dma_wait3A_559, %dma_wait3A_562, %dma_wait3A_563] : memref<4x128x64xf32, #tpu.memory_space<vmem>> -> memref<1x128x64xf32, #tpu.memory_space<vmem>>
      %dma_wait3A_565 = tpu.memref_squeeze %dma_wait3A_564 : memref<1x128x64xf32, #tpu.memory_space<vmem>> -> memref<128x64xf32, #tpu.memory_space<vmem>>
      %dma_wait3A_566 = arith.constant 0 : i32
      %dma_wait3A_567 = tpu.memref_slice %arg8[%rem3A_379, %dma_wait3A_560, %dma_wait3A_566] : memref<2x4x128xi32, #tpu.memory_space<vmem>> -> memref<1x1x128xi32, #tpu.memory_space<vmem>>
      %dma_wait3A_568 = tpu.memref_squeeze %dma_wait3A_567 : memref<1x1x128xi32, #tpu.memory_space<vmem>> -> memref<128xi32, #tpu.memory_space<vmem>>
      %dma_wait3A_569 = arith.constant 0 : i32
      %dma_wait3A_570 = arith.constant 0 : i32
      %dma_wait3A_571 = tpu.memref_slice %arg10[%dma_wait3A_569, %dma_wait3A_570] : memref<10240x64xf32, #tpu.memory_space<vmem_shared>> -> memref<10240x64xf32, #tpu.memory_space<vmem_shared>>
      %dma_wait3A_572 = tpu.memref_slice %arg13[%dma_wait3A_561] : memref<4x!tpu.dma_semaphore, #tpu.memory_space<semaphore_mem>> -> memref<1x!tpu.dma_semaphore, #tpu.memory_space<semaphore_mem>>
      %dma_wait3A_573 = tpu.memref_squeeze %dma_wait3A_572 : memref<1x!tpu.dma_semaphore, #tpu.memory_space<semaphore_mem>> -> memref<!tpu.dma_semaphore, #tpu.memory_space<semaphore_mem>>
      tpu.wait_indirect_dma semaphore(%dma_wait3A_573 : memref<!tpu.dma_semaphore, #tpu.memory_space<semaphore_mem>>) src(%dma_wait3A_565 : memref<128x64xf32, #tpu.memory_space<vmem>>) dst(%dma_wait3A_571 : memref<10240x64xf32, #tpu.memory_space<vmem_shared>>)
      %dma_start3A_574 = arith.constant 1 : i32
      %dma_start3A_575 = arith.constant 1 : i32
      %dma_start3A_576 = arith.constant 1 : i32
      %dma_start3A_577 = arith.constant 0 : i32
      %dma_start3A_578 = arith.constant 0 : i32
      %dma_start3A_579 = tpu.memref_slice %arg9[%dma_start3A_575, %dma_start3A_577, %dma_start3A_578] : memref<4x128x64xf32, #tpu.memory_space<vmem>> -> memref<1x128x64xf32, #tpu.memory_space<vmem>>
      %dma_start3A_580 = tpu.memref_squeeze %dma_start3A_579 : memref<1x128x64xf32, #tpu.memory_space<vmem>> -> memref<128x64xf32, #tpu.memory_space<vmem>>
      %dma_start3A_581 = arith.constant 0 : i32
      %dma_start3A_582 = tpu.memref_slice %arg7[%sub3A_380, %dma_start3A_574, %dma_start3A_581] : memref<2x4x128xi32, #tpu.memory_space<vmem>> -> memref<1x1x128xi32, #tpu.memory_space<vmem>>
      %dma_start3A_583 = tpu.memref_squeeze %dma_start3A_582 : memref<1x1x128xi32, #tpu.memory_space<vmem>> -> memref<128xi32, #tpu.memory_space<vmem>>
      %dma_start3A_584 = arith.constant 0 : i32
      %dma_start3A_585 = arith.constant 0 : i32
      %dma_start3A_586 = tpu.memref_slice %arg2[%dma_start3A_584, %dma_start3A_585] : memref<20480x64xf32, #tpu.memory_space<hbm>> -> memref<20480x64xf32, #tpu.memory_space<hbm>>
      %dma_start3A_587 = tpu.memref_slice %arg12[%dma_start3A_576] : memref<4x!tpu.dma_semaphore, #tpu.memory_space<semaphore_mem>> -> memref<1x!tpu.dma_semaphore, #tpu.memory_space<semaphore_mem>>
      %dma_start3A_588 = tpu.memref_squeeze %dma_start3A_587 : memref<1x!tpu.dma_semaphore, #tpu.memory_space<semaphore_mem>> -> memref<!tpu.dma_semaphore, #tpu.memory_space<semaphore_mem>>
      tpu.enqueue_indirect_dma source(%dma_start3A_586 : memref<20480x64xf32, #tpu.memory_space<hbm>>) target(%dma_start3A_580 : memref<128x64xf32, #tpu.memory_space<vmem>>) offsets(%dma_start3A_583 : memref<128xi32, #tpu.memory_space<vmem>>) semaphore(%dma_start3A_588 : memref<!tpu.dma_semaphore, #tpu.memory_space<semaphore_mem>>)
      %dma_wait3A_589 = arith.constant 2 : i32
      %dma_wait3A_590 = arith.constant 2 : i32
      %dma_wait3A_591 = arith.constant 2 : i32
      %dma_wait3A_592 = arith.constant 0 : i32
      %dma_wait3A_593 = arith.constant 0 : i32
      %dma_wait3A_594 = tpu.memref_slice %arg9[%dma_wait3A_589, %dma_wait3A_592, %dma_wait3A_593] : memref<4x128x64xf32, #tpu.memory_space<vmem>> -> memref<1x128x64xf32, #tpu.memory_space<vmem>>
      %dma_wait3A_595 = tpu.memref_squeeze %dma_wait3A_594 : memref<1x128x64xf32, #tpu.memory_space<vmem>> -> memref<128x64xf32, #tpu.memory_space<vmem>>
      %dma_wait3A_596 = arith.constant 0 : i32
      %dma_wait3A_597 = tpu.memref_slice %arg8[%rem3A_379, %dma_wait3A_590, %dma_wait3A_596] : memref<2x4x128xi32, #tpu.memory_space<vmem>> -> memref<1x1x128xi32, #tpu.memory_space<vmem>>
      %dma_wait3A_598 = tpu.memref_squeeze %dma_wait3A_597 : memref<1x1x128xi32, #tpu.memory_space<vmem>> -> memref<128xi32, #tpu.memory_space<vmem>>
      %dma_wait3A_599 = arith.constant 0 : i32
      %dma_wait3A_600 = arith.constant 0 : i32
      %dma_wait3A_601 = tpu.memref_slice %arg10[%dma_wait3A_599, %dma_wait3A_600] : memref<10240x64xf32, #tpu.memory_space<vmem_shared>> -> memref<10240x64xf32, #tpu.memory_space<vmem_shared>>
      %dma_wait3A_602 = tpu.memref_slice %arg13[%dma_wait3A_591] : memref<4x!tpu.dma_semaphore, #tpu.memory_space<semaphore_mem>> -> memref<1x!tpu.dma_semaphore, #tpu.memory_space<semaphore_mem>>
      %dma_wait3A_603 = tpu.memref_squeeze %dma_wait3A_602 : memref<1x!tpu.dma_semaphore, #tpu.memory_space<semaphore_mem>> -> memref<!tpu.dma_semaphore, #tpu.memory_space<semaphore_mem>>
      tpu.wait_indirect_dma semaphore(%dma_wait3A_603 : memref<!tpu.dma_semaphore, #tpu.memory_space<semaphore_mem>>) src(%dma_wait3A_595 : memref<128x64xf32, #tpu.memory_space<vmem>>) dst(%dma_wait3A_601 : memref<10240x64xf32, #tpu.memory_space<vmem_shared>>)
      %dma_start3A_604 = arith.constant 2 : i32
      %dma_start3A_605 = arith.constant 2 : i32
      %dma_start3A_606 = arith.constant 2 : i32
      %dma_start3A_607 = arith.constant 0 : i32
      %dma_start3A_608 = arith.constant 0 : i32
      %dma_start3A_609 = tpu.memref_slice %arg9[%dma_start3A_605, %dma_start3A_607, %dma_start3A_608] : memref<4x128x64xf32, #tpu.memory_space<vmem>> -> memref<1x128x64xf32, #tpu.memory_space<vmem>>
      %dma_start3A_610 = tpu.memref_squeeze %dma_start3A_609 : memref<1x128x64xf32, #tpu.memory_space<vmem>> -> memref<128x64xf32, #tpu.memory_space<vmem>>
      %dma_start3A_611 = arith.constant 0 : i32
      %dma_start3A_612 = tpu.memref_slice %arg7[%sub3A_380, %dma_start3A_604, %dma_start3A_611] : memref<2x4x128xi32, #tpu.memory_space<vmem>> -> memref<1x1x128xi32, #tpu.memory_space<vmem>>
      %dma_start3A_613 = tpu.memref_squeeze %dma_start3A_612 : memref<1x1x128xi32, #tpu.memory_space<vmem>> -> memref<128xi32, #tpu.memory_space<vmem>>
      %dma_start3A_614 = arith.constant 0 : i32
      %dma_start3A_615 = arith.constant 0 : i32
      %dma_start3A_616 = tpu.memref_slice %arg2[%dma_start3A_614, %dma_start3A_615] : memref<20480x64xf32, #tpu.memory_space<hbm>> -> memref<20480x64xf32, #tpu.memory_space<hbm>>
      %dma_start3A_617 = tpu.memref_slice %arg12[%dma_start3A_606] : memref<4x!tpu.dma_semaphore, #tpu.memory_space<semaphore_mem>> -> memref<1x!tpu.dma_semaphore, #tpu.memory_space<semaphore_mem>>
      %dma_start3A_618 = tpu.memref_squeeze %dma_start3A_617 : memref<1x!tpu.dma_semaphore, #tpu.memory_space<semaphore_mem>> -> memref<!tpu.dma_semaphore, #tpu.memory_space<semaphore_mem>>
      tpu.enqueue_indirect_dma source(%dma_start3A_616 : memref<20480x64xf32, #tpu.memory_space<hbm>>) target(%dma_start3A_610 : memref<128x64xf32, #tpu.memory_space<vmem>>) offsets(%dma_start3A_613 : memref<128xi32, #tpu.memory_space<vmem>>) semaphore(%dma_start3A_618 : memref<!tpu.dma_semaphore, #tpu.memory_space<semaphore_mem>>)
      %dma_wait3A_619 = arith.constant 3 : i32
      %dma_wait3A_620 = arith.constant 3 : i32
      %dma_wait3A_621 = arith.constant 3 : i32
      %dma_wait3A_622 = arith.constant 0 : i32
      %dma_wait3A_623 = arith.constant 0 : i32
      %dma_wait3A_624 = tpu.memref_slice %arg9[%dma_wait3A_619, %dma_wait3A_622, %dma_wait3A_623] : memref<4x128x64xf32, #tpu.memory_space<vmem>> -> memref<1x128x64xf32, #tpu.memory_space<vmem>>
      %dma_wait3A_625 = tpu.memref_squeeze %dma_wait3A_624 : memref<1x128x64xf32, #tpu.memory_space<vmem>> -> memref<128x64xf32, #tpu.memory_space<vmem>>
      %dma_wait3A_626 = arith.constant 0 : i32
      %dma_wait3A_627 = tpu.memref_slice %arg8[%rem3A_379, %dma_wait3A_620, %dma_wait3A_626] : memref<2x4x128xi32, #tpu.memory_space<vmem>> -> memref<1x1x128xi32, #tpu.memory_space<vmem>>
      %dma_wait3A_628 = tpu.memref_squeeze %dma_wait3A_627 : memref<1x1x128xi32, #tpu.memory_space<vmem>> -> memref<128xi32, #tpu.memory_space<vmem>>
      %dma_wait3A_629 = arith.constant 0 : i32
      %dma_wait3A_630 = arith.constant 0 : i32
      %dma_wait3A_631 = tpu.memref_slice %arg10[%dma_wait3A_629, %dma_wait3A_630] : memref<10240x64xf32, #tpu.memory_space<vmem_shared>> -> memref<10240x64xf32, #tpu.memory_space<vmem_shared>>
      %dma_wait3A_632 = tpu.memref_slice %arg13[%dma_wait3A_621] : memref<4x!tpu.dma_semaphore, #tpu.memory_space<semaphore_mem>> -> memref<1x!tpu.dma_semaphore, #tpu.memory_space<semaphore_mem>>
      %dma_wait3A_633 = tpu.memref_squeeze %dma_wait3A_632 : memref<1x!tpu.dma_semaphore, #tpu.memory_space<semaphore_mem>> -> memref<!tpu.dma_semaphore, #tpu.memory_space<semaphore_mem>>
      tpu.wait_indirect_dma semaphore(%dma_wait3A_633 : memref<!tpu.dma_semaphore, #tpu.memory_space<semaphore_mem>>) src(%dma_wait3A_625 : memref<128x64xf32, #tpu.memory_space<vmem>>) dst(%dma_wait3A_631 : memref<10240x64xf32, #tpu.memory_space<vmem_shared>>)
      %dma_start3A_634 = arith.constant 3 : i32
      %dma_start3A_635 = arith.constant 3 : i32
      %dma_start3A_636 = arith.constant 3 : i32
      %dma_start3A_637 = arith.constant 0 : i32
      %dma_start3A_638 = arith.constant 0 : i32
      %dma_start3A_639 = tpu.memref_slice %arg9[%dma_start3A_635, %dma_start3A_637, %dma_start3A_638] : memref<4x128x64xf32, #tpu.memory_space<vmem>> -> memref<1x128x64xf32, #tpu.memory_space<vmem>>
      %dma_start3A_640 = tpu.memref_squeeze %dma_start3A_639 : memref<1x128x64xf32, #tpu.memory_space<vmem>> -> memref<128x64xf32, #tpu.memory_space<vmem>>
      %dma_start3A_641 = arith.constant 0 : i32
      %dma_start3A_642 = tpu.memref_slice %arg7[%sub3A_380, %dma_start3A_634, %dma_start3A_641] : memref<2x4x128xi32, #tpu.memory_space<vmem>> -> memref<1x1x128xi32, #tpu.memory_space<vmem>>
      %dma_start3A_643 = tpu.memref_squeeze %dma_start3A_642 : memref<1x1x128xi32, #tpu.memory_space<vmem>> -> memref<128xi32, #tpu.memory_space<vmem>>
      %dma_start3A_644 = arith.constant 0 : i32
      %dma_start3A_645 = arith.constant 0 : i32
      %dma_start3A_646 = tpu.memref_slice %arg2[%dma_start3A_644, %dma_start3A_645] : memref<20480x64xf32, #tpu.memory_space<hbm>> -> memref<20480x64xf32, #tpu.memory_space<hbm>>
      %dma_start3A_647 = tpu.memref_slice %arg12[%dma_start3A_636] : memref<4x!tpu.dma_semaphore, #tpu.memory_space<semaphore_mem>> -> memref<1x!tpu.dma_semaphore, #tpu.memory_space<semaphore_mem>>
      %dma_start3A_648 = tpu.memref_squeeze %dma_start3A_647 : memref<1x!tpu.dma_semaphore, #tpu.memory_space<semaphore_mem>> -> memref<!tpu.dma_semaphore, #tpu.memory_space<semaphore_mem>>
      tpu.enqueue_indirect_dma source(%dma_start3A_646 : memref<20480x64xf32, #tpu.memory_space<hbm>>) target(%dma_start3A_640 : memref<128x64xf32, #tpu.memory_space<vmem>>) offsets(%dma_start3A_643 : memref<128xi32, #tpu.memory_space<vmem>>) semaphore(%dma_start3A_648 : memref<!tpu.dma_semaphore, #tpu.memory_space<semaphore_mem>>)
      %lt3A = arith.constant 38 : i32
      %lt3A_649 = arith.cmpi slt, %scan3A_378, %lt3A : i32
      %convert_element_type3A = arith.extui %lt3A_649 : i1 to i32
      %cond3A = arith.constant 0 : i32
      %cond3A_650 = arith.cmpi ne, %convert_element_type3A, %cond3A : i32
      scf.if %cond3A_650 {
        %add3A_651 = arith.constant 2 : i32
        %add3A_652 = arith.addi %scan3A_378, %add3A_651 : i32
        %mul3A_653 = arith.constant 4 : i32
        %mul3A_654 = arith.muli %add3A_652, %mul3A_653 : i32
        %add3A_655 = arith.addi %add3A, %mul3A_654 : i32
        %dma_start3A_656 = arith.constant 0 : i32
        %dma_start3A_657 = arith.constant 0 : i32
        %dma_start3A_658 = tpu.memref_slice %arg7[%rem3A_379, %dma_start3A_656, %dma_start3A_657] : memref<2x4x128xi32, #tpu.memory_space<vmem>> -> memref<1x4x128xi32, #tpu.memory_space<vmem>>
        %dma_start3A_659 = tpu.memref_squeeze %dma_start3A_658 : memref<1x4x128xi32, #tpu.memory_space<vmem>> -> memref<4x128xi32, #tpu.memory_space<vmem>>
        %dma_start3A_660 = arith.constant 0 : i32
        %dma_start3A_661 = tpu.memref_slice %arg3[%add3A_655, %dma_start3A_660] : memref<5120x128xi32, #tpu.memory_space<hbm>> -> memref<4x128xi32, #tpu.memory_space<hbm>>
        %dma_start3A_662 = tpu.memref_slice %arg11[%rem3A_379] : memref<2x!tpu.dma_semaphore, #tpu.memory_space<semaphore_mem>> -> memref<1x!tpu.dma_semaphore, #tpu.memory_space<semaphore_mem>>
        %dma_start3A_663 = tpu.memref_squeeze %dma_start3A_662 : memref<1x!tpu.dma_semaphore, #tpu.memory_space<semaphore_mem>> -> memref<!tpu.dma_semaphore, #tpu.memory_space<semaphore_mem>>
        %dma_start3A_664 = arith.constant 0 : i32
        %dma_start3A_665 = arith.constant 0 : i32
        %dma_start3A_666 = tpu.memref_slice %arg7[%rem3A_379, %dma_start3A_664, %dma_start3A_665] : memref<2x4x128xi32, #tpu.memory_space<vmem>> -> memref<1x4x128xi32, #tpu.memory_space<vmem>>
        %dma_start3A_667 = tpu.memref_squeeze %dma_start3A_666 : memref<1x4x128xi32, #tpu.memory_space<vmem>> -> memref<4x128xi32, #tpu.memory_space<vmem>>
        %dma_start3A_668 = arith.constant 0 : i32
        %dma_start3A_669 = tpu.memref_slice %arg3[%add3A_655, %dma_start3A_668] : memref<5120x128xi32, #tpu.memory_space<hbm>> -> memref<4x128xi32, #tpu.memory_space<hbm>>
        tpu.enqueue_dma source(%dma_start3A_669 : memref<4x128xi32, #tpu.memory_space<hbm>>) target(%dma_start3A_667 : memref<4x128xi32, #tpu.memory_space<vmem>>) target_semaphore(%dma_start3A_663 : memref<!tpu.dma_semaphore, #tpu.memory_space<semaphore_mem>>)
        %mul3A_670 = arith.constant 4 : i32
        %mul3A_671 = arith.muli %add3A_652, %mul3A_670 : i32
        %add3A_672 = arith.addi %mul3A_6, %mul3A_671 : i32
        %dma_start3A_673 = arith.constant 0 : i32
        %dma_start3A_674 = arith.constant 0 : i32
        %dma_start3A_675 = tpu.memref_slice %arg8[%rem3A_379, %dma_start3A_673, %dma_start3A_674] : memref<2x4x128xi32, #tpu.memory_space<vmem>> -> memref<1x4x128xi32, #tpu.memory_space<vmem>>
        %dma_start3A_676 = tpu.memref_squeeze %dma_start3A_675 : memref<1x4x128xi32, #tpu.memory_space<vmem>> -> memref<4x128xi32, #tpu.memory_space<vmem>>
        %dma_start3A_677 = arith.constant 0 : i32
        %dma_start3A_678 = tpu.memref_slice %arg4[%add3A_672, %dma_start3A_677] : memref<2560x128xi32, #tpu.memory_space<hbm>> -> memref<4x128xi32, #tpu.memory_space<hbm>>
        %dma_start3A_679 = tpu.memref_slice %arg11[%rem3A_379] : memref<2x!tpu.dma_semaphore, #tpu.memory_space<semaphore_mem>> -> memref<1x!tpu.dma_semaphore, #tpu.memory_space<semaphore_mem>>
        %dma_start3A_680 = tpu.memref_squeeze %dma_start3A_679 : memref<1x!tpu.dma_semaphore, #tpu.memory_space<semaphore_mem>> -> memref<!tpu.dma_semaphore, #tpu.memory_space<semaphore_mem>>
        %dma_start3A_681 = arith.constant 0 : i32
        %dma_start3A_682 = arith.constant 0 : i32
        %dma_start3A_683 = tpu.memref_slice %arg8[%rem3A_379, %dma_start3A_681, %dma_start3A_682] : memref<2x4x128xi32, #tpu.memory_space<vmem>> -> memref<1x4x128xi32, #tpu.memory_space<vmem>>
        %dma_start3A_684 = tpu.memref_squeeze %dma_start3A_683 : memref<1x4x128xi32, #tpu.memory_space<vmem>> -> memref<4x128xi32, #tpu.memory_space<vmem>>
        %dma_start3A_685 = arith.constant 0 : i32
        %dma_start3A_686 = tpu.memref_slice %arg4[%add3A_672, %dma_start3A_685] : memref<2560x128xi32, #tpu.memory_space<hbm>> -> memref<4x128xi32, #tpu.memory_space<hbm>>
        tpu.enqueue_dma source(%dma_start3A_686 : memref<4x128xi32, #tpu.memory_space<hbm>>) target(%dma_start3A_684 : memref<4x128xi32, #tpu.memory_space<vmem>>) target_semaphore(%dma_start3A_680 : memref<!tpu.dma_semaphore, #tpu.memory_space<semaphore_mem>>)
      } else {
      }
    }
    %scan3A_177 = arith.constant 39 : i32
    %dma_wait3A_178 = arith.constant 1 : i32
    %dma_wait3A_179 = arith.constant 0 : i32
    %dma_wait3A_180 = arith.constant 0 : i32
    %dma_wait3A_181 = arith.constant 0 : i32
    %dma_wait3A_182 = arith.constant 0 : i32
    %dma_wait3A_183 = arith.constant 0 : i32
    %dma_wait3A_184 = tpu.memref_slice %arg9[%dma_wait3A_180, %dma_wait3A_182, %dma_wait3A_183] : memref<4x128x64xf32, #tpu.memory_space<vmem>> -> memref<1x128x64xf32, #tpu.memory_space<vmem>>
    %dma_wait3A_185 = tpu.memref_squeeze %dma_wait3A_184 : memref<1x128x64xf32, #tpu.memory_space<vmem>> -> memref<128x64xf32, #tpu.memory_space<vmem>>
    %dma_wait3A_186 = arith.constant 0 : i32
    %dma_wait3A_187 = tpu.memref_slice %arg7[%dma_wait3A_178, %dma_wait3A_179, %dma_wait3A_186] : memref<2x4x128xi32, #tpu.memory_space<vmem>> -> memref<1x1x128xi32, #tpu.memory_space<vmem>>
    %dma_wait3A_188 = tpu.memref_squeeze %dma_wait3A_187 : memref<1x1x128xi32, #tpu.memory_space<vmem>> -> memref<128xi32, #tpu.memory_space<vmem>>
    %dma_wait3A_189 = arith.constant 0 : i32
    %dma_wait3A_190 = arith.constant 0 : i32
    %dma_wait3A_191 = tpu.memref_slice %arg2[%dma_wait3A_189, %dma_wait3A_190] : memref<20480x64xf32, #tpu.memory_space<hbm>> -> memref<20480x64xf32, #tpu.memory_space<hbm>>
    %dma_wait3A_192 = tpu.memref_slice %arg12[%dma_wait3A_181] : memref<4x!tpu.dma_semaphore, #tpu.memory_space<semaphore_mem>> -> memref<1x!tpu.dma_semaphore, #tpu.memory_space<semaphore_mem>>
    %dma_wait3A_193 = tpu.memref_squeeze %dma_wait3A_192 : memref<1x!tpu.dma_semaphore, #tpu.memory_space<semaphore_mem>> -> memref<!tpu.dma_semaphore, #tpu.memory_space<semaphore_mem>>
    tpu.wait_indirect_dma semaphore(%dma_wait3A_193 : memref<!tpu.dma_semaphore, #tpu.memory_space<semaphore_mem>>) src(%dma_wait3A_191 : memref<20480x64xf32, #tpu.memory_space<hbm>>) dst(%dma_wait3A_185 : memref<128x64xf32, #tpu.memory_space<vmem>>)
    %dma_start3A_194 = arith.constant 0 : i32
    %dma_start3A_195 = arith.constant 1 : i32
    %dma_start3A_196 = arith.constant 0 : i32
    %dma_start3A_197 = arith.constant 0 : i32
    %dma_start3A_198 = arith.constant 0 : i32
    %dma_start3A_199 = arith.constant 0 : i32
    %dma_start3A_200 = tpu.memref_slice %arg9[%dma_start3A_194, %dma_start3A_198, %dma_start3A_199] : memref<4x128x64xf32, #tpu.memory_space<vmem>> -> memref<1x128x64xf32, #tpu.memory_space<vmem>>
    %dma_start3A_201 = tpu.memref_squeeze %dma_start3A_200 : memref<1x128x64xf32, #tpu.memory_space<vmem>> -> memref<128x64xf32, #tpu.memory_space<vmem>>
    %dma_start3A_202 = arith.constant 0 : i32
    %dma_start3A_203 = tpu.memref_slice %arg8[%dma_start3A_195, %dma_start3A_196, %dma_start3A_202] : memref<2x4x128xi32, #tpu.memory_space<vmem>> -> memref<1x1x128xi32, #tpu.memory_space<vmem>>
    %dma_start3A_204 = tpu.memref_squeeze %dma_start3A_203 : memref<1x1x128xi32, #tpu.memory_space<vmem>> -> memref<128xi32, #tpu.memory_space<vmem>>
    %dma_start3A_205 = arith.constant 0 : i32
    %dma_start3A_206 = arith.constant 0 : i32
    %dma_start3A_207 = tpu.memref_slice %arg10[%dma_start3A_205, %dma_start3A_206] : memref<10240x64xf32, #tpu.memory_space<vmem_shared>> -> memref<10240x64xf32, #tpu.memory_space<vmem_shared>>
    %dma_start3A_208 = tpu.memref_slice %arg13[%dma_start3A_197] : memref<4x!tpu.dma_semaphore, #tpu.memory_space<semaphore_mem>> -> memref<1x!tpu.dma_semaphore, #tpu.memory_space<semaphore_mem>>
    %dma_start3A_209 = tpu.memref_squeeze %dma_start3A_208 : memref<1x!tpu.dma_semaphore, #tpu.memory_space<semaphore_mem>> -> memref<!tpu.dma_semaphore, #tpu.memory_space<semaphore_mem>>
    tpu.enqueue_indirect_dma source(%dma_start3A_201 : memref<128x64xf32, #tpu.memory_space<vmem>>) target(%dma_start3A_207 : memref<10240x64xf32, #tpu.memory_space<vmem_shared>>) offsets(%dma_start3A_204 : memref<128xi32, #tpu.memory_space<vmem>>) semaphore(%dma_start3A_209 : memref<!tpu.dma_semaphore, #tpu.memory_space<semaphore_mem>>) {add = true}
    %dma_wait3A_210 = arith.constant 1 : i32
    %dma_wait3A_211 = arith.constant 1 : i32
    %dma_wait3A_212 = arith.constant 1 : i32
    %dma_wait3A_213 = arith.constant 1 : i32
    %dma_wait3A_214 = arith.constant 0 : i32
    %dma_wait3A_215 = arith.constant 0 : i32
    %dma_wait3A_216 = tpu.memref_slice %arg9[%dma_wait3A_212, %dma_wait3A_214, %dma_wait3A_215] : memref<4x128x64xf32, #tpu.memory_space<vmem>> -> memref<1x128x64xf32, #tpu.memory_space<vmem>>
    %dma_wait3A_217 = tpu.memref_squeeze %dma_wait3A_216 : memref<1x128x64xf32, #tpu.memory_space<vmem>> -> memref<128x64xf32, #tpu.memory_space<vmem>>
    %dma_wait3A_218 = arith.constant 0 : i32
    %dma_wait3A_219 = tpu.memref_slice %arg7[%dma_wait3A_210, %dma_wait3A_211, %dma_wait3A_218] : memref<2x4x128xi32, #tpu.memory_space<vmem>> -> memref<1x1x128xi32, #tpu.memory_space<vmem>>
    %dma_wait3A_220 = tpu.memref_squeeze %dma_wait3A_219 : memref<1x1x128xi32, #tpu.memory_space<vmem>> -> memref<128xi32, #tpu.memory_space<vmem>>
    %dma_wait3A_221 = arith.constant 0 : i32
    %dma_wait3A_222 = arith.constant 0 : i32
    %dma_wait3A_223 = tpu.memref_slice %arg2[%dma_wait3A_221, %dma_wait3A_222] : memref<20480x64xf32, #tpu.memory_space<hbm>> -> memref<20480x64xf32, #tpu.memory_space<hbm>>
    %dma_wait3A_224 = tpu.memref_slice %arg12[%dma_wait3A_213] : memref<4x!tpu.dma_semaphore, #tpu.memory_space<semaphore_mem>> -> memref<1x!tpu.dma_semaphore, #tpu.memory_space<semaphore_mem>>
    %dma_wait3A_225 = tpu.memref_squeeze %dma_wait3A_224 : memref<1x!tpu.dma_semaphore, #tpu.memory_space<semaphore_mem>> -> memref<!tpu.dma_semaphore, #tpu.memory_space<semaphore_mem>>
    tpu.wait_indirect_dma semaphore(%dma_wait3A_225 : memref<!tpu.dma_semaphore, #tpu.memory_space<semaphore_mem>>) src(%dma_wait3A_223 : memref<20480x64xf32, #tpu.memory_space<hbm>>) dst(%dma_wait3A_217 : memref<128x64xf32, #tpu.memory_space<vmem>>)
    %dma_start3A_226 = arith.constant 1 : i32
    %dma_start3A_227 = arith.constant 1 : i32
    %dma_start3A_228 = arith.constant 1 : i32
    %dma_start3A_229 = arith.constant 1 : i32
    %dma_start3A_230 = arith.constant 0 : i32
    %dma_start3A_231 = arith.constant 0 : i32
    %dma_start3A_232 = tpu.memref_slice %arg9[%dma_start3A_226, %dma_start3A_230, %dma_start3A_231] : memref<4x128x64xf32, #tpu.memory_space<vmem>> -> memref<1x128x64xf32, #tpu.memory_space<vmem>>
    %dma_start3A_233 = tpu.memref_squeeze %dma_start3A_232 : memref<1x128x64xf32, #tpu.memory_space<vmem>> -> memref<128x64xf32, #tpu.memory_space<vmem>>
    %dma_start3A_234 = arith.constant 0 : i32
    %dma_start3A_235 = tpu.memref_slice %arg8[%dma_start3A_227, %dma_start3A_228, %dma_start3A_234] : memref<2x4x128xi32, #tpu.memory_space<vmem>> -> memref<1x1x128xi32, #tpu.memory_space<vmem>>
    %dma_start3A_236 = tpu.memref_squeeze %dma_start3A_235 : memref<1x1x128xi32, #tpu.memory_space<vmem>> -> memref<128xi32, #tpu.memory_space<vmem>>
    %dma_start3A_237 = arith.constant 0 : i32
    %dma_start3A_238 = arith.constant 0 : i32
    %dma_start3A_239 = tpu.memref_slice %arg10[%dma_start3A_237, %dma_start3A_238] : memref<10240x64xf32, #tpu.memory_space<vmem_shared>> -> memref<10240x64xf32, #tpu.memory_space<vmem_shared>>
    %dma_start3A_240 = tpu.memref_slice %arg13[%dma_start3A_229] : memref<4x!tpu.dma_semaphore, #tpu.memory_space<semaphore_mem>> -> memref<1x!tpu.dma_semaphore, #tpu.memory_space<semaphore_mem>>
    %dma_start3A_241 = tpu.memref_squeeze %dma_start3A_240 : memref<1x!tpu.dma_semaphore, #tpu.memory_space<semaphore_mem>> -> memref<!tpu.dma_semaphore, #tpu.memory_space<semaphore_mem>>
    tpu.enqueue_indirect_dma source(%dma_start3A_233 : memref<128x64xf32, #tpu.memory_space<vmem>>) target(%dma_start3A_239 : memref<10240x64xf32, #tpu.memory_space<vmem_shared>>) offsets(%dma_start3A_236 : memref<128xi32, #tpu.memory_space<vmem>>) semaphore(%dma_start3A_241 : memref<!tpu.dma_semaphore, #tpu.memory_space<semaphore_mem>>) {add = true}
    %dma_wait3A_242 = arith.constant 1 : i32
    %dma_wait3A_243 = arith.constant 2 : i32
    %dma_wait3A_244 = arith.constant 2 : i32
    %dma_wait3A_245 = arith.constant 2 : i32
    %dma_wait3A_246 = arith.constant 0 : i32
    %dma_wait3A_247 = arith.constant 0 : i32
    %dma_wait3A_248 = tpu.memref_slice %arg9[%dma_wait3A_244, %dma_wait3A_246, %dma_wait3A_247] : memref<4x128x64xf32, #tpu.memory_space<vmem>> -> memref<1x128x64xf32, #tpu.memory_space<vmem>>
    %dma_wait3A_249 = tpu.memref_squeeze %dma_wait3A_248 : memref<1x128x64xf32, #tpu.memory_space<vmem>> -> memref<128x64xf32, #tpu.memory_space<vmem>>
    %dma_wait3A_250 = arith.constant 0 : i32
    %dma_wait3A_251 = tpu.memref_slice %arg7[%dma_wait3A_242, %dma_wait3A_243, %dma_wait3A_250] : memref<2x4x128xi32, #tpu.memory_space<vmem>> -> memref<1x1x128xi32, #tpu.memory_space<vmem>>
    %dma_wait3A_252 = tpu.memref_squeeze %dma_wait3A_251 : memref<1x1x128xi32, #tpu.memory_space<vmem>> -> memref<128xi32, #tpu.memory_space<vmem>>
    %dma_wait3A_253 = arith.constant 0 : i32
    %dma_wait3A_254 = arith.constant 0 : i32
    %dma_wait3A_255 = tpu.memref_slice %arg2[%dma_wait3A_253, %dma_wait3A_254] : memref<20480x64xf32, #tpu.memory_space<hbm>> -> memref<20480x64xf32, #tpu.memory_space<hbm>>
    %dma_wait3A_256 = tpu.memref_slice %arg12[%dma_wait3A_245] : memref<4x!tpu.dma_semaphore, #tpu.memory_space<semaphore_mem>> -> memref<1x!tpu.dma_semaphore, #tpu.memory_space<semaphore_mem>>
    %dma_wait3A_257 = tpu.memref_squeeze %dma_wait3A_256 : memref<1x!tpu.dma_semaphore, #tpu.memory_space<semaphore_mem>> -> memref<!tpu.dma_semaphore, #tpu.memory_space<semaphore_mem>>
    tpu.wait_indirect_dma semaphore(%dma_wait3A_257 : memref<!tpu.dma_semaphore, #tpu.memory_space<semaphore_mem>>) src(%dma_wait3A_255 : memref<20480x64xf32, #tpu.memory_space<hbm>>) dst(%dma_wait3A_249 : memref<128x64xf32, #tpu.memory_space<vmem>>)
    %dma_start3A_258 = arith.constant 2 : i32
    %dma_start3A_259 = arith.constant 1 : i32
    %dma_start3A_260 = arith.constant 2 : i32
    %dma_start3A_261 = arith.constant 2 : i32
    %dma_start3A_262 = arith.constant 0 : i32
    %dma_start3A_263 = arith.constant 0 : i32
    %dma_start3A_264 = tpu.memref_slice %arg9[%dma_start3A_258, %dma_start3A_262, %dma_start3A_263] : memref<4x128x64xf32, #tpu.memory_space<vmem>> -> memref<1x128x64xf32, #tpu.memory_space<vmem>>
    %dma_start3A_265 = tpu.memref_squeeze %dma_start3A_264 : memref<1x128x64xf32, #tpu.memory_space<vmem>> -> memref<128x64xf32, #tpu.memory_space<vmem>>
    %dma_start3A_266 = arith.constant 0 : i32
    %dma_start3A_267 = tpu.memref_slice %arg8[%dma_start3A_259, %dma_start3A_260, %dma_start3A_266] : memref<2x4x128xi32, #tpu.memory_space<vmem>> -> memref<1x1x128xi32, #tpu.memory_space<vmem>>
    %dma_start3A_268 = tpu.memref_squeeze %dma_start3A_267 : memref<1x1x128xi32, #tpu.memory_space<vmem>> -> memref<128xi32, #tpu.memory_space<vmem>>
    %dma_start3A_269 = arith.constant 0 : i32
    %dma_start3A_270 = arith.constant 0 : i32
    %dma_start3A_271 = tpu.memref_slice %arg10[%dma_start3A_269, %dma_start3A_270] : memref<10240x64xf32, #tpu.memory_space<vmem_shared>> -> memref<10240x64xf32, #tpu.memory_space<vmem_shared>>
    %dma_start3A_272 = tpu.memref_slice %arg13[%dma_start3A_261] : memref<4x!tpu.dma_semaphore, #tpu.memory_space<semaphore_mem>> -> memref<1x!tpu.dma_semaphore, #tpu.memory_space<semaphore_mem>>
    %dma_start3A_273 = tpu.memref_squeeze %dma_start3A_272 : memref<1x!tpu.dma_semaphore, #tpu.memory_space<semaphore_mem>> -> memref<!tpu.dma_semaphore, #tpu.memory_space<semaphore_mem>>
    tpu.enqueue_indirect_dma source(%dma_start3A_265 : memref<128x64xf32, #tpu.memory_space<vmem>>) target(%dma_start3A_271 : memref<10240x64xf32, #tpu.memory_space<vmem_shared>>) offsets(%dma_start3A_268 : memref<128xi32, #tpu.memory_space<vmem>>) semaphore(%dma_start3A_273 : memref<!tpu.dma_semaphore, #tpu.memory_space<semaphore_mem>>) {add = true}
    %dma_wait3A_274 = arith.constant 1 : i32
    %dma_wait3A_275 = arith.constant 3 : i32
    %dma_wait3A_276 = arith.constant 3 : i32
    %dma_wait3A_277 = arith.constant 3 : i32
    %dma_wait3A_278 = arith.constant 0 : i32
    %dma_wait3A_279 = arith.constant 0 : i32
    %dma_wait3A_280 = tpu.memref_slice %arg9[%dma_wait3A_276, %dma_wait3A_278, %dma_wait3A_279] : memref<4x128x64xf32, #tpu.memory_space<vmem>> -> memref<1x128x64xf32, #tpu.memory_space<vmem>>
    %dma_wait3A_281 = tpu.memref_squeeze %dma_wait3A_280 : memref<1x128x64xf32, #tpu.memory_space<vmem>> -> memref<128x64xf32, #tpu.memory_space<vmem>>
    %dma_wait3A_282 = arith.constant 0 : i32
    %dma_wait3A_283 = tpu.memref_slice %arg7[%dma_wait3A_274, %dma_wait3A_275, %dma_wait3A_282] : memref<2x4x128xi32, #tpu.memory_space<vmem>> -> memref<1x1x128xi32, #tpu.memory_space<vmem>>
    %dma_wait3A_284 = tpu.memref_squeeze %dma_wait3A_283 : memref<1x1x128xi32, #tpu.memory_space<vmem>> -> memref<128xi32, #tpu.memory_space<vmem>>
    %dma_wait3A_285 = arith.constant 0 : i32
    %dma_wait3A_286 = arith.constant 0 : i32
    %dma_wait3A_287 = tpu.memref_slice %arg2[%dma_wait3A_285, %dma_wait3A_286] : memref<20480x64xf32, #tpu.memory_space<hbm>> -> memref<20480x64xf32, #tpu.memory_space<hbm>>
    %dma_wait3A_288 = tpu.memref_slice %arg12[%dma_wait3A_277] : memref<4x!tpu.dma_semaphore, #tpu.memory_space<semaphore_mem>> -> memref<1x!tpu.dma_semaphore, #tpu.memory_space<semaphore_mem>>
    %dma_wait3A_289 = tpu.memref_squeeze %dma_wait3A_288 : memref<1x!tpu.dma_semaphore, #tpu.memory_space<semaphore_mem>> -> memref<!tpu.dma_semaphore, #tpu.memory_space<semaphore_mem>>
    tpu.wait_indirect_dma semaphore(%dma_wait3A_289 : memref<!tpu.dma_semaphore, #tpu.memory_space<semaphore_mem>>) src(%dma_wait3A_287 : memref<20480x64xf32, #tpu.memory_space<hbm>>) dst(%dma_wait3A_281 : memref<128x64xf32, #tpu.memory_space<vmem>>)
    %dma_start3A_290 = arith.constant 3 : i32
    %dma_start3A_291 = arith.constant 1 : i32
    %dma_start3A_292 = arith.constant 3 : i32
    %dma_start3A_293 = arith.constant 3 : i32
    %dma_start3A_294 = arith.constant 0 : i32
    %dma_start3A_295 = arith.constant 0 : i32
    %dma_start3A_296 = tpu.memref_slice %arg9[%dma_start3A_290, %dma_start3A_294, %dma_start3A_295] : memref<4x128x64xf32, #tpu.memory_space<vmem>> -> memref<1x128x64xf32, #tpu.memory_space<vmem>>
    %dma_start3A_297 = tpu.memref_squeeze %dma_start3A_296 : memref<1x128x64xf32, #tpu.memory_space<vmem>> -> memref<128x64xf32, #tpu.memory_space<vmem>>
    %dma_start3A_298 = arith.constant 0 : i32
    %dma_start3A_299 = tpu.memref_slice %arg8[%dma_start3A_291, %dma_start3A_292, %dma_start3A_298] : memref<2x4x128xi32, #tpu.memory_space<vmem>> -> memref<1x1x128xi32, #tpu.memory_space<vmem>>
    %dma_start3A_300 = tpu.memref_squeeze %dma_start3A_299 : memref<1x1x128xi32, #tpu.memory_space<vmem>> -> memref<128xi32, #tpu.memory_space<vmem>>
    %dma_start3A_301 = arith.constant 0 : i32
    %dma_start3A_302 = arith.constant 0 : i32
    %dma_start3A_303 = tpu.memref_slice %arg10[%dma_start3A_301, %dma_start3A_302] : memref<10240x64xf32, #tpu.memory_space<vmem_shared>> -> memref<10240x64xf32, #tpu.memory_space<vmem_shared>>
    %dma_start3A_304 = tpu.memref_slice %arg13[%dma_start3A_293] : memref<4x!tpu.dma_semaphore, #tpu.memory_space<semaphore_mem>> -> memref<1x!tpu.dma_semaphore, #tpu.memory_space<semaphore_mem>>
    %dma_start3A_305 = tpu.memref_squeeze %dma_start3A_304 : memref<1x!tpu.dma_semaphore, #tpu.memory_space<semaphore_mem>> -> memref<!tpu.dma_semaphore, #tpu.memory_space<semaphore_mem>>
    tpu.enqueue_indirect_dma source(%dma_start3A_297 : memref<128x64xf32, #tpu.memory_space<vmem>>) target(%dma_start3A_303 : memref<10240x64xf32, #tpu.memory_space<vmem_shared>>) offsets(%dma_start3A_300 : memref<128xi32, #tpu.memory_space<vmem>>) semaphore(%dma_start3A_305 : memref<!tpu.dma_semaphore, #tpu.memory_space<semaphore_mem>>) {add = true}
    %dma_wait3A_306 = arith.constant 0 : i32
    %dma_wait3A_307 = arith.constant 1 : i32
    %dma_wait3A_308 = arith.constant 0 : i32
    %dma_wait3A_309 = arith.constant 0 : i32
    %dma_wait3A_310 = arith.constant 0 : i32
    %dma_wait3A_311 = arith.constant 0 : i32
    %dma_wait3A_312 = tpu.memref_slice %arg9[%dma_wait3A_306, %dma_wait3A_310, %dma_wait3A_311] : memref<4x128x64xf32, #tpu.memory_space<vmem>> -> memref<1x128x64xf32, #tpu.memory_space<vmem>>
    %dma_wait3A_313 = tpu.memref_squeeze %dma_wait3A_312 : memref<1x128x64xf32, #tpu.memory_space<vmem>> -> memref<128x64xf32, #tpu.memory_space<vmem>>
    %dma_wait3A_314 = arith.constant 0 : i32
    %dma_wait3A_315 = tpu.memref_slice %arg8[%dma_wait3A_307, %dma_wait3A_308, %dma_wait3A_314] : memref<2x4x128xi32, #tpu.memory_space<vmem>> -> memref<1x1x128xi32, #tpu.memory_space<vmem>>
    %dma_wait3A_316 = tpu.memref_squeeze %dma_wait3A_315 : memref<1x1x128xi32, #tpu.memory_space<vmem>> -> memref<128xi32, #tpu.memory_space<vmem>>
    %dma_wait3A_317 = arith.constant 0 : i32
    %dma_wait3A_318 = arith.constant 0 : i32
    %dma_wait3A_319 = tpu.memref_slice %arg10[%dma_wait3A_317, %dma_wait3A_318] : memref<10240x64xf32, #tpu.memory_space<vmem_shared>> -> memref<10240x64xf32, #tpu.memory_space<vmem_shared>>
    %dma_wait3A_320 = tpu.memref_slice %arg13[%dma_wait3A_309] : memref<4x!tpu.dma_semaphore, #tpu.memory_space<semaphore_mem>> -> memref<1x!tpu.dma_semaphore, #tpu.memory_space<semaphore_mem>>
    %dma_wait3A_321 = tpu.memref_squeeze %dma_wait3A_320 : memref<1x!tpu.dma_semaphore, #tpu.memory_space<semaphore_mem>> -> memref<!tpu.dma_semaphore, #tpu.memory_space<semaphore_mem>>
    tpu.wait_indirect_dma semaphore(%dma_wait3A_321 : memref<!tpu.dma_semaphore, #tpu.memory_space<semaphore_mem>>) src(%dma_wait3A_313 : memref<128x64xf32, #tpu.memory_space<vmem>>) dst(%dma_wait3A_319 : memref<10240x64xf32, #tpu.memory_space<vmem_shared>>)
    %dma_wait3A_322 = arith.constant 1 : i32
    %dma_wait3A_323 = arith.constant 1 : i32
    %dma_wait3A_324 = arith.constant 1 : i32
    %dma_wait3A_325 = arith.constant 1 : i32
    %dma_wait3A_326 = arith.constant 0 : i32
    %dma_wait3A_327 = arith.constant 0 : i32
    %dma_wait3A_328 = tpu.memref_slice %arg9[%dma_wait3A_322, %dma_wait3A_326, %dma_wait3A_327] : memref<4x128x64xf32, #tpu.memory_space<vmem>> -> memref<1x128x64xf32, #tpu.memory_space<vmem>>
    %dma_wait3A_329 = tpu.memref_squeeze %dma_wait3A_328 : memref<1x128x64xf32, #tpu.memory_space<vmem>> -> memref<128x64xf32, #tpu.memory_space<vmem>>
    %dma_wait3A_330 = arith.constant 0 : i32
    %dma_wait3A_331 = tpu.memref_slice %arg8[%dma_wait3A_323, %dma_wait3A_324, %dma_wait3A_330] : memref<2x4x128xi32, #tpu.memory_space<vmem>> -> memref<1x1x128xi32, #tpu.memory_space<vmem>>
    %dma_wait3A_332 = tpu.memref_squeeze %dma_wait3A_331 : memref<1x1x128xi32, #tpu.memory_space<vmem>> -> memref<128xi32, #tpu.memory_space<vmem>>
    %dma_wait3A_333 = arith.constant 0 : i32
    %dma_wait3A_334 = arith.constant 0 : i32
    %dma_wait3A_335 = tpu.memref_slice %arg10[%dma_wait3A_333, %dma_wait3A_334] : memref<10240x64xf32, #tpu.memory_space<vmem_shared>> -> memref<10240x64xf32, #tpu.memory_space<vmem_shared>>
    %dma_wait3A_336 = tpu.memref_slice %arg13[%dma_wait3A_325] : memref<4x!tpu.dma_semaphore, #tpu.memory_space<semaphore_mem>> -> memref<1x!tpu.dma_semaphore, #tpu.memory_space<semaphore_mem>>
    %dma_wait3A_337 = tpu.memref_squeeze %dma_wait3A_336 : memref<1x!tpu.dma_semaphore, #tpu.memory_space<semaphore_mem>> -> memref<!tpu.dma_semaphore, #tpu.memory_space<semaphore_mem>>
    tpu.wait_indirect_dma semaphore(%dma_wait3A_337 : memref<!tpu.dma_semaphore, #tpu.memory_space<semaphore_mem>>) src(%dma_wait3A_329 : memref<128x64xf32, #tpu.memory_space<vmem>>) dst(%dma_wait3A_335 : memref<10240x64xf32, #tpu.memory_space<vmem_shared>>)
    %dma_wait3A_338 = arith.constant 2 : i32
    %dma_wait3A_339 = arith.constant 1 : i32
    %dma_wait3A_340 = arith.constant 2 : i32
    %dma_wait3A_341 = arith.constant 2 : i32
    %dma_wait3A_342 = arith.constant 0 : i32
    %dma_wait3A_343 = arith.constant 0 : i32
    %dma_wait3A_344 = tpu.memref_slice %arg9[%dma_wait3A_338, %dma_wait3A_342, %dma_wait3A_343] : memref<4x128x64xf32, #tpu.memory_space<vmem>> -> memref<1x128x64xf32, #tpu.memory_space<vmem>>
    %dma_wait3A_345 = tpu.memref_squeeze %dma_wait3A_344 : memref<1x128x64xf32, #tpu.memory_space<vmem>> -> memref<128x64xf32, #tpu.memory_space<vmem>>
    %dma_wait3A_346 = arith.constant 0 : i32
    %dma_wait3A_347 = tpu.memref_slice %arg8[%dma_wait3A_339, %dma_wait3A_340, %dma_wait3A_346] : memref<2x4x128xi32, #tpu.memory_space<vmem>> -> memref<1x1x128xi32, #tpu.memory_space<vmem>>
    %dma_wait3A_348 = tpu.memref_squeeze %dma_wait3A_347 : memref<1x1x128xi32, #tpu.memory_space<vmem>> -> memref<128xi32, #tpu.memory_space<vmem>>
    %dma_wait3A_349 = arith.constant 0 : i32
    %dma_wait3A_350 = arith.constant 0 : i32
    %dma_wait3A_351 = tpu.memref_slice %arg10[%dma_wait3A_349, %dma_wait3A_350] : memref<10240x64xf32, #tpu.memory_space<vmem_shared>> -> memref<10240x64xf32, #tpu.memory_space<vmem_shared>>
    %dma_wait3A_352 = tpu.memref_slice %arg13[%dma_wait3A_341] : memref<4x!tpu.dma_semaphore, #tpu.memory_space<semaphore_mem>> -> memref<1x!tpu.dma_semaphore, #tpu.memory_space<semaphore_mem>>
    %dma_wait3A_353 = tpu.memref_squeeze %dma_wait3A_352 : memref<1x!tpu.dma_semaphore, #tpu.memory_space<semaphore_mem>> -> memref<!tpu.dma_semaphore, #tpu.memory_space<semaphore_mem>>
    tpu.wait_indirect_dma semaphore(%dma_wait3A_353 : memref<!tpu.dma_semaphore, #tpu.memory_space<semaphore_mem>>) src(%dma_wait3A_345 : memref<128x64xf32, #tpu.memory_space<vmem>>) dst(%dma_wait3A_351 : memref<10240x64xf32, #tpu.memory_space<vmem_shared>>)
    %dma_wait3A_354 = arith.constant 3 : i32
    %dma_wait3A_355 = arith.constant 1 : i32
    %dma_wait3A_356 = arith.constant 3 : i32
    %dma_wait3A_357 = arith.constant 3 : i32
    %dma_wait3A_358 = arith.constant 0 : i32
    %dma_wait3A_359 = arith.constant 0 : i32
    %dma_wait3A_360 = tpu.memref_slice %arg9[%dma_wait3A_354, %dma_wait3A_358, %dma_wait3A_359] : memref<4x128x64xf32, #tpu.memory_space<vmem>> -> memref<1x128x64xf32, #tpu.memory_space<vmem>>
    %dma_wait3A_361 = tpu.memref_squeeze %dma_wait3A_360 : memref<1x128x64xf32, #tpu.memory_space<vmem>> -> memref<128x64xf32, #tpu.memory_space<vmem>>
    %dma_wait3A_362 = arith.constant 0 : i32
    %dma_wait3A_363 = tpu.memref_slice %arg8[%dma_wait3A_355, %dma_wait3A_356, %dma_wait3A_362] : memref<2x4x128xi32, #tpu.memory_space<vmem>> -> memref<1x1x128xi32, #tpu.memory_space<vmem>>
    %dma_wait3A_364 = tpu.memref_squeeze %dma_wait3A_363 : memref<1x1x128xi32, #tpu.memory_space<vmem>> -> memref<128xi32, #tpu.memory_space<vmem>>
    %dma_wait3A_365 = arith.constant 0 : i32
    %dma_wait3A_366 = arith.constant 0 : i32
    %dma_wait3A_367 = tpu.memref_slice %arg10[%dma_wait3A_365, %dma_wait3A_366] : memref<10240x64xf32, #tpu.memory_space<vmem_shared>> -> memref<10240x64xf32, #tpu.memory_space<vmem_shared>>
    %dma_wait3A_368 = tpu.memref_slice %arg13[%dma_wait3A_357] : memref<4x!tpu.dma_semaphore, #tpu.memory_space<semaphore_mem>> -> memref<1x!tpu.dma_semaphore, #tpu.memory_space<semaphore_mem>>
    %dma_wait3A_369 = tpu.memref_squeeze %dma_wait3A_368 : memref<1x!tpu.dma_semaphore, #tpu.memory_space<semaphore_mem>> -> memref<!tpu.dma_semaphore, #tpu.memory_space<semaphore_mem>>
    tpu.wait_indirect_dma semaphore(%dma_wait3A_369 : memref<!tpu.dma_semaphore, #tpu.memory_space<semaphore_mem>>) src(%dma_wait3A_361 : memref<128x64xf32, #tpu.memory_space<vmem>>) dst(%dma_wait3A_367 : memref<10240x64xf32, #tpu.memory_space<vmem_shared>>)
    %barrier3A_370 = arith.constant 0 : index
    tpu.barrier barrier_id(%barrier3A_370)
    %mul3A_371 = arith.constant 10240 : i32
    %mul3A_372 = arith.muli %arg0, %mul3A_371 : i32
    %mul3A_373 = arith.constant 640 : i32
    %mul3A_374 = arith.muli %arg1, %mul3A_373 : i32
    %add3A_375 = arith.addi %mul3A_372, %mul3A_374 : i32
    %mul3A_376 = arith.constant 640 : i32
    %mul3A_377 = arith.muli %arg1, %mul3A_376 : i32
    "tpu.region"() ({
      %run_scoped3A = tpu.sem_alloc : memref<!tpu.dma_semaphore, #tpu.memory_space<semaphore_mem>>
      %dma_start3A_378 = arith.constant 0 : i32
      %dma_start3A_379 = tpu.memref_slice %arg6[%add3A_375, %dma_start3A_378] : memref<20480x64xf32, #tpu.memory_space<hbm>> -> memref<640x64xf32, #tpu.memory_space<hbm>>
      %dma_start3A_380 = arith.constant 0 : i32
      %dma_start3A_381 = tpu.memref_slice %arg10[%mul3A_377, %dma_start3A_380] : memref<10240x64xf32, #tpu.memory_space<vmem_shared>> -> memref<640x64xf32, #tpu.memory_space<vmem_shared>>
      tpu.enqueue_dma source(%dma_start3A_381 : memref<640x64xf32, #tpu.memory_space<vmem_shared>>) target(%dma_start3A_379 : memref<640x64xf32, #tpu.memory_space<hbm>>) target_semaphore(%run_scoped3A : memref<!tpu.dma_semaphore, #tpu.memory_space<semaphore_mem>>)
      %dma_wait3A_382 = arith.constant 0 : i32
      %dma_wait3A_383 = tpu.memref_slice %arg6[%add3A_375, %dma_wait3A_382] : memref<20480x64xf32, #tpu.memory_space<hbm>> -> memref<640x64xf32, #tpu.memory_space<hbm>>
      %dma_wait3A_384 = arith.constant 0 : i32
      %dma_wait3A_385 = tpu.memref_slice %arg10[%mul3A_377, %dma_wait3A_384] : memref<10240x64xf32, #tpu.memory_space<vmem_shared>> -> memref<640x64xf32, #tpu.memory_space<vmem_shared>>
      tpu.wait_dma2 semaphore(%run_scoped3A : memref<!tpu.dma_semaphore, #tpu.memory_space<semaphore_mem>>) src(%dma_wait3A_385 : memref<640x64xf32, #tpu.memory_space<vmem_shared>>) dst(%dma_wait3A_383 : memref<640x64xf32, #tpu.memory_space<hbm>>)
      tpu.yield
    }) : () -> ()
    return
  }
}

#map = affine_map<(d0, d1) -> (0, 0)>
module attributes {stable_mosaic.version = 14 : i64} {
  func.func @_deg_kernel(%arg0: i32, %arg1: i32, %arg2: memref<2560x128xi32, #tpu.memory_space<hbm>>, %arg3: memref<128x8xf32, #tpu.memory_space<hbm>>, %arg4: memref<640x8xf32, #tpu.memory_space<hbm>>, %arg5: memref<20480x8xf32, #tpu.memory_space<hbm>>, %arg6: memref<2x4x128xi32, #tpu.memory_space<vmem>>, %arg7: memref<128x8xf32, #tpu.memory_space<vmem>>, %arg8: memref<10240x8xf32, #tpu.memory_space<vmem_shared>>, %arg9: memref<2x!tpu.dma_semaphore, #tpu.memory_space<semaphore_mem>>, %arg10: memref<4x!tpu.dma_semaphore, #tpu.memory_space<semaphore_mem>>) attributes {dimension_semantics = [#tpu.dimension_semantics<core_parallel>, #tpu.dimension_semantics<subcore_parallel>], iteration_bounds = array<i64: 2, 16>, scalar_prefetch = 0 : i64, scratch_operands = 5 : i64, tpu.core_type = #tpu.core_type<sc_vector_subcore>, window_params = [{transform_indices = #map}, {transform_indices = #map}, {transform_indices = #map}, {transform_indices = #map}]} {
    %mul3A = arith.constant 2 : i32
    %mul3A_0 = arith.muli %arg1, %mul3A : i32
    %add3A = arith.addi %mul3A_0, %arg0 : i32
    %mul3A_1 = arith.constant 80 : i32
    %mul3A_2 = arith.muli %add3A, %mul3A_1 : i32
    %mul3A_3 = arith.constant 640 : i32
    %mul3A_4 = arith.muli %arg1, %mul3A_3 : i32
    "tpu.region"() ({
      %run_scoped3A = tpu.sem_alloc : memref<!tpu.dma_semaphore, #tpu.memory_space<semaphore_mem>>
      %dma_start3A_156 = arith.constant 0 : i32
      %dma_start3A_157 = tpu.memref_slice %arg8[%mul3A_4, %dma_start3A_156] : memref<10240x8xf32, #tpu.memory_space<vmem_shared>> -> memref<640x8xf32, #tpu.memory_space<vmem_shared>>
      tpu.enqueue_dma source(%arg4 : memref<640x8xf32, #tpu.memory_space<hbm>>) target(%dma_start3A_157 : memref<640x8xf32, #tpu.memory_space<vmem_shared>>) target_semaphore(%run_scoped3A : memref<!tpu.dma_semaphore, #tpu.memory_space<semaphore_mem>>)
      %dma_wait3A_158 = arith.constant 0 : i32
      %dma_wait3A_159 = tpu.memref_slice %arg8[%mul3A_4, %dma_wait3A_158] : memref<10240x8xf32, #tpu.memory_space<vmem_shared>> -> memref<640x8xf32, #tpu.memory_space<vmem_shared>>
      tpu.wait_dma2 semaphore(%run_scoped3A : memref<!tpu.dma_semaphore, #tpu.memory_space<semaphore_mem>>) src(%arg4 : memref<640x8xf32, #tpu.memory_space<hbm>>) dst(%dma_wait3A_159 : memref<640x8xf32, #tpu.memory_space<vmem_shared>>)
      tpu.yield
    }) : () -> ()
    "tpu.region"() ({
      %run_scoped3A = tpu.sem_alloc : memref<!tpu.dma_semaphore, #tpu.memory_space<semaphore_mem>>
      tpu.enqueue_dma source(%arg3 : memref<128x8xf32, #tpu.memory_space<hbm>>) target(%arg7 : memref<128x8xf32, #tpu.memory_space<vmem>>) target_semaphore(%run_scoped3A : memref<!tpu.dma_semaphore, #tpu.memory_space<semaphore_mem>>)
      tpu.wait_dma2 semaphore(%run_scoped3A : memref<!tpu.dma_semaphore, #tpu.memory_space<semaphore_mem>>) src(%arg3 : memref<128x8xf32, #tpu.memory_space<hbm>>) dst(%arg7 : memref<128x8xf32, #tpu.memory_space<vmem>>)
      tpu.yield
    }) : () -> ()
    %add3A_5 = arith.constant 0 : i32
    %add3A_6 = arith.addi %mul3A_2, %add3A_5 : i32
    %dma_start3A = arith.constant 0 : i32
    %dma_start3A_7 = arith.constant 0 : i32
    %dma_start3A_8 = arith.constant 0 : i32
    %dma_start3A_9 = arith.constant 0 : i32
    %dma_start3A_10 = tpu.memref_slice %arg6[%dma_start3A, %dma_start3A_8, %dma_start3A_9] : memref<2x4x128xi32, #tpu.memory_space<vmem>> -> memref<1x4x128xi32, #tpu.memory_space<vmem>>
    %dma_start3A_11 = tpu.memref_squeeze %dma_start3A_10 : memref<1x4x128xi32, #tpu.memory_space<vmem>> -> memref<4x128xi32, #tpu.memory_space<vmem>>
    %dma_start3A_12 = arith.constant 0 : i32
    %dma_start3A_13 = tpu.memref_slice %arg2[%add3A_6, %dma_start3A_12] : memref<2560x128xi32, #tpu.memory_space<hbm>> -> memref<4x128xi32, #tpu.memory_space<hbm>>
    %dma_start3A_14 = tpu.memref_slice %arg9[%dma_start3A_7] : memref<2x!tpu.dma_semaphore, #tpu.memory_space<semaphore_mem>> -> memref<1x!tpu.dma_semaphore, #tpu.memory_space<semaphore_mem>>
    %dma_start3A_15 = tpu.memref_squeeze %dma_start3A_14 : memref<1x!tpu.dma_semaphore, #tpu.memory_space<semaphore_mem>> -> memref<!tpu.dma_semaphore, #tpu.memory_space<semaphore_mem>>
    %dma_start3A_16 = arith.constant 0 : i32
    %dma_start3A_17 = arith.constant 0 : i32
    %dma_start3A_18 = tpu.memref_slice %arg6[%dma_start3A, %dma_start3A_16, %dma_start3A_17] : memref<2x4x128xi32, #tpu.memory_space<vmem>> -> memref<1x4x128xi32, #tpu.memory_space<vmem>>
    %dma_start3A_19 = tpu.memref_squeeze %dma_start3A_18 : memref<1x4x128xi32, #tpu.memory_space<vmem>> -> memref<4x128xi32, #tpu.memory_space<vmem>>
    %dma_start3A_20 = arith.constant 0 : i32
    %dma_start3A_21 = tpu.memref_slice %arg2[%add3A_6, %dma_start3A_20] : memref<2560x128xi32, #tpu.memory_space<hbm>> -> memref<4x128xi32, #tpu.memory_space<hbm>>
    tpu.enqueue_dma source(%dma_start3A_21 : memref<4x128xi32, #tpu.memory_space<hbm>>) target(%dma_start3A_19 : memref<4x128xi32, #tpu.memory_space<vmem>>) target_semaphore(%dma_start3A_15 : memref<!tpu.dma_semaphore, #tpu.memory_space<semaphore_mem>>)
    %dma_wait3A = arith.constant 0 : i32
    %dma_wait3A_22 = arith.constant 0 : i32
    %dma_wait3A_23 = arith.constant 0 : i32
    %dma_wait3A_24 = arith.constant 0 : i32
    %dma_wait3A_25 = tpu.memref_slice %arg6[%dma_wait3A, %dma_wait3A_23, %dma_wait3A_24] : memref<2x4x128xi32, #tpu.memory_space<vmem>> -> memref<1x4x128xi32, #tpu.memory_space<vmem>>
    %dma_wait3A_26 = tpu.memref_squeeze %dma_wait3A_25 : memref<1x4x128xi32, #tpu.memory_space<vmem>> -> memref<4x128xi32, #tpu.memory_space<vmem>>
    %dma_wait3A_27 = arith.constant 0 : i32
    %dma_wait3A_28 = tpu.memref_slice %arg2[%mul3A_2, %dma_wait3A_27] : memref<2560x128xi32, #tpu.memory_space<hbm>> -> memref<4x128xi32, #tpu.memory_space<hbm>>
    %dma_wait3A_29 = tpu.memref_slice %arg9[%dma_wait3A_22] : memref<2x!tpu.dma_semaphore, #tpu.memory_space<semaphore_mem>> -> memref<1x!tpu.dma_semaphore, #tpu.memory_space<semaphore_mem>>
    %dma_wait3A_30 = tpu.memref_squeeze %dma_wait3A_29 : memref<1x!tpu.dma_semaphore, #tpu.memory_space<semaphore_mem>> -> memref<!tpu.dma_semaphore, #tpu.memory_space<semaphore_mem>>
    %dma_wait3A_31 = arith.constant 0 : i32
    %dma_wait3A_32 = arith.constant 0 : i32
    %dma_wait3A_33 = tpu.memref_slice %arg6[%dma_wait3A, %dma_wait3A_31, %dma_wait3A_32] : memref<2x4x128xi32, #tpu.memory_space<vmem>> -> memref<1x4x128xi32, #tpu.memory_space<vmem>>
    %dma_wait3A_34 = tpu.memref_squeeze %dma_wait3A_33 : memref<1x4x128xi32, #tpu.memory_space<vmem>> -> memref<4x128xi32, #tpu.memory_space<vmem>>
    %dma_wait3A_35 = arith.constant 0 : i32
    %dma_wait3A_36 = tpu.memref_slice %arg2[%mul3A_2, %dma_wait3A_35] : memref<2560x128xi32, #tpu.memory_space<hbm>> -> memref<4x128xi32, #tpu.memory_space<hbm>>
    tpu.wait_dma2 semaphore(%dma_wait3A_30 : memref<!tpu.dma_semaphore, #tpu.memory_space<semaphore_mem>>) src(%dma_wait3A_36 : memref<4x128xi32, #tpu.memory_space<hbm>>) dst(%dma_wait3A_34 : memref<4x128xi32, #tpu.memory_space<vmem>>)
    %add3A_37 = arith.constant 4 : i32
    %add3A_38 = arith.addi %mul3A_2, %add3A_37 : i32
    %dma_start3A_39 = arith.constant 1 : i32
    %dma_start3A_40 = arith.constant 1 : i32
    %dma_start3A_41 = arith.constant 0 : i32
    %dma_start3A_42 = arith.constant 0 : i32
    %dma_start3A_43 = tpu.memref_slice %arg6[%dma_start3A_39, %dma_start3A_41, %dma_start3A_42] : memref<2x4x128xi32, #tpu.memory_space<vmem>> -> memref<1x4x128xi32, #tpu.memory_space<vmem>>
    %dma_start3A_44 = tpu.memref_squeeze %dma_start3A_43 : memref<1x4x128xi32, #tpu.memory_space<vmem>> -> memref<4x128xi32, #tpu.memory_space<vmem>>
    %dma_start3A_45 = arith.constant 0 : i32
    %dma_start3A_46 = tpu.memref_slice %arg2[%add3A_38, %dma_start3A_45] : memref<2560x128xi32, #tpu.memory_space<hbm>> -> memref<4x128xi32, #tpu.memory_space<hbm>>
    %dma_start3A_47 = tpu.memref_slice %arg9[%dma_start3A_40] : memref<2x!tpu.dma_semaphore, #tpu.memory_space<semaphore_mem>> -> memref<1x!tpu.dma_semaphore, #tpu.memory_space<semaphore_mem>>
    %dma_start3A_48 = tpu.memref_squeeze %dma_start3A_47 : memref<1x!tpu.dma_semaphore, #tpu.memory_space<semaphore_mem>> -> memref<!tpu.dma_semaphore, #tpu.memory_space<semaphore_mem>>
    %dma_start3A_49 = arith.constant 0 : i32
    %dma_start3A_50 = arith.constant 0 : i32
    %dma_start3A_51 = tpu.memref_slice %arg6[%dma_start3A_39, %dma_start3A_49, %dma_start3A_50] : memref<2x4x128xi32, #tpu.memory_space<vmem>> -> memref<1x4x128xi32, #tpu.memory_space<vmem>>
    %dma_start3A_52 = tpu.memref_squeeze %dma_start3A_51 : memref<1x4x128xi32, #tpu.memory_space<vmem>> -> memref<4x128xi32, #tpu.memory_space<vmem>>
    %dma_start3A_53 = arith.constant 0 : i32
    %dma_start3A_54 = tpu.memref_slice %arg2[%add3A_38, %dma_start3A_53] : memref<2560x128xi32, #tpu.memory_space<hbm>> -> memref<4x128xi32, #tpu.memory_space<hbm>>
    tpu.enqueue_dma source(%dma_start3A_54 : memref<4x128xi32, #tpu.memory_space<hbm>>) target(%dma_start3A_52 : memref<4x128xi32, #tpu.memory_space<vmem>>) target_semaphore(%dma_start3A_48 : memref<!tpu.dma_semaphore, #tpu.memory_space<semaphore_mem>>)
    %barrier3A = arith.constant 0 : index
    tpu.barrier barrier_id(%barrier3A)
    %scan3A = arith.constant 0 : i32
    %scan3A_55 = arith.constant 0 : i32
    %scan3A_56 = arith.constant 19 : i32
    %scan3A_57 = arith.addi %scan3A_55, %scan3A_56 : i32
    %scan3A_58 = arith.constant 1 : i32
    scf.for %scan3A_156 = %scan3A_55 to %scan3A_57 step %scan3A_58  : i32 {
      %rem3A = arith.constant 2 : i32
      %rem3A_157 = arith.remsi %scan3A_156, %rem3A : i32
      %sub3A = arith.constant 1 : i32
      %sub3A_158 = arith.subi %sub3A, %rem3A_157 : i32
      %dma_start3A_159 = arith.constant 0 : i32
      %dma_start3A_160 = arith.constant 0 : i32
      %dma_start3A_161 = arith.constant 0 : i32
      %dma_start3A_162 = tpu.memref_slice %arg6[%rem3A_157, %dma_start3A_159, %dma_start3A_161] : memref<2x4x128xi32, #tpu.memory_space<vmem>> -> memref<1x1x128xi32, #tpu.memory_space<vmem>>
      %dma_start3A_163 = tpu.memref_squeeze %dma_start3A_162 : memref<1x1x128xi32, #tpu.memory_space<vmem>> -> memref<128xi32, #tpu.memory_space<vmem>>
      %dma_start3A_164 = arith.constant 0 : i32
      %dma_start3A_165 = arith.constant 0 : i32
      %dma_start3A_166 = tpu.memref_slice %arg8[%dma_start3A_164, %dma_start3A_165] : memref<10240x8xf32, #tpu.memory_space<vmem_shared>> -> memref<10240x8xf32, #tpu.memory_space<vmem_shared>>
      %dma_start3A_167 = tpu.memref_slice %arg10[%dma_start3A_160] : memref<4x!tpu.dma_semaphore, #tpu.memory_space<semaphore_mem>> -> memref<1x!tpu.dma_semaphore, #tpu.memory_space<semaphore_mem>>
      %dma_start3A_168 = tpu.memref_squeeze %dma_start3A_167 : memref<1x!tpu.dma_semaphore, #tpu.memory_space<semaphore_mem>> -> memref<!tpu.dma_semaphore, #tpu.memory_space<semaphore_mem>>
      tpu.enqueue_indirect_dma source(%arg7 : memref<128x8xf32, #tpu.memory_space<vmem>>) target(%dma_start3A_166 : memref<10240x8xf32, #tpu.memory_space<vmem_shared>>) offsets(%dma_start3A_163 : memref<128xi32, #tpu.memory_space<vmem>>) semaphore(%dma_start3A_168 : memref<!tpu.dma_semaphore, #tpu.memory_space<semaphore_mem>>) {add = true}
      %dma_start3A_169 = arith.constant 1 : i32
      %dma_start3A_170 = arith.constant 1 : i32
      %dma_start3A_171 = arith.constant 0 : i32
      %dma_start3A_172 = tpu.memref_slice %arg6[%rem3A_157, %dma_start3A_169, %dma_start3A_171] : memref<2x4x128xi32, #tpu.memory_space<vmem>> -> memref<1x1x128xi32, #tpu.memory_space<vmem>>
      %dma_start3A_173 = tpu.memref_squeeze %dma_start3A_172 : memref<1x1x128xi32, #tpu.memory_space<vmem>> -> memref<128xi32, #tpu.memory_space<vmem>>
      %dma_start3A_174 = arith.constant 0 : i32
      %dma_start3A_175 = arith.constant 0 : i32
      %dma_start3A_176 = tpu.memref_slice %arg8[%dma_start3A_174, %dma_start3A_175] : memref<10240x8xf32, #tpu.memory_space<vmem_shared>> -> memref<10240x8xf32, #tpu.memory_space<vmem_shared>>
      %dma_start3A_177 = tpu.memref_slice %arg10[%dma_start3A_170] : memref<4x!tpu.dma_semaphore, #tpu.memory_space<semaphore_mem>> -> memref<1x!tpu.dma_semaphore, #tpu.memory_space<semaphore_mem>>
      %dma_start3A_178 = tpu.memref_squeeze %dma_start3A_177 : memref<1x!tpu.dma_semaphore, #tpu.memory_space<semaphore_mem>> -> memref<!tpu.dma_semaphore, #tpu.memory_space<semaphore_mem>>
      tpu.enqueue_indirect_dma source(%arg7 : memref<128x8xf32, #tpu.memory_space<vmem>>) target(%dma_start3A_176 : memref<10240x8xf32, #tpu.memory_space<vmem_shared>>) offsets(%dma_start3A_173 : memref<128xi32, #tpu.memory_space<vmem>>) semaphore(%dma_start3A_178 : memref<!tpu.dma_semaphore, #tpu.memory_space<semaphore_mem>>) {add = true}
      %dma_start3A_179 = arith.constant 2 : i32
      %dma_start3A_180 = arith.constant 2 : i32
      %dma_start3A_181 = arith.constant 0 : i32
      %dma_start3A_182 = tpu.memref_slice %arg6[%rem3A_157, %dma_start3A_179, %dma_start3A_181] : memref<2x4x128xi32, #tpu.memory_space<vmem>> -> memref<1x1x128xi32, #tpu.memory_space<vmem>>
      %dma_start3A_183 = tpu.memref_squeeze %dma_start3A_182 : memref<1x1x128xi32, #tpu.memory_space<vmem>> -> memref<128xi32, #tpu.memory_space<vmem>>
      %dma_start3A_184 = arith.constant 0 : i32
      %dma_start3A_185 = arith.constant 0 : i32
      %dma_start3A_186 = tpu.memref_slice %arg8[%dma_start3A_184, %dma_start3A_185] : memref<10240x8xf32, #tpu.memory_space<vmem_shared>> -> memref<10240x8xf32, #tpu.memory_space<vmem_shared>>
      %dma_start3A_187 = tpu.memref_slice %arg10[%dma_start3A_180] : memref<4x!tpu.dma_semaphore, #tpu.memory_space<semaphore_mem>> -> memref<1x!tpu.dma_semaphore, #tpu.memory_space<semaphore_mem>>
      %dma_start3A_188 = tpu.memref_squeeze %dma_start3A_187 : memref<1x!tpu.dma_semaphore, #tpu.memory_space<semaphore_mem>> -> memref<!tpu.dma_semaphore, #tpu.memory_space<semaphore_mem>>
      tpu.enqueue_indirect_dma source(%arg7 : memref<128x8xf32, #tpu.memory_space<vmem>>) target(%dma_start3A_186 : memref<10240x8xf32, #tpu.memory_space<vmem_shared>>) offsets(%dma_start3A_183 : memref<128xi32, #tpu.memory_space<vmem>>) semaphore(%dma_start3A_188 : memref<!tpu.dma_semaphore, #tpu.memory_space<semaphore_mem>>) {add = true}
      %dma_start3A_189 = arith.constant 3 : i32
      %dma_start3A_190 = arith.constant 3 : i32
      %dma_start3A_191 = arith.constant 0 : i32
      %dma_start3A_192 = tpu.memref_slice %arg6[%rem3A_157, %dma_start3A_189, %dma_start3A_191] : memref<2x4x128xi32, #tpu.memory_space<vmem>> -> memref<1x1x128xi32, #tpu.memory_space<vmem>>
      %dma_start3A_193 = tpu.memref_squeeze %dma_start3A_192 : memref<1x1x128xi32, #tpu.memory_space<vmem>> -> memref<128xi32, #tpu.memory_space<vmem>>
      %dma_start3A_194 = arith.constant 0 : i32
      %dma_start3A_195 = arith.constant 0 : i32
      %dma_start3A_196 = tpu.memref_slice %arg8[%dma_start3A_194, %dma_start3A_195] : memref<10240x8xf32, #tpu.memory_space<vmem_shared>> -> memref<10240x8xf32, #tpu.memory_space<vmem_shared>>
      %dma_start3A_197 = tpu.memref_slice %arg10[%dma_start3A_190] : memref<4x!tpu.dma_semaphore, #tpu.memory_space<semaphore_mem>> -> memref<1x!tpu.dma_semaphore, #tpu.memory_space<semaphore_mem>>
      %dma_start3A_198 = tpu.memref_squeeze %dma_start3A_197 : memref<1x!tpu.dma_semaphore, #tpu.memory_space<semaphore_mem>> -> memref<!tpu.dma_semaphore, #tpu.memory_space<semaphore_mem>>
      tpu.enqueue_indirect_dma source(%arg7 : memref<128x8xf32, #tpu.memory_space<vmem>>) target(%dma_start3A_196 : memref<10240x8xf32, #tpu.memory_space<vmem_shared>>) offsets(%dma_start3A_193 : memref<128xi32, #tpu.memory_space<vmem>>) semaphore(%dma_start3A_198 : memref<!tpu.dma_semaphore, #tpu.memory_space<semaphore_mem>>) {add = true}
      %dma_wait3A_199 = arith.constant 0 : i32
      %dma_wait3A_200 = arith.constant 0 : i32
      %dma_wait3A_201 = tpu.memref_slice %arg6[%sub3A_158, %dma_wait3A_199, %dma_wait3A_200] : memref<2x4x128xi32, #tpu.memory_space<vmem>> -> memref<1x4x128xi32, #tpu.memory_space<vmem>>
      %dma_wait3A_202 = tpu.memref_squeeze %dma_wait3A_201 : memref<1x4x128xi32, #tpu.memory_space<vmem>> -> memref<4x128xi32, #tpu.memory_space<vmem>>
      %dma_wait3A_203 = arith.constant 0 : i32
      %dma_wait3A_204 = tpu.memref_slice %arg2[%mul3A_2, %dma_wait3A_203] : memref<2560x128xi32, #tpu.memory_space<hbm>> -> memref<4x128xi32, #tpu.memory_space<hbm>>
      %dma_wait3A_205 = tpu.memref_slice %arg9[%sub3A_158] : memref<2x!tpu.dma_semaphore, #tpu.memory_space<semaphore_mem>> -> memref<1x!tpu.dma_semaphore, #tpu.memory_space<semaphore_mem>>
      %dma_wait3A_206 = tpu.memref_squeeze %dma_wait3A_205 : memref<1x!tpu.dma_semaphore, #tpu.memory_space<semaphore_mem>> -> memref<!tpu.dma_semaphore, #tpu.memory_space<semaphore_mem>>
      %dma_wait3A_207 = arith.constant 0 : i32
      %dma_wait3A_208 = arith.constant 0 : i32
      %dma_wait3A_209 = tpu.memref_slice %arg6[%sub3A_158, %dma_wait3A_207, %dma_wait3A_208] : memref<2x4x128xi32, #tpu.memory_space<vmem>> -> memref<1x4x128xi32, #tpu.memory_space<vmem>>
      %dma_wait3A_210 = tpu.memref_squeeze %dma_wait3A_209 : memref<1x4x128xi32, #tpu.memory_space<vmem>> -> memref<4x128xi32, #tpu.memory_space<vmem>>
      %dma_wait3A_211 = arith.constant 0 : i32
      %dma_wait3A_212 = tpu.memref_slice %arg2[%mul3A_2, %dma_wait3A_211] : memref<2560x128xi32, #tpu.memory_space<hbm>> -> memref<4x128xi32, #tpu.memory_space<hbm>>
      tpu.wait_dma2 semaphore(%dma_wait3A_206 : memref<!tpu.dma_semaphore, #tpu.memory_space<semaphore_mem>>) src(%dma_wait3A_212 : memref<4x128xi32, #tpu.memory_space<hbm>>) dst(%dma_wait3A_210 : memref<4x128xi32, #tpu.memory_space<vmem>>)
      %dma_wait3A_213 = arith.constant 0 : i32
      %dma_wait3A_214 = arith.constant 0 : i32
      %dma_wait3A_215 = arith.constant 0 : i32
      %dma_wait3A_216 = tpu.memref_slice %arg6[%rem3A_157, %dma_wait3A_213, %dma_wait3A_215] : memref<2x4x128xi32, #tpu.memory_space<vmem>> -> memref<1x1x128xi32, #tpu.memory_space<vmem>>
      %dma_wait3A_217 = tpu.memref_squeeze %dma_wait3A_216 : memref<1x1x128xi32, #tpu.memory_space<vmem>> -> memref<128xi32, #tpu.memory_space<vmem>>
      %dma_wait3A_218 = arith.constant 0 : i32
      %dma_wait3A_219 = arith.constant 0 : i32
      %dma_wait3A_220 = tpu.memref_slice %arg8[%dma_wait3A_218, %dma_wait3A_219] : memref<10240x8xf32, #tpu.memory_space<vmem_shared>> -> memref<10240x8xf32, #tpu.memory_space<vmem_shared>>
      %dma_wait3A_221 = tpu.memref_slice %arg10[%dma_wait3A_214] : memref<4x!tpu.dma_semaphore, #tpu.memory_space<semaphore_mem>> -> memref<1x!tpu.dma_semaphore, #tpu.memory_space<semaphore_mem>>
      %dma_wait3A_222 = tpu.memref_squeeze %dma_wait3A_221 : memref<1x!tpu.dma_semaphore, #tpu.memory_space<semaphore_mem>> -> memref<!tpu.dma_semaphore, #tpu.memory_space<semaphore_mem>>
      tpu.wait_indirect_dma semaphore(%dma_wait3A_222 : memref<!tpu.dma_semaphore, #tpu.memory_space<semaphore_mem>>) src(%arg7 : memref<128x8xf32, #tpu.memory_space<vmem>>) dst(%dma_wait3A_220 : memref<10240x8xf32, #tpu.memory_space<vmem_shared>>)
      %dma_wait3A_223 = arith.constant 1 : i32
      %dma_wait3A_224 = arith.constant 1 : i32
      %dma_wait3A_225 = arith.constant 0 : i32
      %dma_wait3A_226 = tpu.memref_slice %arg6[%rem3A_157, %dma_wait3A_223, %dma_wait3A_225] : memref<2x4x128xi32, #tpu.memory_space<vmem>> -> memref<1x1x128xi32, #tpu.memory_space<vmem>>
      %dma_wait3A_227 = tpu.memref_squeeze %dma_wait3A_226 : memref<1x1x128xi32, #tpu.memory_space<vmem>> -> memref<128xi32, #tpu.memory_space<vmem>>
      %dma_wait3A_228 = arith.constant 0 : i32
      %dma_wait3A_229 = arith.constant 0 : i32
      %dma_wait3A_230 = tpu.memref_slice %arg8[%dma_wait3A_228, %dma_wait3A_229] : memref<10240x8xf32, #tpu.memory_space<vmem_shared>> -> memref<10240x8xf32, #tpu.memory_space<vmem_shared>>
      %dma_wait3A_231 = tpu.memref_slice %arg10[%dma_wait3A_224] : memref<4x!tpu.dma_semaphore, #tpu.memory_space<semaphore_mem>> -> memref<1x!tpu.dma_semaphore, #tpu.memory_space<semaphore_mem>>
      %dma_wait3A_232 = tpu.memref_squeeze %dma_wait3A_231 : memref<1x!tpu.dma_semaphore, #tpu.memory_space<semaphore_mem>> -> memref<!tpu.dma_semaphore, #tpu.memory_space<semaphore_mem>>
      tpu.wait_indirect_dma semaphore(%dma_wait3A_232 : memref<!tpu.dma_semaphore, #tpu.memory_space<semaphore_mem>>) src(%arg7 : memref<128x8xf32, #tpu.memory_space<vmem>>) dst(%dma_wait3A_230 : memref<10240x8xf32, #tpu.memory_space<vmem_shared>>)
      %dma_wait3A_233 = arith.constant 2 : i32
      %dma_wait3A_234 = arith.constant 2 : i32
      %dma_wait3A_235 = arith.constant 0 : i32
      %dma_wait3A_236 = tpu.memref_slice %arg6[%rem3A_157, %dma_wait3A_233, %dma_wait3A_235] : memref<2x4x128xi32, #tpu.memory_space<vmem>> -> memref<1x1x128xi32, #tpu.memory_space<vmem>>
      %dma_wait3A_237 = tpu.memref_squeeze %dma_wait3A_236 : memref<1x1x128xi32, #tpu.memory_space<vmem>> -> memref<128xi32, #tpu.memory_space<vmem>>
      %dma_wait3A_238 = arith.constant 0 : i32
      %dma_wait3A_239 = arith.constant 0 : i32
      %dma_wait3A_240 = tpu.memref_slice %arg8[%dma_wait3A_238, %dma_wait3A_239] : memref<10240x8xf32, #tpu.memory_space<vmem_shared>> -> memref<10240x8xf32, #tpu.memory_space<vmem_shared>>
      %dma_wait3A_241 = tpu.memref_slice %arg10[%dma_wait3A_234] : memref<4x!tpu.dma_semaphore, #tpu.memory_space<semaphore_mem>> -> memref<1x!tpu.dma_semaphore, #tpu.memory_space<semaphore_mem>>
      %dma_wait3A_242 = tpu.memref_squeeze %dma_wait3A_241 : memref<1x!tpu.dma_semaphore, #tpu.memory_space<semaphore_mem>> -> memref<!tpu.dma_semaphore, #tpu.memory_space<semaphore_mem>>
      tpu.wait_indirect_dma semaphore(%dma_wait3A_242 : memref<!tpu.dma_semaphore, #tpu.memory_space<semaphore_mem>>) src(%arg7 : memref<128x8xf32, #tpu.memory_space<vmem>>) dst(%dma_wait3A_240 : memref<10240x8xf32, #tpu.memory_space<vmem_shared>>)
      %dma_wait3A_243 = arith.constant 3 : i32
      %dma_wait3A_244 = arith.constant 3 : i32
      %dma_wait3A_245 = arith.constant 0 : i32
      %dma_wait3A_246 = tpu.memref_slice %arg6[%rem3A_157, %dma_wait3A_243, %dma_wait3A_245] : memref<2x4x128xi32, #tpu.memory_space<vmem>> -> memref<1x1x128xi32, #tpu.memory_space<vmem>>
      %dma_wait3A_247 = tpu.memref_squeeze %dma_wait3A_246 : memref<1x1x128xi32, #tpu.memory_space<vmem>> -> memref<128xi32, #tpu.memory_space<vmem>>
      %dma_wait3A_248 = arith.constant 0 : i32
      %dma_wait3A_249 = arith.constant 0 : i32
      %dma_wait3A_250 = tpu.memref_slice %arg8[%dma_wait3A_248, %dma_wait3A_249] : memref<10240x8xf32, #tpu.memory_space<vmem_shared>> -> memref<10240x8xf32, #tpu.memory_space<vmem_shared>>
      %dma_wait3A_251 = tpu.memref_slice %arg10[%dma_wait3A_244] : memref<4x!tpu.dma_semaphore, #tpu.memory_space<semaphore_mem>> -> memref<1x!tpu.dma_semaphore, #tpu.memory_space<semaphore_mem>>
      %dma_wait3A_252 = tpu.memref_squeeze %dma_wait3A_251 : memref<1x!tpu.dma_semaphore, #tpu.memory_space<semaphore_mem>> -> memref<!tpu.dma_semaphore, #tpu.memory_space<semaphore_mem>>
      tpu.wait_indirect_dma semaphore(%dma_wait3A_252 : memref<!tpu.dma_semaphore, #tpu.memory_space<semaphore_mem>>) src(%arg7 : memref<128x8xf32, #tpu.memory_space<vmem>>) dst(%dma_wait3A_250 : memref<10240x8xf32, #tpu.memory_space<vmem_shared>>)
      %lt3A = arith.constant 18 : i32
      %lt3A_253 = arith.cmpi slt, %scan3A_156, %lt3A : i32
      %convert_element_type3A = arith.extui %lt3A_253 : i1 to i32
      %cond3A = arith.constant 0 : i32
      %cond3A_254 = arith.cmpi ne, %convert_element_type3A, %cond3A : i32
      scf.if %cond3A_254 {
        %add3A_255 = arith.constant 2 : i32
        %add3A_256 = arith.addi %scan3A_156, %add3A_255 : i32
        %mul3A_257 = arith.constant 4 : i32
        %mul3A_258 = arith.muli %add3A_256, %mul3A_257 : i32
        %add3A_259 = arith.addi %mul3A_2, %mul3A_258 : i32
        %dma_start3A_260 = arith.constant 0 : i32
        %dma_start3A_261 = arith.constant 0 : i32
        %dma_start3A_262 = tpu.memref_slice %arg6[%rem3A_157, %dma_start3A_260, %dma_start3A_261] : memref<2x4x128xi32, #tpu.memory_space<vmem>> -> memref<1x4x128xi32, #tpu.memory_space<vmem>>
        %dma_start3A_263 = tpu.memref_squeeze %dma_start3A_262 : memref<1x4x128xi32, #tpu.memory_space<vmem>> -> memref<4x128xi32, #tpu.memory_space<vmem>>
        %dma_start3A_264 = arith.constant 0 : i32
        %dma_start3A_265 = tpu.memref_slice %arg2[%add3A_259, %dma_start3A_264] : memref<2560x128xi32, #tpu.memory_space<hbm>> -> memref<4x128xi32, #tpu.memory_space<hbm>>
        %dma_start3A_266 = tpu.memref_slice %arg9[%rem3A_157] : memref<2x!tpu.dma_semaphore, #tpu.memory_space<semaphore_mem>> -> memref<1x!tpu.dma_semaphore, #tpu.memory_space<semaphore_mem>>
        %dma_start3A_267 = tpu.memref_squeeze %dma_start3A_266 : memref<1x!tpu.dma_semaphore, #tpu.memory_space<semaphore_mem>> -> memref<!tpu.dma_semaphore, #tpu.memory_space<semaphore_mem>>
        %dma_start3A_268 = arith.constant 0 : i32
        %dma_start3A_269 = arith.constant 0 : i32
        %dma_start3A_270 = tpu.memref_slice %arg6[%rem3A_157, %dma_start3A_268, %dma_start3A_269] : memref<2x4x128xi32, #tpu.memory_space<vmem>> -> memref<1x4x128xi32, #tpu.memory_space<vmem>>
        %dma_start3A_271 = tpu.memref_squeeze %dma_start3A_270 : memref<1x4x128xi32, #tpu.memory_space<vmem>> -> memref<4x128xi32, #tpu.memory_space<vmem>>
        %dma_start3A_272 = arith.constant 0 : i32
        %dma_start3A_273 = tpu.memref_slice %arg2[%add3A_259, %dma_start3A_272] : memref<2560x128xi32, #tpu.memory_space<hbm>> -> memref<4x128xi32, #tpu.memory_space<hbm>>
        tpu.enqueue_dma source(%dma_start3A_273 : memref<4x128xi32, #tpu.memory_space<hbm>>) target(%dma_start3A_271 : memref<4x128xi32, #tpu.memory_space<vmem>>) target_semaphore(%dma_start3A_267 : memref<!tpu.dma_semaphore, #tpu.memory_space<semaphore_mem>>)
      } else {
      }
    }
    %scan3A_59 = arith.constant 19 : i32
    %dma_start3A_60 = arith.constant 1 : i32
    %dma_start3A_61 = arith.constant 0 : i32
    %dma_start3A_62 = arith.constant 0 : i32
    %dma_start3A_63 = arith.constant 0 : i32
    %dma_start3A_64 = tpu.memref_slice %arg6[%dma_start3A_60, %dma_start3A_61, %dma_start3A_63] : memref<2x4x128xi32, #tpu.memory_space<vmem>> -> memref<1x1x128xi32, #tpu.memory_space<vmem>>
    %dma_start3A_65 = tpu.memref_squeeze %dma_start3A_64 : memref<1x1x128xi32, #tpu.memory_space<vmem>> -> memref<128xi32, #tpu.memory_space<vmem>>
    %dma_start3A_66 = arith.constant 0 : i32
    %dma_start3A_67 = arith.constant 0 : i32
    %dma_start3A_68 = tpu.memref_slice %arg8[%dma_start3A_66, %dma_start3A_67] : memref<10240x8xf32, #tpu.memory_space<vmem_shared>> -> memref<10240x8xf32, #tpu.memory_space<vmem_shared>>
    %dma_start3A_69 = tpu.memref_slice %arg10[%dma_start3A_62] : memref<4x!tpu.dma_semaphore, #tpu.memory_space<semaphore_mem>> -> memref<1x!tpu.dma_semaphore, #tpu.memory_space<semaphore_mem>>
    %dma_start3A_70 = tpu.memref_squeeze %dma_start3A_69 : memref<1x!tpu.dma_semaphore, #tpu.memory_space<semaphore_mem>> -> memref<!tpu.dma_semaphore, #tpu.memory_space<semaphore_mem>>
    tpu.enqueue_indirect_dma source(%arg7 : memref<128x8xf32, #tpu.memory_space<vmem>>) target(%dma_start3A_68 : memref<10240x8xf32, #tpu.memory_space<vmem_shared>>) offsets(%dma_start3A_65 : memref<128xi32, #tpu.memory_space<vmem>>) semaphore(%dma_start3A_70 : memref<!tpu.dma_semaphore, #tpu.memory_space<semaphore_mem>>) {add = true}
    %dma_start3A_71 = arith.constant 1 : i32
    %dma_start3A_72 = arith.constant 1 : i32
    %dma_start3A_73 = arith.constant 1 : i32
    %dma_start3A_74 = arith.constant 0 : i32
    %dma_start3A_75 = tpu.memref_slice %arg6[%dma_start3A_71, %dma_start3A_72, %dma_start3A_74] : memref<2x4x128xi32, #tpu.memory_space<vmem>> -> memref<1x1x128xi32, #tpu.memory_space<vmem>>
    %dma_start3A_76 = tpu.memref_squeeze %dma_start3A_75 : memref<1x1x128xi32, #tpu.memory_space<vmem>> -> memref<128xi32, #tpu.memory_space<vmem>>
    %dma_start3A_77 = arith.constant 0 : i32
    %dma_start3A_78 = arith.constant 0 : i32
    %dma_start3A_79 = tpu.memref_slice %arg8[%dma_start3A_77, %dma_start3A_78] : memref<10240x8xf32, #tpu.memory_space<vmem_shared>> -> memref<10240x8xf32, #tpu.memory_space<vmem_shared>>
    %dma_start3A_80 = tpu.memref_slice %arg10[%dma_start3A_73] : memref<4x!tpu.dma_semaphore, #tpu.memory_space<semaphore_mem>> -> memref<1x!tpu.dma_semaphore, #tpu.memory_space<semaphore_mem>>
    %dma_start3A_81 = tpu.memref_squeeze %dma_start3A_80 : memref<1x!tpu.dma_semaphore, #tpu.memory_space<semaphore_mem>> -> memref<!tpu.dma_semaphore, #tpu.memory_space<semaphore_mem>>
    tpu.enqueue_indirect_dma source(%arg7 : memref<128x8xf32, #tpu.memory_space<vmem>>) target(%dma_start3A_79 : memref<10240x8xf32, #tpu.memory_space<vmem_shared>>) offsets(%dma_start3A_76 : memref<128xi32, #tpu.memory_space<vmem>>) semaphore(%dma_start3A_81 : memref<!tpu.dma_semaphore, #tpu.memory_space<semaphore_mem>>) {add = true}
    %dma_start3A_82 = arith.constant 1 : i32
    %dma_start3A_83 = arith.constant 2 : i32
    %dma_start3A_84 = arith.constant 2 : i32
    %dma_start3A_85 = arith.constant 0 : i32
    %dma_start3A_86 = tpu.memref_slice %arg6[%dma_start3A_82, %dma_start3A_83, %dma_start3A_85] : memref<2x4x128xi32, #tpu.memory_space<vmem>> -> memref<1x1x128xi32, #tpu.memory_space<vmem>>
    %dma_start3A_87 = tpu.memref_squeeze %dma_start3A_86 : memref<1x1x128xi32, #tpu.memory_space<vmem>> -> memref<128xi32, #tpu.memory_space<vmem>>
    %dma_start3A_88 = arith.constant 0 : i32
    %dma_start3A_89 = arith.constant 0 : i32
    %dma_start3A_90 = tpu.memref_slice %arg8[%dma_start3A_88, %dma_start3A_89] : memref<10240x8xf32, #tpu.memory_space<vmem_shared>> -> memref<10240x8xf32, #tpu.memory_space<vmem_shared>>
    %dma_start3A_91 = tpu.memref_slice %arg10[%dma_start3A_84] : memref<4x!tpu.dma_semaphore, #tpu.memory_space<semaphore_mem>> -> memref<1x!tpu.dma_semaphore, #tpu.memory_space<semaphore_mem>>
    %dma_start3A_92 = tpu.memref_squeeze %dma_start3A_91 : memref<1x!tpu.dma_semaphore, #tpu.memory_space<semaphore_mem>> -> memref<!tpu.dma_semaphore, #tpu.memory_space<semaphore_mem>>
    tpu.enqueue_indirect_dma source(%arg7 : memref<128x8xf32, #tpu.memory_space<vmem>>) target(%dma_start3A_90 : memref<10240x8xf32, #tpu.memory_space<vmem_shared>>) offsets(%dma_start3A_87 : memref<128xi32, #tpu.memory_space<vmem>>) semaphore(%dma_start3A_92 : memref<!tpu.dma_semaphore, #tpu.memory_space<semaphore_mem>>) {add = true}
    %dma_start3A_93 = arith.constant 1 : i32
    %dma_start3A_94 = arith.constant 3 : i32
    %dma_start3A_95 = arith.constant 3 : i32
    %dma_start3A_96 = arith.constant 0 : i32
    %dma_start3A_97 = tpu.memref_slice %arg6[%dma_start3A_93, %dma_start3A_94, %dma_start3A_96] : memref<2x4x128xi32, #tpu.memory_space<vmem>> -> memref<1x1x128xi32, #tpu.memory_space<vmem>>
    %dma_start3A_98 = tpu.memref_squeeze %dma_start3A_97 : memref<1x1x128xi32, #tpu.memory_space<vmem>> -> memref<128xi32, #tpu.memory_space<vmem>>
    %dma_start3A_99 = arith.constant 0 : i32
    %dma_start3A_100 = arith.constant 0 : i32
    %dma_start3A_101 = tpu.memref_slice %arg8[%dma_start3A_99, %dma_start3A_100] : memref<10240x8xf32, #tpu.memory_space<vmem_shared>> -> memref<10240x8xf32, #tpu.memory_space<vmem_shared>>
    %dma_start3A_102 = tpu.memref_slice %arg10[%dma_start3A_95] : memref<4x!tpu.dma_semaphore, #tpu.memory_space<semaphore_mem>> -> memref<1x!tpu.dma_semaphore, #tpu.memory_space<semaphore_mem>>
    %dma_start3A_103 = tpu.memref_squeeze %dma_start3A_102 : memref<1x!tpu.dma_semaphore, #tpu.memory_space<semaphore_mem>> -> memref<!tpu.dma_semaphore, #tpu.memory_space<semaphore_mem>>
    tpu.enqueue_indirect_dma source(%arg7 : memref<128x8xf32, #tpu.memory_space<vmem>>) target(%dma_start3A_101 : memref<10240x8xf32, #tpu.memory_space<vmem_shared>>) offsets(%dma_start3A_98 : memref<128xi32, #tpu.memory_space<vmem>>) semaphore(%dma_start3A_103 : memref<!tpu.dma_semaphore, #tpu.memory_space<semaphore_mem>>) {add = true}
    %dma_wait3A_104 = arith.constant 1 : i32
    %dma_wait3A_105 = arith.constant 0 : i32
    %dma_wait3A_106 = arith.constant 0 : i32
    %dma_wait3A_107 = arith.constant 0 : i32
    %dma_wait3A_108 = tpu.memref_slice %arg6[%dma_wait3A_104, %dma_wait3A_105, %dma_wait3A_107] : memref<2x4x128xi32, #tpu.memory_space<vmem>> -> memref<1x1x128xi32, #tpu.memory_space<vmem>>
    %dma_wait3A_109 = tpu.memref_squeeze %dma_wait3A_108 : memref<1x1x128xi32, #tpu.memory_space<vmem>> -> memref<128xi32, #tpu.memory_space<vmem>>
    %dma_wait3A_110 = arith.constant 0 : i32
    %dma_wait3A_111 = arith.constant 0 : i32
    %dma_wait3A_112 = tpu.memref_slice %arg8[%dma_wait3A_110, %dma_wait3A_111] : memref<10240x8xf32, #tpu.memory_space<vmem_shared>> -> memref<10240x8xf32, #tpu.memory_space<vmem_shared>>
    %dma_wait3A_113 = tpu.memref_slice %arg10[%dma_wait3A_106] : memref<4x!tpu.dma_semaphore, #tpu.memory_space<semaphore_mem>> -> memref<1x!tpu.dma_semaphore, #tpu.memory_space<semaphore_mem>>
    %dma_wait3A_114 = tpu.memref_squeeze %dma_wait3A_113 : memref<1x!tpu.dma_semaphore, #tpu.memory_space<semaphore_mem>> -> memref<!tpu.dma_semaphore, #tpu.memory_space<semaphore_mem>>
    tpu.wait_indirect_dma semaphore(%dma_wait3A_114 : memref<!tpu.dma_semaphore, #tpu.memory_space<semaphore_mem>>) src(%arg7 : memref<128x8xf32, #tpu.memory_space<vmem>>) dst(%dma_wait3A_112 : memref<10240x8xf32, #tpu.memory_space<vmem_shared>>)
    %dma_wait3A_115 = arith.constant 1 : i32
    %dma_wait3A_116 = arith.constant 1 : i32
    %dma_wait3A_117 = arith.constant 1 : i32
    %dma_wait3A_118 = arith.constant 0 : i32
    %dma_wait3A_119 = tpu.memref_slice %arg6[%dma_wait3A_115, %dma_wait3A_116, %dma_wait3A_118] : memref<2x4x128xi32, #tpu.memory_space<vmem>> -> memref<1x1x128xi32, #tpu.memory_space<vmem>>
    %dma_wait3A_120 = tpu.memref_squeeze %dma_wait3A_119 : memref<1x1x128xi32, #tpu.memory_space<vmem>> -> memref<128xi32, #tpu.memory_space<vmem>>
    %dma_wait3A_121 = arith.constant 0 : i32
    %dma_wait3A_122 = arith.constant 0 : i32
    %dma_wait3A_123 = tpu.memref_slice %arg8[%dma_wait3A_121, %dma_wait3A_122] : memref<10240x8xf32, #tpu.memory_space<vmem_shared>> -> memref<10240x8xf32, #tpu.memory_space<vmem_shared>>
    %dma_wait3A_124 = tpu.memref_slice %arg10[%dma_wait3A_117] : memref<4x!tpu.dma_semaphore, #tpu.memory_space<semaphore_mem>> -> memref<1x!tpu.dma_semaphore, #tpu.memory_space<semaphore_mem>>
    %dma_wait3A_125 = tpu.memref_squeeze %dma_wait3A_124 : memref<1x!tpu.dma_semaphore, #tpu.memory_space<semaphore_mem>> -> memref<!tpu.dma_semaphore, #tpu.memory_space<semaphore_mem>>
    tpu.wait_indirect_dma semaphore(%dma_wait3A_125 : memref<!tpu.dma_semaphore, #tpu.memory_space<semaphore_mem>>) src(%arg7 : memref<128x8xf32, #tpu.memory_space<vmem>>) dst(%dma_wait3A_123 : memref<10240x8xf32, #tpu.memory_space<vmem_shared>>)
    %dma_wait3A_126 = arith.constant 1 : i32
    %dma_wait3A_127 = arith.constant 2 : i32
    %dma_wait3A_128 = arith.constant 2 : i32
    %dma_wait3A_129 = arith.constant 0 : i32
    %dma_wait3A_130 = tpu.memref_slice %arg6[%dma_wait3A_126, %dma_wait3A_127, %dma_wait3A_129] : memref<2x4x128xi32, #tpu.memory_space<vmem>> -> memref<1x1x128xi32, #tpu.memory_space<vmem>>
    %dma_wait3A_131 = tpu.memref_squeeze %dma_wait3A_130 : memref<1x1x128xi32, #tpu.memory_space<vmem>> -> memref<128xi32, #tpu.memory_space<vmem>>
    %dma_wait3A_132 = arith.constant 0 : i32
    %dma_wait3A_133 = arith.constant 0 : i32
    %dma_wait3A_134 = tpu.memref_slice %arg8[%dma_wait3A_132, %dma_wait3A_133] : memref<10240x8xf32, #tpu.memory_space<vmem_shared>> -> memref<10240x8xf32, #tpu.memory_space<vmem_shared>>
    %dma_wait3A_135 = tpu.memref_slice %arg10[%dma_wait3A_128] : memref<4x!tpu.dma_semaphore, #tpu.memory_space<semaphore_mem>> -> memref<1x!tpu.dma_semaphore, #tpu.memory_space<semaphore_mem>>
    %dma_wait3A_136 = tpu.memref_squeeze %dma_wait3A_135 : memref<1x!tpu.dma_semaphore, #tpu.memory_space<semaphore_mem>> -> memref<!tpu.dma_semaphore, #tpu.memory_space<semaphore_mem>>
    tpu.wait_indirect_dma semaphore(%dma_wait3A_136 : memref<!tpu.dma_semaphore, #tpu.memory_space<semaphore_mem>>) src(%arg7 : memref<128x8xf32, #tpu.memory_space<vmem>>) dst(%dma_wait3A_134 : memref<10240x8xf32, #tpu.memory_space<vmem_shared>>)
    %dma_wait3A_137 = arith.constant 1 : i32
    %dma_wait3A_138 = arith.constant 3 : i32
    %dma_wait3A_139 = arith.constant 3 : i32
    %dma_wait3A_140 = arith.constant 0 : i32
    %dma_wait3A_141 = tpu.memref_slice %arg6[%dma_wait3A_137, %dma_wait3A_138, %dma_wait3A_140] : memref<2x4x128xi32, #tpu.memory_space<vmem>> -> memref<1x1x128xi32, #tpu.memory_space<vmem>>
    %dma_wait3A_142 = tpu.memref_squeeze %dma_wait3A_141 : memref<1x1x128xi32, #tpu.memory_space<vmem>> -> memref<128xi32, #tpu.memory_space<vmem>>
    %dma_wait3A_143 = arith.constant 0 : i32
    %dma_wait3A_144 = arith.constant 0 : i32
    %dma_wait3A_145 = tpu.memref_slice %arg8[%dma_wait3A_143, %dma_wait3A_144] : memref<10240x8xf32, #tpu.memory_space<vmem_shared>> -> memref<10240x8xf32, #tpu.memory_space<vmem_shared>>
    %dma_wait3A_146 = tpu.memref_slice %arg10[%dma_wait3A_139] : memref<4x!tpu.dma_semaphore, #tpu.memory_space<semaphore_mem>> -> memref<1x!tpu.dma_semaphore, #tpu.memory_space<semaphore_mem>>
    %dma_wait3A_147 = tpu.memref_squeeze %dma_wait3A_146 : memref<1x!tpu.dma_semaphore, #tpu.memory_space<semaphore_mem>> -> memref<!tpu.dma_semaphore, #tpu.memory_space<semaphore_mem>>
    tpu.wait_indirect_dma semaphore(%dma_wait3A_147 : memref<!tpu.dma_semaphore, #tpu.memory_space<semaphore_mem>>) src(%arg7 : memref<128x8xf32, #tpu.memory_space<vmem>>) dst(%dma_wait3A_145 : memref<10240x8xf32, #tpu.memory_space<vmem_shared>>)
    %barrier3A_148 = arith.constant 0 : index
    tpu.barrier barrier_id(%barrier3A_148)
    %mul3A_149 = arith.constant 10240 : i32
    %mul3A_150 = arith.muli %arg0, %mul3A_149 : i32
    %mul3A_151 = arith.constant 640 : i32
    %mul3A_152 = arith.muli %arg1, %mul3A_151 : i32
    %add3A_153 = arith.addi %mul3A_150, %mul3A_152 : i32
    %mul3A_154 = arith.constant 640 : i32
    %mul3A_155 = arith.muli %arg1, %mul3A_154 : i32
    "tpu.region"() ({
      %run_scoped3A = tpu.sem_alloc : memref<!tpu.dma_semaphore, #tpu.memory_space<semaphore_mem>>
      %dma_start3A_156 = arith.constant 0 : i32
      %dma_start3A_157 = tpu.memref_slice %arg5[%add3A_153, %dma_start3A_156] : memref<20480x8xf32, #tpu.memory_space<hbm>> -> memref<640x8xf32, #tpu.memory_space<hbm>>
      %dma_start3A_158 = arith.constant 0 : i32
      %dma_start3A_159 = tpu.memref_slice %arg8[%mul3A_155, %dma_start3A_158] : memref<10240x8xf32, #tpu.memory_space<vmem_shared>> -> memref<640x8xf32, #tpu.memory_space<vmem_shared>>
      tpu.enqueue_dma source(%dma_start3A_159 : memref<640x8xf32, #tpu.memory_space<vmem_shared>>) target(%dma_start3A_157 : memref<640x8xf32, #tpu.memory_space<hbm>>) target_semaphore(%run_scoped3A : memref<!tpu.dma_semaphore, #tpu.memory_space<semaphore_mem>>)
      %dma_wait3A_160 = arith.constant 0 : i32
      %dma_wait3A_161 = tpu.memref_slice %arg5[%add3A_153, %dma_wait3A_160] : memref<20480x8xf32, #tpu.memory_space<hbm>> -> memref<640x8xf32, #tpu.memory_space<hbm>>
      %dma_wait3A_162 = arith.constant 0 : i32
      %dma_wait3A_163 = tpu.memref_slice %arg8[%mul3A_155, %dma_wait3A_162] : memref<10240x8xf32, #tpu.memory_space<vmem_shared>> -> memref<640x8xf32, #tpu.memory_space<vmem_shared>>
      tpu.wait_dma2 semaphore(%run_scoped3A : memref<!tpu.dma_semaphore, #tpu.memory_space<semaphore_mem>>) src(%dma_wait3A_163 : memref<640x8xf32, #tpu.memory_space<vmem_shared>>) dst(%dma_wait3A_161 : memref<640x8xf32, #tpu.memory_space<hbm>>)
      tpu.yield
    }) : () -> ()
    return
  }
}

#map = affine_map<(d0, d1) -> (0, 0)>
module attributes {stable_mosaic.version = 14 : i64} {
  func.func @_agg_kernel(%arg0: i32, %arg1: i32, %arg2: memref<20480x32xf32, #tpu.memory_space<hbm>>, %arg3: memref<5120x128xi32, #tpu.memory_space<hbm>>, %arg4: memref<2560x128xi32, #tpu.memory_space<hbm>>, %arg5: memref<640x32xf32, #tpu.memory_space<hbm>>, %arg6: memref<20480x32xf32, #tpu.memory_space<hbm>>, %arg7: memref<2x4x128xi32, #tpu.memory_space<vmem>>, %arg8: memref<2x4x128xi32, #tpu.memory_space<vmem>>, %arg9: memref<4x128x32xf32, #tpu.memory_space<vmem>>, %arg10: memref<10240x32xf32, #tpu.memory_space<vmem_shared>>, %arg11: memref<2x!tpu.dma_semaphore, #tpu.memory_space<semaphore_mem>>, %arg12: memref<4x!tpu.dma_semaphore, #tpu.memory_space<semaphore_mem>>, %arg13: memref<4x!tpu.dma_semaphore, #tpu.memory_space<semaphore_mem>>) attributes {dimension_semantics = [#tpu.dimension_semantics<core_parallel>, #tpu.dimension_semantics<subcore_parallel>], iteration_bounds = array<i64: 2, 16>, scalar_prefetch = 0 : i64, scratch_operands = 7 : i64, tpu.core_type = #tpu.core_type<sc_vector_subcore>, window_params = [{transform_indices = #map}, {transform_indices = #map}, {transform_indices = #map}, {transform_indices = #map}, {transform_indices = #map}]} {
    %mul3A = arith.constant 640 : i32
    %mul3A_0 = arith.muli %arg1, %mul3A : i32
    "tpu.region"() ({
      %run_scoped3A = tpu.sem_alloc : memref<!tpu.dma_semaphore, #tpu.memory_space<semaphore_mem>>
      %dma_start3A_378 = arith.constant 0 : i32
      %dma_start3A_379 = tpu.memref_slice %arg10[%mul3A_0, %dma_start3A_378] : memref<10240x32xf32, #tpu.memory_space<vmem_shared>> -> memref<640x32xf32, #tpu.memory_space<vmem_shared>>
      tpu.enqueue_dma source(%arg5 : memref<640x32xf32, #tpu.memory_space<hbm>>) target(%dma_start3A_379 : memref<640x32xf32, #tpu.memory_space<vmem_shared>>) target_semaphore(%run_scoped3A : memref<!tpu.dma_semaphore, #tpu.memory_space<semaphore_mem>>)
      %dma_wait3A_380 = arith.constant 0 : i32
      %dma_wait3A_381 = tpu.memref_slice %arg10[%mul3A_0, %dma_wait3A_380] : memref<10240x32xf32, #tpu.memory_space<vmem_shared>> -> memref<640x32xf32, #tpu.memory_space<vmem_shared>>
      tpu.wait_dma2 semaphore(%run_scoped3A : memref<!tpu.dma_semaphore, #tpu.memory_space<semaphore_mem>>) src(%arg5 : memref<640x32xf32, #tpu.memory_space<hbm>>) dst(%dma_wait3A_381 : memref<640x32xf32, #tpu.memory_space<vmem_shared>>)
      tpu.yield
    }) : () -> ()
    %mul3A_1 = arith.constant 2560 : i32
    %mul3A_2 = arith.muli %arg0, %mul3A_1 : i32
    %mul3A_3 = arith.constant 160 : i32
    %mul3A_4 = arith.muli %arg1, %mul3A_3 : i32
    %add3A = arith.addi %mul3A_2, %mul3A_4 : i32
    %mul3A_5 = arith.constant 160 : i32
    %mul3A_6 = arith.muli %arg1, %mul3A_5 : i32
    %add3A_7 = arith.constant 0 : i32
    %add3A_8 = arith.addi %add3A, %add3A_7 : i32
    %dma_start3A = arith.constant 0 : i32
    %dma_start3A_9 = arith.constant 0 : i32
    %dma_start3A_10 = arith.constant 0 : i32
    %dma_start3A_11 = arith.constant 0 : i32
    %dma_start3A_12 = tpu.memref_slice %arg7[%dma_start3A, %dma_start3A_10, %dma_start3A_11] : memref<2x4x128xi32, #tpu.memory_space<vmem>> -> memref<1x4x128xi32, #tpu.memory_space<vmem>>
    %dma_start3A_13 = tpu.memref_squeeze %dma_start3A_12 : memref<1x4x128xi32, #tpu.memory_space<vmem>> -> memref<4x128xi32, #tpu.memory_space<vmem>>
    %dma_start3A_14 = arith.constant 0 : i32
    %dma_start3A_15 = tpu.memref_slice %arg3[%add3A_8, %dma_start3A_14] : memref<5120x128xi32, #tpu.memory_space<hbm>> -> memref<4x128xi32, #tpu.memory_space<hbm>>
    %dma_start3A_16 = tpu.memref_slice %arg11[%dma_start3A_9] : memref<2x!tpu.dma_semaphore, #tpu.memory_space<semaphore_mem>> -> memref<1x!tpu.dma_semaphore, #tpu.memory_space<semaphore_mem>>
    %dma_start3A_17 = tpu.memref_squeeze %dma_start3A_16 : memref<1x!tpu.dma_semaphore, #tpu.memory_space<semaphore_mem>> -> memref<!tpu.dma_semaphore, #tpu.memory_space<semaphore_mem>>
    %dma_start3A_18 = arith.constant 0 : i32
    %dma_start3A_19 = arith.constant 0 : i32
    %dma_start3A_20 = tpu.memref_slice %arg7[%dma_start3A, %dma_start3A_18, %dma_start3A_19] : memref<2x4x128xi32, #tpu.memory_space<vmem>> -> memref<1x4x128xi32, #tpu.memory_space<vmem>>
    %dma_start3A_21 = tpu.memref_squeeze %dma_start3A_20 : memref<1x4x128xi32, #tpu.memory_space<vmem>> -> memref<4x128xi32, #tpu.memory_space<vmem>>
    %dma_start3A_22 = arith.constant 0 : i32
    %dma_start3A_23 = tpu.memref_slice %arg3[%add3A_8, %dma_start3A_22] : memref<5120x128xi32, #tpu.memory_space<hbm>> -> memref<4x128xi32, #tpu.memory_space<hbm>>
    tpu.enqueue_dma source(%dma_start3A_23 : memref<4x128xi32, #tpu.memory_space<hbm>>) target(%dma_start3A_21 : memref<4x128xi32, #tpu.memory_space<vmem>>) target_semaphore(%dma_start3A_17 : memref<!tpu.dma_semaphore, #tpu.memory_space<semaphore_mem>>)
    %add3A_24 = arith.constant 0 : i32
    %add3A_25 = arith.addi %mul3A_6, %add3A_24 : i32
    %dma_start3A_26 = arith.constant 0 : i32
    %dma_start3A_27 = arith.constant 0 : i32
    %dma_start3A_28 = arith.constant 0 : i32
    %dma_start3A_29 = arith.constant 0 : i32
    %dma_start3A_30 = tpu.memref_slice %arg8[%dma_start3A_26, %dma_start3A_28, %dma_start3A_29] : memref<2x4x128xi32, #tpu.memory_space<vmem>> -> memref<1x4x128xi32, #tpu.memory_space<vmem>>
    %dma_start3A_31 = tpu.memref_squeeze %dma_start3A_30 : memref<1x4x128xi32, #tpu.memory_space<vmem>> -> memref<4x128xi32, #tpu.memory_space<vmem>>
    %dma_start3A_32 = arith.constant 0 : i32
    %dma_start3A_33 = tpu.memref_slice %arg4[%add3A_25, %dma_start3A_32] : memref<2560x128xi32, #tpu.memory_space<hbm>> -> memref<4x128xi32, #tpu.memory_space<hbm>>
    %dma_start3A_34 = tpu.memref_slice %arg11[%dma_start3A_27] : memref<2x!tpu.dma_semaphore, #tpu.memory_space<semaphore_mem>> -> memref<1x!tpu.dma_semaphore, #tpu.memory_space<semaphore_mem>>
    %dma_start3A_35 = tpu.memref_squeeze %dma_start3A_34 : memref<1x!tpu.dma_semaphore, #tpu.memory_space<semaphore_mem>> -> memref<!tpu.dma_semaphore, #tpu.memory_space<semaphore_mem>>
    %dma_start3A_36 = arith.constant 0 : i32
    %dma_start3A_37 = arith.constant 0 : i32
    %dma_start3A_38 = tpu.memref_slice %arg8[%dma_start3A_26, %dma_start3A_36, %dma_start3A_37] : memref<2x4x128xi32, #tpu.memory_space<vmem>> -> memref<1x4x128xi32, #tpu.memory_space<vmem>>
    %dma_start3A_39 = tpu.memref_squeeze %dma_start3A_38 : memref<1x4x128xi32, #tpu.memory_space<vmem>> -> memref<4x128xi32, #tpu.memory_space<vmem>>
    %dma_start3A_40 = arith.constant 0 : i32
    %dma_start3A_41 = tpu.memref_slice %arg4[%add3A_25, %dma_start3A_40] : memref<2560x128xi32, #tpu.memory_space<hbm>> -> memref<4x128xi32, #tpu.memory_space<hbm>>
    tpu.enqueue_dma source(%dma_start3A_41 : memref<4x128xi32, #tpu.memory_space<hbm>>) target(%dma_start3A_39 : memref<4x128xi32, #tpu.memory_space<vmem>>) target_semaphore(%dma_start3A_35 : memref<!tpu.dma_semaphore, #tpu.memory_space<semaphore_mem>>)
    %dma_wait3A = arith.constant 0 : i32
    %dma_wait3A_42 = arith.constant 0 : i32
    %dma_wait3A_43 = arith.constant 0 : i32
    %dma_wait3A_44 = arith.constant 0 : i32
    %dma_wait3A_45 = tpu.memref_slice %arg7[%dma_wait3A, %dma_wait3A_43, %dma_wait3A_44] : memref<2x4x128xi32, #tpu.memory_space<vmem>> -> memref<1x4x128xi32, #tpu.memory_space<vmem>>
    %dma_wait3A_46 = tpu.memref_squeeze %dma_wait3A_45 : memref<1x4x128xi32, #tpu.memory_space<vmem>> -> memref<4x128xi32, #tpu.memory_space<vmem>>
    %dma_wait3A_47 = arith.constant 0 : i32
    %dma_wait3A_48 = tpu.memref_slice %arg3[%add3A, %dma_wait3A_47] : memref<5120x128xi32, #tpu.memory_space<hbm>> -> memref<4x128xi32, #tpu.memory_space<hbm>>
    %dma_wait3A_49 = tpu.memref_slice %arg11[%dma_wait3A_42] : memref<2x!tpu.dma_semaphore, #tpu.memory_space<semaphore_mem>> -> memref<1x!tpu.dma_semaphore, #tpu.memory_space<semaphore_mem>>
    %dma_wait3A_50 = tpu.memref_squeeze %dma_wait3A_49 : memref<1x!tpu.dma_semaphore, #tpu.memory_space<semaphore_mem>> -> memref<!tpu.dma_semaphore, #tpu.memory_space<semaphore_mem>>
    %dma_wait3A_51 = arith.constant 0 : i32
    %dma_wait3A_52 = arith.constant 0 : i32
    %dma_wait3A_53 = tpu.memref_slice %arg7[%dma_wait3A, %dma_wait3A_51, %dma_wait3A_52] : memref<2x4x128xi32, #tpu.memory_space<vmem>> -> memref<1x4x128xi32, #tpu.memory_space<vmem>>
    %dma_wait3A_54 = tpu.memref_squeeze %dma_wait3A_53 : memref<1x4x128xi32, #tpu.memory_space<vmem>> -> memref<4x128xi32, #tpu.memory_space<vmem>>
    %dma_wait3A_55 = arith.constant 0 : i32
    %dma_wait3A_56 = tpu.memref_slice %arg3[%add3A, %dma_wait3A_55] : memref<5120x128xi32, #tpu.memory_space<hbm>> -> memref<4x128xi32, #tpu.memory_space<hbm>>
    tpu.wait_dma2 semaphore(%dma_wait3A_50 : memref<!tpu.dma_semaphore, #tpu.memory_space<semaphore_mem>>) src(%dma_wait3A_56 : memref<4x128xi32, #tpu.memory_space<hbm>>) dst(%dma_wait3A_54 : memref<4x128xi32, #tpu.memory_space<vmem>>)
    %dma_wait3A_57 = arith.constant 0 : i32
    %dma_wait3A_58 = arith.constant 0 : i32
    %dma_wait3A_59 = arith.constant 0 : i32
    %dma_wait3A_60 = arith.constant 0 : i32
    %dma_wait3A_61 = tpu.memref_slice %arg8[%dma_wait3A_57, %dma_wait3A_59, %dma_wait3A_60] : memref<2x4x128xi32, #tpu.memory_space<vmem>> -> memref<1x4x128xi32, #tpu.memory_space<vmem>>
    %dma_wait3A_62 = tpu.memref_squeeze %dma_wait3A_61 : memref<1x4x128xi32, #tpu.memory_space<vmem>> -> memref<4x128xi32, #tpu.memory_space<vmem>>
    %dma_wait3A_63 = arith.constant 0 : i32
    %dma_wait3A_64 = tpu.memref_slice %arg4[%mul3A_6, %dma_wait3A_63] : memref<2560x128xi32, #tpu.memory_space<hbm>> -> memref<4x128xi32, #tpu.memory_space<hbm>>
    %dma_wait3A_65 = tpu.memref_slice %arg11[%dma_wait3A_58] : memref<2x!tpu.dma_semaphore, #tpu.memory_space<semaphore_mem>> -> memref<1x!tpu.dma_semaphore, #tpu.memory_space<semaphore_mem>>
    %dma_wait3A_66 = tpu.memref_squeeze %dma_wait3A_65 : memref<1x!tpu.dma_semaphore, #tpu.memory_space<semaphore_mem>> -> memref<!tpu.dma_semaphore, #tpu.memory_space<semaphore_mem>>
    %dma_wait3A_67 = arith.constant 0 : i32
    %dma_wait3A_68 = arith.constant 0 : i32
    %dma_wait3A_69 = tpu.memref_slice %arg8[%dma_wait3A_57, %dma_wait3A_67, %dma_wait3A_68] : memref<2x4x128xi32, #tpu.memory_space<vmem>> -> memref<1x4x128xi32, #tpu.memory_space<vmem>>
    %dma_wait3A_70 = tpu.memref_squeeze %dma_wait3A_69 : memref<1x4x128xi32, #tpu.memory_space<vmem>> -> memref<4x128xi32, #tpu.memory_space<vmem>>
    %dma_wait3A_71 = arith.constant 0 : i32
    %dma_wait3A_72 = tpu.memref_slice %arg4[%mul3A_6, %dma_wait3A_71] : memref<2560x128xi32, #tpu.memory_space<hbm>> -> memref<4x128xi32, #tpu.memory_space<hbm>>
    tpu.wait_dma2 semaphore(%dma_wait3A_66 : memref<!tpu.dma_semaphore, #tpu.memory_space<semaphore_mem>>) src(%dma_wait3A_72 : memref<4x128xi32, #tpu.memory_space<hbm>>) dst(%dma_wait3A_70 : memref<4x128xi32, #tpu.memory_space<vmem>>)
    %add3A_73 = arith.constant 4 : i32
    %add3A_74 = arith.addi %add3A, %add3A_73 : i32
    %dma_start3A_75 = arith.constant 1 : i32
    %dma_start3A_76 = arith.constant 1 : i32
    %dma_start3A_77 = arith.constant 0 : i32
    %dma_start3A_78 = arith.constant 0 : i32
    %dma_start3A_79 = tpu.memref_slice %arg7[%dma_start3A_75, %dma_start3A_77, %dma_start3A_78] : memref<2x4x128xi32, #tpu.memory_space<vmem>> -> memref<1x4x128xi32, #tpu.memory_space<vmem>>
    %dma_start3A_80 = tpu.memref_squeeze %dma_start3A_79 : memref<1x4x128xi32, #tpu.memory_space<vmem>> -> memref<4x128xi32, #tpu.memory_space<vmem>>
    %dma_start3A_81 = arith.constant 0 : i32
    %dma_start3A_82 = tpu.memref_slice %arg3[%add3A_74, %dma_start3A_81] : memref<5120x128xi32, #tpu.memory_space<hbm>> -> memref<4x128xi32, #tpu.memory_space<hbm>>
    %dma_start3A_83 = tpu.memref_slice %arg11[%dma_start3A_76] : memref<2x!tpu.dma_semaphore, #tpu.memory_space<semaphore_mem>> -> memref<1x!tpu.dma_semaphore, #tpu.memory_space<semaphore_mem>>
    %dma_start3A_84 = tpu.memref_squeeze %dma_start3A_83 : memref<1x!tpu.dma_semaphore, #tpu.memory_space<semaphore_mem>> -> memref<!tpu.dma_semaphore, #tpu.memory_space<semaphore_mem>>
    %dma_start3A_85 = arith.constant 0 : i32
    %dma_start3A_86 = arith.constant 0 : i32
    %dma_start3A_87 = tpu.memref_slice %arg7[%dma_start3A_75, %dma_start3A_85, %dma_start3A_86] : memref<2x4x128xi32, #tpu.memory_space<vmem>> -> memref<1x4x128xi32, #tpu.memory_space<vmem>>
    %dma_start3A_88 = tpu.memref_squeeze %dma_start3A_87 : memref<1x4x128xi32, #tpu.memory_space<vmem>> -> memref<4x128xi32, #tpu.memory_space<vmem>>
    %dma_start3A_89 = arith.constant 0 : i32
    %dma_start3A_90 = tpu.memref_slice %arg3[%add3A_74, %dma_start3A_89] : memref<5120x128xi32, #tpu.memory_space<hbm>> -> memref<4x128xi32, #tpu.memory_space<hbm>>
    tpu.enqueue_dma source(%dma_start3A_90 : memref<4x128xi32, #tpu.memory_space<hbm>>) target(%dma_start3A_88 : memref<4x128xi32, #tpu.memory_space<vmem>>) target_semaphore(%dma_start3A_84 : memref<!tpu.dma_semaphore, #tpu.memory_space<semaphore_mem>>)
    %add3A_91 = arith.constant 4 : i32
    %add3A_92 = arith.addi %mul3A_6, %add3A_91 : i32
    %dma_start3A_93 = arith.constant 1 : i32
    %dma_start3A_94 = arith.constant 1 : i32
    %dma_start3A_95 = arith.constant 0 : i32
    %dma_start3A_96 = arith.constant 0 : i32
    %dma_start3A_97 = tpu.memref_slice %arg8[%dma_start3A_93, %dma_start3A_95, %dma_start3A_96] : memref<2x4x128xi32, #tpu.memory_space<vmem>> -> memref<1x4x128xi32, #tpu.memory_space<vmem>>
    %dma_start3A_98 = tpu.memref_squeeze %dma_start3A_97 : memref<1x4x128xi32, #tpu.memory_space<vmem>> -> memref<4x128xi32, #tpu.memory_space<vmem>>
    %dma_start3A_99 = arith.constant 0 : i32
    %dma_start3A_100 = tpu.memref_slice %arg4[%add3A_92, %dma_start3A_99] : memref<2560x128xi32, #tpu.memory_space<hbm>> -> memref<4x128xi32, #tpu.memory_space<hbm>>
    %dma_start3A_101 = tpu.memref_slice %arg11[%dma_start3A_94] : memref<2x!tpu.dma_semaphore, #tpu.memory_space<semaphore_mem>> -> memref<1x!tpu.dma_semaphore, #tpu.memory_space<semaphore_mem>>
    %dma_start3A_102 = tpu.memref_squeeze %dma_start3A_101 : memref<1x!tpu.dma_semaphore, #tpu.memory_space<semaphore_mem>> -> memref<!tpu.dma_semaphore, #tpu.memory_space<semaphore_mem>>
    %dma_start3A_103 = arith.constant 0 : i32
    %dma_start3A_104 = arith.constant 0 : i32
    %dma_start3A_105 = tpu.memref_slice %arg8[%dma_start3A_93, %dma_start3A_103, %dma_start3A_104] : memref<2x4x128xi32, #tpu.memory_space<vmem>> -> memref<1x4x128xi32, #tpu.memory_space<vmem>>
    %dma_start3A_106 = tpu.memref_squeeze %dma_start3A_105 : memref<1x4x128xi32, #tpu.memory_space<vmem>> -> memref<4x128xi32, #tpu.memory_space<vmem>>
    %dma_start3A_107 = arith.constant 0 : i32
    %dma_start3A_108 = tpu.memref_slice %arg4[%add3A_92, %dma_start3A_107] : memref<2560x128xi32, #tpu.memory_space<hbm>> -> memref<4x128xi32, #tpu.memory_space<hbm>>
    tpu.enqueue_dma source(%dma_start3A_108 : memref<4x128xi32, #tpu.memory_space<hbm>>) target(%dma_start3A_106 : memref<4x128xi32, #tpu.memory_space<vmem>>) target_semaphore(%dma_start3A_102 : memref<!tpu.dma_semaphore, #tpu.memory_space<semaphore_mem>>)
    %barrier3A = arith.constant 0 : index
    tpu.barrier barrier_id(%barrier3A)
    %dma_start3A_109 = arith.constant 0 : i32
    %dma_start3A_110 = arith.constant 0 : i32
    %dma_start3A_111 = arith.constant 0 : i32
    %dma_start3A_112 = arith.constant 0 : i32
    %dma_start3A_113 = arith.constant 0 : i32
    %dma_start3A_114 = arith.constant 0 : i32
    %dma_start3A_115 = tpu.memref_slice %arg9[%dma_start3A_111, %dma_start3A_113, %dma_start3A_114] : memref<4x128x32xf32, #tpu.memory_space<vmem>> -> memref<1x128x32xf32, #tpu.memory_space<vmem>>
    %dma_start3A_116 = tpu.memref_squeeze %dma_start3A_115 : memref<1x128x32xf32, #tpu.memory_space<vmem>> -> memref<128x32xf32, #tpu.memory_space<vmem>>
    %dma_start3A_117 = arith.constant 0 : i32
    %dma_start3A_118 = tpu.memref_slice %arg7[%dma_start3A_109, %dma_start3A_110, %dma_start3A_117] : memref<2x4x128xi32, #tpu.memory_space<vmem>> -> memref<1x1x128xi32, #tpu.memory_space<vmem>>
    %dma_start3A_119 = tpu.memref_squeeze %dma_start3A_118 : memref<1x1x128xi32, #tpu.memory_space<vmem>> -> memref<128xi32, #tpu.memory_space<vmem>>
    %dma_start3A_120 = arith.constant 0 : i32
    %dma_start3A_121 = arith.constant 0 : i32
    %dma_start3A_122 = tpu.memref_slice %arg2[%dma_start3A_120, %dma_start3A_121] : memref<20480x32xf32, #tpu.memory_space<hbm>> -> memref<20480x32xf32, #tpu.memory_space<hbm>>
    %dma_start3A_123 = tpu.memref_slice %arg12[%dma_start3A_112] : memref<4x!tpu.dma_semaphore, #tpu.memory_space<semaphore_mem>> -> memref<1x!tpu.dma_semaphore, #tpu.memory_space<semaphore_mem>>
    %dma_start3A_124 = tpu.memref_squeeze %dma_start3A_123 : memref<1x!tpu.dma_semaphore, #tpu.memory_space<semaphore_mem>> -> memref<!tpu.dma_semaphore, #tpu.memory_space<semaphore_mem>>
    tpu.enqueue_indirect_dma source(%dma_start3A_122 : memref<20480x32xf32, #tpu.memory_space<hbm>>) target(%dma_start3A_116 : memref<128x32xf32, #tpu.memory_space<vmem>>) offsets(%dma_start3A_119 : memref<128xi32, #tpu.memory_space<vmem>>) semaphore(%dma_start3A_124 : memref<!tpu.dma_semaphore, #tpu.memory_space<semaphore_mem>>)
    %dma_start3A_125 = arith.constant 0 : i32
    %dma_start3A_126 = arith.constant 1 : i32
    %dma_start3A_127 = arith.constant 1 : i32
    %dma_start3A_128 = arith.constant 1 : i32
    %dma_start3A_129 = arith.constant 0 : i32
    %dma_start3A_130 = arith.constant 0 : i32
    %dma_start3A_131 = tpu.memref_slice %arg9[%dma_start3A_127, %dma_start3A_129, %dma_start3A_130] : memref<4x128x32xf32, #tpu.memory_space<vmem>> -> memref<1x128x32xf32, #tpu.memory_space<vmem>>
    %dma_start3A_132 = tpu.memref_squeeze %dma_start3A_131 : memref<1x128x32xf32, #tpu.memory_space<vmem>> -> memref<128x32xf32, #tpu.memory_space<vmem>>
    %dma_start3A_133 = arith.constant 0 : i32
    %dma_start3A_134 = tpu.memref_slice %arg7[%dma_start3A_125, %dma_start3A_126, %dma_start3A_133] : memref<2x4x128xi32, #tpu.memory_space<vmem>> -> memref<1x1x128xi32, #tpu.memory_space<vmem>>
    %dma_start3A_135 = tpu.memref_squeeze %dma_start3A_134 : memref<1x1x128xi32, #tpu.memory_space<vmem>> -> memref<128xi32, #tpu.memory_space<vmem>>
    %dma_start3A_136 = arith.constant 0 : i32
    %dma_start3A_137 = arith.constant 0 : i32
    %dma_start3A_138 = tpu.memref_slice %arg2[%dma_start3A_136, %dma_start3A_137] : memref<20480x32xf32, #tpu.memory_space<hbm>> -> memref<20480x32xf32, #tpu.memory_space<hbm>>
    %dma_start3A_139 = tpu.memref_slice %arg12[%dma_start3A_128] : memref<4x!tpu.dma_semaphore, #tpu.memory_space<semaphore_mem>> -> memref<1x!tpu.dma_semaphore, #tpu.memory_space<semaphore_mem>>
    %dma_start3A_140 = tpu.memref_squeeze %dma_start3A_139 : memref<1x!tpu.dma_semaphore, #tpu.memory_space<semaphore_mem>> -> memref<!tpu.dma_semaphore, #tpu.memory_space<semaphore_mem>>
    tpu.enqueue_indirect_dma source(%dma_start3A_138 : memref<20480x32xf32, #tpu.memory_space<hbm>>) target(%dma_start3A_132 : memref<128x32xf32, #tpu.memory_space<vmem>>) offsets(%dma_start3A_135 : memref<128xi32, #tpu.memory_space<vmem>>) semaphore(%dma_start3A_140 : memref<!tpu.dma_semaphore, #tpu.memory_space<semaphore_mem>>)
    %dma_start3A_141 = arith.constant 0 : i32
    %dma_start3A_142 = arith.constant 2 : i32
    %dma_start3A_143 = arith.constant 2 : i32
    %dma_start3A_144 = arith.constant 2 : i32
    %dma_start3A_145 = arith.constant 0 : i32
    %dma_start3A_146 = arith.constant 0 : i32
    %dma_start3A_147 = tpu.memref_slice %arg9[%dma_start3A_143, %dma_start3A_145, %dma_start3A_146] : memref<4x128x32xf32, #tpu.memory_space<vmem>> -> memref<1x128x32xf32, #tpu.memory_space<vmem>>
    %dma_start3A_148 = tpu.memref_squeeze %dma_start3A_147 : memref<1x128x32xf32, #tpu.memory_space<vmem>> -> memref<128x32xf32, #tpu.memory_space<vmem>>
    %dma_start3A_149 = arith.constant 0 : i32
    %dma_start3A_150 = tpu.memref_slice %arg7[%dma_start3A_141, %dma_start3A_142, %dma_start3A_149] : memref<2x4x128xi32, #tpu.memory_space<vmem>> -> memref<1x1x128xi32, #tpu.memory_space<vmem>>
    %dma_start3A_151 = tpu.memref_squeeze %dma_start3A_150 : memref<1x1x128xi32, #tpu.memory_space<vmem>> -> memref<128xi32, #tpu.memory_space<vmem>>
    %dma_start3A_152 = arith.constant 0 : i32
    %dma_start3A_153 = arith.constant 0 : i32
    %dma_start3A_154 = tpu.memref_slice %arg2[%dma_start3A_152, %dma_start3A_153] : memref<20480x32xf32, #tpu.memory_space<hbm>> -> memref<20480x32xf32, #tpu.memory_space<hbm>>
    %dma_start3A_155 = tpu.memref_slice %arg12[%dma_start3A_144] : memref<4x!tpu.dma_semaphore, #tpu.memory_space<semaphore_mem>> -> memref<1x!tpu.dma_semaphore, #tpu.memory_space<semaphore_mem>>
    %dma_start3A_156 = tpu.memref_squeeze %dma_start3A_155 : memref<1x!tpu.dma_semaphore, #tpu.memory_space<semaphore_mem>> -> memref<!tpu.dma_semaphore, #tpu.memory_space<semaphore_mem>>
    tpu.enqueue_indirect_dma source(%dma_start3A_154 : memref<20480x32xf32, #tpu.memory_space<hbm>>) target(%dma_start3A_148 : memref<128x32xf32, #tpu.memory_space<vmem>>) offsets(%dma_start3A_151 : memref<128xi32, #tpu.memory_space<vmem>>) semaphore(%dma_start3A_156 : memref<!tpu.dma_semaphore, #tpu.memory_space<semaphore_mem>>)
    %dma_start3A_157 = arith.constant 0 : i32
    %dma_start3A_158 = arith.constant 3 : i32
    %dma_start3A_159 = arith.constant 3 : i32
    %dma_start3A_160 = arith.constant 3 : i32
    %dma_start3A_161 = arith.constant 0 : i32
    %dma_start3A_162 = arith.constant 0 : i32
    %dma_start3A_163 = tpu.memref_slice %arg9[%dma_start3A_159, %dma_start3A_161, %dma_start3A_162] : memref<4x128x32xf32, #tpu.memory_space<vmem>> -> memref<1x128x32xf32, #tpu.memory_space<vmem>>
    %dma_start3A_164 = tpu.memref_squeeze %dma_start3A_163 : memref<1x128x32xf32, #tpu.memory_space<vmem>> -> memref<128x32xf32, #tpu.memory_space<vmem>>
    %dma_start3A_165 = arith.constant 0 : i32
    %dma_start3A_166 = tpu.memref_slice %arg7[%dma_start3A_157, %dma_start3A_158, %dma_start3A_165] : memref<2x4x128xi32, #tpu.memory_space<vmem>> -> memref<1x1x128xi32, #tpu.memory_space<vmem>>
    %dma_start3A_167 = tpu.memref_squeeze %dma_start3A_166 : memref<1x1x128xi32, #tpu.memory_space<vmem>> -> memref<128xi32, #tpu.memory_space<vmem>>
    %dma_start3A_168 = arith.constant 0 : i32
    %dma_start3A_169 = arith.constant 0 : i32
    %dma_start3A_170 = tpu.memref_slice %arg2[%dma_start3A_168, %dma_start3A_169] : memref<20480x32xf32, #tpu.memory_space<hbm>> -> memref<20480x32xf32, #tpu.memory_space<hbm>>
    %dma_start3A_171 = tpu.memref_slice %arg12[%dma_start3A_160] : memref<4x!tpu.dma_semaphore, #tpu.memory_space<semaphore_mem>> -> memref<1x!tpu.dma_semaphore, #tpu.memory_space<semaphore_mem>>
    %dma_start3A_172 = tpu.memref_squeeze %dma_start3A_171 : memref<1x!tpu.dma_semaphore, #tpu.memory_space<semaphore_mem>> -> memref<!tpu.dma_semaphore, #tpu.memory_space<semaphore_mem>>
    tpu.enqueue_indirect_dma source(%dma_start3A_170 : memref<20480x32xf32, #tpu.memory_space<hbm>>) target(%dma_start3A_164 : memref<128x32xf32, #tpu.memory_space<vmem>>) offsets(%dma_start3A_167 : memref<128xi32, #tpu.memory_space<vmem>>) semaphore(%dma_start3A_172 : memref<!tpu.dma_semaphore, #tpu.memory_space<semaphore_mem>>)
    %scan3A = arith.constant 0 : i32
    %scan3A_173 = arith.constant 0 : i32
    %scan3A_174 = arith.constant 39 : i32
    %scan3A_175 = arith.addi %scan3A_173, %scan3A_174 : i32
    %scan3A_176 = arith.constant 1 : i32
    scf.for %scan3A_378 = %scan3A_173 to %scan3A_175 step %scan3A_176  : i32 {
      %rem3A = arith.constant 2 : i32
      %rem3A_379 = arith.remsi %scan3A_378, %rem3A : i32
      %sub3A = arith.constant 1 : i32
      %sub3A_380 = arith.subi %sub3A, %rem3A_379 : i32
      %dma_wait3A_381 = arith.constant 0 : i32
      %dma_wait3A_382 = arith.constant 0 : i32
      %dma_wait3A_383 = arith.constant 0 : i32
      %dma_wait3A_384 = arith.constant 0 : i32
      %dma_wait3A_385 = arith.constant 0 : i32
      %dma_wait3A_386 = tpu.memref_slice %arg9[%dma_wait3A_382, %dma_wait3A_384, %dma_wait3A_385] : memref<4x128x32xf32, #tpu.memory_space<vmem>> -> memref<1x128x32xf32, #tpu.memory_space<vmem>>
      %dma_wait3A_387 = tpu.memref_squeeze %dma_wait3A_386 : memref<1x128x32xf32, #tpu.memory_space<vmem>> -> memref<128x32xf32, #tpu.memory_space<vmem>>
      %dma_wait3A_388 = arith.constant 0 : i32
      %dma_wait3A_389 = tpu.memref_slice %arg7[%rem3A_379, %dma_wait3A_381, %dma_wait3A_388] : memref<2x4x128xi32, #tpu.memory_space<vmem>> -> memref<1x1x128xi32, #tpu.memory_space<vmem>>
      %dma_wait3A_390 = tpu.memref_squeeze %dma_wait3A_389 : memref<1x1x128xi32, #tpu.memory_space<vmem>> -> memref<128xi32, #tpu.memory_space<vmem>>
      %dma_wait3A_391 = arith.constant 0 : i32
      %dma_wait3A_392 = arith.constant 0 : i32
      %dma_wait3A_393 = tpu.memref_slice %arg2[%dma_wait3A_391, %dma_wait3A_392] : memref<20480x32xf32, #tpu.memory_space<hbm>> -> memref<20480x32xf32, #tpu.memory_space<hbm>>
      %dma_wait3A_394 = tpu.memref_slice %arg12[%dma_wait3A_383] : memref<4x!tpu.dma_semaphore, #tpu.memory_space<semaphore_mem>> -> memref<1x!tpu.dma_semaphore, #tpu.memory_space<semaphore_mem>>
      %dma_wait3A_395 = tpu.memref_squeeze %dma_wait3A_394 : memref<1x!tpu.dma_semaphore, #tpu.memory_space<semaphore_mem>> -> memref<!tpu.dma_semaphore, #tpu.memory_space<semaphore_mem>>
      tpu.wait_indirect_dma semaphore(%dma_wait3A_395 : memref<!tpu.dma_semaphore, #tpu.memory_space<semaphore_mem>>) src(%dma_wait3A_393 : memref<20480x32xf32, #tpu.memory_space<hbm>>) dst(%dma_wait3A_387 : memref<128x32xf32, #tpu.memory_space<vmem>>)
      %dma_start3A_396 = arith.constant 0 : i32
      %dma_start3A_397 = arith.constant 0 : i32
      %dma_start3A_398 = arith.constant 0 : i32
      %dma_start3A_399 = arith.constant 0 : i32
      %dma_start3A_400 = arith.constant 0 : i32
      %dma_start3A_401 = tpu.memref_slice %arg9[%dma_start3A_396, %dma_start3A_399, %dma_start3A_400] : memref<4x128x32xf32, #tpu.memory_space<vmem>> -> memref<1x128x32xf32, #tpu.memory_space<vmem>>
      %dma_start3A_402 = tpu.memref_squeeze %dma_start3A_401 : memref<1x128x32xf32, #tpu.memory_space<vmem>> -> memref<128x32xf32, #tpu.memory_space<vmem>>
      %dma_start3A_403 = arith.constant 0 : i32
      %dma_start3A_404 = tpu.memref_slice %arg8[%rem3A_379, %dma_start3A_397, %dma_start3A_403] : memref<2x4x128xi32, #tpu.memory_space<vmem>> -> memref<1x1x128xi32, #tpu.memory_space<vmem>>
      %dma_start3A_405 = tpu.memref_squeeze %dma_start3A_404 : memref<1x1x128xi32, #tpu.memory_space<vmem>> -> memref<128xi32, #tpu.memory_space<vmem>>
      %dma_start3A_406 = arith.constant 0 : i32
      %dma_start3A_407 = arith.constant 0 : i32
      %dma_start3A_408 = tpu.memref_slice %arg10[%dma_start3A_406, %dma_start3A_407] : memref<10240x32xf32, #tpu.memory_space<vmem_shared>> -> memref<10240x32xf32, #tpu.memory_space<vmem_shared>>
      %dma_start3A_409 = tpu.memref_slice %arg13[%dma_start3A_398] : memref<4x!tpu.dma_semaphore, #tpu.memory_space<semaphore_mem>> -> memref<1x!tpu.dma_semaphore, #tpu.memory_space<semaphore_mem>>
      %dma_start3A_410 = tpu.memref_squeeze %dma_start3A_409 : memref<1x!tpu.dma_semaphore, #tpu.memory_space<semaphore_mem>> -> memref<!tpu.dma_semaphore, #tpu.memory_space<semaphore_mem>>
      tpu.enqueue_indirect_dma source(%dma_start3A_402 : memref<128x32xf32, #tpu.memory_space<vmem>>) target(%dma_start3A_408 : memref<10240x32xf32, #tpu.memory_space<vmem_shared>>) offsets(%dma_start3A_405 : memref<128xi32, #tpu.memory_space<vmem>>) semaphore(%dma_start3A_410 : memref<!tpu.dma_semaphore, #tpu.memory_space<semaphore_mem>>) {add = true}
      %dma_wait3A_411 = arith.constant 1 : i32
      %dma_wait3A_412 = arith.constant 1 : i32
      %dma_wait3A_413 = arith.constant 1 : i32
      %dma_wait3A_414 = arith.constant 0 : i32
      %dma_wait3A_415 = arith.constant 0 : i32
      %dma_wait3A_416 = tpu.memref_slice %arg9[%dma_wait3A_412, %dma_wait3A_414, %dma_wait3A_415] : memref<4x128x32xf32, #tpu.memory_space<vmem>> -> memref<1x128x32xf32, #tpu.memory_space<vmem>>
      %dma_wait3A_417 = tpu.memref_squeeze %dma_wait3A_416 : memref<1x128x32xf32, #tpu.memory_space<vmem>> -> memref<128x32xf32, #tpu.memory_space<vmem>>
      %dma_wait3A_418 = arith.constant 0 : i32
      %dma_wait3A_419 = tpu.memref_slice %arg7[%rem3A_379, %dma_wait3A_411, %dma_wait3A_418] : memref<2x4x128xi32, #tpu.memory_space<vmem>> -> memref<1x1x128xi32, #tpu.memory_space<vmem>>
      %dma_wait3A_420 = tpu.memref_squeeze %dma_wait3A_419 : memref<1x1x128xi32, #tpu.memory_space<vmem>> -> memref<128xi32, #tpu.memory_space<vmem>>
      %dma_wait3A_421 = arith.constant 0 : i32
      %dma_wait3A_422 = arith.constant 0 : i32
      %dma_wait3A_423 = tpu.memref_slice %arg2[%dma_wait3A_421, %dma_wait3A_422] : memref<20480x32xf32, #tpu.memory_space<hbm>> -> memref<20480x32xf32, #tpu.memory_space<hbm>>
      %dma_wait3A_424 = tpu.memref_slice %arg12[%dma_wait3A_413] : memref<4x!tpu.dma_semaphore, #tpu.memory_space<semaphore_mem>> -> memref<1x!tpu.dma_semaphore, #tpu.memory_space<semaphore_mem>>
      %dma_wait3A_425 = tpu.memref_squeeze %dma_wait3A_424 : memref<1x!tpu.dma_semaphore, #tpu.memory_space<semaphore_mem>> -> memref<!tpu.dma_semaphore, #tpu.memory_space<semaphore_mem>>
      tpu.wait_indirect_dma semaphore(%dma_wait3A_425 : memref<!tpu.dma_semaphore, #tpu.memory_space<semaphore_mem>>) src(%dma_wait3A_423 : memref<20480x32xf32, #tpu.memory_space<hbm>>) dst(%dma_wait3A_417 : memref<128x32xf32, #tpu.memory_space<vmem>>)
      %dma_start3A_426 = arith.constant 1 : i32
      %dma_start3A_427 = arith.constant 1 : i32
      %dma_start3A_428 = arith.constant 1 : i32
      %dma_start3A_429 = arith.constant 0 : i32
      %dma_start3A_430 = arith.constant 0 : i32
      %dma_start3A_431 = tpu.memref_slice %arg9[%dma_start3A_426, %dma_start3A_429, %dma_start3A_430] : memref<4x128x32xf32, #tpu.memory_space<vmem>> -> memref<1x128x32xf32, #tpu.memory_space<vmem>>
      %dma_start3A_432 = tpu.memref_squeeze %dma_start3A_431 : memref<1x128x32xf32, #tpu.memory_space<vmem>> -> memref<128x32xf32, #tpu.memory_space<vmem>>
      %dma_start3A_433 = arith.constant 0 : i32
      %dma_start3A_434 = tpu.memref_slice %arg8[%rem3A_379, %dma_start3A_427, %dma_start3A_433] : memref<2x4x128xi32, #tpu.memory_space<vmem>> -> memref<1x1x128xi32, #tpu.memory_space<vmem>>
      %dma_start3A_435 = tpu.memref_squeeze %dma_start3A_434 : memref<1x1x128xi32, #tpu.memory_space<vmem>> -> memref<128xi32, #tpu.memory_space<vmem>>
      %dma_start3A_436 = arith.constant 0 : i32
      %dma_start3A_437 = arith.constant 0 : i32
      %dma_start3A_438 = tpu.memref_slice %arg10[%dma_start3A_436, %dma_start3A_437] : memref<10240x32xf32, #tpu.memory_space<vmem_shared>> -> memref<10240x32xf32, #tpu.memory_space<vmem_shared>>
      %dma_start3A_439 = tpu.memref_slice %arg13[%dma_start3A_428] : memref<4x!tpu.dma_semaphore, #tpu.memory_space<semaphore_mem>> -> memref<1x!tpu.dma_semaphore, #tpu.memory_space<semaphore_mem>>
      %dma_start3A_440 = tpu.memref_squeeze %dma_start3A_439 : memref<1x!tpu.dma_semaphore, #tpu.memory_space<semaphore_mem>> -> memref<!tpu.dma_semaphore, #tpu.memory_space<semaphore_mem>>
      tpu.enqueue_indirect_dma source(%dma_start3A_432 : memref<128x32xf32, #tpu.memory_space<vmem>>) target(%dma_start3A_438 : memref<10240x32xf32, #tpu.memory_space<vmem_shared>>) offsets(%dma_start3A_435 : memref<128xi32, #tpu.memory_space<vmem>>) semaphore(%dma_start3A_440 : memref<!tpu.dma_semaphore, #tpu.memory_space<semaphore_mem>>) {add = true}
      %dma_wait3A_441 = arith.constant 2 : i32
      %dma_wait3A_442 = arith.constant 2 : i32
      %dma_wait3A_443 = arith.constant 2 : i32
      %dma_wait3A_444 = arith.constant 0 : i32
      %dma_wait3A_445 = arith.constant 0 : i32
      %dma_wait3A_446 = tpu.memref_slice %arg9[%dma_wait3A_442, %dma_wait3A_444, %dma_wait3A_445] : memref<4x128x32xf32, #tpu.memory_space<vmem>> -> memref<1x128x32xf32, #tpu.memory_space<vmem>>
      %dma_wait3A_447 = tpu.memref_squeeze %dma_wait3A_446 : memref<1x128x32xf32, #tpu.memory_space<vmem>> -> memref<128x32xf32, #tpu.memory_space<vmem>>
      %dma_wait3A_448 = arith.constant 0 : i32
      %dma_wait3A_449 = tpu.memref_slice %arg7[%rem3A_379, %dma_wait3A_441, %dma_wait3A_448] : memref<2x4x128xi32, #tpu.memory_space<vmem>> -> memref<1x1x128xi32, #tpu.memory_space<vmem>>
      %dma_wait3A_450 = tpu.memref_squeeze %dma_wait3A_449 : memref<1x1x128xi32, #tpu.memory_space<vmem>> -> memref<128xi32, #tpu.memory_space<vmem>>
      %dma_wait3A_451 = arith.constant 0 : i32
      %dma_wait3A_452 = arith.constant 0 : i32
      %dma_wait3A_453 = tpu.memref_slice %arg2[%dma_wait3A_451, %dma_wait3A_452] : memref<20480x32xf32, #tpu.memory_space<hbm>> -> memref<20480x32xf32, #tpu.memory_space<hbm>>
      %dma_wait3A_454 = tpu.memref_slice %arg12[%dma_wait3A_443] : memref<4x!tpu.dma_semaphore, #tpu.memory_space<semaphore_mem>> -> memref<1x!tpu.dma_semaphore, #tpu.memory_space<semaphore_mem>>
      %dma_wait3A_455 = tpu.memref_squeeze %dma_wait3A_454 : memref<1x!tpu.dma_semaphore, #tpu.memory_space<semaphore_mem>> -> memref<!tpu.dma_semaphore, #tpu.memory_space<semaphore_mem>>
      tpu.wait_indirect_dma semaphore(%dma_wait3A_455 : memref<!tpu.dma_semaphore, #tpu.memory_space<semaphore_mem>>) src(%dma_wait3A_453 : memref<20480x32xf32, #tpu.memory_space<hbm>>) dst(%dma_wait3A_447 : memref<128x32xf32, #tpu.memory_space<vmem>>)
      %dma_start3A_456 = arith.constant 2 : i32
      %dma_start3A_457 = arith.constant 2 : i32
      %dma_start3A_458 = arith.constant 2 : i32
      %dma_start3A_459 = arith.constant 0 : i32
      %dma_start3A_460 = arith.constant 0 : i32
      %dma_start3A_461 = tpu.memref_slice %arg9[%dma_start3A_456, %dma_start3A_459, %dma_start3A_460] : memref<4x128x32xf32, #tpu.memory_space<vmem>> -> memref<1x128x32xf32, #tpu.memory_space<vmem>>
      %dma_start3A_462 = tpu.memref_squeeze %dma_start3A_461 : memref<1x128x32xf32, #tpu.memory_space<vmem>> -> memref<128x32xf32, #tpu.memory_space<vmem>>
      %dma_start3A_463 = arith.constant 0 : i32
      %dma_start3A_464 = tpu.memref_slice %arg8[%rem3A_379, %dma_start3A_457, %dma_start3A_463] : memref<2x4x128xi32, #tpu.memory_space<vmem>> -> memref<1x1x128xi32, #tpu.memory_space<vmem>>
      %dma_start3A_465 = tpu.memref_squeeze %dma_start3A_464 : memref<1x1x128xi32, #tpu.memory_space<vmem>> -> memref<128xi32, #tpu.memory_space<vmem>>
      %dma_start3A_466 = arith.constant 0 : i32
      %dma_start3A_467 = arith.constant 0 : i32
      %dma_start3A_468 = tpu.memref_slice %arg10[%dma_start3A_466, %dma_start3A_467] : memref<10240x32xf32, #tpu.memory_space<vmem_shared>> -> memref<10240x32xf32, #tpu.memory_space<vmem_shared>>
      %dma_start3A_469 = tpu.memref_slice %arg13[%dma_start3A_458] : memref<4x!tpu.dma_semaphore, #tpu.memory_space<semaphore_mem>> -> memref<1x!tpu.dma_semaphore, #tpu.memory_space<semaphore_mem>>
      %dma_start3A_470 = tpu.memref_squeeze %dma_start3A_469 : memref<1x!tpu.dma_semaphore, #tpu.memory_space<semaphore_mem>> -> memref<!tpu.dma_semaphore, #tpu.memory_space<semaphore_mem>>
      tpu.enqueue_indirect_dma source(%dma_start3A_462 : memref<128x32xf32, #tpu.memory_space<vmem>>) target(%dma_start3A_468 : memref<10240x32xf32, #tpu.memory_space<vmem_shared>>) offsets(%dma_start3A_465 : memref<128xi32, #tpu.memory_space<vmem>>) semaphore(%dma_start3A_470 : memref<!tpu.dma_semaphore, #tpu.memory_space<semaphore_mem>>) {add = true}
      %dma_wait3A_471 = arith.constant 3 : i32
      %dma_wait3A_472 = arith.constant 3 : i32
      %dma_wait3A_473 = arith.constant 3 : i32
      %dma_wait3A_474 = arith.constant 0 : i32
      %dma_wait3A_475 = arith.constant 0 : i32
      %dma_wait3A_476 = tpu.memref_slice %arg9[%dma_wait3A_472, %dma_wait3A_474, %dma_wait3A_475] : memref<4x128x32xf32, #tpu.memory_space<vmem>> -> memref<1x128x32xf32, #tpu.memory_space<vmem>>
      %dma_wait3A_477 = tpu.memref_squeeze %dma_wait3A_476 : memref<1x128x32xf32, #tpu.memory_space<vmem>> -> memref<128x32xf32, #tpu.memory_space<vmem>>
      %dma_wait3A_478 = arith.constant 0 : i32
      %dma_wait3A_479 = tpu.memref_slice %arg7[%rem3A_379, %dma_wait3A_471, %dma_wait3A_478] : memref<2x4x128xi32, #tpu.memory_space<vmem>> -> memref<1x1x128xi32, #tpu.memory_space<vmem>>
      %dma_wait3A_480 = tpu.memref_squeeze %dma_wait3A_479 : memref<1x1x128xi32, #tpu.memory_space<vmem>> -> memref<128xi32, #tpu.memory_space<vmem>>
      %dma_wait3A_481 = arith.constant 0 : i32
      %dma_wait3A_482 = arith.constant 0 : i32
      %dma_wait3A_483 = tpu.memref_slice %arg2[%dma_wait3A_481, %dma_wait3A_482] : memref<20480x32xf32, #tpu.memory_space<hbm>> -> memref<20480x32xf32, #tpu.memory_space<hbm>>
      %dma_wait3A_484 = tpu.memref_slice %arg12[%dma_wait3A_473] : memref<4x!tpu.dma_semaphore, #tpu.memory_space<semaphore_mem>> -> memref<1x!tpu.dma_semaphore, #tpu.memory_space<semaphore_mem>>
      %dma_wait3A_485 = tpu.memref_squeeze %dma_wait3A_484 : memref<1x!tpu.dma_semaphore, #tpu.memory_space<semaphore_mem>> -> memref<!tpu.dma_semaphore, #tpu.memory_space<semaphore_mem>>
      tpu.wait_indirect_dma semaphore(%dma_wait3A_485 : memref<!tpu.dma_semaphore, #tpu.memory_space<semaphore_mem>>) src(%dma_wait3A_483 : memref<20480x32xf32, #tpu.memory_space<hbm>>) dst(%dma_wait3A_477 : memref<128x32xf32, #tpu.memory_space<vmem>>)
      %dma_start3A_486 = arith.constant 3 : i32
      %dma_start3A_487 = arith.constant 3 : i32
      %dma_start3A_488 = arith.constant 3 : i32
      %dma_start3A_489 = arith.constant 0 : i32
      %dma_start3A_490 = arith.constant 0 : i32
      %dma_start3A_491 = tpu.memref_slice %arg9[%dma_start3A_486, %dma_start3A_489, %dma_start3A_490] : memref<4x128x32xf32, #tpu.memory_space<vmem>> -> memref<1x128x32xf32, #tpu.memory_space<vmem>>
      %dma_start3A_492 = tpu.memref_squeeze %dma_start3A_491 : memref<1x128x32xf32, #tpu.memory_space<vmem>> -> memref<128x32xf32, #tpu.memory_space<vmem>>
      %dma_start3A_493 = arith.constant 0 : i32
      %dma_start3A_494 = tpu.memref_slice %arg8[%rem3A_379, %dma_start3A_487, %dma_start3A_493] : memref<2x4x128xi32, #tpu.memory_space<vmem>> -> memref<1x1x128xi32, #tpu.memory_space<vmem>>
      %dma_start3A_495 = tpu.memref_squeeze %dma_start3A_494 : memref<1x1x128xi32, #tpu.memory_space<vmem>> -> memref<128xi32, #tpu.memory_space<vmem>>
      %dma_start3A_496 = arith.constant 0 : i32
      %dma_start3A_497 = arith.constant 0 : i32
      %dma_start3A_498 = tpu.memref_slice %arg10[%dma_start3A_496, %dma_start3A_497] : memref<10240x32xf32, #tpu.memory_space<vmem_shared>> -> memref<10240x32xf32, #tpu.memory_space<vmem_shared>>
      %dma_start3A_499 = tpu.memref_slice %arg13[%dma_start3A_488] : memref<4x!tpu.dma_semaphore, #tpu.memory_space<semaphore_mem>> -> memref<1x!tpu.dma_semaphore, #tpu.memory_space<semaphore_mem>>
      %dma_start3A_500 = tpu.memref_squeeze %dma_start3A_499 : memref<1x!tpu.dma_semaphore, #tpu.memory_space<semaphore_mem>> -> memref<!tpu.dma_semaphore, #tpu.memory_space<semaphore_mem>>
      tpu.enqueue_indirect_dma source(%dma_start3A_492 : memref<128x32xf32, #tpu.memory_space<vmem>>) target(%dma_start3A_498 : memref<10240x32xf32, #tpu.memory_space<vmem_shared>>) offsets(%dma_start3A_495 : memref<128xi32, #tpu.memory_space<vmem>>) semaphore(%dma_start3A_500 : memref<!tpu.dma_semaphore, #tpu.memory_space<semaphore_mem>>) {add = true}
      %dma_wait3A_501 = arith.constant 0 : i32
      %dma_wait3A_502 = arith.constant 0 : i32
      %dma_wait3A_503 = tpu.memref_slice %arg7[%sub3A_380, %dma_wait3A_501, %dma_wait3A_502] : memref<2x4x128xi32, #tpu.memory_space<vmem>> -> memref<1x4x128xi32, #tpu.memory_space<vmem>>
      %dma_wait3A_504 = tpu.memref_squeeze %dma_wait3A_503 : memref<1x4x128xi32, #tpu.memory_space<vmem>> -> memref<4x128xi32, #tpu.memory_space<vmem>>
      %dma_wait3A_505 = arith.constant 0 : i32
      %dma_wait3A_506 = tpu.memref_slice %arg3[%add3A, %dma_wait3A_505] : memref<5120x128xi32, #tpu.memory_space<hbm>> -> memref<4x128xi32, #tpu.memory_space<hbm>>
      %dma_wait3A_507 = tpu.memref_slice %arg11[%sub3A_380] : memref<2x!tpu.dma_semaphore, #tpu.memory_space<semaphore_mem>> -> memref<1x!tpu.dma_semaphore, #tpu.memory_space<semaphore_mem>>
      %dma_wait3A_508 = tpu.memref_squeeze %dma_wait3A_507 : memref<1x!tpu.dma_semaphore, #tpu.memory_space<semaphore_mem>> -> memref<!tpu.dma_semaphore, #tpu.memory_space<semaphore_mem>>
      %dma_wait3A_509 = arith.constant 0 : i32
      %dma_wait3A_510 = arith.constant 0 : i32
      %dma_wait3A_511 = tpu.memref_slice %arg7[%sub3A_380, %dma_wait3A_509, %dma_wait3A_510] : memref<2x4x128xi32, #tpu.memory_space<vmem>> -> memref<1x4x128xi32, #tpu.memory_space<vmem>>
      %dma_wait3A_512 = tpu.memref_squeeze %dma_wait3A_511 : memref<1x4x128xi32, #tpu.memory_space<vmem>> -> memref<4x128xi32, #tpu.memory_space<vmem>>
      %dma_wait3A_513 = arith.constant 0 : i32
      %dma_wait3A_514 = tpu.memref_slice %arg3[%add3A, %dma_wait3A_513] : memref<5120x128xi32, #tpu.memory_space<hbm>> -> memref<4x128xi32, #tpu.memory_space<hbm>>
      tpu.wait_dma2 semaphore(%dma_wait3A_508 : memref<!tpu.dma_semaphore, #tpu.memory_space<semaphore_mem>>) src(%dma_wait3A_514 : memref<4x128xi32, #tpu.memory_space<hbm>>) dst(%dma_wait3A_512 : memref<4x128xi32, #tpu.memory_space<vmem>>)
      %dma_wait3A_515 = arith.constant 0 : i32
      %dma_wait3A_516 = arith.constant 0 : i32
      %dma_wait3A_517 = tpu.memref_slice %arg8[%sub3A_380, %dma_wait3A_515, %dma_wait3A_516] : memref<2x4x128xi32, #tpu.memory_space<vmem>> -> memref<1x4x128xi32, #tpu.memory_space<vmem>>
      %dma_wait3A_518 = tpu.memref_squeeze %dma_wait3A_517 : memref<1x4x128xi32, #tpu.memory_space<vmem>> -> memref<4x128xi32, #tpu.memory_space<vmem>>
      %dma_wait3A_519 = arith.constant 0 : i32
      %dma_wait3A_520 = tpu.memref_slice %arg4[%mul3A_6, %dma_wait3A_519] : memref<2560x128xi32, #tpu.memory_space<hbm>> -> memref<4x128xi32, #tpu.memory_space<hbm>>
      %dma_wait3A_521 = tpu.memref_slice %arg11[%sub3A_380] : memref<2x!tpu.dma_semaphore, #tpu.memory_space<semaphore_mem>> -> memref<1x!tpu.dma_semaphore, #tpu.memory_space<semaphore_mem>>
      %dma_wait3A_522 = tpu.memref_squeeze %dma_wait3A_521 : memref<1x!tpu.dma_semaphore, #tpu.memory_space<semaphore_mem>> -> memref<!tpu.dma_semaphore, #tpu.memory_space<semaphore_mem>>
      %dma_wait3A_523 = arith.constant 0 : i32
      %dma_wait3A_524 = arith.constant 0 : i32
      %dma_wait3A_525 = tpu.memref_slice %arg8[%sub3A_380, %dma_wait3A_523, %dma_wait3A_524] : memref<2x4x128xi32, #tpu.memory_space<vmem>> -> memref<1x4x128xi32, #tpu.memory_space<vmem>>
      %dma_wait3A_526 = tpu.memref_squeeze %dma_wait3A_525 : memref<1x4x128xi32, #tpu.memory_space<vmem>> -> memref<4x128xi32, #tpu.memory_space<vmem>>
      %dma_wait3A_527 = arith.constant 0 : i32
      %dma_wait3A_528 = tpu.memref_slice %arg4[%mul3A_6, %dma_wait3A_527] : memref<2560x128xi32, #tpu.memory_space<hbm>> -> memref<4x128xi32, #tpu.memory_space<hbm>>
      tpu.wait_dma2 semaphore(%dma_wait3A_522 : memref<!tpu.dma_semaphore, #tpu.memory_space<semaphore_mem>>) src(%dma_wait3A_528 : memref<4x128xi32, #tpu.memory_space<hbm>>) dst(%dma_wait3A_526 : memref<4x128xi32, #tpu.memory_space<vmem>>)
      %dma_wait3A_529 = arith.constant 0 : i32
      %dma_wait3A_530 = arith.constant 0 : i32
      %dma_wait3A_531 = arith.constant 0 : i32
      %dma_wait3A_532 = arith.constant 0 : i32
      %dma_wait3A_533 = arith.constant 0 : i32
      %dma_wait3A_534 = tpu.memref_slice %arg9[%dma_wait3A_529, %dma_wait3A_532, %dma_wait3A_533] : memref<4x128x32xf32, #tpu.memory_space<vmem>> -> memref<1x128x32xf32, #tpu.memory_space<vmem>>
      %dma_wait3A_535 = tpu.memref_squeeze %dma_wait3A_534 : memref<1x128x32xf32, #tpu.memory_space<vmem>> -> memref<128x32xf32, #tpu.memory_space<vmem>>
      %dma_wait3A_536 = arith.constant 0 : i32
      %dma_wait3A_537 = tpu.memref_slice %arg8[%rem3A_379, %dma_wait3A_530, %dma_wait3A_536] : memref<2x4x128xi32, #tpu.memory_space<vmem>> -> memref<1x1x128xi32, #tpu.memory_space<vmem>>
      %dma_wait3A_538 = tpu.memref_squeeze %dma_wait3A_537 : memref<1x1x128xi32, #tpu.memory_space<vmem>> -> memref<128xi32, #tpu.memory_space<vmem>>
      %dma_wait3A_539 = arith.constant 0 : i32
      %dma_wait3A_540 = arith.constant 0 : i32
      %dma_wait3A_541 = tpu.memref_slice %arg10[%dma_wait3A_539, %dma_wait3A_540] : memref<10240x32xf32, #tpu.memory_space<vmem_shared>> -> memref<10240x32xf32, #tpu.memory_space<vmem_shared>>
      %dma_wait3A_542 = tpu.memref_slice %arg13[%dma_wait3A_531] : memref<4x!tpu.dma_semaphore, #tpu.memory_space<semaphore_mem>> -> memref<1x!tpu.dma_semaphore, #tpu.memory_space<semaphore_mem>>
      %dma_wait3A_543 = tpu.memref_squeeze %dma_wait3A_542 : memref<1x!tpu.dma_semaphore, #tpu.memory_space<semaphore_mem>> -> memref<!tpu.dma_semaphore, #tpu.memory_space<semaphore_mem>>
      tpu.wait_indirect_dma semaphore(%dma_wait3A_543 : memref<!tpu.dma_semaphore, #tpu.memory_space<semaphore_mem>>) src(%dma_wait3A_535 : memref<128x32xf32, #tpu.memory_space<vmem>>) dst(%dma_wait3A_541 : memref<10240x32xf32, #tpu.memory_space<vmem_shared>>)
      %dma_start3A_544 = arith.constant 0 : i32
      %dma_start3A_545 = arith.constant 0 : i32
      %dma_start3A_546 = arith.constant 0 : i32
      %dma_start3A_547 = arith.constant 0 : i32
      %dma_start3A_548 = arith.constant 0 : i32
      %dma_start3A_549 = tpu.memref_slice %arg9[%dma_start3A_545, %dma_start3A_547, %dma_start3A_548] : memref<4x128x32xf32, #tpu.memory_space<vmem>> -> memref<1x128x32xf32, #tpu.memory_space<vmem>>
      %dma_start3A_550 = tpu.memref_squeeze %dma_start3A_549 : memref<1x128x32xf32, #tpu.memory_space<vmem>> -> memref<128x32xf32, #tpu.memory_space<vmem>>
      %dma_start3A_551 = arith.constant 0 : i32
      %dma_start3A_552 = tpu.memref_slice %arg7[%sub3A_380, %dma_start3A_544, %dma_start3A_551] : memref<2x4x128xi32, #tpu.memory_space<vmem>> -> memref<1x1x128xi32, #tpu.memory_space<vmem>>
      %dma_start3A_553 = tpu.memref_squeeze %dma_start3A_552 : memref<1x1x128xi32, #tpu.memory_space<vmem>> -> memref<128xi32, #tpu.memory_space<vmem>>
      %dma_start3A_554 = arith.constant 0 : i32
      %dma_start3A_555 = arith.constant 0 : i32
      %dma_start3A_556 = tpu.memref_slice %arg2[%dma_start3A_554, %dma_start3A_555] : memref<20480x32xf32, #tpu.memory_space<hbm>> -> memref<20480x32xf32, #tpu.memory_space<hbm>>
      %dma_start3A_557 = tpu.memref_slice %arg12[%dma_start3A_546] : memref<4x!tpu.dma_semaphore, #tpu.memory_space<semaphore_mem>> -> memref<1x!tpu.dma_semaphore, #tpu.memory_space<semaphore_mem>>
      %dma_start3A_558 = tpu.memref_squeeze %dma_start3A_557 : memref<1x!tpu.dma_semaphore, #tpu.memory_space<semaphore_mem>> -> memref<!tpu.dma_semaphore, #tpu.memory_space<semaphore_mem>>
      tpu.enqueue_indirect_dma source(%dma_start3A_556 : memref<20480x32xf32, #tpu.memory_space<hbm>>) target(%dma_start3A_550 : memref<128x32xf32, #tpu.memory_space<vmem>>) offsets(%dma_start3A_553 : memref<128xi32, #tpu.memory_space<vmem>>) semaphore(%dma_start3A_558 : memref<!tpu.dma_semaphore, #tpu.memory_space<semaphore_mem>>)
      %dma_wait3A_559 = arith.constant 1 : i32
      %dma_wait3A_560 = arith.constant 1 : i32
      %dma_wait3A_561 = arith.constant 1 : i32
      %dma_wait3A_562 = arith.constant 0 : i32
      %dma_wait3A_563 = arith.constant 0 : i32
      %dma_wait3A_564 = tpu.memref_slice %arg9[%dma_wait3A_559, %dma_wait3A_562, %dma_wait3A_563] : memref<4x128x32xf32, #tpu.memory_space<vmem>> -> memref<1x128x32xf32, #tpu.memory_space<vmem>>
      %dma_wait3A_565 = tpu.memref_squeeze %dma_wait3A_564 : memref<1x128x32xf32, #tpu.memory_space<vmem>> -> memref<128x32xf32, #tpu.memory_space<vmem>>
      %dma_wait3A_566 = arith.constant 0 : i32
      %dma_wait3A_567 = tpu.memref_slice %arg8[%rem3A_379, %dma_wait3A_560, %dma_wait3A_566] : memref<2x4x128xi32, #tpu.memory_space<vmem>> -> memref<1x1x128xi32, #tpu.memory_space<vmem>>
      %dma_wait3A_568 = tpu.memref_squeeze %dma_wait3A_567 : memref<1x1x128xi32, #tpu.memory_space<vmem>> -> memref<128xi32, #tpu.memory_space<vmem>>
      %dma_wait3A_569 = arith.constant 0 : i32
      %dma_wait3A_570 = arith.constant 0 : i32
      %dma_wait3A_571 = tpu.memref_slice %arg10[%dma_wait3A_569, %dma_wait3A_570] : memref<10240x32xf32, #tpu.memory_space<vmem_shared>> -> memref<10240x32xf32, #tpu.memory_space<vmem_shared>>
      %dma_wait3A_572 = tpu.memref_slice %arg13[%dma_wait3A_561] : memref<4x!tpu.dma_semaphore, #tpu.memory_space<semaphore_mem>> -> memref<1x!tpu.dma_semaphore, #tpu.memory_space<semaphore_mem>>
      %dma_wait3A_573 = tpu.memref_squeeze %dma_wait3A_572 : memref<1x!tpu.dma_semaphore, #tpu.memory_space<semaphore_mem>> -> memref<!tpu.dma_semaphore, #tpu.memory_space<semaphore_mem>>
      tpu.wait_indirect_dma semaphore(%dma_wait3A_573 : memref<!tpu.dma_semaphore, #tpu.memory_space<semaphore_mem>>) src(%dma_wait3A_565 : memref<128x32xf32, #tpu.memory_space<vmem>>) dst(%dma_wait3A_571 : memref<10240x32xf32, #tpu.memory_space<vmem_shared>>)
      %dma_start3A_574 = arith.constant 1 : i32
      %dma_start3A_575 = arith.constant 1 : i32
      %dma_start3A_576 = arith.constant 1 : i32
      %dma_start3A_577 = arith.constant 0 : i32
      %dma_start3A_578 = arith.constant 0 : i32
      %dma_start3A_579 = tpu.memref_slice %arg9[%dma_start3A_575, %dma_start3A_577, %dma_start3A_578] : memref<4x128x32xf32, #tpu.memory_space<vmem>> -> memref<1x128x32xf32, #tpu.memory_space<vmem>>
      %dma_start3A_580 = tpu.memref_squeeze %dma_start3A_579 : memref<1x128x32xf32, #tpu.memory_space<vmem>> -> memref<128x32xf32, #tpu.memory_space<vmem>>
      %dma_start3A_581 = arith.constant 0 : i32
      %dma_start3A_582 = tpu.memref_slice %arg7[%sub3A_380, %dma_start3A_574, %dma_start3A_581] : memref<2x4x128xi32, #tpu.memory_space<vmem>> -> memref<1x1x128xi32, #tpu.memory_space<vmem>>
      %dma_start3A_583 = tpu.memref_squeeze %dma_start3A_582 : memref<1x1x128xi32, #tpu.memory_space<vmem>> -> memref<128xi32, #tpu.memory_space<vmem>>
      %dma_start3A_584 = arith.constant 0 : i32
      %dma_start3A_585 = arith.constant 0 : i32
      %dma_start3A_586 = tpu.memref_slice %arg2[%dma_start3A_584, %dma_start3A_585] : memref<20480x32xf32, #tpu.memory_space<hbm>> -> memref<20480x32xf32, #tpu.memory_space<hbm>>
      %dma_start3A_587 = tpu.memref_slice %arg12[%dma_start3A_576] : memref<4x!tpu.dma_semaphore, #tpu.memory_space<semaphore_mem>> -> memref<1x!tpu.dma_semaphore, #tpu.memory_space<semaphore_mem>>
      %dma_start3A_588 = tpu.memref_squeeze %dma_start3A_587 : memref<1x!tpu.dma_semaphore, #tpu.memory_space<semaphore_mem>> -> memref<!tpu.dma_semaphore, #tpu.memory_space<semaphore_mem>>
      tpu.enqueue_indirect_dma source(%dma_start3A_586 : memref<20480x32xf32, #tpu.memory_space<hbm>>) target(%dma_start3A_580 : memref<128x32xf32, #tpu.memory_space<vmem>>) offsets(%dma_start3A_583 : memref<128xi32, #tpu.memory_space<vmem>>) semaphore(%dma_start3A_588 : memref<!tpu.dma_semaphore, #tpu.memory_space<semaphore_mem>>)
      %dma_wait3A_589 = arith.constant 2 : i32
      %dma_wait3A_590 = arith.constant 2 : i32
      %dma_wait3A_591 = arith.constant 2 : i32
      %dma_wait3A_592 = arith.constant 0 : i32
      %dma_wait3A_593 = arith.constant 0 : i32
      %dma_wait3A_594 = tpu.memref_slice %arg9[%dma_wait3A_589, %dma_wait3A_592, %dma_wait3A_593] : memref<4x128x32xf32, #tpu.memory_space<vmem>> -> memref<1x128x32xf32, #tpu.memory_space<vmem>>
      %dma_wait3A_595 = tpu.memref_squeeze %dma_wait3A_594 : memref<1x128x32xf32, #tpu.memory_space<vmem>> -> memref<128x32xf32, #tpu.memory_space<vmem>>
      %dma_wait3A_596 = arith.constant 0 : i32
      %dma_wait3A_597 = tpu.memref_slice %arg8[%rem3A_379, %dma_wait3A_590, %dma_wait3A_596] : memref<2x4x128xi32, #tpu.memory_space<vmem>> -> memref<1x1x128xi32, #tpu.memory_space<vmem>>
      %dma_wait3A_598 = tpu.memref_squeeze %dma_wait3A_597 : memref<1x1x128xi32, #tpu.memory_space<vmem>> -> memref<128xi32, #tpu.memory_space<vmem>>
      %dma_wait3A_599 = arith.constant 0 : i32
      %dma_wait3A_600 = arith.constant 0 : i32
      %dma_wait3A_601 = tpu.memref_slice %arg10[%dma_wait3A_599, %dma_wait3A_600] : memref<10240x32xf32, #tpu.memory_space<vmem_shared>> -> memref<10240x32xf32, #tpu.memory_space<vmem_shared>>
      %dma_wait3A_602 = tpu.memref_slice %arg13[%dma_wait3A_591] : memref<4x!tpu.dma_semaphore, #tpu.memory_space<semaphore_mem>> -> memref<1x!tpu.dma_semaphore, #tpu.memory_space<semaphore_mem>>
      %dma_wait3A_603 = tpu.memref_squeeze %dma_wait3A_602 : memref<1x!tpu.dma_semaphore, #tpu.memory_space<semaphore_mem>> -> memref<!tpu.dma_semaphore, #tpu.memory_space<semaphore_mem>>
      tpu.wait_indirect_dma semaphore(%dma_wait3A_603 : memref<!tpu.dma_semaphore, #tpu.memory_space<semaphore_mem>>) src(%dma_wait3A_595 : memref<128x32xf32, #tpu.memory_space<vmem>>) dst(%dma_wait3A_601 : memref<10240x32xf32, #tpu.memory_space<vmem_shared>>)
      %dma_start3A_604 = arith.constant 2 : i32
      %dma_start3A_605 = arith.constant 2 : i32
      %dma_start3A_606 = arith.constant 2 : i32
      %dma_start3A_607 = arith.constant 0 : i32
      %dma_start3A_608 = arith.constant 0 : i32
      %dma_start3A_609 = tpu.memref_slice %arg9[%dma_start3A_605, %dma_start3A_607, %dma_start3A_608] : memref<4x128x32xf32, #tpu.memory_space<vmem>> -> memref<1x128x32xf32, #tpu.memory_space<vmem>>
      %dma_start3A_610 = tpu.memref_squeeze %dma_start3A_609 : memref<1x128x32xf32, #tpu.memory_space<vmem>> -> memref<128x32xf32, #tpu.memory_space<vmem>>
      %dma_start3A_611 = arith.constant 0 : i32
      %dma_start3A_612 = tpu.memref_slice %arg7[%sub3A_380, %dma_start3A_604, %dma_start3A_611] : memref<2x4x128xi32, #tpu.memory_space<vmem>> -> memref<1x1x128xi32, #tpu.memory_space<vmem>>
      %dma_start3A_613 = tpu.memref_squeeze %dma_start3A_612 : memref<1x1x128xi32, #tpu.memory_space<vmem>> -> memref<128xi32, #tpu.memory_space<vmem>>
      %dma_start3A_614 = arith.constant 0 : i32
      %dma_start3A_615 = arith.constant 0 : i32
      %dma_start3A_616 = tpu.memref_slice %arg2[%dma_start3A_614, %dma_start3A_615] : memref<20480x32xf32, #tpu.memory_space<hbm>> -> memref<20480x32xf32, #tpu.memory_space<hbm>>
      %dma_start3A_617 = tpu.memref_slice %arg12[%dma_start3A_606] : memref<4x!tpu.dma_semaphore, #tpu.memory_space<semaphore_mem>> -> memref<1x!tpu.dma_semaphore, #tpu.memory_space<semaphore_mem>>
      %dma_start3A_618 = tpu.memref_squeeze %dma_start3A_617 : memref<1x!tpu.dma_semaphore, #tpu.memory_space<semaphore_mem>> -> memref<!tpu.dma_semaphore, #tpu.memory_space<semaphore_mem>>
      tpu.enqueue_indirect_dma source(%dma_start3A_616 : memref<20480x32xf32, #tpu.memory_space<hbm>>) target(%dma_start3A_610 : memref<128x32xf32, #tpu.memory_space<vmem>>) offsets(%dma_start3A_613 : memref<128xi32, #tpu.memory_space<vmem>>) semaphore(%dma_start3A_618 : memref<!tpu.dma_semaphore, #tpu.memory_space<semaphore_mem>>)
      %dma_wait3A_619 = arith.constant 3 : i32
      %dma_wait3A_620 = arith.constant 3 : i32
      %dma_wait3A_621 = arith.constant 3 : i32
      %dma_wait3A_622 = arith.constant 0 : i32
      %dma_wait3A_623 = arith.constant 0 : i32
      %dma_wait3A_624 = tpu.memref_slice %arg9[%dma_wait3A_619, %dma_wait3A_622, %dma_wait3A_623] : memref<4x128x32xf32, #tpu.memory_space<vmem>> -> memref<1x128x32xf32, #tpu.memory_space<vmem>>
      %dma_wait3A_625 = tpu.memref_squeeze %dma_wait3A_624 : memref<1x128x32xf32, #tpu.memory_space<vmem>> -> memref<128x32xf32, #tpu.memory_space<vmem>>
      %dma_wait3A_626 = arith.constant 0 : i32
      %dma_wait3A_627 = tpu.memref_slice %arg8[%rem3A_379, %dma_wait3A_620, %dma_wait3A_626] : memref<2x4x128xi32, #tpu.memory_space<vmem>> -> memref<1x1x128xi32, #tpu.memory_space<vmem>>
      %dma_wait3A_628 = tpu.memref_squeeze %dma_wait3A_627 : memref<1x1x128xi32, #tpu.memory_space<vmem>> -> memref<128xi32, #tpu.memory_space<vmem>>
      %dma_wait3A_629 = arith.constant 0 : i32
      %dma_wait3A_630 = arith.constant 0 : i32
      %dma_wait3A_631 = tpu.memref_slice %arg10[%dma_wait3A_629, %dma_wait3A_630] : memref<10240x32xf32, #tpu.memory_space<vmem_shared>> -> memref<10240x32xf32, #tpu.memory_space<vmem_shared>>
      %dma_wait3A_632 = tpu.memref_slice %arg13[%dma_wait3A_621] : memref<4x!tpu.dma_semaphore, #tpu.memory_space<semaphore_mem>> -> memref<1x!tpu.dma_semaphore, #tpu.memory_space<semaphore_mem>>
      %dma_wait3A_633 = tpu.memref_squeeze %dma_wait3A_632 : memref<1x!tpu.dma_semaphore, #tpu.memory_space<semaphore_mem>> -> memref<!tpu.dma_semaphore, #tpu.memory_space<semaphore_mem>>
      tpu.wait_indirect_dma semaphore(%dma_wait3A_633 : memref<!tpu.dma_semaphore, #tpu.memory_space<semaphore_mem>>) src(%dma_wait3A_625 : memref<128x32xf32, #tpu.memory_space<vmem>>) dst(%dma_wait3A_631 : memref<10240x32xf32, #tpu.memory_space<vmem_shared>>)
      %dma_start3A_634 = arith.constant 3 : i32
      %dma_start3A_635 = arith.constant 3 : i32
      %dma_start3A_636 = arith.constant 3 : i32
      %dma_start3A_637 = arith.constant 0 : i32
      %dma_start3A_638 = arith.constant 0 : i32
      %dma_start3A_639 = tpu.memref_slice %arg9[%dma_start3A_635, %dma_start3A_637, %dma_start3A_638] : memref<4x128x32xf32, #tpu.memory_space<vmem>> -> memref<1x128x32xf32, #tpu.memory_space<vmem>>
      %dma_start3A_640 = tpu.memref_squeeze %dma_start3A_639 : memref<1x128x32xf32, #tpu.memory_space<vmem>> -> memref<128x32xf32, #tpu.memory_space<vmem>>
      %dma_start3A_641 = arith.constant 0 : i32
      %dma_start3A_642 = tpu.memref_slice %arg7[%sub3A_380, %dma_start3A_634, %dma_start3A_641] : memref<2x4x128xi32, #tpu.memory_space<vmem>> -> memref<1x1x128xi32, #tpu.memory_space<vmem>>
      %dma_start3A_643 = tpu.memref_squeeze %dma_start3A_642 : memref<1x1x128xi32, #tpu.memory_space<vmem>> -> memref<128xi32, #tpu.memory_space<vmem>>
      %dma_start3A_644 = arith.constant 0 : i32
      %dma_start3A_645 = arith.constant 0 : i32
      %dma_start3A_646 = tpu.memref_slice %arg2[%dma_start3A_644, %dma_start3A_645] : memref<20480x32xf32, #tpu.memory_space<hbm>> -> memref<20480x32xf32, #tpu.memory_space<hbm>>
      %dma_start3A_647 = tpu.memref_slice %arg12[%dma_start3A_636] : memref<4x!tpu.dma_semaphore, #tpu.memory_space<semaphore_mem>> -> memref<1x!tpu.dma_semaphore, #tpu.memory_space<semaphore_mem>>
      %dma_start3A_648 = tpu.memref_squeeze %dma_start3A_647 : memref<1x!tpu.dma_semaphore, #tpu.memory_space<semaphore_mem>> -> memref<!tpu.dma_semaphore, #tpu.memory_space<semaphore_mem>>
      tpu.enqueue_indirect_dma source(%dma_start3A_646 : memref<20480x32xf32, #tpu.memory_space<hbm>>) target(%dma_start3A_640 : memref<128x32xf32, #tpu.memory_space<vmem>>) offsets(%dma_start3A_643 : memref<128xi32, #tpu.memory_space<vmem>>) semaphore(%dma_start3A_648 : memref<!tpu.dma_semaphore, #tpu.memory_space<semaphore_mem>>)
      %lt3A = arith.constant 38 : i32
      %lt3A_649 = arith.cmpi slt, %scan3A_378, %lt3A : i32
      %convert_element_type3A = arith.extui %lt3A_649 : i1 to i32
      %cond3A = arith.constant 0 : i32
      %cond3A_650 = arith.cmpi ne, %convert_element_type3A, %cond3A : i32
      scf.if %cond3A_650 {
        %add3A_651 = arith.constant 2 : i32
        %add3A_652 = arith.addi %scan3A_378, %add3A_651 : i32
        %mul3A_653 = arith.constant 4 : i32
        %mul3A_654 = arith.muli %add3A_652, %mul3A_653 : i32
        %add3A_655 = arith.addi %add3A, %mul3A_654 : i32
        %dma_start3A_656 = arith.constant 0 : i32
        %dma_start3A_657 = arith.constant 0 : i32
        %dma_start3A_658 = tpu.memref_slice %arg7[%rem3A_379, %dma_start3A_656, %dma_start3A_657] : memref<2x4x128xi32, #tpu.memory_space<vmem>> -> memref<1x4x128xi32, #tpu.memory_space<vmem>>
        %dma_start3A_659 = tpu.memref_squeeze %dma_start3A_658 : memref<1x4x128xi32, #tpu.memory_space<vmem>> -> memref<4x128xi32, #tpu.memory_space<vmem>>
        %dma_start3A_660 = arith.constant 0 : i32
        %dma_start3A_661 = tpu.memref_slice %arg3[%add3A_655, %dma_start3A_660] : memref<5120x128xi32, #tpu.memory_space<hbm>> -> memref<4x128xi32, #tpu.memory_space<hbm>>
        %dma_start3A_662 = tpu.memref_slice %arg11[%rem3A_379] : memref<2x!tpu.dma_semaphore, #tpu.memory_space<semaphore_mem>> -> memref<1x!tpu.dma_semaphore, #tpu.memory_space<semaphore_mem>>
        %dma_start3A_663 = tpu.memref_squeeze %dma_start3A_662 : memref<1x!tpu.dma_semaphore, #tpu.memory_space<semaphore_mem>> -> memref<!tpu.dma_semaphore, #tpu.memory_space<semaphore_mem>>
        %dma_start3A_664 = arith.constant 0 : i32
        %dma_start3A_665 = arith.constant 0 : i32
        %dma_start3A_666 = tpu.memref_slice %arg7[%rem3A_379, %dma_start3A_664, %dma_start3A_665] : memref<2x4x128xi32, #tpu.memory_space<vmem>> -> memref<1x4x128xi32, #tpu.memory_space<vmem>>
        %dma_start3A_667 = tpu.memref_squeeze %dma_start3A_666 : memref<1x4x128xi32, #tpu.memory_space<vmem>> -> memref<4x128xi32, #tpu.memory_space<vmem>>
        %dma_start3A_668 = arith.constant 0 : i32
        %dma_start3A_669 = tpu.memref_slice %arg3[%add3A_655, %dma_start3A_668] : memref<5120x128xi32, #tpu.memory_space<hbm>> -> memref<4x128xi32, #tpu.memory_space<hbm>>
        tpu.enqueue_dma source(%dma_start3A_669 : memref<4x128xi32, #tpu.memory_space<hbm>>) target(%dma_start3A_667 : memref<4x128xi32, #tpu.memory_space<vmem>>) target_semaphore(%dma_start3A_663 : memref<!tpu.dma_semaphore, #tpu.memory_space<semaphore_mem>>)
        %mul3A_670 = arith.constant 4 : i32
        %mul3A_671 = arith.muli %add3A_652, %mul3A_670 : i32
        %add3A_672 = arith.addi %mul3A_6, %mul3A_671 : i32
        %dma_start3A_673 = arith.constant 0 : i32
        %dma_start3A_674 = arith.constant 0 : i32
        %dma_start3A_675 = tpu.memref_slice %arg8[%rem3A_379, %dma_start3A_673, %dma_start3A_674] : memref<2x4x128xi32, #tpu.memory_space<vmem>> -> memref<1x4x128xi32, #tpu.memory_space<vmem>>
        %dma_start3A_676 = tpu.memref_squeeze %dma_start3A_675 : memref<1x4x128xi32, #tpu.memory_space<vmem>> -> memref<4x128xi32, #tpu.memory_space<vmem>>
        %dma_start3A_677 = arith.constant 0 : i32
        %dma_start3A_678 = tpu.memref_slice %arg4[%add3A_672, %dma_start3A_677] : memref<2560x128xi32, #tpu.memory_space<hbm>> -> memref<4x128xi32, #tpu.memory_space<hbm>>
        %dma_start3A_679 = tpu.memref_slice %arg11[%rem3A_379] : memref<2x!tpu.dma_semaphore, #tpu.memory_space<semaphore_mem>> -> memref<1x!tpu.dma_semaphore, #tpu.memory_space<semaphore_mem>>
        %dma_start3A_680 = tpu.memref_squeeze %dma_start3A_679 : memref<1x!tpu.dma_semaphore, #tpu.memory_space<semaphore_mem>> -> memref<!tpu.dma_semaphore, #tpu.memory_space<semaphore_mem>>
        %dma_start3A_681 = arith.constant 0 : i32
        %dma_start3A_682 = arith.constant 0 : i32
        %dma_start3A_683 = tpu.memref_slice %arg8[%rem3A_379, %dma_start3A_681, %dma_start3A_682] : memref<2x4x128xi32, #tpu.memory_space<vmem>> -> memref<1x4x128xi32, #tpu.memory_space<vmem>>
        %dma_start3A_684 = tpu.memref_squeeze %dma_start3A_683 : memref<1x4x128xi32, #tpu.memory_space<vmem>> -> memref<4x128xi32, #tpu.memory_space<vmem>>
        %dma_start3A_685 = arith.constant 0 : i32
        %dma_start3A_686 = tpu.memref_slice %arg4[%add3A_672, %dma_start3A_685] : memref<2560x128xi32, #tpu.memory_space<hbm>> -> memref<4x128xi32, #tpu.memory_space<hbm>>
        tpu.enqueue_dma source(%dma_start3A_686 : memref<4x128xi32, #tpu.memory_space<hbm>>) target(%dma_start3A_684 : memref<4x128xi32, #tpu.memory_space<vmem>>) target_semaphore(%dma_start3A_680 : memref<!tpu.dma_semaphore, #tpu.memory_space<semaphore_mem>>)
      } else {
      }
    }
    %scan3A_177 = arith.constant 39 : i32
    %dma_wait3A_178 = arith.constant 1 : i32
    %dma_wait3A_179 = arith.constant 0 : i32
    %dma_wait3A_180 = arith.constant 0 : i32
    %dma_wait3A_181 = arith.constant 0 : i32
    %dma_wait3A_182 = arith.constant 0 : i32
    %dma_wait3A_183 = arith.constant 0 : i32
    %dma_wait3A_184 = tpu.memref_slice %arg9[%dma_wait3A_180, %dma_wait3A_182, %dma_wait3A_183] : memref<4x128x32xf32, #tpu.memory_space<vmem>> -> memref<1x128x32xf32, #tpu.memory_space<vmem>>
    %dma_wait3A_185 = tpu.memref_squeeze %dma_wait3A_184 : memref<1x128x32xf32, #tpu.memory_space<vmem>> -> memref<128x32xf32, #tpu.memory_space<vmem>>
    %dma_wait3A_186 = arith.constant 0 : i32
    %dma_wait3A_187 = tpu.memref_slice %arg7[%dma_wait3A_178, %dma_wait3A_179, %dma_wait3A_186] : memref<2x4x128xi32, #tpu.memory_space<vmem>> -> memref<1x1x128xi32, #tpu.memory_space<vmem>>
    %dma_wait3A_188 = tpu.memref_squeeze %dma_wait3A_187 : memref<1x1x128xi32, #tpu.memory_space<vmem>> -> memref<128xi32, #tpu.memory_space<vmem>>
    %dma_wait3A_189 = arith.constant 0 : i32
    %dma_wait3A_190 = arith.constant 0 : i32
    %dma_wait3A_191 = tpu.memref_slice %arg2[%dma_wait3A_189, %dma_wait3A_190] : memref<20480x32xf32, #tpu.memory_space<hbm>> -> memref<20480x32xf32, #tpu.memory_space<hbm>>
    %dma_wait3A_192 = tpu.memref_slice %arg12[%dma_wait3A_181] : memref<4x!tpu.dma_semaphore, #tpu.memory_space<semaphore_mem>> -> memref<1x!tpu.dma_semaphore, #tpu.memory_space<semaphore_mem>>
    %dma_wait3A_193 = tpu.memref_squeeze %dma_wait3A_192 : memref<1x!tpu.dma_semaphore, #tpu.memory_space<semaphore_mem>> -> memref<!tpu.dma_semaphore, #tpu.memory_space<semaphore_mem>>
    tpu.wait_indirect_dma semaphore(%dma_wait3A_193 : memref<!tpu.dma_semaphore, #tpu.memory_space<semaphore_mem>>) src(%dma_wait3A_191 : memref<20480x32xf32, #tpu.memory_space<hbm>>) dst(%dma_wait3A_185 : memref<128x32xf32, #tpu.memory_space<vmem>>)
    %dma_start3A_194 = arith.constant 0 : i32
    %dma_start3A_195 = arith.constant 1 : i32
    %dma_start3A_196 = arith.constant 0 : i32
    %dma_start3A_197 = arith.constant 0 : i32
    %dma_start3A_198 = arith.constant 0 : i32
    %dma_start3A_199 = arith.constant 0 : i32
    %dma_start3A_200 = tpu.memref_slice %arg9[%dma_start3A_194, %dma_start3A_198, %dma_start3A_199] : memref<4x128x32xf32, #tpu.memory_space<vmem>> -> memref<1x128x32xf32, #tpu.memory_space<vmem>>
    %dma_start3A_201 = tpu.memref_squeeze %dma_start3A_200 : memref<1x128x32xf32, #tpu.memory_space<vmem>> -> memref<128x32xf32, #tpu.memory_space<vmem>>
    %dma_start3A_202 = arith.constant 0 : i32
    %dma_start3A_203 = tpu.memref_slice %arg8[%dma_start3A_195, %dma_start3A_196, %dma_start3A_202] : memref<2x4x128xi32, #tpu.memory_space<vmem>> -> memref<1x1x128xi32, #tpu.memory_space<vmem>>
    %dma_start3A_204 = tpu.memref_squeeze %dma_start3A_203 : memref<1x1x128xi32, #tpu.memory_space<vmem>> -> memref<128xi32, #tpu.memory_space<vmem>>
    %dma_start3A_205 = arith.constant 0 : i32
    %dma_start3A_206 = arith.constant 0 : i32
    %dma_start3A_207 = tpu.memref_slice %arg10[%dma_start3A_205, %dma_start3A_206] : memref<10240x32xf32, #tpu.memory_space<vmem_shared>> -> memref<10240x32xf32, #tpu.memory_space<vmem_shared>>
    %dma_start3A_208 = tpu.memref_slice %arg13[%dma_start3A_197] : memref<4x!tpu.dma_semaphore, #tpu.memory_space<semaphore_mem>> -> memref<1x!tpu.dma_semaphore, #tpu.memory_space<semaphore_mem>>
    %dma_start3A_209 = tpu.memref_squeeze %dma_start3A_208 : memref<1x!tpu.dma_semaphore, #tpu.memory_space<semaphore_mem>> -> memref<!tpu.dma_semaphore, #tpu.memory_space<semaphore_mem>>
    tpu.enqueue_indirect_dma source(%dma_start3A_201 : memref<128x32xf32, #tpu.memory_space<vmem>>) target(%dma_start3A_207 : memref<10240x32xf32, #tpu.memory_space<vmem_shared>>) offsets(%dma_start3A_204 : memref<128xi32, #tpu.memory_space<vmem>>) semaphore(%dma_start3A_209 : memref<!tpu.dma_semaphore, #tpu.memory_space<semaphore_mem>>) {add = true}
    %dma_wait3A_210 = arith.constant 1 : i32
    %dma_wait3A_211 = arith.constant 1 : i32
    %dma_wait3A_212 = arith.constant 1 : i32
    %dma_wait3A_213 = arith.constant 1 : i32
    %dma_wait3A_214 = arith.constant 0 : i32
    %dma_wait3A_215 = arith.constant 0 : i32
    %dma_wait3A_216 = tpu.memref_slice %arg9[%dma_wait3A_212, %dma_wait3A_214, %dma_wait3A_215] : memref<4x128x32xf32, #tpu.memory_space<vmem>> -> memref<1x128x32xf32, #tpu.memory_space<vmem>>
    %dma_wait3A_217 = tpu.memref_squeeze %dma_wait3A_216 : memref<1x128x32xf32, #tpu.memory_space<vmem>> -> memref<128x32xf32, #tpu.memory_space<vmem>>
    %dma_wait3A_218 = arith.constant 0 : i32
    %dma_wait3A_219 = tpu.memref_slice %arg7[%dma_wait3A_210, %dma_wait3A_211, %dma_wait3A_218] : memref<2x4x128xi32, #tpu.memory_space<vmem>> -> memref<1x1x128xi32, #tpu.memory_space<vmem>>
    %dma_wait3A_220 = tpu.memref_squeeze %dma_wait3A_219 : memref<1x1x128xi32, #tpu.memory_space<vmem>> -> memref<128xi32, #tpu.memory_space<vmem>>
    %dma_wait3A_221 = arith.constant 0 : i32
    %dma_wait3A_222 = arith.constant 0 : i32
    %dma_wait3A_223 = tpu.memref_slice %arg2[%dma_wait3A_221, %dma_wait3A_222] : memref<20480x32xf32, #tpu.memory_space<hbm>> -> memref<20480x32xf32, #tpu.memory_space<hbm>>
    %dma_wait3A_224 = tpu.memref_slice %arg12[%dma_wait3A_213] : memref<4x!tpu.dma_semaphore, #tpu.memory_space<semaphore_mem>> -> memref<1x!tpu.dma_semaphore, #tpu.memory_space<semaphore_mem>>
    %dma_wait3A_225 = tpu.memref_squeeze %dma_wait3A_224 : memref<1x!tpu.dma_semaphore, #tpu.memory_space<semaphore_mem>> -> memref<!tpu.dma_semaphore, #tpu.memory_space<semaphore_mem>>
    tpu.wait_indirect_dma semaphore(%dma_wait3A_225 : memref<!tpu.dma_semaphore, #tpu.memory_space<semaphore_mem>>) src(%dma_wait3A_223 : memref<20480x32xf32, #tpu.memory_space<hbm>>) dst(%dma_wait3A_217 : memref<128x32xf32, #tpu.memory_space<vmem>>)
    %dma_start3A_226 = arith.constant 1 : i32
    %dma_start3A_227 = arith.constant 1 : i32
    %dma_start3A_228 = arith.constant 1 : i32
    %dma_start3A_229 = arith.constant 1 : i32
    %dma_start3A_230 = arith.constant 0 : i32
    %dma_start3A_231 = arith.constant 0 : i32
    %dma_start3A_232 = tpu.memref_slice %arg9[%dma_start3A_226, %dma_start3A_230, %dma_start3A_231] : memref<4x128x32xf32, #tpu.memory_space<vmem>> -> memref<1x128x32xf32, #tpu.memory_space<vmem>>
    %dma_start3A_233 = tpu.memref_squeeze %dma_start3A_232 : memref<1x128x32xf32, #tpu.memory_space<vmem>> -> memref<128x32xf32, #tpu.memory_space<vmem>>
    %dma_start3A_234 = arith.constant 0 : i32
    %dma_start3A_235 = tpu.memref_slice %arg8[%dma_start3A_227, %dma_start3A_228, %dma_start3A_234] : memref<2x4x128xi32, #tpu.memory_space<vmem>> -> memref<1x1x128xi32, #tpu.memory_space<vmem>>
    %dma_start3A_236 = tpu.memref_squeeze %dma_start3A_235 : memref<1x1x128xi32, #tpu.memory_space<vmem>> -> memref<128xi32, #tpu.memory_space<vmem>>
    %dma_start3A_237 = arith.constant 0 : i32
    %dma_start3A_238 = arith.constant 0 : i32
    %dma_start3A_239 = tpu.memref_slice %arg10[%dma_start3A_237, %dma_start3A_238] : memref<10240x32xf32, #tpu.memory_space<vmem_shared>> -> memref<10240x32xf32, #tpu.memory_space<vmem_shared>>
    %dma_start3A_240 = tpu.memref_slice %arg13[%dma_start3A_229] : memref<4x!tpu.dma_semaphore, #tpu.memory_space<semaphore_mem>> -> memref<1x!tpu.dma_semaphore, #tpu.memory_space<semaphore_mem>>
    %dma_start3A_241 = tpu.memref_squeeze %dma_start3A_240 : memref<1x!tpu.dma_semaphore, #tpu.memory_space<semaphore_mem>> -> memref<!tpu.dma_semaphore, #tpu.memory_space<semaphore_mem>>
    tpu.enqueue_indirect_dma source(%dma_start3A_233 : memref<128x32xf32, #tpu.memory_space<vmem>>) target(%dma_start3A_239 : memref<10240x32xf32, #tpu.memory_space<vmem_shared>>) offsets(%dma_start3A_236 : memref<128xi32, #tpu.memory_space<vmem>>) semaphore(%dma_start3A_241 : memref<!tpu.dma_semaphore, #tpu.memory_space<semaphore_mem>>) {add = true}
    %dma_wait3A_242 = arith.constant 1 : i32
    %dma_wait3A_243 = arith.constant 2 : i32
    %dma_wait3A_244 = arith.constant 2 : i32
    %dma_wait3A_245 = arith.constant 2 : i32
    %dma_wait3A_246 = arith.constant 0 : i32
    %dma_wait3A_247 = arith.constant 0 : i32
    %dma_wait3A_248 = tpu.memref_slice %arg9[%dma_wait3A_244, %dma_wait3A_246, %dma_wait3A_247] : memref<4x128x32xf32, #tpu.memory_space<vmem>> -> memref<1x128x32xf32, #tpu.memory_space<vmem>>
    %dma_wait3A_249 = tpu.memref_squeeze %dma_wait3A_248 : memref<1x128x32xf32, #tpu.memory_space<vmem>> -> memref<128x32xf32, #tpu.memory_space<vmem>>
    %dma_wait3A_250 = arith.constant 0 : i32
    %dma_wait3A_251 = tpu.memref_slice %arg7[%dma_wait3A_242, %dma_wait3A_243, %dma_wait3A_250] : memref<2x4x128xi32, #tpu.memory_space<vmem>> -> memref<1x1x128xi32, #tpu.memory_space<vmem>>
    %dma_wait3A_252 = tpu.memref_squeeze %dma_wait3A_251 : memref<1x1x128xi32, #tpu.memory_space<vmem>> -> memref<128xi32, #tpu.memory_space<vmem>>
    %dma_wait3A_253 = arith.constant 0 : i32
    %dma_wait3A_254 = arith.constant 0 : i32
    %dma_wait3A_255 = tpu.memref_slice %arg2[%dma_wait3A_253, %dma_wait3A_254] : memref<20480x32xf32, #tpu.memory_space<hbm>> -> memref<20480x32xf32, #tpu.memory_space<hbm>>
    %dma_wait3A_256 = tpu.memref_slice %arg12[%dma_wait3A_245] : memref<4x!tpu.dma_semaphore, #tpu.memory_space<semaphore_mem>> -> memref<1x!tpu.dma_semaphore, #tpu.memory_space<semaphore_mem>>
    %dma_wait3A_257 = tpu.memref_squeeze %dma_wait3A_256 : memref<1x!tpu.dma_semaphore, #tpu.memory_space<semaphore_mem>> -> memref<!tpu.dma_semaphore, #tpu.memory_space<semaphore_mem>>
    tpu.wait_indirect_dma semaphore(%dma_wait3A_257 : memref<!tpu.dma_semaphore, #tpu.memory_space<semaphore_mem>>) src(%dma_wait3A_255 : memref<20480x32xf32, #tpu.memory_space<hbm>>) dst(%dma_wait3A_249 : memref<128x32xf32, #tpu.memory_space<vmem>>)
    %dma_start3A_258 = arith.constant 2 : i32
    %dma_start3A_259 = arith.constant 1 : i32
    %dma_start3A_260 = arith.constant 2 : i32
    %dma_start3A_261 = arith.constant 2 : i32
    %dma_start3A_262 = arith.constant 0 : i32
    %dma_start3A_263 = arith.constant 0 : i32
    %dma_start3A_264 = tpu.memref_slice %arg9[%dma_start3A_258, %dma_start3A_262, %dma_start3A_263] : memref<4x128x32xf32, #tpu.memory_space<vmem>> -> memref<1x128x32xf32, #tpu.memory_space<vmem>>
    %dma_start3A_265 = tpu.memref_squeeze %dma_start3A_264 : memref<1x128x32xf32, #tpu.memory_space<vmem>> -> memref<128x32xf32, #tpu.memory_space<vmem>>
    %dma_start3A_266 = arith.constant 0 : i32
    %dma_start3A_267 = tpu.memref_slice %arg8[%dma_start3A_259, %dma_start3A_260, %dma_start3A_266] : memref<2x4x128xi32, #tpu.memory_space<vmem>> -> memref<1x1x128xi32, #tpu.memory_space<vmem>>
    %dma_start3A_268 = tpu.memref_squeeze %dma_start3A_267 : memref<1x1x128xi32, #tpu.memory_space<vmem>> -> memref<128xi32, #tpu.memory_space<vmem>>
    %dma_start3A_269 = arith.constant 0 : i32
    %dma_start3A_270 = arith.constant 0 : i32
    %dma_start3A_271 = tpu.memref_slice %arg10[%dma_start3A_269, %dma_start3A_270] : memref<10240x32xf32, #tpu.memory_space<vmem_shared>> -> memref<10240x32xf32, #tpu.memory_space<vmem_shared>>
    %dma_start3A_272 = tpu.memref_slice %arg13[%dma_start3A_261] : memref<4x!tpu.dma_semaphore, #tpu.memory_space<semaphore_mem>> -> memref<1x!tpu.dma_semaphore, #tpu.memory_space<semaphore_mem>>
    %dma_start3A_273 = tpu.memref_squeeze %dma_start3A_272 : memref<1x!tpu.dma_semaphore, #tpu.memory_space<semaphore_mem>> -> memref<!tpu.dma_semaphore, #tpu.memory_space<semaphore_mem>>
    tpu.enqueue_indirect_dma source(%dma_start3A_265 : memref<128x32xf32, #tpu.memory_space<vmem>>) target(%dma_start3A_271 : memref<10240x32xf32, #tpu.memory_space<vmem_shared>>) offsets(%dma_start3A_268 : memref<128xi32, #tpu.memory_space<vmem>>) semaphore(%dma_start3A_273 : memref<!tpu.dma_semaphore, #tpu.memory_space<semaphore_mem>>) {add = true}
    %dma_wait3A_274 = arith.constant 1 : i32
    %dma_wait3A_275 = arith.constant 3 : i32
    %dma_wait3A_276 = arith.constant 3 : i32
    %dma_wait3A_277 = arith.constant 3 : i32
    %dma_wait3A_278 = arith.constant 0 : i32
    %dma_wait3A_279 = arith.constant 0 : i32
    %dma_wait3A_280 = tpu.memref_slice %arg9[%dma_wait3A_276, %dma_wait3A_278, %dma_wait3A_279] : memref<4x128x32xf32, #tpu.memory_space<vmem>> -> memref<1x128x32xf32, #tpu.memory_space<vmem>>
    %dma_wait3A_281 = tpu.memref_squeeze %dma_wait3A_280 : memref<1x128x32xf32, #tpu.memory_space<vmem>> -> memref<128x32xf32, #tpu.memory_space<vmem>>
    %dma_wait3A_282 = arith.constant 0 : i32
    %dma_wait3A_283 = tpu.memref_slice %arg7[%dma_wait3A_274, %dma_wait3A_275, %dma_wait3A_282] : memref<2x4x128xi32, #tpu.memory_space<vmem>> -> memref<1x1x128xi32, #tpu.memory_space<vmem>>
    %dma_wait3A_284 = tpu.memref_squeeze %dma_wait3A_283 : memref<1x1x128xi32, #tpu.memory_space<vmem>> -> memref<128xi32, #tpu.memory_space<vmem>>
    %dma_wait3A_285 = arith.constant 0 : i32
    %dma_wait3A_286 = arith.constant 0 : i32
    %dma_wait3A_287 = tpu.memref_slice %arg2[%dma_wait3A_285, %dma_wait3A_286] : memref<20480x32xf32, #tpu.memory_space<hbm>> -> memref<20480x32xf32, #tpu.memory_space<hbm>>
    %dma_wait3A_288 = tpu.memref_slice %arg12[%dma_wait3A_277] : memref<4x!tpu.dma_semaphore, #tpu.memory_space<semaphore_mem>> -> memref<1x!tpu.dma_semaphore, #tpu.memory_space<semaphore_mem>>
    %dma_wait3A_289 = tpu.memref_squeeze %dma_wait3A_288 : memref<1x!tpu.dma_semaphore, #tpu.memory_space<semaphore_mem>> -> memref<!tpu.dma_semaphore, #tpu.memory_space<semaphore_mem>>
    tpu.wait_indirect_dma semaphore(%dma_wait3A_289 : memref<!tpu.dma_semaphore, #tpu.memory_space<semaphore_mem>>) src(%dma_wait3A_287 : memref<20480x32xf32, #tpu.memory_space<hbm>>) dst(%dma_wait3A_281 : memref<128x32xf32, #tpu.memory_space<vmem>>)
    %dma_start3A_290 = arith.constant 3 : i32
    %dma_start3A_291 = arith.constant 1 : i32
    %dma_start3A_292 = arith.constant 3 : i32
    %dma_start3A_293 = arith.constant 3 : i32
    %dma_start3A_294 = arith.constant 0 : i32
    %dma_start3A_295 = arith.constant 0 : i32
    %dma_start3A_296 = tpu.memref_slice %arg9[%dma_start3A_290, %dma_start3A_294, %dma_start3A_295] : memref<4x128x32xf32, #tpu.memory_space<vmem>> -> memref<1x128x32xf32, #tpu.memory_space<vmem>>
    %dma_start3A_297 = tpu.memref_squeeze %dma_start3A_296 : memref<1x128x32xf32, #tpu.memory_space<vmem>> -> memref<128x32xf32, #tpu.memory_space<vmem>>
    %dma_start3A_298 = arith.constant 0 : i32
    %dma_start3A_299 = tpu.memref_slice %arg8[%dma_start3A_291, %dma_start3A_292, %dma_start3A_298] : memref<2x4x128xi32, #tpu.memory_space<vmem>> -> memref<1x1x128xi32, #tpu.memory_space<vmem>>
    %dma_start3A_300 = tpu.memref_squeeze %dma_start3A_299 : memref<1x1x128xi32, #tpu.memory_space<vmem>> -> memref<128xi32, #tpu.memory_space<vmem>>
    %dma_start3A_301 = arith.constant 0 : i32
    %dma_start3A_302 = arith.constant 0 : i32
    %dma_start3A_303 = tpu.memref_slice %arg10[%dma_start3A_301, %dma_start3A_302] : memref<10240x32xf32, #tpu.memory_space<vmem_shared>> -> memref<10240x32xf32, #tpu.memory_space<vmem_shared>>
    %dma_start3A_304 = tpu.memref_slice %arg13[%dma_start3A_293] : memref<4x!tpu.dma_semaphore, #tpu.memory_space<semaphore_mem>> -> memref<1x!tpu.dma_semaphore, #tpu.memory_space<semaphore_mem>>
    %dma_start3A_305 = tpu.memref_squeeze %dma_start3A_304 : memref<1x!tpu.dma_semaphore, #tpu.memory_space<semaphore_mem>> -> memref<!tpu.dma_semaphore, #tpu.memory_space<semaphore_mem>>
    tpu.enqueue_indirect_dma source(%dma_start3A_297 : memref<128x32xf32, #tpu.memory_space<vmem>>) target(%dma_start3A_303 : memref<10240x32xf32, #tpu.memory_space<vmem_shared>>) offsets(%dma_start3A_300 : memref<128xi32, #tpu.memory_space<vmem>>) semaphore(%dma_start3A_305 : memref<!tpu.dma_semaphore, #tpu.memory_space<semaphore_mem>>) {add = true}
    %dma_wait3A_306 = arith.constant 0 : i32
    %dma_wait3A_307 = arith.constant 1 : i32
    %dma_wait3A_308 = arith.constant 0 : i32
    %dma_wait3A_309 = arith.constant 0 : i32
    %dma_wait3A_310 = arith.constant 0 : i32
    %dma_wait3A_311 = arith.constant 0 : i32
    %dma_wait3A_312 = tpu.memref_slice %arg9[%dma_wait3A_306, %dma_wait3A_310, %dma_wait3A_311] : memref<4x128x32xf32, #tpu.memory_space<vmem>> -> memref<1x128x32xf32, #tpu.memory_space<vmem>>
    %dma_wait3A_313 = tpu.memref_squeeze %dma_wait3A_312 : memref<1x128x32xf32, #tpu.memory_space<vmem>> -> memref<128x32xf32, #tpu.memory_space<vmem>>
    %dma_wait3A_314 = arith.constant 0 : i32
    %dma_wait3A_315 = tpu.memref_slice %arg8[%dma_wait3A_307, %dma_wait3A_308, %dma_wait3A_314] : memref<2x4x128xi32, #tpu.memory_space<vmem>> -> memref<1x1x128xi32, #tpu.memory_space<vmem>>
    %dma_wait3A_316 = tpu.memref_squeeze %dma_wait3A_315 : memref<1x1x128xi32, #tpu.memory_space<vmem>> -> memref<128xi32, #tpu.memory_space<vmem>>
    %dma_wait3A_317 = arith.constant 0 : i32
    %dma_wait3A_318 = arith.constant 0 : i32
    %dma_wait3A_319 = tpu.memref_slice %arg10[%dma_wait3A_317, %dma_wait3A_318] : memref<10240x32xf32, #tpu.memory_space<vmem_shared>> -> memref<10240x32xf32, #tpu.memory_space<vmem_shared>>
    %dma_wait3A_320 = tpu.memref_slice %arg13[%dma_wait3A_309] : memref<4x!tpu.dma_semaphore, #tpu.memory_space<semaphore_mem>> -> memref<1x!tpu.dma_semaphore, #tpu.memory_space<semaphore_mem>>
    %dma_wait3A_321 = tpu.memref_squeeze %dma_wait3A_320 : memref<1x!tpu.dma_semaphore, #tpu.memory_space<semaphore_mem>> -> memref<!tpu.dma_semaphore, #tpu.memory_space<semaphore_mem>>
    tpu.wait_indirect_dma semaphore(%dma_wait3A_321 : memref<!tpu.dma_semaphore, #tpu.memory_space<semaphore_mem>>) src(%dma_wait3A_313 : memref<128x32xf32, #tpu.memory_space<vmem>>) dst(%dma_wait3A_319 : memref<10240x32xf32, #tpu.memory_space<vmem_shared>>)
    %dma_wait3A_322 = arith.constant 1 : i32
    %dma_wait3A_323 = arith.constant 1 : i32
    %dma_wait3A_324 = arith.constant 1 : i32
    %dma_wait3A_325 = arith.constant 1 : i32
    %dma_wait3A_326 = arith.constant 0 : i32
    %dma_wait3A_327 = arith.constant 0 : i32
    %dma_wait3A_328 = tpu.memref_slice %arg9[%dma_wait3A_322, %dma_wait3A_326, %dma_wait3A_327] : memref<4x128x32xf32, #tpu.memory_space<vmem>> -> memref<1x128x32xf32, #tpu.memory_space<vmem>>
    %dma_wait3A_329 = tpu.memref_squeeze %dma_wait3A_328 : memref<1x128x32xf32, #tpu.memory_space<vmem>> -> memref<128x32xf32, #tpu.memory_space<vmem>>
    %dma_wait3A_330 = arith.constant 0 : i32
    %dma_wait3A_331 = tpu.memref_slice %arg8[%dma_wait3A_323, %dma_wait3A_324, %dma_wait3A_330] : memref<2x4x128xi32, #tpu.memory_space<vmem>> -> memref<1x1x128xi32, #tpu.memory_space<vmem>>
    %dma_wait3A_332 = tpu.memref_squeeze %dma_wait3A_331 : memref<1x1x128xi32, #tpu.memory_space<vmem>> -> memref<128xi32, #tpu.memory_space<vmem>>
    %dma_wait3A_333 = arith.constant 0 : i32
    %dma_wait3A_334 = arith.constant 0 : i32
    %dma_wait3A_335 = tpu.memref_slice %arg10[%dma_wait3A_333, %dma_wait3A_334] : memref<10240x32xf32, #tpu.memory_space<vmem_shared>> -> memref<10240x32xf32, #tpu.memory_space<vmem_shared>>
    %dma_wait3A_336 = tpu.memref_slice %arg13[%dma_wait3A_325] : memref<4x!tpu.dma_semaphore, #tpu.memory_space<semaphore_mem>> -> memref<1x!tpu.dma_semaphore, #tpu.memory_space<semaphore_mem>>
    %dma_wait3A_337 = tpu.memref_squeeze %dma_wait3A_336 : memref<1x!tpu.dma_semaphore, #tpu.memory_space<semaphore_mem>> -> memref<!tpu.dma_semaphore, #tpu.memory_space<semaphore_mem>>
    tpu.wait_indirect_dma semaphore(%dma_wait3A_337 : memref<!tpu.dma_semaphore, #tpu.memory_space<semaphore_mem>>) src(%dma_wait3A_329 : memref<128x32xf32, #tpu.memory_space<vmem>>) dst(%dma_wait3A_335 : memref<10240x32xf32, #tpu.memory_space<vmem_shared>>)
    %dma_wait3A_338 = arith.constant 2 : i32
    %dma_wait3A_339 = arith.constant 1 : i32
    %dma_wait3A_340 = arith.constant 2 : i32
    %dma_wait3A_341 = arith.constant 2 : i32
    %dma_wait3A_342 = arith.constant 0 : i32
    %dma_wait3A_343 = arith.constant 0 : i32
    %dma_wait3A_344 = tpu.memref_slice %arg9[%dma_wait3A_338, %dma_wait3A_342, %dma_wait3A_343] : memref<4x128x32xf32, #tpu.memory_space<vmem>> -> memref<1x128x32xf32, #tpu.memory_space<vmem>>
    %dma_wait3A_345 = tpu.memref_squeeze %dma_wait3A_344 : memref<1x128x32xf32, #tpu.memory_space<vmem>> -> memref<128x32xf32, #tpu.memory_space<vmem>>
    %dma_wait3A_346 = arith.constant 0 : i32
    %dma_wait3A_347 = tpu.memref_slice %arg8[%dma_wait3A_339, %dma_wait3A_340, %dma_wait3A_346] : memref<2x4x128xi32, #tpu.memory_space<vmem>> -> memref<1x1x128xi32, #tpu.memory_space<vmem>>
    %dma_wait3A_348 = tpu.memref_squeeze %dma_wait3A_347 : memref<1x1x128xi32, #tpu.memory_space<vmem>> -> memref<128xi32, #tpu.memory_space<vmem>>
    %dma_wait3A_349 = arith.constant 0 : i32
    %dma_wait3A_350 = arith.constant 0 : i32
    %dma_wait3A_351 = tpu.memref_slice %arg10[%dma_wait3A_349, %dma_wait3A_350] : memref<10240x32xf32, #tpu.memory_space<vmem_shared>> -> memref<10240x32xf32, #tpu.memory_space<vmem_shared>>
    %dma_wait3A_352 = tpu.memref_slice %arg13[%dma_wait3A_341] : memref<4x!tpu.dma_semaphore, #tpu.memory_space<semaphore_mem>> -> memref<1x!tpu.dma_semaphore, #tpu.memory_space<semaphore_mem>>
    %dma_wait3A_353 = tpu.memref_squeeze %dma_wait3A_352 : memref<1x!tpu.dma_semaphore, #tpu.memory_space<semaphore_mem>> -> memref<!tpu.dma_semaphore, #tpu.memory_space<semaphore_mem>>
    tpu.wait_indirect_dma semaphore(%dma_wait3A_353 : memref<!tpu.dma_semaphore, #tpu.memory_space<semaphore_mem>>) src(%dma_wait3A_345 : memref<128x32xf32, #tpu.memory_space<vmem>>) dst(%dma_wait3A_351 : memref<10240x32xf32, #tpu.memory_space<vmem_shared>>)
    %dma_wait3A_354 = arith.constant 3 : i32
    %dma_wait3A_355 = arith.constant 1 : i32
    %dma_wait3A_356 = arith.constant 3 : i32
    %dma_wait3A_357 = arith.constant 3 : i32
    %dma_wait3A_358 = arith.constant 0 : i32
    %dma_wait3A_359 = arith.constant 0 : i32
    %dma_wait3A_360 = tpu.memref_slice %arg9[%dma_wait3A_354, %dma_wait3A_358, %dma_wait3A_359] : memref<4x128x32xf32, #tpu.memory_space<vmem>> -> memref<1x128x32xf32, #tpu.memory_space<vmem>>
    %dma_wait3A_361 = tpu.memref_squeeze %dma_wait3A_360 : memref<1x128x32xf32, #tpu.memory_space<vmem>> -> memref<128x32xf32, #tpu.memory_space<vmem>>
    %dma_wait3A_362 = arith.constant 0 : i32
    %dma_wait3A_363 = tpu.memref_slice %arg8[%dma_wait3A_355, %dma_wait3A_356, %dma_wait3A_362] : memref<2x4x128xi32, #tpu.memory_space<vmem>> -> memref<1x1x128xi32, #tpu.memory_space<vmem>>
    %dma_wait3A_364 = tpu.memref_squeeze %dma_wait3A_363 : memref<1x1x128xi32, #tpu.memory_space<vmem>> -> memref<128xi32, #tpu.memory_space<vmem>>
    %dma_wait3A_365 = arith.constant 0 : i32
    %dma_wait3A_366 = arith.constant 0 : i32
    %dma_wait3A_367 = tpu.memref_slice %arg10[%dma_wait3A_365, %dma_wait3A_366] : memref<10240x32xf32, #tpu.memory_space<vmem_shared>> -> memref<10240x32xf32, #tpu.memory_space<vmem_shared>>
    %dma_wait3A_368 = tpu.memref_slice %arg13[%dma_wait3A_357] : memref<4x!tpu.dma_semaphore, #tpu.memory_space<semaphore_mem>> -> memref<1x!tpu.dma_semaphore, #tpu.memory_space<semaphore_mem>>
    %dma_wait3A_369 = tpu.memref_squeeze %dma_wait3A_368 : memref<1x!tpu.dma_semaphore, #tpu.memory_space<semaphore_mem>> -> memref<!tpu.dma_semaphore, #tpu.memory_space<semaphore_mem>>
    tpu.wait_indirect_dma semaphore(%dma_wait3A_369 : memref<!tpu.dma_semaphore, #tpu.memory_space<semaphore_mem>>) src(%dma_wait3A_361 : memref<128x32xf32, #tpu.memory_space<vmem>>) dst(%dma_wait3A_367 : memref<10240x32xf32, #tpu.memory_space<vmem_shared>>)
    %barrier3A_370 = arith.constant 0 : index
    tpu.barrier barrier_id(%barrier3A_370)
    %mul3A_371 = arith.constant 10240 : i32
    %mul3A_372 = arith.muli %arg0, %mul3A_371 : i32
    %mul3A_373 = arith.constant 640 : i32
    %mul3A_374 = arith.muli %arg1, %mul3A_373 : i32
    %add3A_375 = arith.addi %mul3A_372, %mul3A_374 : i32
    %mul3A_376 = arith.constant 640 : i32
    %mul3A_377 = arith.muli %arg1, %mul3A_376 : i32
    "tpu.region"() ({
      %run_scoped3A = tpu.sem_alloc : memref<!tpu.dma_semaphore, #tpu.memory_space<semaphore_mem>>
      %dma_start3A_378 = arith.constant 0 : i32
      %dma_start3A_379 = tpu.memref_slice %arg6[%add3A_375, %dma_start3A_378] : memref<20480x32xf32, #tpu.memory_space<hbm>> -> memref<640x32xf32, #tpu.memory_space<hbm>>
      %dma_start3A_380 = arith.constant 0 : i32
      %dma_start3A_381 = tpu.memref_slice %arg10[%mul3A_377, %dma_start3A_380] : memref<10240x32xf32, #tpu.memory_space<vmem_shared>> -> memref<640x32xf32, #tpu.memory_space<vmem_shared>>
      tpu.enqueue_dma source(%dma_start3A_381 : memref<640x32xf32, #tpu.memory_space<vmem_shared>>) target(%dma_start3A_379 : memref<640x32xf32, #tpu.memory_space<hbm>>) target_semaphore(%run_scoped3A : memref<!tpu.dma_semaphore, #tpu.memory_space<semaphore_mem>>)
      %dma_wait3A_382 = arith.constant 0 : i32
      %dma_wait3A_383 = tpu.memref_slice %arg6[%add3A_375, %dma_wait3A_382] : memref<20480x32xf32, #tpu.memory_space<hbm>> -> memref<640x32xf32, #tpu.memory_space<hbm>>
      %dma_wait3A_384 = arith.constant 0 : i32
      %dma_wait3A_385 = tpu.memref_slice %arg10[%mul3A_377, %dma_wait3A_384] : memref<10240x32xf32, #tpu.memory_space<vmem_shared>> -> memref<640x32xf32, #tpu.memory_space<vmem_shared>>
      tpu.wait_dma2 semaphore(%run_scoped3A : memref<!tpu.dma_semaphore, #tpu.memory_space<semaphore_mem>>) src(%dma_wait3A_385 : memref<640x32xf32, #tpu.memory_space<vmem_shared>>) dst(%dma_wait3A_383 : memref<640x32xf32, #tpu.memory_space<hbm>>)
      tpu.yield
    }) : () -> ()
    return
  }
}

#map = affine_map<(d0, d1) -> (0, 0)>
module attributes {stable_mosaic.version = 14 : i64} {
  func.func @_agg_kernel(%arg0: i32, %arg1: i32, %arg2: memref<20480x64xf32, #tpu.memory_space<hbm>>, %arg3: memref<5120x128xi32, #tpu.memory_space<hbm>>, %arg4: memref<2560x128xi32, #tpu.memory_space<hbm>>, %arg5: memref<640x64xf32, #tpu.memory_space<hbm>>, %arg6: memref<20480x64xf32, #tpu.memory_space<hbm>>, %arg7: memref<2x4x128xi32, #tpu.memory_space<vmem>>, %arg8: memref<2x4x128xi32, #tpu.memory_space<vmem>>, %arg9: memref<4x128x64xf32, #tpu.memory_space<vmem>>, %arg10: memref<10240x64xf32, #tpu.memory_space<vmem_shared>>, %arg11: memref<2x!tpu.dma_semaphore, #tpu.memory_space<semaphore_mem>>, %arg12: memref<4x!tpu.dma_semaphore, #tpu.memory_space<semaphore_mem>>, %arg13: memref<4x!tpu.dma_semaphore, #tpu.memory_space<semaphore_mem>>) attributes {dimension_semantics = [#tpu.dimension_semantics<core_parallel>, #tpu.dimension_semantics<subcore_parallel>], iteration_bounds = array<i64: 2, 16>, scalar_prefetch = 0 : i64, scratch_operands = 7 : i64, tpu.core_type = #tpu.core_type<sc_vector_subcore>, window_params = [{transform_indices = #map}, {transform_indices = #map}, {transform_indices = #map}, {transform_indices = #map}, {transform_indices = #map}]} {
    %mul3A = arith.constant 640 : i32
    %mul3A_0 = arith.muli %arg1, %mul3A : i32
    "tpu.region"() ({
      %run_scoped3A = tpu.sem_alloc : memref<!tpu.dma_semaphore, #tpu.memory_space<semaphore_mem>>
      %dma_start3A_378 = arith.constant 0 : i32
      %dma_start3A_379 = tpu.memref_slice %arg10[%mul3A_0, %dma_start3A_378] : memref<10240x64xf32, #tpu.memory_space<vmem_shared>> -> memref<640x64xf32, #tpu.memory_space<vmem_shared>>
      tpu.enqueue_dma source(%arg5 : memref<640x64xf32, #tpu.memory_space<hbm>>) target(%dma_start3A_379 : memref<640x64xf32, #tpu.memory_space<vmem_shared>>) target_semaphore(%run_scoped3A : memref<!tpu.dma_semaphore, #tpu.memory_space<semaphore_mem>>)
      %dma_wait3A_380 = arith.constant 0 : i32
      %dma_wait3A_381 = tpu.memref_slice %arg10[%mul3A_0, %dma_wait3A_380] : memref<10240x64xf32, #tpu.memory_space<vmem_shared>> -> memref<640x64xf32, #tpu.memory_space<vmem_shared>>
      tpu.wait_dma2 semaphore(%run_scoped3A : memref<!tpu.dma_semaphore, #tpu.memory_space<semaphore_mem>>) src(%arg5 : memref<640x64xf32, #tpu.memory_space<hbm>>) dst(%dma_wait3A_381 : memref<640x64xf32, #tpu.memory_space<vmem_shared>>)
      tpu.yield
    }) : () -> ()
    %mul3A_1 = arith.constant 2560 : i32
    %mul3A_2 = arith.muli %arg0, %mul3A_1 : i32
    %mul3A_3 = arith.constant 160 : i32
    %mul3A_4 = arith.muli %arg1, %mul3A_3 : i32
    %add3A = arith.addi %mul3A_2, %mul3A_4 : i32
    %mul3A_5 = arith.constant 160 : i32
    %mul3A_6 = arith.muli %arg1, %mul3A_5 : i32
    %add3A_7 = arith.constant 0 : i32
    %add3A_8 = arith.addi %add3A, %add3A_7 : i32
    %dma_start3A = arith.constant 0 : i32
    %dma_start3A_9 = arith.constant 0 : i32
    %dma_start3A_10 = arith.constant 0 : i32
    %dma_start3A_11 = arith.constant 0 : i32
    %dma_start3A_12 = tpu.memref_slice %arg7[%dma_start3A, %dma_start3A_10, %dma_start3A_11] : memref<2x4x128xi32, #tpu.memory_space<vmem>> -> memref<1x4x128xi32, #tpu.memory_space<vmem>>
    %dma_start3A_13 = tpu.memref_squeeze %dma_start3A_12 : memref<1x4x128xi32, #tpu.memory_space<vmem>> -> memref<4x128xi32, #tpu.memory_space<vmem>>
    %dma_start3A_14 = arith.constant 0 : i32
    %dma_start3A_15 = tpu.memref_slice %arg3[%add3A_8, %dma_start3A_14] : memref<5120x128xi32, #tpu.memory_space<hbm>> -> memref<4x128xi32, #tpu.memory_space<hbm>>
    %dma_start3A_16 = tpu.memref_slice %arg11[%dma_start3A_9] : memref<2x!tpu.dma_semaphore, #tpu.memory_space<semaphore_mem>> -> memref<1x!tpu.dma_semaphore, #tpu.memory_space<semaphore_mem>>
    %dma_start3A_17 = tpu.memref_squeeze %dma_start3A_16 : memref<1x!tpu.dma_semaphore, #tpu.memory_space<semaphore_mem>> -> memref<!tpu.dma_semaphore, #tpu.memory_space<semaphore_mem>>
    %dma_start3A_18 = arith.constant 0 : i32
    %dma_start3A_19 = arith.constant 0 : i32
    %dma_start3A_20 = tpu.memref_slice %arg7[%dma_start3A, %dma_start3A_18, %dma_start3A_19] : memref<2x4x128xi32, #tpu.memory_space<vmem>> -> memref<1x4x128xi32, #tpu.memory_space<vmem>>
    %dma_start3A_21 = tpu.memref_squeeze %dma_start3A_20 : memref<1x4x128xi32, #tpu.memory_space<vmem>> -> memref<4x128xi32, #tpu.memory_space<vmem>>
    %dma_start3A_22 = arith.constant 0 : i32
    %dma_start3A_23 = tpu.memref_slice %arg3[%add3A_8, %dma_start3A_22] : memref<5120x128xi32, #tpu.memory_space<hbm>> -> memref<4x128xi32, #tpu.memory_space<hbm>>
    tpu.enqueue_dma source(%dma_start3A_23 : memref<4x128xi32, #tpu.memory_space<hbm>>) target(%dma_start3A_21 : memref<4x128xi32, #tpu.memory_space<vmem>>) target_semaphore(%dma_start3A_17 : memref<!tpu.dma_semaphore, #tpu.memory_space<semaphore_mem>>)
    %add3A_24 = arith.constant 0 : i32
    %add3A_25 = arith.addi %mul3A_6, %add3A_24 : i32
    %dma_start3A_26 = arith.constant 0 : i32
    %dma_start3A_27 = arith.constant 0 : i32
    %dma_start3A_28 = arith.constant 0 : i32
    %dma_start3A_29 = arith.constant 0 : i32
    %dma_start3A_30 = tpu.memref_slice %arg8[%dma_start3A_26, %dma_start3A_28, %dma_start3A_29] : memref<2x4x128xi32, #tpu.memory_space<vmem>> -> memref<1x4x128xi32, #tpu.memory_space<vmem>>
    %dma_start3A_31 = tpu.memref_squeeze %dma_start3A_30 : memref<1x4x128xi32, #tpu.memory_space<vmem>> -> memref<4x128xi32, #tpu.memory_space<vmem>>
    %dma_start3A_32 = arith.constant 0 : i32
    %dma_start3A_33 = tpu.memref_slice %arg4[%add3A_25, %dma_start3A_32] : memref<2560x128xi32, #tpu.memory_space<hbm>> -> memref<4x128xi32, #tpu.memory_space<hbm>>
    %dma_start3A_34 = tpu.memref_slice %arg11[%dma_start3A_27] : memref<2x!tpu.dma_semaphore, #tpu.memory_space<semaphore_mem>> -> memref<1x!tpu.dma_semaphore, #tpu.memory_space<semaphore_mem>>
    %dma_start3A_35 = tpu.memref_squeeze %dma_start3A_34 : memref<1x!tpu.dma_semaphore, #tpu.memory_space<semaphore_mem>> -> memref<!tpu.dma_semaphore, #tpu.memory_space<semaphore_mem>>
    %dma_start3A_36 = arith.constant 0 : i32
    %dma_start3A_37 = arith.constant 0 : i32
    %dma_start3A_38 = tpu.memref_slice %arg8[%dma_start3A_26, %dma_start3A_36, %dma_start3A_37] : memref<2x4x128xi32, #tpu.memory_space<vmem>> -> memref<1x4x128xi32, #tpu.memory_space<vmem>>
    %dma_start3A_39 = tpu.memref_squeeze %dma_start3A_38 : memref<1x4x128xi32, #tpu.memory_space<vmem>> -> memref<4x128xi32, #tpu.memory_space<vmem>>
    %dma_start3A_40 = arith.constant 0 : i32
    %dma_start3A_41 = tpu.memref_slice %arg4[%add3A_25, %dma_start3A_40] : memref<2560x128xi32, #tpu.memory_space<hbm>> -> memref<4x128xi32, #tpu.memory_space<hbm>>
    tpu.enqueue_dma source(%dma_start3A_41 : memref<4x128xi32, #tpu.memory_space<hbm>>) target(%dma_start3A_39 : memref<4x128xi32, #tpu.memory_space<vmem>>) target_semaphore(%dma_start3A_35 : memref<!tpu.dma_semaphore, #tpu.memory_space<semaphore_mem>>)
    %dma_wait3A = arith.constant 0 : i32
    %dma_wait3A_42 = arith.constant 0 : i32
    %dma_wait3A_43 = arith.constant 0 : i32
    %dma_wait3A_44 = arith.constant 0 : i32
    %dma_wait3A_45 = tpu.memref_slice %arg7[%dma_wait3A, %dma_wait3A_43, %dma_wait3A_44] : memref<2x4x128xi32, #tpu.memory_space<vmem>> -> memref<1x4x128xi32, #tpu.memory_space<vmem>>
    %dma_wait3A_46 = tpu.memref_squeeze %dma_wait3A_45 : memref<1x4x128xi32, #tpu.memory_space<vmem>> -> memref<4x128xi32, #tpu.memory_space<vmem>>
    %dma_wait3A_47 = arith.constant 0 : i32
    %dma_wait3A_48 = tpu.memref_slice %arg3[%add3A, %dma_wait3A_47] : memref<5120x128xi32, #tpu.memory_space<hbm>> -> memref<4x128xi32, #tpu.memory_space<hbm>>
    %dma_wait3A_49 = tpu.memref_slice %arg11[%dma_wait3A_42] : memref<2x!tpu.dma_semaphore, #tpu.memory_space<semaphore_mem>> -> memref<1x!tpu.dma_semaphore, #tpu.memory_space<semaphore_mem>>
    %dma_wait3A_50 = tpu.memref_squeeze %dma_wait3A_49 : memref<1x!tpu.dma_semaphore, #tpu.memory_space<semaphore_mem>> -> memref<!tpu.dma_semaphore, #tpu.memory_space<semaphore_mem>>
    %dma_wait3A_51 = arith.constant 0 : i32
    %dma_wait3A_52 = arith.constant 0 : i32
    %dma_wait3A_53 = tpu.memref_slice %arg7[%dma_wait3A, %dma_wait3A_51, %dma_wait3A_52] : memref<2x4x128xi32, #tpu.memory_space<vmem>> -> memref<1x4x128xi32, #tpu.memory_space<vmem>>
    %dma_wait3A_54 = tpu.memref_squeeze %dma_wait3A_53 : memref<1x4x128xi32, #tpu.memory_space<vmem>> -> memref<4x128xi32, #tpu.memory_space<vmem>>
    %dma_wait3A_55 = arith.constant 0 : i32
    %dma_wait3A_56 = tpu.memref_slice %arg3[%add3A, %dma_wait3A_55] : memref<5120x128xi32, #tpu.memory_space<hbm>> -> memref<4x128xi32, #tpu.memory_space<hbm>>
    tpu.wait_dma2 semaphore(%dma_wait3A_50 : memref<!tpu.dma_semaphore, #tpu.memory_space<semaphore_mem>>) src(%dma_wait3A_56 : memref<4x128xi32, #tpu.memory_space<hbm>>) dst(%dma_wait3A_54 : memref<4x128xi32, #tpu.memory_space<vmem>>)
    %dma_wait3A_57 = arith.constant 0 : i32
    %dma_wait3A_58 = arith.constant 0 : i32
    %dma_wait3A_59 = arith.constant 0 : i32
    %dma_wait3A_60 = arith.constant 0 : i32
    %dma_wait3A_61 = tpu.memref_slice %arg8[%dma_wait3A_57, %dma_wait3A_59, %dma_wait3A_60] : memref<2x4x128xi32, #tpu.memory_space<vmem>> -> memref<1x4x128xi32, #tpu.memory_space<vmem>>
    %dma_wait3A_62 = tpu.memref_squeeze %dma_wait3A_61 : memref<1x4x128xi32, #tpu.memory_space<vmem>> -> memref<4x128xi32, #tpu.memory_space<vmem>>
    %dma_wait3A_63 = arith.constant 0 : i32
    %dma_wait3A_64 = tpu.memref_slice %arg4[%mul3A_6, %dma_wait3A_63] : memref<2560x128xi32, #tpu.memory_space<hbm>> -> memref<4x128xi32, #tpu.memory_space<hbm>>
    %dma_wait3A_65 = tpu.memref_slice %arg11[%dma_wait3A_58] : memref<2x!tpu.dma_semaphore, #tpu.memory_space<semaphore_mem>> -> memref<1x!tpu.dma_semaphore, #tpu.memory_space<semaphore_mem>>
    %dma_wait3A_66 = tpu.memref_squeeze %dma_wait3A_65 : memref<1x!tpu.dma_semaphore, #tpu.memory_space<semaphore_mem>> -> memref<!tpu.dma_semaphore, #tpu.memory_space<semaphore_mem>>
    %dma_wait3A_67 = arith.constant 0 : i32
    %dma_wait3A_68 = arith.constant 0 : i32
    %dma_wait3A_69 = tpu.memref_slice %arg8[%dma_wait3A_57, %dma_wait3A_67, %dma_wait3A_68] : memref<2x4x128xi32, #tpu.memory_space<vmem>> -> memref<1x4x128xi32, #tpu.memory_space<vmem>>
    %dma_wait3A_70 = tpu.memref_squeeze %dma_wait3A_69 : memref<1x4x128xi32, #tpu.memory_space<vmem>> -> memref<4x128xi32, #tpu.memory_space<vmem>>
    %dma_wait3A_71 = arith.constant 0 : i32
    %dma_wait3A_72 = tpu.memref_slice %arg4[%mul3A_6, %dma_wait3A_71] : memref<2560x128xi32, #tpu.memory_space<hbm>> -> memref<4x128xi32, #tpu.memory_space<hbm>>
    tpu.wait_dma2 semaphore(%dma_wait3A_66 : memref<!tpu.dma_semaphore, #tpu.memory_space<semaphore_mem>>) src(%dma_wait3A_72 : memref<4x128xi32, #tpu.memory_space<hbm>>) dst(%dma_wait3A_70 : memref<4x128xi32, #tpu.memory_space<vmem>>)
    %add3A_73 = arith.constant 4 : i32
    %add3A_74 = arith.addi %add3A, %add3A_73 : i32
    %dma_start3A_75 = arith.constant 1 : i32
    %dma_start3A_76 = arith.constant 1 : i32
    %dma_start3A_77 = arith.constant 0 : i32
    %dma_start3A_78 = arith.constant 0 : i32
    %dma_start3A_79 = tpu.memref_slice %arg7[%dma_start3A_75, %dma_start3A_77, %dma_start3A_78] : memref<2x4x128xi32, #tpu.memory_space<vmem>> -> memref<1x4x128xi32, #tpu.memory_space<vmem>>
    %dma_start3A_80 = tpu.memref_squeeze %dma_start3A_79 : memref<1x4x128xi32, #tpu.memory_space<vmem>> -> memref<4x128xi32, #tpu.memory_space<vmem>>
    %dma_start3A_81 = arith.constant 0 : i32
    %dma_start3A_82 = tpu.memref_slice %arg3[%add3A_74, %dma_start3A_81] : memref<5120x128xi32, #tpu.memory_space<hbm>> -> memref<4x128xi32, #tpu.memory_space<hbm>>
    %dma_start3A_83 = tpu.memref_slice %arg11[%dma_start3A_76] : memref<2x!tpu.dma_semaphore, #tpu.memory_space<semaphore_mem>> -> memref<1x!tpu.dma_semaphore, #tpu.memory_space<semaphore_mem>>
    %dma_start3A_84 = tpu.memref_squeeze %dma_start3A_83 : memref<1x!tpu.dma_semaphore, #tpu.memory_space<semaphore_mem>> -> memref<!tpu.dma_semaphore, #tpu.memory_space<semaphore_mem>>
    %dma_start3A_85 = arith.constant 0 : i32
    %dma_start3A_86 = arith.constant 0 : i32
    %dma_start3A_87 = tpu.memref_slice %arg7[%dma_start3A_75, %dma_start3A_85, %dma_start3A_86] : memref<2x4x128xi32, #tpu.memory_space<vmem>> -> memref<1x4x128xi32, #tpu.memory_space<vmem>>
    %dma_start3A_88 = tpu.memref_squeeze %dma_start3A_87 : memref<1x4x128xi32, #tpu.memory_space<vmem>> -> memref<4x128xi32, #tpu.memory_space<vmem>>
    %dma_start3A_89 = arith.constant 0 : i32
    %dma_start3A_90 = tpu.memref_slice %arg3[%add3A_74, %dma_start3A_89] : memref<5120x128xi32, #tpu.memory_space<hbm>> -> memref<4x128xi32, #tpu.memory_space<hbm>>
    tpu.enqueue_dma source(%dma_start3A_90 : memref<4x128xi32, #tpu.memory_space<hbm>>) target(%dma_start3A_88 : memref<4x128xi32, #tpu.memory_space<vmem>>) target_semaphore(%dma_start3A_84 : memref<!tpu.dma_semaphore, #tpu.memory_space<semaphore_mem>>)
    %add3A_91 = arith.constant 4 : i32
    %add3A_92 = arith.addi %mul3A_6, %add3A_91 : i32
    %dma_start3A_93 = arith.constant 1 : i32
    %dma_start3A_94 = arith.constant 1 : i32
    %dma_start3A_95 = arith.constant 0 : i32
    %dma_start3A_96 = arith.constant 0 : i32
    %dma_start3A_97 = tpu.memref_slice %arg8[%dma_start3A_93, %dma_start3A_95, %dma_start3A_96] : memref<2x4x128xi32, #tpu.memory_space<vmem>> -> memref<1x4x128xi32, #tpu.memory_space<vmem>>
    %dma_start3A_98 = tpu.memref_squeeze %dma_start3A_97 : memref<1x4x128xi32, #tpu.memory_space<vmem>> -> memref<4x128xi32, #tpu.memory_space<vmem>>
    %dma_start3A_99 = arith.constant 0 : i32
    %dma_start3A_100 = tpu.memref_slice %arg4[%add3A_92, %dma_start3A_99] : memref<2560x128xi32, #tpu.memory_space<hbm>> -> memref<4x128xi32, #tpu.memory_space<hbm>>
    %dma_start3A_101 = tpu.memref_slice %arg11[%dma_start3A_94] : memref<2x!tpu.dma_semaphore, #tpu.memory_space<semaphore_mem>> -> memref<1x!tpu.dma_semaphore, #tpu.memory_space<semaphore_mem>>
    %dma_start3A_102 = tpu.memref_squeeze %dma_start3A_101 : memref<1x!tpu.dma_semaphore, #tpu.memory_space<semaphore_mem>> -> memref<!tpu.dma_semaphore, #tpu.memory_space<semaphore_mem>>
    %dma_start3A_103 = arith.constant 0 : i32
    %dma_start3A_104 = arith.constant 0 : i32
    %dma_start3A_105 = tpu.memref_slice %arg8[%dma_start3A_93, %dma_start3A_103, %dma_start3A_104] : memref<2x4x128xi32, #tpu.memory_space<vmem>> -> memref<1x4x128xi32, #tpu.memory_space<vmem>>
    %dma_start3A_106 = tpu.memref_squeeze %dma_start3A_105 : memref<1x4x128xi32, #tpu.memory_space<vmem>> -> memref<4x128xi32, #tpu.memory_space<vmem>>
    %dma_start3A_107 = arith.constant 0 : i32
    %dma_start3A_108 = tpu.memref_slice %arg4[%add3A_92, %dma_start3A_107] : memref<2560x128xi32, #tpu.memory_space<hbm>> -> memref<4x128xi32, #tpu.memory_space<hbm>>
    tpu.enqueue_dma source(%dma_start3A_108 : memref<4x128xi32, #tpu.memory_space<hbm>>) target(%dma_start3A_106 : memref<4x128xi32, #tpu.memory_space<vmem>>) target_semaphore(%dma_start3A_102 : memref<!tpu.dma_semaphore, #tpu.memory_space<semaphore_mem>>)
    %barrier3A = arith.constant 0 : index
    tpu.barrier barrier_id(%barrier3A)
    %dma_start3A_109 = arith.constant 0 : i32
    %dma_start3A_110 = arith.constant 0 : i32
    %dma_start3A_111 = arith.constant 0 : i32
    %dma_start3A_112 = arith.constant 0 : i32
    %dma_start3A_113 = arith.constant 0 : i32
    %dma_start3A_114 = arith.constant 0 : i32
    %dma_start3A_115 = tpu.memref_slice %arg9[%dma_start3A_111, %dma_start3A_113, %dma_start3A_114] : memref<4x128x64xf32, #tpu.memory_space<vmem>> -> memref<1x128x64xf32, #tpu.memory_space<vmem>>
    %dma_start3A_116 = tpu.memref_squeeze %dma_start3A_115 : memref<1x128x64xf32, #tpu.memory_space<vmem>> -> memref<128x64xf32, #tpu.memory_space<vmem>>
    %dma_start3A_117 = arith.constant 0 : i32
    %dma_start3A_118 = tpu.memref_slice %arg7[%dma_start3A_109, %dma_start3A_110, %dma_start3A_117] : memref<2x4x128xi32, #tpu.memory_space<vmem>> -> memref<1x1x128xi32, #tpu.memory_space<vmem>>
    %dma_start3A_119 = tpu.memref_squeeze %dma_start3A_118 : memref<1x1x128xi32, #tpu.memory_space<vmem>> -> memref<128xi32, #tpu.memory_space<vmem>>
    %dma_start3A_120 = arith.constant 0 : i32
    %dma_start3A_121 = arith.constant 0 : i32
    %dma_start3A_122 = tpu.memref_slice %arg2[%dma_start3A_120, %dma_start3A_121] : memref<20480x64xf32, #tpu.memory_space<hbm>> -> memref<20480x64xf32, #tpu.memory_space<hbm>>
    %dma_start3A_123 = tpu.memref_slice %arg12[%dma_start3A_112] : memref<4x!tpu.dma_semaphore, #tpu.memory_space<semaphore_mem>> -> memref<1x!tpu.dma_semaphore, #tpu.memory_space<semaphore_mem>>
    %dma_start3A_124 = tpu.memref_squeeze %dma_start3A_123 : memref<1x!tpu.dma_semaphore, #tpu.memory_space<semaphore_mem>> -> memref<!tpu.dma_semaphore, #tpu.memory_space<semaphore_mem>>
    tpu.enqueue_indirect_dma source(%dma_start3A_122 : memref<20480x64xf32, #tpu.memory_space<hbm>>) target(%dma_start3A_116 : memref<128x64xf32, #tpu.memory_space<vmem>>) offsets(%dma_start3A_119 : memref<128xi32, #tpu.memory_space<vmem>>) semaphore(%dma_start3A_124 : memref<!tpu.dma_semaphore, #tpu.memory_space<semaphore_mem>>)
    %dma_start3A_125 = arith.constant 0 : i32
    %dma_start3A_126 = arith.constant 1 : i32
    %dma_start3A_127 = arith.constant 1 : i32
    %dma_start3A_128 = arith.constant 1 : i32
    %dma_start3A_129 = arith.constant 0 : i32
    %dma_start3A_130 = arith.constant 0 : i32
    %dma_start3A_131 = tpu.memref_slice %arg9[%dma_start3A_127, %dma_start3A_129, %dma_start3A_130] : memref<4x128x64xf32, #tpu.memory_space<vmem>> -> memref<1x128x64xf32, #tpu.memory_space<vmem>>
    %dma_start3A_132 = tpu.memref_squeeze %dma_start3A_131 : memref<1x128x64xf32, #tpu.memory_space<vmem>> -> memref<128x64xf32, #tpu.memory_space<vmem>>
    %dma_start3A_133 = arith.constant 0 : i32
    %dma_start3A_134 = tpu.memref_slice %arg7[%dma_start3A_125, %dma_start3A_126, %dma_start3A_133] : memref<2x4x128xi32, #tpu.memory_space<vmem>> -> memref<1x1x128xi32, #tpu.memory_space<vmem>>
    %dma_start3A_135 = tpu.memref_squeeze %dma_start3A_134 : memref<1x1x128xi32, #tpu.memory_space<vmem>> -> memref<128xi32, #tpu.memory_space<vmem>>
    %dma_start3A_136 = arith.constant 0 : i32
    %dma_start3A_137 = arith.constant 0 : i32
    %dma_start3A_138 = tpu.memref_slice %arg2[%dma_start3A_136, %dma_start3A_137] : memref<20480x64xf32, #tpu.memory_space<hbm>> -> memref<20480x64xf32, #tpu.memory_space<hbm>>
    %dma_start3A_139 = tpu.memref_slice %arg12[%dma_start3A_128] : memref<4x!tpu.dma_semaphore, #tpu.memory_space<semaphore_mem>> -> memref<1x!tpu.dma_semaphore, #tpu.memory_space<semaphore_mem>>
    %dma_start3A_140 = tpu.memref_squeeze %dma_start3A_139 : memref<1x!tpu.dma_semaphore, #tpu.memory_space<semaphore_mem>> -> memref<!tpu.dma_semaphore, #tpu.memory_space<semaphore_mem>>
    tpu.enqueue_indirect_dma source(%dma_start3A_138 : memref<20480x64xf32, #tpu.memory_space<hbm>>) target(%dma_start3A_132 : memref<128x64xf32, #tpu.memory_space<vmem>>) offsets(%dma_start3A_135 : memref<128xi32, #tpu.memory_space<vmem>>) semaphore(%dma_start3A_140 : memref<!tpu.dma_semaphore, #tpu.memory_space<semaphore_mem>>)
    %dma_start3A_141 = arith.constant 0 : i32
    %dma_start3A_142 = arith.constant 2 : i32
    %dma_start3A_143 = arith.constant 2 : i32
    %dma_start3A_144 = arith.constant 2 : i32
    %dma_start3A_145 = arith.constant 0 : i32
    %dma_start3A_146 = arith.constant 0 : i32
    %dma_start3A_147 = tpu.memref_slice %arg9[%dma_start3A_143, %dma_start3A_145, %dma_start3A_146] : memref<4x128x64xf32, #tpu.memory_space<vmem>> -> memref<1x128x64xf32, #tpu.memory_space<vmem>>
    %dma_start3A_148 = tpu.memref_squeeze %dma_start3A_147 : memref<1x128x64xf32, #tpu.memory_space<vmem>> -> memref<128x64xf32, #tpu.memory_space<vmem>>
    %dma_start3A_149 = arith.constant 0 : i32
    %dma_start3A_150 = tpu.memref_slice %arg7[%dma_start3A_141, %dma_start3A_142, %dma_start3A_149] : memref<2x4x128xi32, #tpu.memory_space<vmem>> -> memref<1x1x128xi32, #tpu.memory_space<vmem>>
    %dma_start3A_151 = tpu.memref_squeeze %dma_start3A_150 : memref<1x1x128xi32, #tpu.memory_space<vmem>> -> memref<128xi32, #tpu.memory_space<vmem>>
    %dma_start3A_152 = arith.constant 0 : i32
    %dma_start3A_153 = arith.constant 0 : i32
    %dma_start3A_154 = tpu.memref_slice %arg2[%dma_start3A_152, %dma_start3A_153] : memref<20480x64xf32, #tpu.memory_space<hbm>> -> memref<20480x64xf32, #tpu.memory_space<hbm>>
    %dma_start3A_155 = tpu.memref_slice %arg12[%dma_start3A_144] : memref<4x!tpu.dma_semaphore, #tpu.memory_space<semaphore_mem>> -> memref<1x!tpu.dma_semaphore, #tpu.memory_space<semaphore_mem>>
    %dma_start3A_156 = tpu.memref_squeeze %dma_start3A_155 : memref<1x!tpu.dma_semaphore, #tpu.memory_space<semaphore_mem>> -> memref<!tpu.dma_semaphore, #tpu.memory_space<semaphore_mem>>
    tpu.enqueue_indirect_dma source(%dma_start3A_154 : memref<20480x64xf32, #tpu.memory_space<hbm>>) target(%dma_start3A_148 : memref<128x64xf32, #tpu.memory_space<vmem>>) offsets(%dma_start3A_151 : memref<128xi32, #tpu.memory_space<vmem>>) semaphore(%dma_start3A_156 : memref<!tpu.dma_semaphore, #tpu.memory_space<semaphore_mem>>)
    %dma_start3A_157 = arith.constant 0 : i32
    %dma_start3A_158 = arith.constant 3 : i32
    %dma_start3A_159 = arith.constant 3 : i32
    %dma_start3A_160 = arith.constant 3 : i32
    %dma_start3A_161 = arith.constant 0 : i32
    %dma_start3A_162 = arith.constant 0 : i32
    %dma_start3A_163 = tpu.memref_slice %arg9[%dma_start3A_159, %dma_start3A_161, %dma_start3A_162] : memref<4x128x64xf32, #tpu.memory_space<vmem>> -> memref<1x128x64xf32, #tpu.memory_space<vmem>>
    %dma_start3A_164 = tpu.memref_squeeze %dma_start3A_163 : memref<1x128x64xf32, #tpu.memory_space<vmem>> -> memref<128x64xf32, #tpu.memory_space<vmem>>
    %dma_start3A_165 = arith.constant 0 : i32
    %dma_start3A_166 = tpu.memref_slice %arg7[%dma_start3A_157, %dma_start3A_158, %dma_start3A_165] : memref<2x4x128xi32, #tpu.memory_space<vmem>> -> memref<1x1x128xi32, #tpu.memory_space<vmem>>
    %dma_start3A_167 = tpu.memref_squeeze %dma_start3A_166 : memref<1x1x128xi32, #tpu.memory_space<vmem>> -> memref<128xi32, #tpu.memory_space<vmem>>
    %dma_start3A_168 = arith.constant 0 : i32
    %dma_start3A_169 = arith.constant 0 : i32
    %dma_start3A_170 = tpu.memref_slice %arg2[%dma_start3A_168, %dma_start3A_169] : memref<20480x64xf32, #tpu.memory_space<hbm>> -> memref<20480x64xf32, #tpu.memory_space<hbm>>
    %dma_start3A_171 = tpu.memref_slice %arg12[%dma_start3A_160] : memref<4x!tpu.dma_semaphore, #tpu.memory_space<semaphore_mem>> -> memref<1x!tpu.dma_semaphore, #tpu.memory_space<semaphore_mem>>
    %dma_start3A_172 = tpu.memref_squeeze %dma_start3A_171 : memref<1x!tpu.dma_semaphore, #tpu.memory_space<semaphore_mem>> -> memref<!tpu.dma_semaphore, #tpu.memory_space<semaphore_mem>>
    tpu.enqueue_indirect_dma source(%dma_start3A_170 : memref<20480x64xf32, #tpu.memory_space<hbm>>) target(%dma_start3A_164 : memref<128x64xf32, #tpu.memory_space<vmem>>) offsets(%dma_start3A_167 : memref<128xi32, #tpu.memory_space<vmem>>) semaphore(%dma_start3A_172 : memref<!tpu.dma_semaphore, #tpu.memory_space<semaphore_mem>>)
    %scan3A = arith.constant 0 : i32
    %scan3A_173 = arith.constant 0 : i32
    %scan3A_174 = arith.constant 39 : i32
    %scan3A_175 = arith.addi %scan3A_173, %scan3A_174 : i32
    %scan3A_176 = arith.constant 1 : i32
    scf.for %scan3A_378 = %scan3A_173 to %scan3A_175 step %scan3A_176  : i32 {
      %rem3A = arith.constant 2 : i32
      %rem3A_379 = arith.remsi %scan3A_378, %rem3A : i32
      %sub3A = arith.constant 1 : i32
      %sub3A_380 = arith.subi %sub3A, %rem3A_379 : i32
      %dma_wait3A_381 = arith.constant 0 : i32
      %dma_wait3A_382 = arith.constant 0 : i32
      %dma_wait3A_383 = arith.constant 0 : i32
      %dma_wait3A_384 = arith.constant 0 : i32
      %dma_wait3A_385 = arith.constant 0 : i32
      %dma_wait3A_386 = tpu.memref_slice %arg9[%dma_wait3A_382, %dma_wait3A_384, %dma_wait3A_385] : memref<4x128x64xf32, #tpu.memory_space<vmem>> -> memref<1x128x64xf32, #tpu.memory_space<vmem>>
      %dma_wait3A_387 = tpu.memref_squeeze %dma_wait3A_386 : memref<1x128x64xf32, #tpu.memory_space<vmem>> -> memref<128x64xf32, #tpu.memory_space<vmem>>
      %dma_wait3A_388 = arith.constant 0 : i32
      %dma_wait3A_389 = tpu.memref_slice %arg7[%rem3A_379, %dma_wait3A_381, %dma_wait3A_388] : memref<2x4x128xi32, #tpu.memory_space<vmem>> -> memref<1x1x128xi32, #tpu.memory_space<vmem>>
      %dma_wait3A_390 = tpu.memref_squeeze %dma_wait3A_389 : memref<1x1x128xi32, #tpu.memory_space<vmem>> -> memref<128xi32, #tpu.memory_space<vmem>>
      %dma_wait3A_391 = arith.constant 0 : i32
      %dma_wait3A_392 = arith.constant 0 : i32
      %dma_wait3A_393 = tpu.memref_slice %arg2[%dma_wait3A_391, %dma_wait3A_392] : memref<20480x64xf32, #tpu.memory_space<hbm>> -> memref<20480x64xf32, #tpu.memory_space<hbm>>
      %dma_wait3A_394 = tpu.memref_slice %arg12[%dma_wait3A_383] : memref<4x!tpu.dma_semaphore, #tpu.memory_space<semaphore_mem>> -> memref<1x!tpu.dma_semaphore, #tpu.memory_space<semaphore_mem>>
      %dma_wait3A_395 = tpu.memref_squeeze %dma_wait3A_394 : memref<1x!tpu.dma_semaphore, #tpu.memory_space<semaphore_mem>> -> memref<!tpu.dma_semaphore, #tpu.memory_space<semaphore_mem>>
      tpu.wait_indirect_dma semaphore(%dma_wait3A_395 : memref<!tpu.dma_semaphore, #tpu.memory_space<semaphore_mem>>) src(%dma_wait3A_393 : memref<20480x64xf32, #tpu.memory_space<hbm>>) dst(%dma_wait3A_387 : memref<128x64xf32, #tpu.memory_space<vmem>>)
      %dma_start3A_396 = arith.constant 0 : i32
      %dma_start3A_397 = arith.constant 0 : i32
      %dma_start3A_398 = arith.constant 0 : i32
      %dma_start3A_399 = arith.constant 0 : i32
      %dma_start3A_400 = arith.constant 0 : i32
      %dma_start3A_401 = tpu.memref_slice %arg9[%dma_start3A_396, %dma_start3A_399, %dma_start3A_400] : memref<4x128x64xf32, #tpu.memory_space<vmem>> -> memref<1x128x64xf32, #tpu.memory_space<vmem>>
      %dma_start3A_402 = tpu.memref_squeeze %dma_start3A_401 : memref<1x128x64xf32, #tpu.memory_space<vmem>> -> memref<128x64xf32, #tpu.memory_space<vmem>>
      %dma_start3A_403 = arith.constant 0 : i32
      %dma_start3A_404 = tpu.memref_slice %arg8[%rem3A_379, %dma_start3A_397, %dma_start3A_403] : memref<2x4x128xi32, #tpu.memory_space<vmem>> -> memref<1x1x128xi32, #tpu.memory_space<vmem>>
      %dma_start3A_405 = tpu.memref_squeeze %dma_start3A_404 : memref<1x1x128xi32, #tpu.memory_space<vmem>> -> memref<128xi32, #tpu.memory_space<vmem>>
      %dma_start3A_406 = arith.constant 0 : i32
      %dma_start3A_407 = arith.constant 0 : i32
      %dma_start3A_408 = tpu.memref_slice %arg10[%dma_start3A_406, %dma_start3A_407] : memref<10240x64xf32, #tpu.memory_space<vmem_shared>> -> memref<10240x64xf32, #tpu.memory_space<vmem_shared>>
      %dma_start3A_409 = tpu.memref_slice %arg13[%dma_start3A_398] : memref<4x!tpu.dma_semaphore, #tpu.memory_space<semaphore_mem>> -> memref<1x!tpu.dma_semaphore, #tpu.memory_space<semaphore_mem>>
      %dma_start3A_410 = tpu.memref_squeeze %dma_start3A_409 : memref<1x!tpu.dma_semaphore, #tpu.memory_space<semaphore_mem>> -> memref<!tpu.dma_semaphore, #tpu.memory_space<semaphore_mem>>
      tpu.enqueue_indirect_dma source(%dma_start3A_402 : memref<128x64xf32, #tpu.memory_space<vmem>>) target(%dma_start3A_408 : memref<10240x64xf32, #tpu.memory_space<vmem_shared>>) offsets(%dma_start3A_405 : memref<128xi32, #tpu.memory_space<vmem>>) semaphore(%dma_start3A_410 : memref<!tpu.dma_semaphore, #tpu.memory_space<semaphore_mem>>) {add = true}
      %dma_wait3A_411 = arith.constant 1 : i32
      %dma_wait3A_412 = arith.constant 1 : i32
      %dma_wait3A_413 = arith.constant 1 : i32
      %dma_wait3A_414 = arith.constant 0 : i32
      %dma_wait3A_415 = arith.constant 0 : i32
      %dma_wait3A_416 = tpu.memref_slice %arg9[%dma_wait3A_412, %dma_wait3A_414, %dma_wait3A_415] : memref<4x128x64xf32, #tpu.memory_space<vmem>> -> memref<1x128x64xf32, #tpu.memory_space<vmem>>
      %dma_wait3A_417 = tpu.memref_squeeze %dma_wait3A_416 : memref<1x128x64xf32, #tpu.memory_space<vmem>> -> memref<128x64xf32, #tpu.memory_space<vmem>>
      %dma_wait3A_418 = arith.constant 0 : i32
      %dma_wait3A_419 = tpu.memref_slice %arg7[%rem3A_379, %dma_wait3A_411, %dma_wait3A_418] : memref<2x4x128xi32, #tpu.memory_space<vmem>> -> memref<1x1x128xi32, #tpu.memory_space<vmem>>
      %dma_wait3A_420 = tpu.memref_squeeze %dma_wait3A_419 : memref<1x1x128xi32, #tpu.memory_space<vmem>> -> memref<128xi32, #tpu.memory_space<vmem>>
      %dma_wait3A_421 = arith.constant 0 : i32
      %dma_wait3A_422 = arith.constant 0 : i32
      %dma_wait3A_423 = tpu.memref_slice %arg2[%dma_wait3A_421, %dma_wait3A_422] : memref<20480x64xf32, #tpu.memory_space<hbm>> -> memref<20480x64xf32, #tpu.memory_space<hbm>>
      %dma_wait3A_424 = tpu.memref_slice %arg12[%dma_wait3A_413] : memref<4x!tpu.dma_semaphore, #tpu.memory_space<semaphore_mem>> -> memref<1x!tpu.dma_semaphore, #tpu.memory_space<semaphore_mem>>
      %dma_wait3A_425 = tpu.memref_squeeze %dma_wait3A_424 : memref<1x!tpu.dma_semaphore, #tpu.memory_space<semaphore_mem>> -> memref<!tpu.dma_semaphore, #tpu.memory_space<semaphore_mem>>
      tpu.wait_indirect_dma semaphore(%dma_wait3A_425 : memref<!tpu.dma_semaphore, #tpu.memory_space<semaphore_mem>>) src(%dma_wait3A_423 : memref<20480x64xf32, #tpu.memory_space<hbm>>) dst(%dma_wait3A_417 : memref<128x64xf32, #tpu.memory_space<vmem>>)
      %dma_start3A_426 = arith.constant 1 : i32
      %dma_start3A_427 = arith.constant 1 : i32
      %dma_start3A_428 = arith.constant 1 : i32
      %dma_start3A_429 = arith.constant 0 : i32
      %dma_start3A_430 = arith.constant 0 : i32
      %dma_start3A_431 = tpu.memref_slice %arg9[%dma_start3A_426, %dma_start3A_429, %dma_start3A_430] : memref<4x128x64xf32, #tpu.memory_space<vmem>> -> memref<1x128x64xf32, #tpu.memory_space<vmem>>
      %dma_start3A_432 = tpu.memref_squeeze %dma_start3A_431 : memref<1x128x64xf32, #tpu.memory_space<vmem>> -> memref<128x64xf32, #tpu.memory_space<vmem>>
      %dma_start3A_433 = arith.constant 0 : i32
      %dma_start3A_434 = tpu.memref_slice %arg8[%rem3A_379, %dma_start3A_427, %dma_start3A_433] : memref<2x4x128xi32, #tpu.memory_space<vmem>> -> memref<1x1x128xi32, #tpu.memory_space<vmem>>
      %dma_start3A_435 = tpu.memref_squeeze %dma_start3A_434 : memref<1x1x128xi32, #tpu.memory_space<vmem>> -> memref<128xi32, #tpu.memory_space<vmem>>
      %dma_start3A_436 = arith.constant 0 : i32
      %dma_start3A_437 = arith.constant 0 : i32
      %dma_start3A_438 = tpu.memref_slice %arg10[%dma_start3A_436, %dma_start3A_437] : memref<10240x64xf32, #tpu.memory_space<vmem_shared>> -> memref<10240x64xf32, #tpu.memory_space<vmem_shared>>
      %dma_start3A_439 = tpu.memref_slice %arg13[%dma_start3A_428] : memref<4x!tpu.dma_semaphore, #tpu.memory_space<semaphore_mem>> -> memref<1x!tpu.dma_semaphore, #tpu.memory_space<semaphore_mem>>
      %dma_start3A_440 = tpu.memref_squeeze %dma_start3A_439 : memref<1x!tpu.dma_semaphore, #tpu.memory_space<semaphore_mem>> -> memref<!tpu.dma_semaphore, #tpu.memory_space<semaphore_mem>>
      tpu.enqueue_indirect_dma source(%dma_start3A_432 : memref<128x64xf32, #tpu.memory_space<vmem>>) target(%dma_start3A_438 : memref<10240x64xf32, #tpu.memory_space<vmem_shared>>) offsets(%dma_start3A_435 : memref<128xi32, #tpu.memory_space<vmem>>) semaphore(%dma_start3A_440 : memref<!tpu.dma_semaphore, #tpu.memory_space<semaphore_mem>>) {add = true}
      %dma_wait3A_441 = arith.constant 2 : i32
      %dma_wait3A_442 = arith.constant 2 : i32
      %dma_wait3A_443 = arith.constant 2 : i32
      %dma_wait3A_444 = arith.constant 0 : i32
      %dma_wait3A_445 = arith.constant 0 : i32
      %dma_wait3A_446 = tpu.memref_slice %arg9[%dma_wait3A_442, %dma_wait3A_444, %dma_wait3A_445] : memref<4x128x64xf32, #tpu.memory_space<vmem>> -> memref<1x128x64xf32, #tpu.memory_space<vmem>>
      %dma_wait3A_447 = tpu.memref_squeeze %dma_wait3A_446 : memref<1x128x64xf32, #tpu.memory_space<vmem>> -> memref<128x64xf32, #tpu.memory_space<vmem>>
      %dma_wait3A_448 = arith.constant 0 : i32
      %dma_wait3A_449 = tpu.memref_slice %arg7[%rem3A_379, %dma_wait3A_441, %dma_wait3A_448] : memref<2x4x128xi32, #tpu.memory_space<vmem>> -> memref<1x1x128xi32, #tpu.memory_space<vmem>>
      %dma_wait3A_450 = tpu.memref_squeeze %dma_wait3A_449 : memref<1x1x128xi32, #tpu.memory_space<vmem>> -> memref<128xi32, #tpu.memory_space<vmem>>
      %dma_wait3A_451 = arith.constant 0 : i32
      %dma_wait3A_452 = arith.constant 0 : i32
      %dma_wait3A_453 = tpu.memref_slice %arg2[%dma_wait3A_451, %dma_wait3A_452] : memref<20480x64xf32, #tpu.memory_space<hbm>> -> memref<20480x64xf32, #tpu.memory_space<hbm>>
      %dma_wait3A_454 = tpu.memref_slice %arg12[%dma_wait3A_443] : memref<4x!tpu.dma_semaphore, #tpu.memory_space<semaphore_mem>> -> memref<1x!tpu.dma_semaphore, #tpu.memory_space<semaphore_mem>>
      %dma_wait3A_455 = tpu.memref_squeeze %dma_wait3A_454 : memref<1x!tpu.dma_semaphore, #tpu.memory_space<semaphore_mem>> -> memref<!tpu.dma_semaphore, #tpu.memory_space<semaphore_mem>>
      tpu.wait_indirect_dma semaphore(%dma_wait3A_455 : memref<!tpu.dma_semaphore, #tpu.memory_space<semaphore_mem>>) src(%dma_wait3A_453 : memref<20480x64xf32, #tpu.memory_space<hbm>>) dst(%dma_wait3A_447 : memref<128x64xf32, #tpu.memory_space<vmem>>)
      %dma_start3A_456 = arith.constant 2 : i32
      %dma_start3A_457 = arith.constant 2 : i32
      %dma_start3A_458 = arith.constant 2 : i32
      %dma_start3A_459 = arith.constant 0 : i32
      %dma_start3A_460 = arith.constant 0 : i32
      %dma_start3A_461 = tpu.memref_slice %arg9[%dma_start3A_456, %dma_start3A_459, %dma_start3A_460] : memref<4x128x64xf32, #tpu.memory_space<vmem>> -> memref<1x128x64xf32, #tpu.memory_space<vmem>>
      %dma_start3A_462 = tpu.memref_squeeze %dma_start3A_461 : memref<1x128x64xf32, #tpu.memory_space<vmem>> -> memref<128x64xf32, #tpu.memory_space<vmem>>
      %dma_start3A_463 = arith.constant 0 : i32
      %dma_start3A_464 = tpu.memref_slice %arg8[%rem3A_379, %dma_start3A_457, %dma_start3A_463] : memref<2x4x128xi32, #tpu.memory_space<vmem>> -> memref<1x1x128xi32, #tpu.memory_space<vmem>>
      %dma_start3A_465 = tpu.memref_squeeze %dma_start3A_464 : memref<1x1x128xi32, #tpu.memory_space<vmem>> -> memref<128xi32, #tpu.memory_space<vmem>>
      %dma_start3A_466 = arith.constant 0 : i32
      %dma_start3A_467 = arith.constant 0 : i32
      %dma_start3A_468 = tpu.memref_slice %arg10[%dma_start3A_466, %dma_start3A_467] : memref<10240x64xf32, #tpu.memory_space<vmem_shared>> -> memref<10240x64xf32, #tpu.memory_space<vmem_shared>>
      %dma_start3A_469 = tpu.memref_slice %arg13[%dma_start3A_458] : memref<4x!tpu.dma_semaphore, #tpu.memory_space<semaphore_mem>> -> memref<1x!tpu.dma_semaphore, #tpu.memory_space<semaphore_mem>>
      %dma_start3A_470 = tpu.memref_squeeze %dma_start3A_469 : memref<1x!tpu.dma_semaphore, #tpu.memory_space<semaphore_mem>> -> memref<!tpu.dma_semaphore, #tpu.memory_space<semaphore_mem>>
      tpu.enqueue_indirect_dma source(%dma_start3A_462 : memref<128x64xf32, #tpu.memory_space<vmem>>) target(%dma_start3A_468 : memref<10240x64xf32, #tpu.memory_space<vmem_shared>>) offsets(%dma_start3A_465 : memref<128xi32, #tpu.memory_space<vmem>>) semaphore(%dma_start3A_470 : memref<!tpu.dma_semaphore, #tpu.memory_space<semaphore_mem>>) {add = true}
      %dma_wait3A_471 = arith.constant 3 : i32
      %dma_wait3A_472 = arith.constant 3 : i32
      %dma_wait3A_473 = arith.constant 3 : i32
      %dma_wait3A_474 = arith.constant 0 : i32
      %dma_wait3A_475 = arith.constant 0 : i32
      %dma_wait3A_476 = tpu.memref_slice %arg9[%dma_wait3A_472, %dma_wait3A_474, %dma_wait3A_475] : memref<4x128x64xf32, #tpu.memory_space<vmem>> -> memref<1x128x64xf32, #tpu.memory_space<vmem>>
      %dma_wait3A_477 = tpu.memref_squeeze %dma_wait3A_476 : memref<1x128x64xf32, #tpu.memory_space<vmem>> -> memref<128x64xf32, #tpu.memory_space<vmem>>
      %dma_wait3A_478 = arith.constant 0 : i32
      %dma_wait3A_479 = tpu.memref_slice %arg7[%rem3A_379, %dma_wait3A_471, %dma_wait3A_478] : memref<2x4x128xi32, #tpu.memory_space<vmem>> -> memref<1x1x128xi32, #tpu.memory_space<vmem>>
      %dma_wait3A_480 = tpu.memref_squeeze %dma_wait3A_479 : memref<1x1x128xi32, #tpu.memory_space<vmem>> -> memref<128xi32, #tpu.memory_space<vmem>>
      %dma_wait3A_481 = arith.constant 0 : i32
      %dma_wait3A_482 = arith.constant 0 : i32
      %dma_wait3A_483 = tpu.memref_slice %arg2[%dma_wait3A_481, %dma_wait3A_482] : memref<20480x64xf32, #tpu.memory_space<hbm>> -> memref<20480x64xf32, #tpu.memory_space<hbm>>
      %dma_wait3A_484 = tpu.memref_slice %arg12[%dma_wait3A_473] : memref<4x!tpu.dma_semaphore, #tpu.memory_space<semaphore_mem>> -> memref<1x!tpu.dma_semaphore, #tpu.memory_space<semaphore_mem>>
      %dma_wait3A_485 = tpu.memref_squeeze %dma_wait3A_484 : memref<1x!tpu.dma_semaphore, #tpu.memory_space<semaphore_mem>> -> memref<!tpu.dma_semaphore, #tpu.memory_space<semaphore_mem>>
      tpu.wait_indirect_dma semaphore(%dma_wait3A_485 : memref<!tpu.dma_semaphore, #tpu.memory_space<semaphore_mem>>) src(%dma_wait3A_483 : memref<20480x64xf32, #tpu.memory_space<hbm>>) dst(%dma_wait3A_477 : memref<128x64xf32, #tpu.memory_space<vmem>>)
      %dma_start3A_486 = arith.constant 3 : i32
      %dma_start3A_487 = arith.constant 3 : i32
      %dma_start3A_488 = arith.constant 3 : i32
      %dma_start3A_489 = arith.constant 0 : i32
      %dma_start3A_490 = arith.constant 0 : i32
      %dma_start3A_491 = tpu.memref_slice %arg9[%dma_start3A_486, %dma_start3A_489, %dma_start3A_490] : memref<4x128x64xf32, #tpu.memory_space<vmem>> -> memref<1x128x64xf32, #tpu.memory_space<vmem>>
      %dma_start3A_492 = tpu.memref_squeeze %dma_start3A_491 : memref<1x128x64xf32, #tpu.memory_space<vmem>> -> memref<128x64xf32, #tpu.memory_space<vmem>>
      %dma_start3A_493 = arith.constant 0 : i32
      %dma_start3A_494 = tpu.memref_slice %arg8[%rem3A_379, %dma_start3A_487, %dma_start3A_493] : memref<2x4x128xi32, #tpu.memory_space<vmem>> -> memref<1x1x128xi32, #tpu.memory_space<vmem>>
      %dma_start3A_495 = tpu.memref_squeeze %dma_start3A_494 : memref<1x1x128xi32, #tpu.memory_space<vmem>> -> memref<128xi32, #tpu.memory_space<vmem>>
      %dma_start3A_496 = arith.constant 0 : i32
      %dma_start3A_497 = arith.constant 0 : i32
      %dma_start3A_498 = tpu.memref_slice %arg10[%dma_start3A_496, %dma_start3A_497] : memref<10240x64xf32, #tpu.memory_space<vmem_shared>> -> memref<10240x64xf32, #tpu.memory_space<vmem_shared>>
      %dma_start3A_499 = tpu.memref_slice %arg13[%dma_start3A_488] : memref<4x!tpu.dma_semaphore, #tpu.memory_space<semaphore_mem>> -> memref<1x!tpu.dma_semaphore, #tpu.memory_space<semaphore_mem>>
      %dma_start3A_500 = tpu.memref_squeeze %dma_start3A_499 : memref<1x!tpu.dma_semaphore, #tpu.memory_space<semaphore_mem>> -> memref<!tpu.dma_semaphore, #tpu.memory_space<semaphore_mem>>
      tpu.enqueue_indirect_dma source(%dma_start3A_492 : memref<128x64xf32, #tpu.memory_space<vmem>>) target(%dma_start3A_498 : memref<10240x64xf32, #tpu.memory_space<vmem_shared>>) offsets(%dma_start3A_495 : memref<128xi32, #tpu.memory_space<vmem>>) semaphore(%dma_start3A_500 : memref<!tpu.dma_semaphore, #tpu.memory_space<semaphore_mem>>) {add = true}
      %dma_wait3A_501 = arith.constant 0 : i32
      %dma_wait3A_502 = arith.constant 0 : i32
      %dma_wait3A_503 = tpu.memref_slice %arg7[%sub3A_380, %dma_wait3A_501, %dma_wait3A_502] : memref<2x4x128xi32, #tpu.memory_space<vmem>> -> memref<1x4x128xi32, #tpu.memory_space<vmem>>
      %dma_wait3A_504 = tpu.memref_squeeze %dma_wait3A_503 : memref<1x4x128xi32, #tpu.memory_space<vmem>> -> memref<4x128xi32, #tpu.memory_space<vmem>>
      %dma_wait3A_505 = arith.constant 0 : i32
      %dma_wait3A_506 = tpu.memref_slice %arg3[%add3A, %dma_wait3A_505] : memref<5120x128xi32, #tpu.memory_space<hbm>> -> memref<4x128xi32, #tpu.memory_space<hbm>>
      %dma_wait3A_507 = tpu.memref_slice %arg11[%sub3A_380] : memref<2x!tpu.dma_semaphore, #tpu.memory_space<semaphore_mem>> -> memref<1x!tpu.dma_semaphore, #tpu.memory_space<semaphore_mem>>
      %dma_wait3A_508 = tpu.memref_squeeze %dma_wait3A_507 : memref<1x!tpu.dma_semaphore, #tpu.memory_space<semaphore_mem>> -> memref<!tpu.dma_semaphore, #tpu.memory_space<semaphore_mem>>
      %dma_wait3A_509 = arith.constant 0 : i32
      %dma_wait3A_510 = arith.constant 0 : i32
      %dma_wait3A_511 = tpu.memref_slice %arg7[%sub3A_380, %dma_wait3A_509, %dma_wait3A_510] : memref<2x4x128xi32, #tpu.memory_space<vmem>> -> memref<1x4x128xi32, #tpu.memory_space<vmem>>
      %dma_wait3A_512 = tpu.memref_squeeze %dma_wait3A_511 : memref<1x4x128xi32, #tpu.memory_space<vmem>> -> memref<4x128xi32, #tpu.memory_space<vmem>>
      %dma_wait3A_513 = arith.constant 0 : i32
      %dma_wait3A_514 = tpu.memref_slice %arg3[%add3A, %dma_wait3A_513] : memref<5120x128xi32, #tpu.memory_space<hbm>> -> memref<4x128xi32, #tpu.memory_space<hbm>>
      tpu.wait_dma2 semaphore(%dma_wait3A_508 : memref<!tpu.dma_semaphore, #tpu.memory_space<semaphore_mem>>) src(%dma_wait3A_514 : memref<4x128xi32, #tpu.memory_space<hbm>>) dst(%dma_wait3A_512 : memref<4x128xi32, #tpu.memory_space<vmem>>)
      %dma_wait3A_515 = arith.constant 0 : i32
      %dma_wait3A_516 = arith.constant 0 : i32
      %dma_wait3A_517 = tpu.memref_slice %arg8[%sub3A_380, %dma_wait3A_515, %dma_wait3A_516] : memref<2x4x128xi32, #tpu.memory_space<vmem>> -> memref<1x4x128xi32, #tpu.memory_space<vmem>>
      %dma_wait3A_518 = tpu.memref_squeeze %dma_wait3A_517 : memref<1x4x128xi32, #tpu.memory_space<vmem>> -> memref<4x128xi32, #tpu.memory_space<vmem>>
      %dma_wait3A_519 = arith.constant 0 : i32
      %dma_wait3A_520 = tpu.memref_slice %arg4[%mul3A_6, %dma_wait3A_519] : memref<2560x128xi32, #tpu.memory_space<hbm>> -> memref<4x128xi32, #tpu.memory_space<hbm>>
      %dma_wait3A_521 = tpu.memref_slice %arg11[%sub3A_380] : memref<2x!tpu.dma_semaphore, #tpu.memory_space<semaphore_mem>> -> memref<1x!tpu.dma_semaphore, #tpu.memory_space<semaphore_mem>>
      %dma_wait3A_522 = tpu.memref_squeeze %dma_wait3A_521 : memref<1x!tpu.dma_semaphore, #tpu.memory_space<semaphore_mem>> -> memref<!tpu.dma_semaphore, #tpu.memory_space<semaphore_mem>>
      %dma_wait3A_523 = arith.constant 0 : i32
      %dma_wait3A_524 = arith.constant 0 : i32
      %dma_wait3A_525 = tpu.memref_slice %arg8[%sub3A_380, %dma_wait3A_523, %dma_wait3A_524] : memref<2x4x128xi32, #tpu.memory_space<vmem>> -> memref<1x4x128xi32, #tpu.memory_space<vmem>>
      %dma_wait3A_526 = tpu.memref_squeeze %dma_wait3A_525 : memref<1x4x128xi32, #tpu.memory_space<vmem>> -> memref<4x128xi32, #tpu.memory_space<vmem>>
      %dma_wait3A_527 = arith.constant 0 : i32
      %dma_wait3A_528 = tpu.memref_slice %arg4[%mul3A_6, %dma_wait3A_527] : memref<2560x128xi32, #tpu.memory_space<hbm>> -> memref<4x128xi32, #tpu.memory_space<hbm>>
      tpu.wait_dma2 semaphore(%dma_wait3A_522 : memref<!tpu.dma_semaphore, #tpu.memory_space<semaphore_mem>>) src(%dma_wait3A_528 : memref<4x128xi32, #tpu.memory_space<hbm>>) dst(%dma_wait3A_526 : memref<4x128xi32, #tpu.memory_space<vmem>>)
      %dma_wait3A_529 = arith.constant 0 : i32
      %dma_wait3A_530 = arith.constant 0 : i32
      %dma_wait3A_531 = arith.constant 0 : i32
      %dma_wait3A_532 = arith.constant 0 : i32
      %dma_wait3A_533 = arith.constant 0 : i32
      %dma_wait3A_534 = tpu.memref_slice %arg9[%dma_wait3A_529, %dma_wait3A_532, %dma_wait3A_533] : memref<4x128x64xf32, #tpu.memory_space<vmem>> -> memref<1x128x64xf32, #tpu.memory_space<vmem>>
      %dma_wait3A_535 = tpu.memref_squeeze %dma_wait3A_534 : memref<1x128x64xf32, #tpu.memory_space<vmem>> -> memref<128x64xf32, #tpu.memory_space<vmem>>
      %dma_wait3A_536 = arith.constant 0 : i32
      %dma_wait3A_537 = tpu.memref_slice %arg8[%rem3A_379, %dma_wait3A_530, %dma_wait3A_536] : memref<2x4x128xi32, #tpu.memory_space<vmem>> -> memref<1x1x128xi32, #tpu.memory_space<vmem>>
      %dma_wait3A_538 = tpu.memref_squeeze %dma_wait3A_537 : memref<1x1x128xi32, #tpu.memory_space<vmem>> -> memref<128xi32, #tpu.memory_space<vmem>>
      %dma_wait3A_539 = arith.constant 0 : i32
      %dma_wait3A_540 = arith.constant 0 : i32
      %dma_wait3A_541 = tpu.memref_slice %arg10[%dma_wait3A_539, %dma_wait3A_540] : memref<10240x64xf32, #tpu.memory_space<vmem_shared>> -> memref<10240x64xf32, #tpu.memory_space<vmem_shared>>
      %dma_wait3A_542 = tpu.memref_slice %arg13[%dma_wait3A_531] : memref<4x!tpu.dma_semaphore, #tpu.memory_space<semaphore_mem>> -> memref<1x!tpu.dma_semaphore, #tpu.memory_space<semaphore_mem>>
      %dma_wait3A_543 = tpu.memref_squeeze %dma_wait3A_542 : memref<1x!tpu.dma_semaphore, #tpu.memory_space<semaphore_mem>> -> memref<!tpu.dma_semaphore, #tpu.memory_space<semaphore_mem>>
      tpu.wait_indirect_dma semaphore(%dma_wait3A_543 : memref<!tpu.dma_semaphore, #tpu.memory_space<semaphore_mem>>) src(%dma_wait3A_535 : memref<128x64xf32, #tpu.memory_space<vmem>>) dst(%dma_wait3A_541 : memref<10240x64xf32, #tpu.memory_space<vmem_shared>>)
      %dma_start3A_544 = arith.constant 0 : i32
      %dma_start3A_545 = arith.constant 0 : i32
      %dma_start3A_546 = arith.constant 0 : i32
      %dma_start3A_547 = arith.constant 0 : i32
      %dma_start3A_548 = arith.constant 0 : i32
      %dma_start3A_549 = tpu.memref_slice %arg9[%dma_start3A_545, %dma_start3A_547, %dma_start3A_548] : memref<4x128x64xf32, #tpu.memory_space<vmem>> -> memref<1x128x64xf32, #tpu.memory_space<vmem>>
      %dma_start3A_550 = tpu.memref_squeeze %dma_start3A_549 : memref<1x128x64xf32, #tpu.memory_space<vmem>> -> memref<128x64xf32, #tpu.memory_space<vmem>>
      %dma_start3A_551 = arith.constant 0 : i32
      %dma_start3A_552 = tpu.memref_slice %arg7[%sub3A_380, %dma_start3A_544, %dma_start3A_551] : memref<2x4x128xi32, #tpu.memory_space<vmem>> -> memref<1x1x128xi32, #tpu.memory_space<vmem>>
      %dma_start3A_553 = tpu.memref_squeeze %dma_start3A_552 : memref<1x1x128xi32, #tpu.memory_space<vmem>> -> memref<128xi32, #tpu.memory_space<vmem>>
      %dma_start3A_554 = arith.constant 0 : i32
      %dma_start3A_555 = arith.constant 0 : i32
      %dma_start3A_556 = tpu.memref_slice %arg2[%dma_start3A_554, %dma_start3A_555] : memref<20480x64xf32, #tpu.memory_space<hbm>> -> memref<20480x64xf32, #tpu.memory_space<hbm>>
      %dma_start3A_557 = tpu.memref_slice %arg12[%dma_start3A_546] : memref<4x!tpu.dma_semaphore, #tpu.memory_space<semaphore_mem>> -> memref<1x!tpu.dma_semaphore, #tpu.memory_space<semaphore_mem>>
      %dma_start3A_558 = tpu.memref_squeeze %dma_start3A_557 : memref<1x!tpu.dma_semaphore, #tpu.memory_space<semaphore_mem>> -> memref<!tpu.dma_semaphore, #tpu.memory_space<semaphore_mem>>
      tpu.enqueue_indirect_dma source(%dma_start3A_556 : memref<20480x64xf32, #tpu.memory_space<hbm>>) target(%dma_start3A_550 : memref<128x64xf32, #tpu.memory_space<vmem>>) offsets(%dma_start3A_553 : memref<128xi32, #tpu.memory_space<vmem>>) semaphore(%dma_start3A_558 : memref<!tpu.dma_semaphore, #tpu.memory_space<semaphore_mem>>)
      %dma_wait3A_559 = arith.constant 1 : i32
      %dma_wait3A_560 = arith.constant 1 : i32
      %dma_wait3A_561 = arith.constant 1 : i32
      %dma_wait3A_562 = arith.constant 0 : i32
      %dma_wait3A_563 = arith.constant 0 : i32
      %dma_wait3A_564 = tpu.memref_slice %arg9[%dma_wait3A_559, %dma_wait3A_562, %dma_wait3A_563] : memref<4x128x64xf32, #tpu.memory_space<vmem>> -> memref<1x128x64xf32, #tpu.memory_space<vmem>>
      %dma_wait3A_565 = tpu.memref_squeeze %dma_wait3A_564 : memref<1x128x64xf32, #tpu.memory_space<vmem>> -> memref<128x64xf32, #tpu.memory_space<vmem>>
      %dma_wait3A_566 = arith.constant 0 : i32
      %dma_wait3A_567 = tpu.memref_slice %arg8[%rem3A_379, %dma_wait3A_560, %dma_wait3A_566] : memref<2x4x128xi32, #tpu.memory_space<vmem>> -> memref<1x1x128xi32, #tpu.memory_space<vmem>>
      %dma_wait3A_568 = tpu.memref_squeeze %dma_wait3A_567 : memref<1x1x128xi32, #tpu.memory_space<vmem>> -> memref<128xi32, #tpu.memory_space<vmem>>
      %dma_wait3A_569 = arith.constant 0 : i32
      %dma_wait3A_570 = arith.constant 0 : i32
      %dma_wait3A_571 = tpu.memref_slice %arg10[%dma_wait3A_569, %dma_wait3A_570] : memref<10240x64xf32, #tpu.memory_space<vmem_shared>> -> memref<10240x64xf32, #tpu.memory_space<vmem_shared>>
      %dma_wait3A_572 = tpu.memref_slice %arg13[%dma_wait3A_561] : memref<4x!tpu.dma_semaphore, #tpu.memory_space<semaphore_mem>> -> memref<1x!tpu.dma_semaphore, #tpu.memory_space<semaphore_mem>>
      %dma_wait3A_573 = tpu.memref_squeeze %dma_wait3A_572 : memref<1x!tpu.dma_semaphore, #tpu.memory_space<semaphore_mem>> -> memref<!tpu.dma_semaphore, #tpu.memory_space<semaphore_mem>>
      tpu.wait_indirect_dma semaphore(%dma_wait3A_573 : memref<!tpu.dma_semaphore, #tpu.memory_space<semaphore_mem>>) src(%dma_wait3A_565 : memref<128x64xf32, #tpu.memory_space<vmem>>) dst(%dma_wait3A_571 : memref<10240x64xf32, #tpu.memory_space<vmem_shared>>)
      %dma_start3A_574 = arith.constant 1 : i32
      %dma_start3A_575 = arith.constant 1 : i32
      %dma_start3A_576 = arith.constant 1 : i32
      %dma_start3A_577 = arith.constant 0 : i32
      %dma_start3A_578 = arith.constant 0 : i32
      %dma_start3A_579 = tpu.memref_slice %arg9[%dma_start3A_575, %dma_start3A_577, %dma_start3A_578] : memref<4x128x64xf32, #tpu.memory_space<vmem>> -> memref<1x128x64xf32, #tpu.memory_space<vmem>>
      %dma_start3A_580 = tpu.memref_squeeze %dma_start3A_579 : memref<1x128x64xf32, #tpu.memory_space<vmem>> -> memref<128x64xf32, #tpu.memory_space<vmem>>
      %dma_start3A_581 = arith.constant 0 : i32
      %dma_start3A_582 = tpu.memref_slice %arg7[%sub3A_380, %dma_start3A_574, %dma_start3A_581] : memref<2x4x128xi32, #tpu.memory_space<vmem>> -> memref<1x1x128xi32, #tpu.memory_space<vmem>>
      %dma_start3A_583 = tpu.memref_squeeze %dma_start3A_582 : memref<1x1x128xi32, #tpu.memory_space<vmem>> -> memref<128xi32, #tpu.memory_space<vmem>>
      %dma_start3A_584 = arith.constant 0 : i32
      %dma_start3A_585 = arith.constant 0 : i32
      %dma_start3A_586 = tpu.memref_slice %arg2[%dma_start3A_584, %dma_start3A_585] : memref<20480x64xf32, #tpu.memory_space<hbm>> -> memref<20480x64xf32, #tpu.memory_space<hbm>>
      %dma_start3A_587 = tpu.memref_slice %arg12[%dma_start3A_576] : memref<4x!tpu.dma_semaphore, #tpu.memory_space<semaphore_mem>> -> memref<1x!tpu.dma_semaphore, #tpu.memory_space<semaphore_mem>>
      %dma_start3A_588 = tpu.memref_squeeze %dma_start3A_587 : memref<1x!tpu.dma_semaphore, #tpu.memory_space<semaphore_mem>> -> memref<!tpu.dma_semaphore, #tpu.memory_space<semaphore_mem>>
      tpu.enqueue_indirect_dma source(%dma_start3A_586 : memref<20480x64xf32, #tpu.memory_space<hbm>>) target(%dma_start3A_580 : memref<128x64xf32, #tpu.memory_space<vmem>>) offsets(%dma_start3A_583 : memref<128xi32, #tpu.memory_space<vmem>>) semaphore(%dma_start3A_588 : memref<!tpu.dma_semaphore, #tpu.memory_space<semaphore_mem>>)
      %dma_wait3A_589 = arith.constant 2 : i32
      %dma_wait3A_590 = arith.constant 2 : i32
      %dma_wait3A_591 = arith.constant 2 : i32
      %dma_wait3A_592 = arith.constant 0 : i32
      %dma_wait3A_593 = arith.constant 0 : i32
      %dma_wait3A_594 = tpu.memref_slice %arg9[%dma_wait3A_589, %dma_wait3A_592, %dma_wait3A_593] : memref<4x128x64xf32, #tpu.memory_space<vmem>> -> memref<1x128x64xf32, #tpu.memory_space<vmem>>
      %dma_wait3A_595 = tpu.memref_squeeze %dma_wait3A_594 : memref<1x128x64xf32, #tpu.memory_space<vmem>> -> memref<128x64xf32, #tpu.memory_space<vmem>>
      %dma_wait3A_596 = arith.constant 0 : i32
      %dma_wait3A_597 = tpu.memref_slice %arg8[%rem3A_379, %dma_wait3A_590, %dma_wait3A_596] : memref<2x4x128xi32, #tpu.memory_space<vmem>> -> memref<1x1x128xi32, #tpu.memory_space<vmem>>
      %dma_wait3A_598 = tpu.memref_squeeze %dma_wait3A_597 : memref<1x1x128xi32, #tpu.memory_space<vmem>> -> memref<128xi32, #tpu.memory_space<vmem>>
      %dma_wait3A_599 = arith.constant 0 : i32
      %dma_wait3A_600 = arith.constant 0 : i32
      %dma_wait3A_601 = tpu.memref_slice %arg10[%dma_wait3A_599, %dma_wait3A_600] : memref<10240x64xf32, #tpu.memory_space<vmem_shared>> -> memref<10240x64xf32, #tpu.memory_space<vmem_shared>>
      %dma_wait3A_602 = tpu.memref_slice %arg13[%dma_wait3A_591] : memref<4x!tpu.dma_semaphore, #tpu.memory_space<semaphore_mem>> -> memref<1x!tpu.dma_semaphore, #tpu.memory_space<semaphore_mem>>
      %dma_wait3A_603 = tpu.memref_squeeze %dma_wait3A_602 : memref<1x!tpu.dma_semaphore, #tpu.memory_space<semaphore_mem>> -> memref<!tpu.dma_semaphore, #tpu.memory_space<semaphore_mem>>
      tpu.wait_indirect_dma semaphore(%dma_wait3A_603 : memref<!tpu.dma_semaphore, #tpu.memory_space<semaphore_mem>>) src(%dma_wait3A_595 : memref<128x64xf32, #tpu.memory_space<vmem>>) dst(%dma_wait3A_601 : memref<10240x64xf32, #tpu.memory_space<vmem_shared>>)
      %dma_start3A_604 = arith.constant 2 : i32
      %dma_start3A_605 = arith.constant 2 : i32
      %dma_start3A_606 = arith.constant 2 : i32
      %dma_start3A_607 = arith.constant 0 : i32
      %dma_start3A_608 = arith.constant 0 : i32
      %dma_start3A_609 = tpu.memref_slice %arg9[%dma_start3A_605, %dma_start3A_607, %dma_start3A_608] : memref<4x128x64xf32, #tpu.memory_space<vmem>> -> memref<1x128x64xf32, #tpu.memory_space<vmem>>
      %dma_start3A_610 = tpu.memref_squeeze %dma_start3A_609 : memref<1x128x64xf32, #tpu.memory_space<vmem>> -> memref<128x64xf32, #tpu.memory_space<vmem>>
      %dma_start3A_611 = arith.constant 0 : i32
      %dma_start3A_612 = tpu.memref_slice %arg7[%sub3A_380, %dma_start3A_604, %dma_start3A_611] : memref<2x4x128xi32, #tpu.memory_space<vmem>> -> memref<1x1x128xi32, #tpu.memory_space<vmem>>
      %dma_start3A_613 = tpu.memref_squeeze %dma_start3A_612 : memref<1x1x128xi32, #tpu.memory_space<vmem>> -> memref<128xi32, #tpu.memory_space<vmem>>
      %dma_start3A_614 = arith.constant 0 : i32
      %dma_start3A_615 = arith.constant 0 : i32
      %dma_start3A_616 = tpu.memref_slice %arg2[%dma_start3A_614, %dma_start3A_615] : memref<20480x64xf32, #tpu.memory_space<hbm>> -> memref<20480x64xf32, #tpu.memory_space<hbm>>
      %dma_start3A_617 = tpu.memref_slice %arg12[%dma_start3A_606] : memref<4x!tpu.dma_semaphore, #tpu.memory_space<semaphore_mem>> -> memref<1x!tpu.dma_semaphore, #tpu.memory_space<semaphore_mem>>
      %dma_start3A_618 = tpu.memref_squeeze %dma_start3A_617 : memref<1x!tpu.dma_semaphore, #tpu.memory_space<semaphore_mem>> -> memref<!tpu.dma_semaphore, #tpu.memory_space<semaphore_mem>>
      tpu.enqueue_indirect_dma source(%dma_start3A_616 : memref<20480x64xf32, #tpu.memory_space<hbm>>) target(%dma_start3A_610 : memref<128x64xf32, #tpu.memory_space<vmem>>) offsets(%dma_start3A_613 : memref<128xi32, #tpu.memory_space<vmem>>) semaphore(%dma_start3A_618 : memref<!tpu.dma_semaphore, #tpu.memory_space<semaphore_mem>>)
      %dma_wait3A_619 = arith.constant 3 : i32
      %dma_wait3A_620 = arith.constant 3 : i32
      %dma_wait3A_621 = arith.constant 3 : i32
      %dma_wait3A_622 = arith.constant 0 : i32
      %dma_wait3A_623 = arith.constant 0 : i32
      %dma_wait3A_624 = tpu.memref_slice %arg9[%dma_wait3A_619, %dma_wait3A_622, %dma_wait3A_623] : memref<4x128x64xf32, #tpu.memory_space<vmem>> -> memref<1x128x64xf32, #tpu.memory_space<vmem>>
      %dma_wait3A_625 = tpu.memref_squeeze %dma_wait3A_624 : memref<1x128x64xf32, #tpu.memory_space<vmem>> -> memref<128x64xf32, #tpu.memory_space<vmem>>
      %dma_wait3A_626 = arith.constant 0 : i32
      %dma_wait3A_627 = tpu.memref_slice %arg8[%rem3A_379, %dma_wait3A_620, %dma_wait3A_626] : memref<2x4x128xi32, #tpu.memory_space<vmem>> -> memref<1x1x128xi32, #tpu.memory_space<vmem>>
      %dma_wait3A_628 = tpu.memref_squeeze %dma_wait3A_627 : memref<1x1x128xi32, #tpu.memory_space<vmem>> -> memref<128xi32, #tpu.memory_space<vmem>>
      %dma_wait3A_629 = arith.constant 0 : i32
      %dma_wait3A_630 = arith.constant 0 : i32
      %dma_wait3A_631 = tpu.memref_slice %arg10[%dma_wait3A_629, %dma_wait3A_630] : memref<10240x64xf32, #tpu.memory_space<vmem_shared>> -> memref<10240x64xf32, #tpu.memory_space<vmem_shared>>
      %dma_wait3A_632 = tpu.memref_slice %arg13[%dma_wait3A_621] : memref<4x!tpu.dma_semaphore, #tpu.memory_space<semaphore_mem>> -> memref<1x!tpu.dma_semaphore, #tpu.memory_space<semaphore_mem>>
      %dma_wait3A_633 = tpu.memref_squeeze %dma_wait3A_632 : memref<1x!tpu.dma_semaphore, #tpu.memory_space<semaphore_mem>> -> memref<!tpu.dma_semaphore, #tpu.memory_space<semaphore_mem>>
      tpu.wait_indirect_dma semaphore(%dma_wait3A_633 : memref<!tpu.dma_semaphore, #tpu.memory_space<semaphore_mem>>) src(%dma_wait3A_625 : memref<128x64xf32, #tpu.memory_space<vmem>>) dst(%dma_wait3A_631 : memref<10240x64xf32, #tpu.memory_space<vmem_shared>>)
      %dma_start3A_634 = arith.constant 3 : i32
      %dma_start3A_635 = arith.constant 3 : i32
      %dma_start3A_636 = arith.constant 3 : i32
      %dma_start3A_637 = arith.constant 0 : i32
      %dma_start3A_638 = arith.constant 0 : i32
      %dma_start3A_639 = tpu.memref_slice %arg9[%dma_start3A_635, %dma_start3A_637, %dma_start3A_638] : memref<4x128x64xf32, #tpu.memory_space<vmem>> -> memref<1x128x64xf32, #tpu.memory_space<vmem>>
      %dma_start3A_640 = tpu.memref_squeeze %dma_start3A_639 : memref<1x128x64xf32, #tpu.memory_space<vmem>> -> memref<128x64xf32, #tpu.memory_space<vmem>>
      %dma_start3A_641 = arith.constant 0 : i32
      %dma_start3A_642 = tpu.memref_slice %arg7[%sub3A_380, %dma_start3A_634, %dma_start3A_641] : memref<2x4x128xi32, #tpu.memory_space<vmem>> -> memref<1x1x128xi32, #tpu.memory_space<vmem>>
      %dma_start3A_643 = tpu.memref_squeeze %dma_start3A_642 : memref<1x1x128xi32, #tpu.memory_space<vmem>> -> memref<128xi32, #tpu.memory_space<vmem>>
      %dma_start3A_644 = arith.constant 0 : i32
      %dma_start3A_645 = arith.constant 0 : i32
      %dma_start3A_646 = tpu.memref_slice %arg2[%dma_start3A_644, %dma_start3A_645] : memref<20480x64xf32, #tpu.memory_space<hbm>> -> memref<20480x64xf32, #tpu.memory_space<hbm>>
      %dma_start3A_647 = tpu.memref_slice %arg12[%dma_start3A_636] : memref<4x!tpu.dma_semaphore, #tpu.memory_space<semaphore_mem>> -> memref<1x!tpu.dma_semaphore, #tpu.memory_space<semaphore_mem>>
      %dma_start3A_648 = tpu.memref_squeeze %dma_start3A_647 : memref<1x!tpu.dma_semaphore, #tpu.memory_space<semaphore_mem>> -> memref<!tpu.dma_semaphore, #tpu.memory_space<semaphore_mem>>
      tpu.enqueue_indirect_dma source(%dma_start3A_646 : memref<20480x64xf32, #tpu.memory_space<hbm>>) target(%dma_start3A_640 : memref<128x64xf32, #tpu.memory_space<vmem>>) offsets(%dma_start3A_643 : memref<128xi32, #tpu.memory_space<vmem>>) semaphore(%dma_start3A_648 : memref<!tpu.dma_semaphore, #tpu.memory_space<semaphore_mem>>)
      %lt3A = arith.constant 38 : i32
      %lt3A_649 = arith.cmpi slt, %scan3A_378, %lt3A : i32
      %convert_element_type3A = arith.extui %lt3A_649 : i1 to i32
      %cond3A = arith.constant 0 : i32
      %cond3A_650 = arith.cmpi ne, %convert_element_type3A, %cond3A : i32
      scf.if %cond3A_650 {
        %add3A_651 = arith.constant 2 : i32
        %add3A_652 = arith.addi %scan3A_378, %add3A_651 : i32
        %mul3A_653 = arith.constant 4 : i32
        %mul3A_654 = arith.muli %add3A_652, %mul3A_653 : i32
        %add3A_655 = arith.addi %add3A, %mul3A_654 : i32
        %dma_start3A_656 = arith.constant 0 : i32
        %dma_start3A_657 = arith.constant 0 : i32
        %dma_start3A_658 = tpu.memref_slice %arg7[%rem3A_379, %dma_start3A_656, %dma_start3A_657] : memref<2x4x128xi32, #tpu.memory_space<vmem>> -> memref<1x4x128xi32, #tpu.memory_space<vmem>>
        %dma_start3A_659 = tpu.memref_squeeze %dma_start3A_658 : memref<1x4x128xi32, #tpu.memory_space<vmem>> -> memref<4x128xi32, #tpu.memory_space<vmem>>
        %dma_start3A_660 = arith.constant 0 : i32
        %dma_start3A_661 = tpu.memref_slice %arg3[%add3A_655, %dma_start3A_660] : memref<5120x128xi32, #tpu.memory_space<hbm>> -> memref<4x128xi32, #tpu.memory_space<hbm>>
        %dma_start3A_662 = tpu.memref_slice %arg11[%rem3A_379] : memref<2x!tpu.dma_semaphore, #tpu.memory_space<semaphore_mem>> -> memref<1x!tpu.dma_semaphore, #tpu.memory_space<semaphore_mem>>
        %dma_start3A_663 = tpu.memref_squeeze %dma_start3A_662 : memref<1x!tpu.dma_semaphore, #tpu.memory_space<semaphore_mem>> -> memref<!tpu.dma_semaphore, #tpu.memory_space<semaphore_mem>>
        %dma_start3A_664 = arith.constant 0 : i32
        %dma_start3A_665 = arith.constant 0 : i32
        %dma_start3A_666 = tpu.memref_slice %arg7[%rem3A_379, %dma_start3A_664, %dma_start3A_665] : memref<2x4x128xi32, #tpu.memory_space<vmem>> -> memref<1x4x128xi32, #tpu.memory_space<vmem>>
        %dma_start3A_667 = tpu.memref_squeeze %dma_start3A_666 : memref<1x4x128xi32, #tpu.memory_space<vmem>> -> memref<4x128xi32, #tpu.memory_space<vmem>>
        %dma_start3A_668 = arith.constant 0 : i32
        %dma_start3A_669 = tpu.memref_slice %arg3[%add3A_655, %dma_start3A_668] : memref<5120x128xi32, #tpu.memory_space<hbm>> -> memref<4x128xi32, #tpu.memory_space<hbm>>
        tpu.enqueue_dma source(%dma_start3A_669 : memref<4x128xi32, #tpu.memory_space<hbm>>) target(%dma_start3A_667 : memref<4x128xi32, #tpu.memory_space<vmem>>) target_semaphore(%dma_start3A_663 : memref<!tpu.dma_semaphore, #tpu.memory_space<semaphore_mem>>)
        %mul3A_670 = arith.constant 4 : i32
        %mul3A_671 = arith.muli %add3A_652, %mul3A_670 : i32
        %add3A_672 = arith.addi %mul3A_6, %mul3A_671 : i32
        %dma_start3A_673 = arith.constant 0 : i32
        %dma_start3A_674 = arith.constant 0 : i32
        %dma_start3A_675 = tpu.memref_slice %arg8[%rem3A_379, %dma_start3A_673, %dma_start3A_674] : memref<2x4x128xi32, #tpu.memory_space<vmem>> -> memref<1x4x128xi32, #tpu.memory_space<vmem>>
        %dma_start3A_676 = tpu.memref_squeeze %dma_start3A_675 : memref<1x4x128xi32, #tpu.memory_space<vmem>> -> memref<4x128xi32, #tpu.memory_space<vmem>>
        %dma_start3A_677 = arith.constant 0 : i32
        %dma_start3A_678 = tpu.memref_slice %arg4[%add3A_672, %dma_start3A_677] : memref<2560x128xi32, #tpu.memory_space<hbm>> -> memref<4x128xi32, #tpu.memory_space<hbm>>
        %dma_start3A_679 = tpu.memref_slice %arg11[%rem3A_379] : memref<2x!tpu.dma_semaphore, #tpu.memory_space<semaphore_mem>> -> memref<1x!tpu.dma_semaphore, #tpu.memory_space<semaphore_mem>>
        %dma_start3A_680 = tpu.memref_squeeze %dma_start3A_679 : memref<1x!tpu.dma_semaphore, #tpu.memory_space<semaphore_mem>> -> memref<!tpu.dma_semaphore, #tpu.memory_space<semaphore_mem>>
        %dma_start3A_681 = arith.constant 0 : i32
        %dma_start3A_682 = arith.constant 0 : i32
        %dma_start3A_683 = tpu.memref_slice %arg8[%rem3A_379, %dma_start3A_681, %dma_start3A_682] : memref<2x4x128xi32, #tpu.memory_space<vmem>> -> memref<1x4x128xi32, #tpu.memory_space<vmem>>
        %dma_start3A_684 = tpu.memref_squeeze %dma_start3A_683 : memref<1x4x128xi32, #tpu.memory_space<vmem>> -> memref<4x128xi32, #tpu.memory_space<vmem>>
        %dma_start3A_685 = arith.constant 0 : i32
        %dma_start3A_686 = tpu.memref_slice %arg4[%add3A_672, %dma_start3A_685] : memref<2560x128xi32, #tpu.memory_space<hbm>> -> memref<4x128xi32, #tpu.memory_space<hbm>>
        tpu.enqueue_dma source(%dma_start3A_686 : memref<4x128xi32, #tpu.memory_space<hbm>>) target(%dma_start3A_684 : memref<4x128xi32, #tpu.memory_space<vmem>>) target_semaphore(%dma_start3A_680 : memref<!tpu.dma_semaphore, #tpu.memory_space<semaphore_mem>>)
      } else {
      }
    }
    %scan3A_177 = arith.constant 39 : i32
    %dma_wait3A_178 = arith.constant 1 : i32
    %dma_wait3A_179 = arith.constant 0 : i32
    %dma_wait3A_180 = arith.constant 0 : i32
    %dma_wait3A_181 = arith.constant 0 : i32
    %dma_wait3A_182 = arith.constant 0 : i32
    %dma_wait3A_183 = arith.constant 0 : i32
    %dma_wait3A_184 = tpu.memref_slice %arg9[%dma_wait3A_180, %dma_wait3A_182, %dma_wait3A_183] : memref<4x128x64xf32, #tpu.memory_space<vmem>> -> memref<1x128x64xf32, #tpu.memory_space<vmem>>
    %dma_wait3A_185 = tpu.memref_squeeze %dma_wait3A_184 : memref<1x128x64xf32, #tpu.memory_space<vmem>> -> memref<128x64xf32, #tpu.memory_space<vmem>>
    %dma_wait3A_186 = arith.constant 0 : i32
    %dma_wait3A_187 = tpu.memref_slice %arg7[%dma_wait3A_178, %dma_wait3A_179, %dma_wait3A_186] : memref<2x4x128xi32, #tpu.memory_space<vmem>> -> memref<1x1x128xi32, #tpu.memory_space<vmem>>
    %dma_wait3A_188 = tpu.memref_squeeze %dma_wait3A_187 : memref<1x1x128xi32, #tpu.memory_space<vmem>> -> memref<128xi32, #tpu.memory_space<vmem>>
    %dma_wait3A_189 = arith.constant 0 : i32
    %dma_wait3A_190 = arith.constant 0 : i32
    %dma_wait3A_191 = tpu.memref_slice %arg2[%dma_wait3A_189, %dma_wait3A_190] : memref<20480x64xf32, #tpu.memory_space<hbm>> -> memref<20480x64xf32, #tpu.memory_space<hbm>>
    %dma_wait3A_192 = tpu.memref_slice %arg12[%dma_wait3A_181] : memref<4x!tpu.dma_semaphore, #tpu.memory_space<semaphore_mem>> -> memref<1x!tpu.dma_semaphore, #tpu.memory_space<semaphore_mem>>
    %dma_wait3A_193 = tpu.memref_squeeze %dma_wait3A_192 : memref<1x!tpu.dma_semaphore, #tpu.memory_space<semaphore_mem>> -> memref<!tpu.dma_semaphore, #tpu.memory_space<semaphore_mem>>
    tpu.wait_indirect_dma semaphore(%dma_wait3A_193 : memref<!tpu.dma_semaphore, #tpu.memory_space<semaphore_mem>>) src(%dma_wait3A_191 : memref<20480x64xf32, #tpu.memory_space<hbm>>) dst(%dma_wait3A_185 : memref<128x64xf32, #tpu.memory_space<vmem>>)
    %dma_start3A_194 = arith.constant 0 : i32
    %dma_start3A_195 = arith.constant 1 : i32
    %dma_start3A_196 = arith.constant 0 : i32
    %dma_start3A_197 = arith.constant 0 : i32
    %dma_start3A_198 = arith.constant 0 : i32
    %dma_start3A_199 = arith.constant 0 : i32
    %dma_start3A_200 = tpu.memref_slice %arg9[%dma_start3A_194, %dma_start3A_198, %dma_start3A_199] : memref<4x128x64xf32, #tpu.memory_space<vmem>> -> memref<1x128x64xf32, #tpu.memory_space<vmem>>
    %dma_start3A_201 = tpu.memref_squeeze %dma_start3A_200 : memref<1x128x64xf32, #tpu.memory_space<vmem>> -> memref<128x64xf32, #tpu.memory_space<vmem>>
    %dma_start3A_202 = arith.constant 0 : i32
    %dma_start3A_203 = tpu.memref_slice %arg8[%dma_start3A_195, %dma_start3A_196, %dma_start3A_202] : memref<2x4x128xi32, #tpu.memory_space<vmem>> -> memref<1x1x128xi32, #tpu.memory_space<vmem>>
    %dma_start3A_204 = tpu.memref_squeeze %dma_start3A_203 : memref<1x1x128xi32, #tpu.memory_space<vmem>> -> memref<128xi32, #tpu.memory_space<vmem>>
    %dma_start3A_205 = arith.constant 0 : i32
    %dma_start3A_206 = arith.constant 0 : i32
    %dma_start3A_207 = tpu.memref_slice %arg10[%dma_start3A_205, %dma_start3A_206] : memref<10240x64xf32, #tpu.memory_space<vmem_shared>> -> memref<10240x64xf32, #tpu.memory_space<vmem_shared>>
    %dma_start3A_208 = tpu.memref_slice %arg13[%dma_start3A_197] : memref<4x!tpu.dma_semaphore, #tpu.memory_space<semaphore_mem>> -> memref<1x!tpu.dma_semaphore, #tpu.memory_space<semaphore_mem>>
    %dma_start3A_209 = tpu.memref_squeeze %dma_start3A_208 : memref<1x!tpu.dma_semaphore, #tpu.memory_space<semaphore_mem>> -> memref<!tpu.dma_semaphore, #tpu.memory_space<semaphore_mem>>
    tpu.enqueue_indirect_dma source(%dma_start3A_201 : memref<128x64xf32, #tpu.memory_space<vmem>>) target(%dma_start3A_207 : memref<10240x64xf32, #tpu.memory_space<vmem_shared>>) offsets(%dma_start3A_204 : memref<128xi32, #tpu.memory_space<vmem>>) semaphore(%dma_start3A_209 : memref<!tpu.dma_semaphore, #tpu.memory_space<semaphore_mem>>) {add = true}
    %dma_wait3A_210 = arith.constant 1 : i32
    %dma_wait3A_211 = arith.constant 1 : i32
    %dma_wait3A_212 = arith.constant 1 : i32
    %dma_wait3A_213 = arith.constant 1 : i32
    %dma_wait3A_214 = arith.constant 0 : i32
    %dma_wait3A_215 = arith.constant 0 : i32
    %dma_wait3A_216 = tpu.memref_slice %arg9[%dma_wait3A_212, %dma_wait3A_214, %dma_wait3A_215] : memref<4x128x64xf32, #tpu.memory_space<vmem>> -> memref<1x128x64xf32, #tpu.memory_space<vmem>>
    %dma_wait3A_217 = tpu.memref_squeeze %dma_wait3A_216 : memref<1x128x64xf32, #tpu.memory_space<vmem>> -> memref<128x64xf32, #tpu.memory_space<vmem>>
    %dma_wait3A_218 = arith.constant 0 : i32
    %dma_wait3A_219 = tpu.memref_slice %arg7[%dma_wait3A_210, %dma_wait3A_211, %dma_wait3A_218] : memref<2x4x128xi32, #tpu.memory_space<vmem>> -> memref<1x1x128xi32, #tpu.memory_space<vmem>>
    %dma_wait3A_220 = tpu.memref_squeeze %dma_wait3A_219 : memref<1x1x128xi32, #tpu.memory_space<vmem>> -> memref<128xi32, #tpu.memory_space<vmem>>
    %dma_wait3A_221 = arith.constant 0 : i32
    %dma_wait3A_222 = arith.constant 0 : i32
    %dma_wait3A_223 = tpu.memref_slice %arg2[%dma_wait3A_221, %dma_wait3A_222] : memref<20480x64xf32, #tpu.memory_space<hbm>> -> memref<20480x64xf32, #tpu.memory_space<hbm>>
    %dma_wait3A_224 = tpu.memref_slice %arg12[%dma_wait3A_213] : memref<4x!tpu.dma_semaphore, #tpu.memory_space<semaphore_mem>> -> memref<1x!tpu.dma_semaphore, #tpu.memory_space<semaphore_mem>>
    %dma_wait3A_225 = tpu.memref_squeeze %dma_wait3A_224 : memref<1x!tpu.dma_semaphore, #tpu.memory_space<semaphore_mem>> -> memref<!tpu.dma_semaphore, #tpu.memory_space<semaphore_mem>>
    tpu.wait_indirect_dma semaphore(%dma_wait3A_225 : memref<!tpu.dma_semaphore, #tpu.memory_space<semaphore_mem>>) src(%dma_wait3A_223 : memref<20480x64xf32, #tpu.memory_space<hbm>>) dst(%dma_wait3A_217 : memref<128x64xf32, #tpu.memory_space<vmem>>)
    %dma_start3A_226 = arith.constant 1 : i32
    %dma_start3A_227 = arith.constant 1 : i32
    %dma_start3A_228 = arith.constant 1 : i32
    %dma_start3A_229 = arith.constant 1 : i32
    %dma_start3A_230 = arith.constant 0 : i32
    %dma_start3A_231 = arith.constant 0 : i32
    %dma_start3A_232 = tpu.memref_slice %arg9[%dma_start3A_226, %dma_start3A_230, %dma_start3A_231] : memref<4x128x64xf32, #tpu.memory_space<vmem>> -> memref<1x128x64xf32, #tpu.memory_space<vmem>>
    %dma_start3A_233 = tpu.memref_squeeze %dma_start3A_232 : memref<1x128x64xf32, #tpu.memory_space<vmem>> -> memref<128x64xf32, #tpu.memory_space<vmem>>
    %dma_start3A_234 = arith.constant 0 : i32
    %dma_start3A_235 = tpu.memref_slice %arg8[%dma_start3A_227, %dma_start3A_228, %dma_start3A_234] : memref<2x4x128xi32, #tpu.memory_space<vmem>> -> memref<1x1x128xi32, #tpu.memory_space<vmem>>
    %dma_start3A_236 = tpu.memref_squeeze %dma_start3A_235 : memref<1x1x128xi32, #tpu.memory_space<vmem>> -> memref<128xi32, #tpu.memory_space<vmem>>
    %dma_start3A_237 = arith.constant 0 : i32
    %dma_start3A_238 = arith.constant 0 : i32
    %dma_start3A_239 = tpu.memref_slice %arg10[%dma_start3A_237, %dma_start3A_238] : memref<10240x64xf32, #tpu.memory_space<vmem_shared>> -> memref<10240x64xf32, #tpu.memory_space<vmem_shared>>
    %dma_start3A_240 = tpu.memref_slice %arg13[%dma_start3A_229] : memref<4x!tpu.dma_semaphore, #tpu.memory_space<semaphore_mem>> -> memref<1x!tpu.dma_semaphore, #tpu.memory_space<semaphore_mem>>
    %dma_start3A_241 = tpu.memref_squeeze %dma_start3A_240 : memref<1x!tpu.dma_semaphore, #tpu.memory_space<semaphore_mem>> -> memref<!tpu.dma_semaphore, #tpu.memory_space<semaphore_mem>>
    tpu.enqueue_indirect_dma source(%dma_start3A_233 : memref<128x64xf32, #tpu.memory_space<vmem>>) target(%dma_start3A_239 : memref<10240x64xf32, #tpu.memory_space<vmem_shared>>) offsets(%dma_start3A_236 : memref<128xi32, #tpu.memory_space<vmem>>) semaphore(%dma_start3A_241 : memref<!tpu.dma_semaphore, #tpu.memory_space<semaphore_mem>>) {add = true}
    %dma_wait3A_242 = arith.constant 1 : i32
    %dma_wait3A_243 = arith.constant 2 : i32
    %dma_wait3A_244 = arith.constant 2 : i32
    %dma_wait3A_245 = arith.constant 2 : i32
    %dma_wait3A_246 = arith.constant 0 : i32
    %dma_wait3A_247 = arith.constant 0 : i32
    %dma_wait3A_248 = tpu.memref_slice %arg9[%dma_wait3A_244, %dma_wait3A_246, %dma_wait3A_247] : memref<4x128x64xf32, #tpu.memory_space<vmem>> -> memref<1x128x64xf32, #tpu.memory_space<vmem>>
    %dma_wait3A_249 = tpu.memref_squeeze %dma_wait3A_248 : memref<1x128x64xf32, #tpu.memory_space<vmem>> -> memref<128x64xf32, #tpu.memory_space<vmem>>
    %dma_wait3A_250 = arith.constant 0 : i32
    %dma_wait3A_251 = tpu.memref_slice %arg7[%dma_wait3A_242, %dma_wait3A_243, %dma_wait3A_250] : memref<2x4x128xi32, #tpu.memory_space<vmem>> -> memref<1x1x128xi32, #tpu.memory_space<vmem>>
    %dma_wait3A_252 = tpu.memref_squeeze %dma_wait3A_251 : memref<1x1x128xi32, #tpu.memory_space<vmem>> -> memref<128xi32, #tpu.memory_space<vmem>>
    %dma_wait3A_253 = arith.constant 0 : i32
    %dma_wait3A_254 = arith.constant 0 : i32
    %dma_wait3A_255 = tpu.memref_slice %arg2[%dma_wait3A_253, %dma_wait3A_254] : memref<20480x64xf32, #tpu.memory_space<hbm>> -> memref<20480x64xf32, #tpu.memory_space<hbm>>
    %dma_wait3A_256 = tpu.memref_slice %arg12[%dma_wait3A_245] : memref<4x!tpu.dma_semaphore, #tpu.memory_space<semaphore_mem>> -> memref<1x!tpu.dma_semaphore, #tpu.memory_space<semaphore_mem>>
    %dma_wait3A_257 = tpu.memref_squeeze %dma_wait3A_256 : memref<1x!tpu.dma_semaphore, #tpu.memory_space<semaphore_mem>> -> memref<!tpu.dma_semaphore, #tpu.memory_space<semaphore_mem>>
    tpu.wait_indirect_dma semaphore(%dma_wait3A_257 : memref<!tpu.dma_semaphore, #tpu.memory_space<semaphore_mem>>) src(%dma_wait3A_255 : memref<20480x64xf32, #tpu.memory_space<hbm>>) dst(%dma_wait3A_249 : memref<128x64xf32, #tpu.memory_space<vmem>>)
    %dma_start3A_258 = arith.constant 2 : i32
    %dma_start3A_259 = arith.constant 1 : i32
    %dma_start3A_260 = arith.constant 2 : i32
    %dma_start3A_261 = arith.constant 2 : i32
    %dma_start3A_262 = arith.constant 0 : i32
    %dma_start3A_263 = arith.constant 0 : i32
    %dma_start3A_264 = tpu.memref_slice %arg9[%dma_start3A_258, %dma_start3A_262, %dma_start3A_263] : memref<4x128x64xf32, #tpu.memory_space<vmem>> -> memref<1x128x64xf32, #tpu.memory_space<vmem>>
    %dma_start3A_265 = tpu.memref_squeeze %dma_start3A_264 : memref<1x128x64xf32, #tpu.memory_space<vmem>> -> memref<128x64xf32, #tpu.memory_space<vmem>>
    %dma_start3A_266 = arith.constant 0 : i32
    %dma_start3A_267 = tpu.memref_slice %arg8[%dma_start3A_259, %dma_start3A_260, %dma_start3A_266] : memref<2x4x128xi32, #tpu.memory_space<vmem>> -> memref<1x1x128xi32, #tpu.memory_space<vmem>>
    %dma_start3A_268 = tpu.memref_squeeze %dma_start3A_267 : memref<1x1x128xi32, #tpu.memory_space<vmem>> -> memref<128xi32, #tpu.memory_space<vmem>>
    %dma_start3A_269 = arith.constant 0 : i32
    %dma_start3A_270 = arith.constant 0 : i32
    %dma_start3A_271 = tpu.memref_slice %arg10[%dma_start3A_269, %dma_start3A_270] : memref<10240x64xf32, #tpu.memory_space<vmem_shared>> -> memref<10240x64xf32, #tpu.memory_space<vmem_shared>>
    %dma_start3A_272 = tpu.memref_slice %arg13[%dma_start3A_261] : memref<4x!tpu.dma_semaphore, #tpu.memory_space<semaphore_mem>> -> memref<1x!tpu.dma_semaphore, #tpu.memory_space<semaphore_mem>>
    %dma_start3A_273 = tpu.memref_squeeze %dma_start3A_272 : memref<1x!tpu.dma_semaphore, #tpu.memory_space<semaphore_mem>> -> memref<!tpu.dma_semaphore, #tpu.memory_space<semaphore_mem>>
    tpu.enqueue_indirect_dma source(%dma_start3A_265 : memref<128x64xf32, #tpu.memory_space<vmem>>) target(%dma_start3A_271 : memref<10240x64xf32, #tpu.memory_space<vmem_shared>>) offsets(%dma_start3A_268 : memref<128xi32, #tpu.memory_space<vmem>>) semaphore(%dma_start3A_273 : memref<!tpu.dma_semaphore, #tpu.memory_space<semaphore_mem>>) {add = true}
    %dma_wait3A_274 = arith.constant 1 : i32
    %dma_wait3A_275 = arith.constant 3 : i32
    %dma_wait3A_276 = arith.constant 3 : i32
    %dma_wait3A_277 = arith.constant 3 : i32
    %dma_wait3A_278 = arith.constant 0 : i32
    %dma_wait3A_279 = arith.constant 0 : i32
    %dma_wait3A_280 = tpu.memref_slice %arg9[%dma_wait3A_276, %dma_wait3A_278, %dma_wait3A_279] : memref<4x128x64xf32, #tpu.memory_space<vmem>> -> memref<1x128x64xf32, #tpu.memory_space<vmem>>
    %dma_wait3A_281 = tpu.memref_squeeze %dma_wait3A_280 : memref<1x128x64xf32, #tpu.memory_space<vmem>> -> memref<128x64xf32, #tpu.memory_space<vmem>>
    %dma_wait3A_282 = arith.constant 0 : i32
    %dma_wait3A_283 = tpu.memref_slice %arg7[%dma_wait3A_274, %dma_wait3A_275, %dma_wait3A_282] : memref<2x4x128xi32, #tpu.memory_space<vmem>> -> memref<1x1x128xi32, #tpu.memory_space<vmem>>
    %dma_wait3A_284 = tpu.memref_squeeze %dma_wait3A_283 : memref<1x1x128xi32, #tpu.memory_space<vmem>> -> memref<128xi32, #tpu.memory_space<vmem>>
    %dma_wait3A_285 = arith.constant 0 : i32
    %dma_wait3A_286 = arith.constant 0 : i32
    %dma_wait3A_287 = tpu.memref_slice %arg2[%dma_wait3A_285, %dma_wait3A_286] : memref<20480x64xf32, #tpu.memory_space<hbm>> -> memref<20480x64xf32, #tpu.memory_space<hbm>>
    %dma_wait3A_288 = tpu.memref_slice %arg12[%dma_wait3A_277] : memref<4x!tpu.dma_semaphore, #tpu.memory_space<semaphore_mem>> -> memref<1x!tpu.dma_semaphore, #tpu.memory_space<semaphore_mem>>
    %dma_wait3A_289 = tpu.memref_squeeze %dma_wait3A_288 : memref<1x!tpu.dma_semaphore, #tpu.memory_space<semaphore_mem>> -> memref<!tpu.dma_semaphore, #tpu.memory_space<semaphore_mem>>
    tpu.wait_indirect_dma semaphore(%dma_wait3A_289 : memref<!tpu.dma_semaphore, #tpu.memory_space<semaphore_mem>>) src(%dma_wait3A_287 : memref<20480x64xf32, #tpu.memory_space<hbm>>) dst(%dma_wait3A_281 : memref<128x64xf32, #tpu.memory_space<vmem>>)
    %dma_start3A_290 = arith.constant 3 : i32
    %dma_start3A_291 = arith.constant 1 : i32
    %dma_start3A_292 = arith.constant 3 : i32
    %dma_start3A_293 = arith.constant 3 : i32
    %dma_start3A_294 = arith.constant 0 : i32
    %dma_start3A_295 = arith.constant 0 : i32
    %dma_start3A_296 = tpu.memref_slice %arg9[%dma_start3A_290, %dma_start3A_294, %dma_start3A_295] : memref<4x128x64xf32, #tpu.memory_space<vmem>> -> memref<1x128x64xf32, #tpu.memory_space<vmem>>
    %dma_start3A_297 = tpu.memref_squeeze %dma_start3A_296 : memref<1x128x64xf32, #tpu.memory_space<vmem>> -> memref<128x64xf32, #tpu.memory_space<vmem>>
    %dma_start3A_298 = arith.constant 0 : i32
    %dma_start3A_299 = tpu.memref_slice %arg8[%dma_start3A_291, %dma_start3A_292, %dma_start3A_298] : memref<2x4x128xi32, #tpu.memory_space<vmem>> -> memref<1x1x128xi32, #tpu.memory_space<vmem>>
    %dma_start3A_300 = tpu.memref_squeeze %dma_start3A_299 : memref<1x1x128xi32, #tpu.memory_space<vmem>> -> memref<128xi32, #tpu.memory_space<vmem>>
    %dma_start3A_301 = arith.constant 0 : i32
    %dma_start3A_302 = arith.constant 0 : i32
    %dma_start3A_303 = tpu.memref_slice %arg10[%dma_start3A_301, %dma_start3A_302] : memref<10240x64xf32, #tpu.memory_space<vmem_shared>> -> memref<10240x64xf32, #tpu.memory_space<vmem_shared>>
    %dma_start3A_304 = tpu.memref_slice %arg13[%dma_start3A_293] : memref<4x!tpu.dma_semaphore, #tpu.memory_space<semaphore_mem>> -> memref<1x!tpu.dma_semaphore, #tpu.memory_space<semaphore_mem>>
    %dma_start3A_305 = tpu.memref_squeeze %dma_start3A_304 : memref<1x!tpu.dma_semaphore, #tpu.memory_space<semaphore_mem>> -> memref<!tpu.dma_semaphore, #tpu.memory_space<semaphore_mem>>
    tpu.enqueue_indirect_dma source(%dma_start3A_297 : memref<128x64xf32, #tpu.memory_space<vmem>>) target(%dma_start3A_303 : memref<10240x64xf32, #tpu.memory_space<vmem_shared>>) offsets(%dma_start3A_300 : memref<128xi32, #tpu.memory_space<vmem>>) semaphore(%dma_start3A_305 : memref<!tpu.dma_semaphore, #tpu.memory_space<semaphore_mem>>) {add = true}
    %dma_wait3A_306 = arith.constant 0 : i32
    %dma_wait3A_307 = arith.constant 1 : i32
    %dma_wait3A_308 = arith.constant 0 : i32
    %dma_wait3A_309 = arith.constant 0 : i32
    %dma_wait3A_310 = arith.constant 0 : i32
    %dma_wait3A_311 = arith.constant 0 : i32
    %dma_wait3A_312 = tpu.memref_slice %arg9[%dma_wait3A_306, %dma_wait3A_310, %dma_wait3A_311] : memref<4x128x64xf32, #tpu.memory_space<vmem>> -> memref<1x128x64xf32, #tpu.memory_space<vmem>>
    %dma_wait3A_313 = tpu.memref_squeeze %dma_wait3A_312 : memref<1x128x64xf32, #tpu.memory_space<vmem>> -> memref<128x64xf32, #tpu.memory_space<vmem>>
    %dma_wait3A_314 = arith.constant 0 : i32
    %dma_wait3A_315 = tpu.memref_slice %arg8[%dma_wait3A_307, %dma_wait3A_308, %dma_wait3A_314] : memref<2x4x128xi32, #tpu.memory_space<vmem>> -> memref<1x1x128xi32, #tpu.memory_space<vmem>>
    %dma_wait3A_316 = tpu.memref_squeeze %dma_wait3A_315 : memref<1x1x128xi32, #tpu.memory_space<vmem>> -> memref<128xi32, #tpu.memory_space<vmem>>
    %dma_wait3A_317 = arith.constant 0 : i32
    %dma_wait3A_318 = arith.constant 0 : i32
    %dma_wait3A_319 = tpu.memref_slice %arg10[%dma_wait3A_317, %dma_wait3A_318] : memref<10240x64xf32, #tpu.memory_space<vmem_shared>> -> memref<10240x64xf32, #tpu.memory_space<vmem_shared>>
    %dma_wait3A_320 = tpu.memref_slice %arg13[%dma_wait3A_309] : memref<4x!tpu.dma_semaphore, #tpu.memory_space<semaphore_mem>> -> memref<1x!tpu.dma_semaphore, #tpu.memory_space<semaphore_mem>>
    %dma_wait3A_321 = tpu.memref_squeeze %dma_wait3A_320 : memref<1x!tpu.dma_semaphore, #tpu.memory_space<semaphore_mem>> -> memref<!tpu.dma_semaphore, #tpu.memory_space<semaphore_mem>>
    tpu.wait_indirect_dma semaphore(%dma_wait3A_321 : memref<!tpu.dma_semaphore, #tpu.memory_space<semaphore_mem>>) src(%dma_wait3A_313 : memref<128x64xf32, #tpu.memory_space<vmem>>) dst(%dma_wait3A_319 : memref<10240x64xf32, #tpu.memory_space<vmem_shared>>)
    %dma_wait3A_322 = arith.constant 1 : i32
    %dma_wait3A_323 = arith.constant 1 : i32
    %dma_wait3A_324 = arith.constant 1 : i32
    %dma_wait3A_325 = arith.constant 1 : i32
    %dma_wait3A_326 = arith.constant 0 : i32
    %dma_wait3A_327 = arith.constant 0 : i32
    %dma_wait3A_328 = tpu.memref_slice %arg9[%dma_wait3A_322, %dma_wait3A_326, %dma_wait3A_327] : memref<4x128x64xf32, #tpu.memory_space<vmem>> -> memref<1x128x64xf32, #tpu.memory_space<vmem>>
    %dma_wait3A_329 = tpu.memref_squeeze %dma_wait3A_328 : memref<1x128x64xf32, #tpu.memory_space<vmem>> -> memref<128x64xf32, #tpu.memory_space<vmem>>
    %dma_wait3A_330 = arith.constant 0 : i32
    %dma_wait3A_331 = tpu.memref_slice %arg8[%dma_wait3A_323, %dma_wait3A_324, %dma_wait3A_330] : memref<2x4x128xi32, #tpu.memory_space<vmem>> -> memref<1x1x128xi32, #tpu.memory_space<vmem>>
    %dma_wait3A_332 = tpu.memref_squeeze %dma_wait3A_331 : memref<1x1x128xi32, #tpu.memory_space<vmem>> -> memref<128xi32, #tpu.memory_space<vmem>>
    %dma_wait3A_333 = arith.constant 0 : i32
    %dma_wait3A_334 = arith.constant 0 : i32
    %dma_wait3A_335 = tpu.memref_slice %arg10[%dma_wait3A_333, %dma_wait3A_334] : memref<10240x64xf32, #tpu.memory_space<vmem_shared>> -> memref<10240x64xf32, #tpu.memory_space<vmem_shared>>
    %dma_wait3A_336 = tpu.memref_slice %arg13[%dma_wait3A_325] : memref<4x!tpu.dma_semaphore, #tpu.memory_space<semaphore_mem>> -> memref<1x!tpu.dma_semaphore, #tpu.memory_space<semaphore_mem>>
    %dma_wait3A_337 = tpu.memref_squeeze %dma_wait3A_336 : memref<1x!tpu.dma_semaphore, #tpu.memory_space<semaphore_mem>> -> memref<!tpu.dma_semaphore, #tpu.memory_space<semaphore_mem>>
    tpu.wait_indirect_dma semaphore(%dma_wait3A_337 : memref<!tpu.dma_semaphore, #tpu.memory_space<semaphore_mem>>) src(%dma_wait3A_329 : memref<128x64xf32, #tpu.memory_space<vmem>>) dst(%dma_wait3A_335 : memref<10240x64xf32, #tpu.memory_space<vmem_shared>>)
    %dma_wait3A_338 = arith.constant 2 : i32
    %dma_wait3A_339 = arith.constant 1 : i32
    %dma_wait3A_340 = arith.constant 2 : i32
    %dma_wait3A_341 = arith.constant 2 : i32
    %dma_wait3A_342 = arith.constant 0 : i32
    %dma_wait3A_343 = arith.constant 0 : i32
    %dma_wait3A_344 = tpu.memref_slice %arg9[%dma_wait3A_338, %dma_wait3A_342, %dma_wait3A_343] : memref<4x128x64xf32, #tpu.memory_space<vmem>> -> memref<1x128x64xf32, #tpu.memory_space<vmem>>
    %dma_wait3A_345 = tpu.memref_squeeze %dma_wait3A_344 : memref<1x128x64xf32, #tpu.memory_space<vmem>> -> memref<128x64xf32, #tpu.memory_space<vmem>>
    %dma_wait3A_346 = arith.constant 0 : i32
    %dma_wait3A_347 = tpu.memref_slice %arg8[%dma_wait3A_339, %dma_wait3A_340, %dma_wait3A_346] : memref<2x4x128xi32, #tpu.memory_space<vmem>> -> memref<1x1x128xi32, #tpu.memory_space<vmem>>
    %dma_wait3A_348 = tpu.memref_squeeze %dma_wait3A_347 : memref<1x1x128xi32, #tpu.memory_space<vmem>> -> memref<128xi32, #tpu.memory_space<vmem>>
    %dma_wait3A_349 = arith.constant 0 : i32
    %dma_wait3A_350 = arith.constant 0 : i32
    %dma_wait3A_351 = tpu.memref_slice %arg10[%dma_wait3A_349, %dma_wait3A_350] : memref<10240x64xf32, #tpu.memory_space<vmem_shared>> -> memref<10240x64xf32, #tpu.memory_space<vmem_shared>>
    %dma_wait3A_352 = tpu.memref_slice %arg13[%dma_wait3A_341] : memref<4x!tpu.dma_semaphore, #tpu.memory_space<semaphore_mem>> -> memref<1x!tpu.dma_semaphore, #tpu.memory_space<semaphore_mem>>
    %dma_wait3A_353 = tpu.memref_squeeze %dma_wait3A_352 : memref<1x!tpu.dma_semaphore, #tpu.memory_space<semaphore_mem>> -> memref<!tpu.dma_semaphore, #tpu.memory_space<semaphore_mem>>
    tpu.wait_indirect_dma semaphore(%dma_wait3A_353 : memref<!tpu.dma_semaphore, #tpu.memory_space<semaphore_mem>>) src(%dma_wait3A_345 : memref<128x64xf32, #tpu.memory_space<vmem>>) dst(%dma_wait3A_351 : memref<10240x64xf32, #tpu.memory_space<vmem_shared>>)
    %dma_wait3A_354 = arith.constant 3 : i32
    %dma_wait3A_355 = arith.constant 1 : i32
    %dma_wait3A_356 = arith.constant 3 : i32
    %dma_wait3A_357 = arith.constant 3 : i32
    %dma_wait3A_358 = arith.constant 0 : i32
    %dma_wait3A_359 = arith.constant 0 : i32
    %dma_wait3A_360 = tpu.memref_slice %arg9[%dma_wait3A_354, %dma_wait3A_358, %dma_wait3A_359] : memref<4x128x64xf32, #tpu.memory_space<vmem>> -> memref<1x128x64xf32, #tpu.memory_space<vmem>>
    %dma_wait3A_361 = tpu.memref_squeeze %dma_wait3A_360 : memref<1x128x64xf32, #tpu.memory_space<vmem>> -> memref<128x64xf32, #tpu.memory_space<vmem>>
    %dma_wait3A_362 = arith.constant 0 : i32
    %dma_wait3A_363 = tpu.memref_slice %arg8[%dma_wait3A_355, %dma_wait3A_356, %dma_wait3A_362] : memref<2x4x128xi32, #tpu.memory_space<vmem>> -> memref<1x1x128xi32, #tpu.memory_space<vmem>>
    %dma_wait3A_364 = tpu.memref_squeeze %dma_wait3A_363 : memref<1x1x128xi32, #tpu.memory_space<vmem>> -> memref<128xi32, #tpu.memory_space<vmem>>
    %dma_wait3A_365 = arith.constant 0 : i32
    %dma_wait3A_366 = arith.constant 0 : i32
    %dma_wait3A_367 = tpu.memref_slice %arg10[%dma_wait3A_365, %dma_wait3A_366] : memref<10240x64xf32, #tpu.memory_space<vmem_shared>> -> memref<10240x64xf32, #tpu.memory_space<vmem_shared>>
    %dma_wait3A_368 = tpu.memref_slice %arg13[%dma_wait3A_357] : memref<4x!tpu.dma_semaphore, #tpu.memory_space<semaphore_mem>> -> memref<1x!tpu.dma_semaphore, #tpu.memory_space<semaphore_mem>>
    %dma_wait3A_369 = tpu.memref_squeeze %dma_wait3A_368 : memref<1x!tpu.dma_semaphore, #tpu.memory_space<semaphore_mem>> -> memref<!tpu.dma_semaphore, #tpu.memory_space<semaphore_mem>>
    tpu.wait_indirect_dma semaphore(%dma_wait3A_369 : memref<!tpu.dma_semaphore, #tpu.memory_space<semaphore_mem>>) src(%dma_wait3A_361 : memref<128x64xf32, #tpu.memory_space<vmem>>) dst(%dma_wait3A_367 : memref<10240x64xf32, #tpu.memory_space<vmem_shared>>)
    %barrier3A_370 = arith.constant 0 : index
    tpu.barrier barrier_id(%barrier3A_370)
    %mul3A_371 = arith.constant 10240 : i32
    %mul3A_372 = arith.muli %arg0, %mul3A_371 : i32
    %mul3A_373 = arith.constant 640 : i32
    %mul3A_374 = arith.muli %arg1, %mul3A_373 : i32
    %add3A_375 = arith.addi %mul3A_372, %mul3A_374 : i32
    %mul3A_376 = arith.constant 640 : i32
    %mul3A_377 = arith.muli %arg1, %mul3A_376 : i32
    "tpu.region"() ({
      %run_scoped3A = tpu.sem_alloc : memref<!tpu.dma_semaphore, #tpu.memory_space<semaphore_mem>>
      %dma_start3A_378 = arith.constant 0 : i32
      %dma_start3A_379 = tpu.memref_slice %arg6[%add3A_375, %dma_start3A_378] : memref<20480x64xf32, #tpu.memory_space<hbm>> -> memref<640x64xf32, #tpu.memory_space<hbm>>
      %dma_start3A_380 = arith.constant 0 : i32
      %dma_start3A_381 = tpu.memref_slice %arg10[%mul3A_377, %dma_start3A_380] : memref<10240x64xf32, #tpu.memory_space<vmem_shared>> -> memref<640x64xf32, #tpu.memory_space<vmem_shared>>
      tpu.enqueue_dma source(%dma_start3A_381 : memref<640x64xf32, #tpu.memory_space<vmem_shared>>) target(%dma_start3A_379 : memref<640x64xf32, #tpu.memory_space<hbm>>) target_semaphore(%run_scoped3A : memref<!tpu.dma_semaphore, #tpu.memory_space<semaphore_mem>>)
      %dma_wait3A_382 = arith.constant 0 : i32
      %dma_wait3A_383 = tpu.memref_slice %arg6[%add3A_375, %dma_wait3A_382] : memref<20480x64xf32, #tpu.memory_space<hbm>> -> memref<640x64xf32, #tpu.memory_space<hbm>>
      %dma_wait3A_384 = arith.constant 0 : i32
      %dma_wait3A_385 = tpu.memref_slice %arg10[%mul3A_377, %dma_wait3A_384] : memref<10240x64xf32, #tpu.memory_space<vmem_shared>> -> memref<640x64xf32, #tpu.memory_space<vmem_shared>>
      tpu.wait_dma2 semaphore(%run_scoped3A : memref<!tpu.dma_semaphore, #tpu.memory_space<semaphore_mem>>) src(%dma_wait3A_385 : memref<640x64xf32, #tpu.memory_space<vmem_shared>>) dst(%dma_wait3A_383 : memref<640x64xf32, #tpu.memory_space<hbm>>)
      tpu.yield
    }) : () -> ()
    return
  }
}

module attributes {stable_mosaic.version = 14 : i64} {
  func.func @_prep_body(%arg0: i32, %arg1: memref<2x1024x8xf32, #tpu.memory_space<vmem>>, %arg2: memref<1024x128xf32, #tpu.memory_space<vmem>>, %arg3: memref<128x128xf32, #tpu.memory_space<vmem>>, %arg4: memref<2x1024x64xf32, #tpu.memory_space<vmem>>) attributes {dimension_semantics = [#tpu.dimension_semantics<arbitrary>], iteration_bounds = array<i64: 10>, scalar_prefetch = 0 : i64, scratch_operands = 0 : i64, tpu.core_type = #tpu.core_type<tc>, window_params = [{transform_indices = @transform_0, window_bounds = array<i64: 2, 1024, 8>}, {transform_indices = @transform_1, window_bounds = array<i64: 1024, 128>}, {pipeline_mode = #tpu.pipeline_mode<synchronous>, transform_indices = @transform_2, window_bounds = array<i64: 128, 128>}, {transform_indices = @transform_3, window_bounds = array<i64: 2, 1024, 64>}]} {
    %get3A = arith.constant 0 : index
    %get3A_0 = arith.constant 0 : index
    %get3A_1 = arith.constant 0 : index
    %get3A_2 = vector.load %arg1[%get3A, %get3A_0, %get3A_1] : memref<2x1024x8xf32, #tpu.memory_space<vmem>>, vector<1x1024x1xf32>
    %get3A_3 = vector.shape_cast %get3A_2 : vector<1x1024x1xf32> to vector<1024x1xf32>
    %get3A_4 = arith.constant 1 : index
    %get3A_5 = arith.constant 0 : index
    %get3A_6 = arith.constant 0 : index
    %get3A_7 = vector.load %arg1[%get3A_4, %get3A_5, %get3A_6] : memref<2x1024x8xf32, #tpu.memory_space<vmem>>, vector<1x1024x1xf32>
    %get3A_8 = vector.shape_cast %get3A_7 : vector<1x1024x1xf32> to vector<1024x1xf32>
    %add3A = arith.addf %get3A_3, %get3A_8 : vector<1024x1xf32>
    %add3A_9 = arith.constant 1.000000e+00 : f32
    %add3A_10 = vector.broadcast %add3A_9 : f32 to vector<1024x1xf32>
    %add3A_11 = arith.addf %add3A, %add3A_10 : vector<1024x1xf32>
    %rsqrt3A = math.rsqrt %add3A_11 : vector<1024x1xf32>
    %get3A_12 = arith.constant 0 : index
    %get3A_13 = arith.constant 0 : index
    %get3A_14 = vector.load %arg2[%get3A_12, %get3A_13] : memref<1024x128xf32, #tpu.memory_space<vmem>>, vector<1024x128xf32>
    %get3A_15 = arith.constant 0 : index
    %get3A_16 = arith.constant 0 : index
    %get3A_17 = vector.load %arg3[%get3A_15, %get3A_16] : memref<128x128xf32, #tpu.memory_space<vmem>>, vector<128x128xf32>
    %dot_general3A = arith.constant dense<0.000000e+00> : vector<1024x128xf32>
    %dot_general3A_18 = tpu.matmul %get3A_14, %get3A_17, %dot_general3A {dimension_numbers = #tpu.dot_dimension_numbers<[1], [0], [0], [1], [0, 0, 1, 1], [], []>, transpose_lhs_hint = false} : vector<1024x128xf32>, vector<128x128xf32>, vector<1024x128xf32> -> vector<1024x128xf32>
    %mul3A = vector.broadcast %rsqrt3A : vector<1024x1xf32> to vector<1024x128xf32>
    %mul3A_19 = arith.mulf %dot_general3A_18, %mul3A : vector<1024x128xf32>
    %slice3A = vector.extract_strided_slice %mul3A_19 {offsets = [0, 0], sizes = [1024, 64], strides = [1, 1]} : vector<1024x128xf32> to vector<1024x64xf32>
    %swap3A = arith.constant 0 : index
    %swap3A_20 = arith.constant 0 : index
    %swap3A_21 = arith.constant 0 : index
    %swap3A_22 = vector.load %arg4[%swap3A, %swap3A_20, %swap3A_21] : memref<2x1024x64xf32, #tpu.memory_space<vmem>>, vector<1x1024x64xf32>
    %swap3A_23 = vector.shape_cast %swap3A_22 : vector<1x1024x64xf32> to vector<1024x64xf32>
    %swap3A_24 = vector.shape_cast %slice3A : vector<1024x64xf32> to vector<1x1024x64xf32>
    tpu.vector_store %arg4[%swap3A, %swap3A_20, %swap3A_21], %swap3A_24 {strides = array<i32>} : memref<2x1024x64xf32, #tpu.memory_space<vmem>>, vector<1x1024x64xf32>,
    %slice3A_25 = vector.extract_strided_slice %mul3A_19 {offsets = [0, 64], sizes = [1024, 64], strides = [1, 1]} : vector<1024x128xf32> to vector<1024x64xf32>
    %swap3A_26 = arith.constant 1 : index
    %swap3A_27 = arith.constant 0 : index
    %swap3A_28 = arith.constant 0 : index
    %swap3A_29 = vector.load %arg4[%swap3A_26, %swap3A_27, %swap3A_28] : memref<2x1024x64xf32, #tpu.memory_space<vmem>>, vector<1x1024x64xf32>
    %swap3A_30 = vector.shape_cast %swap3A_29 : vector<1x1024x64xf32> to vector<1024x64xf32>
    %swap3A_31 = vector.shape_cast %slice3A_25 : vector<1024x64xf32> to vector<1x1024x64xf32>
    tpu.vector_store %arg4[%swap3A_26, %swap3A_27, %swap3A_28], %swap3A_31 {strides = array<i32>} : memref<2x1024x64xf32, #tpu.memory_space<vmem>>, vector<1x1024x64xf32>,
    return
  }
  func.func @transform_0(%arg0: i32) -> (i32, i32, i32) {
    %c0_i32 = arith.constant 0 : i32
    %c0_i32_0 = arith.constant 0 : i32
    %c0_i32_1 = arith.constant 0 : i32
    return %c0_i32, %arg0, %c0_i32_0 : i32, i32, i32
  }
  func.func @transform_1(%arg0: i32) -> (i32, i32) {
    %c0_i32 = arith.constant 0 : i32
    %c0_i32_0 = arith.constant 0 : i32
    return %arg0, %c0_i32 : i32, i32
  }
  func.func @transform_2(%arg0: i32) -> (i32, i32) {
    %c0_i32 = arith.constant 0 : i32
    %c0_i32_0 = arith.constant 0 : i32
    %c0_i32_1 = arith.constant 0 : i32
    return %c0_i32, %c0_i32_0 : i32, i32
  }
  func.func @transform_3(%arg0: i32) -> (i32, i32, i32) {
    %c0_i32 = arith.constant 0 : i32
    %c0_i32_0 = arith.constant 0 : i32
    %c0_i32_1 = arith.constant 0 : i32
    return %c0_i32, %arg0, %c0_i32_0 : i32, i32, i32
  }
}

module attributes {stable_mosaic.version = 14 : i64} {
  func.func @_mid_body(%arg0: i32, %arg1: memref<2x1024x64xf32, #tpu.memory_space<vmem>>, %arg2: memref<2x1024x64xf32, #tpu.memory_space<vmem>>, %arg3: memref<2x1024x8xf32, #tpu.memory_space<vmem>>, %arg4: memref<1x128xf32, #tpu.memory_space<vmem>>, %arg5: memref<1x128xf32, #tpu.memory_space<vmem>>, %arg6: memref<1x128xf32, #tpu.memory_space<vmem>>, %arg7: memref<128x128xf32, #tpu.memory_space<vmem>>, %arg8: memref<2x1024x64xf32, #tpu.memory_space<vmem>>) attributes {dimension_semantics = [#tpu.dimension_semantics<arbitrary>], iteration_bounds = array<i64: 10>, scalar_prefetch = 0 : i64, scratch_operands = 0 : i64, tpu.core_type = #tpu.core_type<tc>, window_params = [{transform_indices = @transform_0, window_bounds = array<i64: 2, 1024, 64>}, {transform_indices = @transform_1, window_bounds = array<i64: 2, 1024, 64>}, {transform_indices = @transform_2, window_bounds = array<i64: 2, 1024, 8>}, {pipeline_mode = #tpu.pipeline_mode<synchronous>, transform_indices = @transform_3, window_bounds = array<i64: 1, 128>}, {pipeline_mode = #tpu.pipeline_mode<synchronous>, transform_indices = @transform_4, window_bounds = array<i64: 1, 128>}, {pipeline_mode = #tpu.pipeline_mode<synchronous>, transform_indices = @transform_5, window_bounds = array<i64: 1, 128>}, {pipeline_mode = #tpu.pipeline_mode<synchronous>, transform_indices = @transform_6, window_bounds = array<i64: 128, 128>}, {transform_indices = @transform_7, window_bounds = array<i64: 2, 1024, 64>}]} {
    %get3A = arith.constant 0 : index
    %get3A_0 = arith.constant 0 : index
    %get3A_1 = arith.constant 0 : index
    %get3A_2 = vector.load %arg3[%get3A, %get3A_0, %get3A_1] : memref<2x1024x8xf32, #tpu.memory_space<vmem>>, vector<1x1024x1xf32>
    %get3A_3 = vector.shape_cast %get3A_2 : vector<1x1024x1xf32> to vector<1024x1xf32>
    %get3A_4 = arith.constant 1 : index
    %get3A_5 = arith.constant 0 : index
    %get3A_6 = arith.constant 0 : index
    %get3A_7 = vector.load %arg3[%get3A_4, %get3A_5, %get3A_6] : memref<2x1024x8xf32, #tpu.memory_space<vmem>>, vector<1x1024x1xf32>
    %get3A_8 = vector.shape_cast %get3A_7 : vector<1x1024x1xf32> to vector<1024x1xf32>
    %add3A = arith.addf %get3A_3, %get3A_8 : vector<1024x1xf32>
    %add3A_9 = arith.constant 1.000000e+00 : f32
    %add3A_10 = vector.broadcast %add3A_9 : f32 to vector<1024x1xf32>
    %add3A_11 = arith.addf %add3A, %add3A_10 : vector<1024x1xf32>
    %rsqrt3A = math.rsqrt %add3A_11 : vector<1024x1xf32>
    %get3A_12 = arith.constant 0 : index
    %get3A_13 = arith.constant 0 : index
    %get3A_14 = arith.constant 0 : index
    %get3A_15 = vector.load %arg1[%get3A_12, %get3A_13, %get3A_14] : memref<2x1024x64xf32, #tpu.memory_space<vmem>>, vector<1x1024x64xf32>
    %get3A_16 = vector.shape_cast %get3A_15 : vector<1x1024x64xf32> to vector<1024x64xf32>
    %get3A_17 = arith.constant 1 : index
    %get3A_18 = arith.constant 0 : index
    %get3A_19 = arith.constant 0 : index
    %get3A_20 = vector.load %arg1[%get3A_17, %get3A_18, %get3A_19] : memref<2x1024x64xf32, #tpu.memory_space<vmem>>, vector<1x1024x64xf32>
    %get3A_21 = vector.shape_cast %get3A_20 : vector<1x1024x64xf32> to vector<1024x64xf32>
    %concatenate3A = tpu.concatenate %get3A_16, %get3A_21 in 1 : vector<1024x64xf32>, vector<1024x64xf32> -> vector<1024x128xf32>
    %get3A_22 = arith.constant 0 : index
    %get3A_23 = arith.constant 0 : index
    %get3A_24 = arith.constant 0 : index
    %get3A_25 = vector.load %arg2[%get3A_22, %get3A_23, %get3A_24] : memref<2x1024x64xf32, #tpu.memory_space<vmem>>, vector<1x1024x64xf32>
    %get3A_26 = vector.shape_cast %get3A_25 : vector<1x1024x64xf32> to vector<1024x64xf32>
    %get3A_27 = arith.constant 1 : index
    %get3A_28 = arith.constant 0 : index
    %get3A_29 = arith.constant 0 : index
    %get3A_30 = vector.load %arg2[%get3A_27, %get3A_28, %get3A_29] : memref<2x1024x64xf32, #tpu.memory_space<vmem>>, vector<1x1024x64xf32>
    %get3A_31 = vector.shape_cast %get3A_30 : vector<1x1024x64xf32> to vector<1024x64xf32>
    %concatenate3A_32 = tpu.concatenate %get3A_26, %get3A_31 in 1 : vector<1024x64xf32>, vector<1024x64xf32> -> vector<1024x128xf32>
    %add3A_33 = arith.addf %concatenate3A, %concatenate3A_32 : vector<1024x128xf32>
    %mul3A = vector.broadcast %rsqrt3A : vector<1024x1xf32> to vector<1024x128xf32>
    %mul3A_34 = arith.mulf %add3A_33, %mul3A : vector<1024x128xf32>
    %get3A_35 = arith.constant 0 : index
    %get3A_36 = arith.constant 0 : index
    %get3A_37 = vector.load %arg4[%get3A_35, %get3A_36] : memref<1x128xf32, #tpu.memory_space<vmem>>, vector<1x128xf32>
    %add3A_38 = vector.broadcast %get3A_37 : vector<1x128xf32> to vector<1024x128xf32>
    %add3A_39 = arith.addf %mul3A_34, %add3A_38 : vector<1024x128xf32>
    %reduce_sum3A = arith.constant dense<0.000000e+00> : vector<1024xf32>
    %reduce_sum3A_40 = vector.multi_reduction <add>, %add3A_39, %reduce_sum3A [1] : vector<1024x128xf32> to vector<1024xf32>
    %broadcast_in_dim3A = vector.shape_cast %reduce_sum3A_40 : vector<1024xf32> to vector<1024x1xf32>
    %div3A = arith.constant 1.280000e+02 : f32
    %div3A_41 = vector.broadcast %div3A : f32 to vector<1024x1xf32>
    %div3A_42 = arith.divf %broadcast_in_dim3A, %div3A_41 : vector<1024x1xf32>
    %sub3A = vector.broadcast %div3A_42 : vector<1024x1xf32> to vector<1024x128xf32>
    %sub3A_43 = arith.subf %add3A_39, %sub3A : vector<1024x128xf32>
    %mul3A_44 = arith.mulf %sub3A_43, %sub3A_43 : vector<1024x128xf32>
    %reduce_sum3A_45 = arith.constant dense<0.000000e+00> : vector<1024xf32>
    %reduce_sum3A_46 = vector.multi_reduction <add>, %mul3A_44, %reduce_sum3A_45 [1] : vector<1024x128xf32> to vector<1024xf32>
    %broadcast_in_dim3A_47 = vector.shape_cast %reduce_sum3A_46 : vector<1024xf32> to vector<1024x1xf32>
    %div3A_48 = arith.constant 1.280000e+02 : f32
    %div3A_49 = vector.broadcast %div3A_48 : f32 to vector<1024x1xf32>
    %div3A_50 = arith.divf %broadcast_in_dim3A_47, %div3A_49 : vector<1024x1xf32>
    %add3A_51 = arith.constant 9.99999974E-6 : f32
    %add3A_52 = vector.broadcast %add3A_51 : f32 to vector<1024x1xf32>
    %add3A_53 = arith.addf %div3A_50, %add3A_52 : vector<1024x1xf32>
    %rsqrt3A_54 = math.rsqrt %add3A_53 : vector<1024x1xf32>
    %mul3A_55 = vector.broadcast %rsqrt3A_54 : vector<1024x1xf32> to vector<1024x128xf32>
    %mul3A_56 = arith.mulf %sub3A_43, %mul3A_55 : vector<1024x128xf32>
    %get3A_57 = arith.constant 0 : index
    %get3A_58 = arith.constant 0 : index
    %get3A_59 = vector.load %arg5[%get3A_57, %get3A_58] : memref<1x128xf32, #tpu.memory_space<vmem>>, vector<1x128xf32>
    %mul3A_60 = vector.broadcast %get3A_59 : vector<1x128xf32> to vector<1024x128xf32>
    %mul3A_61 = arith.mulf %mul3A_56, %mul3A_60 : vector<1024x128xf32>
    %get3A_62 = arith.constant 0 : index
    %get3A_63 = arith.constant 0 : index
    %get3A_64 = vector.load %arg6[%get3A_62, %get3A_63] : memref<1x128xf32, #tpu.memory_space<vmem>>, vector<1x128xf32>
    %add3A_65 = vector.broadcast %get3A_64 : vector<1x128xf32> to vector<1024x128xf32>
    %add3A_66 = arith.addf %mul3A_61, %add3A_65 : vector<1024x128xf32>
    %max3A = arith.constant 0.000000e+00 : f32
    %max3A_67 = vector.broadcast %max3A : f32 to vector<1024x128xf32>
    %max3A_68 = arith.maximumf %add3A_66, %max3A_67 : vector<1024x128xf32>
    %get3A_69 = arith.constant 0 : index
    %get3A_70 = arith.constant 0 : index
    %get3A_71 = vector.load %arg7[%get3A_69, %get3A_70] : memref<128x128xf32, #tpu.memory_space<vmem>>, vector<128x128xf32>
    %dot_general3A = arith.constant dense<0.000000e+00> : vector<1024x128xf32>
    %dot_general3A_72 = tpu.matmul %max3A_68, %get3A_71, %dot_general3A {dimension_numbers = #tpu.dot_dimension_numbers<[1], [0], [0], [1], [0, 0, 1, 1], [], []>, transpose_lhs_hint = false} : vector<1024x128xf32>, vector<128x128xf32>, vector<1024x128xf32> -> vector<1024x128xf32>
    %mul3A_73 = vector.broadcast %rsqrt3A : vector<1024x1xf32> to vector<1024x128xf32>
    %mul3A_74 = arith.mulf %dot_general3A_72, %mul3A_73 : vector<1024x128xf32>
    %slice3A = vector.extract_strided_slice %mul3A_74 {offsets = [0, 0], sizes = [1024, 64], strides = [1, 1]} : vector<1024x128xf32> to vector<1024x64xf32>
    %swap3A = arith.constant 0 : index
    %swap3A_75 = arith.constant 0 : index
    %swap3A_76 = arith.constant 0 : index
    %swap3A_77 = vector.load %arg8[%swap3A, %swap3A_75, %swap3A_76] : memref<2x1024x64xf32, #tpu.memory_space<vmem>>, vector<1x1024x64xf32>
    %swap3A_78 = vector.shape_cast %swap3A_77 : vector<1x1024x64xf32> to vector<1024x64xf32>
    %swap3A_79 = vector.shape_cast %slice3A : vector<1024x64xf32> to vector<1x1024x64xf32>
    tpu.vector_store %arg8[%swap3A, %swap3A_75, %swap3A_76], %swap3A_79 {strides = array<i32>} : memref<2x1024x64xf32, #tpu.memory_space<vmem>>, vector<1x1024x64xf32>,
    %slice3A_80 = vector.extract_strided_slice %mul3A_74 {offsets = [0, 64], sizes = [1024, 64], strides = [1, 1]} : vector<1024x128xf32> to vector<1024x64xf32>
    %swap3A_81 = arith.constant 1 : index
    %swap3A_82 = arith.constant 0 : index
    %swap3A_83 = arith.constant 0 : index
    %swap3A_84 = vector.load %arg8[%swap3A_81, %swap3A_82, %swap3A_83] : memref<2x1024x64xf32, #tpu.memory_space<vmem>>, vector<1x1024x64xf32>
    %swap3A_85 = vector.shape_cast %swap3A_84 : vector<1x1024x64xf32> to vector<1024x64xf32>
    %swap3A_86 = vector.shape_cast %slice3A_80 : vector<1024x64xf32> to vector<1x1024x64xf32>
    tpu.vector_store %arg8[%swap3A_81, %swap3A_82, %swap3A_83], %swap3A_86 {strides = array<i32>} : memref<2x1024x64xf32, #tpu.memory_space<vmem>>, vector<1x1024x64xf32>,
    return
  }
  func.func @transform_0(%arg0: i32) -> (i32, i32, i32) {
    %c0_i32 = arith.constant 0 : i32
    %c0_i32_0 = arith.constant 0 : i32
    %c0_i32_1 = arith.constant 0 : i32
    return %c0_i32, %arg0, %c0_i32_0 : i32, i32, i32
  }
  func.func @transform_1(%arg0: i32) -> (i32, i32, i32) {
    %c0_i32 = arith.constant 0 : i32
    %c0_i32_0 = arith.constant 0 : i32
    %c0_i32_1 = arith.constant 0 : i32
    return %c0_i32, %arg0, %c0_i32_0 : i32, i32, i32
  }
  func.func @transform_2(%arg0: i32) -> (i32, i32, i32) {
    %c0_i32 = arith.constant 0 : i32
    %c0_i32_0 = arith.constant 0 : i32
    %c0_i32_1 = arith.constant 0 : i32
    return %c0_i32, %arg0, %c0_i32_0 : i32, i32, i32
  }
  func.func @transform_3(%arg0: i32) -> (i32, i32) {
    %c0_i32 = arith.constant 0 : i32
    %c0_i32_0 = arith.constant 0 : i32
    %c0_i32_1 = arith.constant 0 : i32
    return %c0_i32, %c0_i32_0 : i32, i32
  }
  func.func @transform_4(%arg0: i32) -> (i32, i32) {
    %c0_i32 = arith.constant 0 : i32
    %c0_i32_0 = arith.constant 0 : i32
    %c0_i32_1 = arith.constant 0 : i32
    return %c0_i32, %c0_i32_0 : i32, i32
  }
  func.func @transform_5(%arg0: i32) -> (i32, i32) {
    %c0_i32 = arith.constant 0 : i32
    %c0_i32_0 = arith.constant 0 : i32
    %c0_i32_1 = arith.constant 0 : i32
    return %c0_i32, %c0_i32_0 : i32, i32
  }
  func.func @transform_6(%arg0: i32) -> (i32, i32) {
    %c0_i32 = arith.constant 0 : i32
    %c0_i32_0 = arith.constant 0 : i32
    %c0_i32_1 = arith.constant 0 : i32
    return %c0_i32, %c0_i32_0 : i32, i32
  }
  func.func @transform_7(%arg0: i32) -> (i32, i32, i32) {
    %c0_i32 = arith.constant 0 : i32
    %c0_i32_0 = arith.constant 0 : i32
    %c0_i32_1 = arith.constant 0 : i32
    return %c0_i32, %arg0, %c0_i32_0 : i32, i32, i32
  }
}

module attributes {stable_mosaic.version = 14 : i64} {
  func.func @_mid_body(%arg0: i32, %arg1: memref<2x1024x64xf32, #tpu.memory_space<vmem>>, %arg2: memref<2x1024x64xf32, #tpu.memory_space<vmem>>, %arg3: memref<2x1024x8xf32, #tpu.memory_space<vmem>>, %arg4: memref<1x128xf32, #tpu.memory_space<vmem>>, %arg5: memref<1x128xf32, #tpu.memory_space<vmem>>, %arg6: memref<1x128xf32, #tpu.memory_space<vmem>>, %arg7: memref<128x64xf32, #tpu.memory_space<vmem>>, %arg8: memref<2x1024x32xf32, #tpu.memory_space<vmem>>) attributes {dimension_semantics = [#tpu.dimension_semantics<arbitrary>], iteration_bounds = array<i64: 10>, scalar_prefetch = 0 : i64, scratch_operands = 0 : i64, tpu.core_type = #tpu.core_type<tc>, window_params = [{transform_indices = @transform_0, window_bounds = array<i64: 2, 1024, 64>}, {transform_indices = @transform_1, window_bounds = array<i64: 2, 1024, 64>}, {transform_indices = @transform_2, window_bounds = array<i64: 2, 1024, 8>}, {pipeline_mode = #tpu.pipeline_mode<synchronous>, transform_indices = @transform_3, window_bounds = array<i64: 1, 128>}, {pipeline_mode = #tpu.pipeline_mode<synchronous>, transform_indices = @transform_4, window_bounds = array<i64: 1, 128>}, {pipeline_mode = #tpu.pipeline_mode<synchronous>, transform_indices = @transform_5, window_bounds = array<i64: 1, 128>}, {pipeline_mode = #tpu.pipeline_mode<synchronous>, transform_indices = @transform_6, window_bounds = array<i64: 128, 64>}, {transform_indices = @transform_7, window_bounds = array<i64: 2, 1024, 32>}]} {
    %get3A = arith.constant 0 : index
    %get3A_0 = arith.constant 0 : index
    %get3A_1 = arith.constant 0 : index
    %get3A_2 = vector.load %arg3[%get3A, %get3A_0, %get3A_1] : memref<2x1024x8xf32, #tpu.memory_space<vmem>>, vector<1x1024x1xf32>
    %get3A_3 = vector.shape_cast %get3A_2 : vector<1x1024x1xf32> to vector<1024x1xf32>
    %get3A_4 = arith.constant 1 : index
    %get3A_5 = arith.constant 0 : index
    %get3A_6 = arith.constant 0 : index
    %get3A_7 = vector.load %arg3[%get3A_4, %get3A_5, %get3A_6] : memref<2x1024x8xf32, #tpu.memory_space<vmem>>, vector<1x1024x1xf32>
    %get3A_8 = vector.shape_cast %get3A_7 : vector<1x1024x1xf32> to vector<1024x1xf32>
    %add3A = arith.addf %get3A_3, %get3A_8 : vector<1024x1xf32>
    %add3A_9 = arith.constant 1.000000e+00 : f32
    %add3A_10 = vector.broadcast %add3A_9 : f32 to vector<1024x1xf32>
    %add3A_11 = arith.addf %add3A, %add3A_10 : vector<1024x1xf32>
    %rsqrt3A = math.rsqrt %add3A_11 : vector<1024x1xf32>
    %get3A_12 = arith.constant 0 : index
    %get3A_13 = arith.constant 0 : index
    %get3A_14 = arith.constant 0 : index
    %get3A_15 = vector.load %arg1[%get3A_12, %get3A_13, %get3A_14] : memref<2x1024x64xf32, #tpu.memory_space<vmem>>, vector<1x1024x64xf32>
    %get3A_16 = vector.shape_cast %get3A_15 : vector<1x1024x64xf32> to vector<1024x64xf32>
    %get3A_17 = arith.constant 1 : index
    %get3A_18 = arith.constant 0 : index
    %get3A_19 = arith.constant 0 : index
    %get3A_20 = vector.load %arg1[%get3A_17, %get3A_18, %get3A_19] : memref<2x1024x64xf32, #tpu.memory_space<vmem>>, vector<1x1024x64xf32>
    %get3A_21 = vector.shape_cast %get3A_20 : vector<1x1024x64xf32> to vector<1024x64xf32>
    %concatenate3A = tpu.concatenate %get3A_16, %get3A_21 in 1 : vector<1024x64xf32>, vector<1024x64xf32> -> vector<1024x128xf32>
    %get3A_22 = arith.constant 0 : index
    %get3A_23 = arith.constant 0 : index
    %get3A_24 = arith.constant 0 : index
    %get3A_25 = vector.load %arg2[%get3A_22, %get3A_23, %get3A_24] : memref<2x1024x64xf32, #tpu.memory_space<vmem>>, vector<1x1024x64xf32>
    %get3A_26 = vector.shape_cast %get3A_25 : vector<1x1024x64xf32> to vector<1024x64xf32>
    %get3A_27 = arith.constant 1 : index
    %get3A_28 = arith.constant 0 : index
    %get3A_29 = arith.constant 0 : index
    %get3A_30 = vector.load %arg2[%get3A_27, %get3A_28, %get3A_29] : memref<2x1024x64xf32, #tpu.memory_space<vmem>>, vector<1x1024x64xf32>
    %get3A_31 = vector.shape_cast %get3A_30 : vector<1x1024x64xf32> to vector<1024x64xf32>
    %concatenate3A_32 = tpu.concatenate %get3A_26, %get3A_31 in 1 : vector<1024x64xf32>, vector<1024x64xf32> -> vector<1024x128xf32>
    %add3A_33 = arith.addf %concatenate3A, %concatenate3A_32 : vector<1024x128xf32>
    %mul3A = vector.broadcast %rsqrt3A : vector<1024x1xf32> to vector<1024x128xf32>
    %mul3A_34 = arith.mulf %add3A_33, %mul3A : vector<1024x128xf32>
    %get3A_35 = arith.constant 0 : index
    %get3A_36 = arith.constant 0 : index
    %get3A_37 = vector.load %arg4[%get3A_35, %get3A_36] : memref<1x128xf32, #tpu.memory_space<vmem>>, vector<1x128xf32>
    %add3A_38 = vector.broadcast %get3A_37 : vector<1x128xf32> to vector<1024x128xf32>
    %add3A_39 = arith.addf %mul3A_34, %add3A_38 : vector<1024x128xf32>
    %reduce_sum3A = arith.constant dense<0.000000e+00> : vector<1024xf32>
    %reduce_sum3A_40 = vector.multi_reduction <add>, %add3A_39, %reduce_sum3A [1] : vector<1024x128xf32> to vector<1024xf32>
    %broadcast_in_dim3A = vector.shape_cast %reduce_sum3A_40 : vector<1024xf32> to vector<1024x1xf32>
    %div3A = arith.constant 1.280000e+02 : f32
    %div3A_41 = vector.broadcast %div3A : f32 to vector<1024x1xf32>
    %div3A_42 = arith.divf %broadcast_in_dim3A, %div3A_41 : vector<1024x1xf32>
    %sub3A = vector.broadcast %div3A_42 : vector<1024x1xf32> to vector<1024x128xf32>
    %sub3A_43 = arith.subf %add3A_39, %sub3A : vector<1024x128xf32>
    %mul3A_44 = arith.mulf %sub3A_43, %sub3A_43 : vector<1024x128xf32>
    %reduce_sum3A_45 = arith.constant dense<0.000000e+00> : vector<1024xf32>
    %reduce_sum3A_46 = vector.multi_reduction <add>, %mul3A_44, %reduce_sum3A_45 [1] : vector<1024x128xf32> to vector<1024xf32>
    %broadcast_in_dim3A_47 = vector.shape_cast %reduce_sum3A_46 : vector<1024xf32> to vector<1024x1xf32>
    %div3A_48 = arith.constant 1.280000e+02 : f32
    %div3A_49 = vector.broadcast %div3A_48 : f32 to vector<1024x1xf32>
    %div3A_50 = arith.divf %broadcast_in_dim3A_47, %div3A_49 : vector<1024x1xf32>
    %add3A_51 = arith.constant 9.99999974E-6 : f32
    %add3A_52 = vector.broadcast %add3A_51 : f32 to vector<1024x1xf32>
    %add3A_53 = arith.addf %div3A_50, %add3A_52 : vector<1024x1xf32>
    %rsqrt3A_54 = math.rsqrt %add3A_53 : vector<1024x1xf32>
    %mul3A_55 = vector.broadcast %rsqrt3A_54 : vector<1024x1xf32> to vector<1024x128xf32>
    %mul3A_56 = arith.mulf %sub3A_43, %mul3A_55 : vector<1024x128xf32>
    %get3A_57 = arith.constant 0 : index
    %get3A_58 = arith.constant 0 : index
    %get3A_59 = vector.load %arg5[%get3A_57, %get3A_58] : memref<1x128xf32, #tpu.memory_space<vmem>>, vector<1x128xf32>
    %mul3A_60 = vector.broadcast %get3A_59 : vector<1x128xf32> to vector<1024x128xf32>
    %mul3A_61 = arith.mulf %mul3A_56, %mul3A_60 : vector<1024x128xf32>
    %get3A_62 = arith.constant 0 : index
    %get3A_63 = arith.constant 0 : index
    %get3A_64 = vector.load %arg6[%get3A_62, %get3A_63] : memref<1x128xf32, #tpu.memory_space<vmem>>, vector<1x128xf32>
    %add3A_65 = vector.broadcast %get3A_64 : vector<1x128xf32> to vector<1024x128xf32>
    %add3A_66 = arith.addf %mul3A_61, %add3A_65 : vector<1024x128xf32>
    %max3A = arith.constant 0.000000e+00 : f32
    %max3A_67 = vector.broadcast %max3A : f32 to vector<1024x128xf32>
    %max3A_68 = arith.maximumf %add3A_66, %max3A_67 : vector<1024x128xf32>
    %get3A_69 = arith.constant 0 : index
    %get3A_70 = arith.constant 0 : index
    %get3A_71 = vector.load %arg7[%get3A_69, %get3A_70] : memref<128x64xf32, #tpu.memory_space<vmem>>, vector<128x64xf32>
    %dot_general3A = arith.constant dense<0.000000e+00> : vector<1024x64xf32>
    %dot_general3A_72 = tpu.matmul %max3A_68, %get3A_71, %dot_general3A {dimension_numbers = #tpu.dot_dimension_numbers<[1], [0], [0], [1], [0, 0, 1, 1], [], []>, transpose_lhs_hint = false} : vector<1024x128xf32>, vector<128x64xf32>, vector<1024x64xf32> -> vector<1024x64xf32>
    %mul3A_73 = vector.broadcast %rsqrt3A : vector<1024x1xf32> to vector<1024x64xf32>
    %mul3A_74 = arith.mulf %dot_general3A_72, %mul3A_73 : vector<1024x64xf32>
    %slice3A = vector.extract_strided_slice %mul3A_74 {offsets = [0, 0], sizes = [1024, 32], strides = [1, 1]} : vector<1024x64xf32> to vector<1024x32xf32>
    %swap3A = arith.constant 0 : index
    %swap3A_75 = arith.constant 0 : index
    %swap3A_76 = arith.constant 0 : index
    %swap3A_77 = vector.load %arg8[%swap3A, %swap3A_75, %swap3A_76] : memref<2x1024x32xf32, #tpu.memory_space<vmem>>, vector<1x1024x32xf32>
    %swap3A_78 = vector.shape_cast %swap3A_77 : vector<1x1024x32xf32> to vector<1024x32xf32>
    %swap3A_79 = vector.shape_cast %slice3A : vector<1024x32xf32> to vector<1x1024x32xf32>
    tpu.vector_store %arg8[%swap3A, %swap3A_75, %swap3A_76], %swap3A_79 {strides = array<i32>} : memref<2x1024x32xf32, #tpu.memory_space<vmem>>, vector<1x1024x32xf32>,
    %slice3A_80 = vector.extract_strided_slice %mul3A_74 {offsets = [0, 32], sizes = [1024, 32], strides = [1, 1]} : vector<1024x64xf32> to vector<1024x32xf32>
    %swap3A_81 = arith.constant 1 : index
    %swap3A_82 = arith.constant 0 : index
    %swap3A_83 = arith.constant 0 : index
    %swap3A_84 = vector.load %arg8[%swap3A_81, %swap3A_82, %swap3A_83] : memref<2x1024x32xf32, #tpu.memory_space<vmem>>, vector<1x1024x32xf32>
    %swap3A_85 = vector.shape_cast %swap3A_84 : vector<1x1024x32xf32> to vector<1024x32xf32>
    %swap3A_86 = vector.shape_cast %slice3A_80 : vector<1024x32xf32> to vector<1x1024x32xf32>
    tpu.vector_store %arg8[%swap3A_81, %swap3A_82, %swap3A_83], %swap3A_86 {strides = array<i32>} : memref<2x1024x32xf32, #tpu.memory_space<vmem>>, vector<1x1024x32xf32>,
    return
  }
  func.func @transform_0(%arg0: i32) -> (i32, i32, i32) {
    %c0_i32 = arith.constant 0 : i32
    %c0_i32_0 = arith.constant 0 : i32
    %c0_i32_1 = arith.constant 0 : i32
    return %c0_i32, %arg0, %c0_i32_0 : i32, i32, i32
  }
  func.func @transform_1(%arg0: i32) -> (i32, i32, i32) {
    %c0_i32 = arith.constant 0 : i32
    %c0_i32_0 = arith.constant 0 : i32
    %c0_i32_1 = arith.constant 0 : i32
    return %c0_i32, %arg0, %c0_i32_0 : i32, i32, i32
  }
  func.func @transform_2(%arg0: i32) -> (i32, i32, i32) {
    %c0_i32 = arith.constant 0 : i32
    %c0_i32_0 = arith.constant 0 : i32
    %c0_i32_1 = arith.constant 0 : i32
    return %c0_i32, %arg0, %c0_i32_0 : i32, i32, i32
  }
  func.func @transform_3(%arg0: i32) -> (i32, i32) {
    %c0_i32 = arith.constant 0 : i32
    %c0_i32_0 = arith.constant 0 : i32
    %c0_i32_1 = arith.constant 0 : i32
    return %c0_i32, %c0_i32_0 : i32, i32
  }
  func.func @transform_4(%arg0: i32) -> (i32, i32) {
    %c0_i32 = arith.constant 0 : i32
    %c0_i32_0 = arith.constant 0 : i32
    %c0_i32_1 = arith.constant 0 : i32
    return %c0_i32, %c0_i32_0 : i32, i32
  }
  func.func @transform_5(%arg0: i32) -> (i32, i32) {
    %c0_i32 = arith.constant 0 : i32
    %c0_i32_0 = arith.constant 0 : i32
    %c0_i32_1 = arith.constant 0 : i32
    return %c0_i32, %c0_i32_0 : i32, i32
  }
  func.func @transform_6(%arg0: i32) -> (i32, i32) {
    %c0_i32 = arith.constant 0 : i32
    %c0_i32_0 = arith.constant 0 : i32
    %c0_i32_1 = arith.constant 0 : i32
    return %c0_i32, %c0_i32_0 : i32, i32
  }
  func.func @transform_7(%arg0: i32) -> (i32, i32, i32) {
    %c0_i32 = arith.constant 0 : i32
    %c0_i32_0 = arith.constant 0 : i32
    %c0_i32_1 = arith.constant 0 : i32
    return %c0_i32, %arg0, %c0_i32_0 : i32, i32, i32
  }
}

module attributes {stable_mosaic.version = 14 : i64} {
  func.func @_final_body(%arg0: i32, %arg1: memref<2x1024x32xf32, #tpu.memory_space<vmem>>, %arg2: memref<2x1024x32xf32, #tpu.memory_space<vmem>>, %arg3: memref<2x1024x8xf32, #tpu.memory_space<vmem>>, %arg4: memref<1x64xf32, #tpu.memory_space<vmem>>, %arg5: memref<1024x64xf32, #tpu.memory_space<vmem>>) attributes {dimension_semantics = [#tpu.dimension_semantics<arbitrary>], iteration_bounds = array<i64: 10>, scalar_prefetch = 0 : i64, scratch_operands = 0 : i64, tpu.core_type = #tpu.core_type<tc>, window_params = [{transform_indices = @transform_0, window_bounds = array<i64: 2, 1024, 32>}, {transform_indices = @transform_1, window_bounds = array<i64: 2, 1024, 32>}, {transform_indices = @transform_2, window_bounds = array<i64: 2, 1024, 8>}, {pipeline_mode = #tpu.pipeline_mode<synchronous>, transform_indices = @transform_3, window_bounds = array<i64: 1, 64>}, {transform_indices = @transform_4, window_bounds = array<i64: 1024, 64>}]} {
    %get3A = arith.constant 0 : index
    %get3A_0 = arith.constant 0 : index
    %get3A_1 = arith.constant 0 : index
    %get3A_2 = vector.load %arg3[%get3A, %get3A_0, %get3A_1] : memref<2x1024x8xf32, #tpu.memory_space<vmem>>, vector<1x1024x1xf32>
    %get3A_3 = vector.shape_cast %get3A_2 : vector<1x1024x1xf32> to vector<1024x1xf32>
    %get3A_4 = arith.constant 1 : index
    %get3A_5 = arith.constant 0 : index
    %get3A_6 = arith.constant 0 : index
    %get3A_7 = vector.load %arg3[%get3A_4, %get3A_5, %get3A_6] : memref<2x1024x8xf32, #tpu.memory_space<vmem>>, vector<1x1024x1xf32>
    %get3A_8 = vector.shape_cast %get3A_7 : vector<1x1024x1xf32> to vector<1024x1xf32>
    %add3A = arith.addf %get3A_3, %get3A_8 : vector<1024x1xf32>
    %add3A_9 = arith.constant 1.000000e+00 : f32
    %add3A_10 = vector.broadcast %add3A_9 : f32 to vector<1024x1xf32>
    %add3A_11 = arith.addf %add3A, %add3A_10 : vector<1024x1xf32>
    %rsqrt3A = math.rsqrt %add3A_11 : vector<1024x1xf32>
    %get3A_12 = arith.constant 0 : index
    %get3A_13 = arith.constant 0 : index
    %get3A_14 = arith.constant 0 : index
    %get3A_15 = vector.load %arg1[%get3A_12, %get3A_13, %get3A_14] : memref<2x1024x32xf32, #tpu.memory_space<vmem>>, vector<1x1024x32xf32>
    %get3A_16 = vector.shape_cast %get3A_15 : vector<1x1024x32xf32> to vector<1024x32xf32>
    %get3A_17 = arith.constant 1 : index
    %get3A_18 = arith.constant 0 : index
    %get3A_19 = arith.constant 0 : index
    %get3A_20 = vector.load %arg1[%get3A_17, %get3A_18, %get3A_19] : memref<2x1024x32xf32, #tpu.memory_space<vmem>>, vector<1x1024x32xf32>
    %get3A_21 = vector.shape_cast %get3A_20 : vector<1x1024x32xf32> to vector<1024x32xf32>
    %concatenate3A = tpu.concatenate %get3A_16, %get3A_21 in 1 : vector<1024x32xf32>, vector<1024x32xf32> -> vector<1024x64xf32>
    %get3A_22 = arith.constant 0 : index
    %get3A_23 = arith.constant 0 : index
    %get3A_24 = arith.constant 0 : index
    %get3A_25 = vector.load %arg2[%get3A_22, %get3A_23, %get3A_24] : memref<2x1024x32xf32, #tpu.memory_space<vmem>>, vector<1x1024x32xf32>
    %get3A_26 = vector.shape_cast %get3A_25 : vector<1x1024x32xf32> to vector<1024x32xf32>
    %get3A_27 = arith.constant 1 : index
    %get3A_28 = arith.constant 0 : index
    %get3A_29 = arith.constant 0 : index
    %get3A_30 = vector.load %arg2[%get3A_27, %get3A_28, %get3A_29] : memref<2x1024x32xf32, #tpu.memory_space<vmem>>, vector<1x1024x32xf32>
    %get3A_31 = vector.shape_cast %get3A_30 : vector<1x1024x32xf32> to vector<1024x32xf32>
    %concatenate3A_32 = tpu.concatenate %get3A_26, %get3A_31 in 1 : vector<1024x32xf32>, vector<1024x32xf32> -> vector<1024x64xf32>
    %add3A_33 = arith.addf %concatenate3A, %concatenate3A_32 : vector<1024x64xf32>
    %mul3A = vector.broadcast %rsqrt3A : vector<1024x1xf32> to vector<1024x64xf32>
    %mul3A_34 = arith.mulf %add3A_33, %mul3A : vector<1024x64xf32>
    %get3A_35 = arith.constant 0 : index
    %get3A_36 = arith.constant 0 : index
    %get3A_37 = vector.load %arg4[%get3A_35, %get3A_36] : memref<1x64xf32, #tpu.memory_space<vmem>>, vector<1x64xf32>
    %add3A_38 = vector.broadcast %get3A_37 : vector<1x64xf32> to vector<1024x64xf32>
    %add3A_39 = arith.addf %mul3A_34, %add3A_38 : vector<1024x64xf32>
    %iota3A = tpu.iota {dimensions = array<i32: 1>} : vector<1024x64xi32>
    %lt3A = arith.constant 40 : i32
    %lt3A_40 = vector.broadcast %lt3A : i32 to vector<1024x64xi32>
    %lt3A_41 = arith.cmpi slt, %iota3A, %lt3A_40 : vector<1024x64xi32>
    %jit3A = arith.constant 0xFF800000 : f32
    %broadcast_in_dim3A = vector.broadcast %jit3A : f32 to vector<1024x64xf32>
    %select_n3A = arith.select %lt3A_41, %add3A_39, %broadcast_in_dim3A : vector<1024x64xi1>, vector<1024x64xf32>
    %reduce_max3A = arith.constant dense<0xFF800000> : vector<1024xf32>
    %reduce_max3A_42 = vector.multi_reduction <maximumf>, %select_n3A, %reduce_max3A [1] : vector<1024x64xf32> to vector<1024xf32>
    %broadcast_in_dim3A_43 = vector.shape_cast %reduce_max3A_42 : vector<1024xf32> to vector<1024x1xf32>
    %sub3A = vector.broadcast %broadcast_in_dim3A_43 : vector<1024x1xf32> to vector<1024x64xf32>
    %sub3A_44 = arith.subf %add3A_39, %sub3A : vector<1024x64xf32>
    %exp3A = math.exp %sub3A_44 : vector<1024x64xf32>
    %jit3A_45 = arith.constant 0.000000e+00 : f32
    %broadcast_in_dim3A_46 = vector.broadcast %jit3A_45 : f32 to vector<1024x64xf32>
    %select_n3A_47 = arith.select %lt3A_41, %exp3A, %broadcast_in_dim3A_46 : vector<1024x64xi1>, vector<1024x64xf32>
    %reduce_sum3A = arith.constant dense<0.000000e+00> : vector<1024xf32>
    %reduce_sum3A_48 = vector.multi_reduction <add>, %select_n3A_47, %reduce_sum3A [1] : vector<1024x64xf32> to vector<1024xf32>
    %broadcast_in_dim3A_49 = vector.shape_cast %reduce_sum3A_48 : vector<1024xf32> to vector<1024x1xf32>
    %log3A = math.log %broadcast_in_dim3A_49 : vector<1024x1xf32>
    %sub3A_50 = vector.broadcast %broadcast_in_dim3A_43 : vector<1024x1xf32> to vector<1024x64xf32>
    %sub3A_51 = arith.subf %add3A_39, %sub3A_50 : vector<1024x64xf32>
    %sub3A_52 = vector.broadcast %log3A : vector<1024x1xf32> to vector<1024x64xf32>
    %sub3A_53 = arith.subf %sub3A_51, %sub3A_52 : vector<1024x64xf32>
    %swap3A = arith.constant 0 : index
    %swap3A_54 = arith.constant 0 : index
    %swap3A_55 = vector.load %arg5[%swap3A, %swap3A_54] : memref<1024x64xf32, #tpu.memory_space<vmem>>, vector<1024x64xf32>
    tpu.vector_store %arg5[%swap3A, %swap3A_54], %sub3A_53 {strides = array<i32>} : memref<1024x64xf32, #tpu.memory_space<vmem>>, vector<1024x64xf32>,
    return
  }
  func.func @transform_0(%arg0: i32) -> (i32, i32, i32) {
    %c0_i32 = arith.constant 0 : i32
    %c0_i32_0 = arith.constant 0 : i32
    %c0_i32_1 = arith.constant 0 : i32
    return %c0_i32, %arg0, %c0_i32_0 : i32, i32, i32
  }
  func.func @transform_1(%arg0: i32) -> (i32, i32, i32) {
    %c0_i32 = arith.constant 0 : i32
    %c0_i32_0 = arith.constant 0 : i32
    %c0_i32_1 = arith.constant 0 : i32
    return %c0_i32, %arg0, %c0_i32_0 : i32, i32, i32
  }
  func.func @transform_2(%arg0: i32) -> (i32, i32, i32) {
    %c0_i32 = arith.constant 0 : i32
    %c0_i32_0 = arith.constant 0 : i32
    %c0_i32_1 = arith.constant 0 : i32
    return %c0_i32, %arg0, %c0_i32_0 : i32, i32, i32
  }
  func.func @transform_3(%arg0: i32) -> (i32, i32) {
    %c0_i32 = arith.constant 0 : i32
    %c0_i32_0 = arith.constant 0 : i32
    %c0_i32_1 = arith.constant 0 : i32
    return %c0_i32, %c0_i32_0 : i32, i32
  }
  func.func @transform_4(%arg0: i32) -> (i32, i32) {
    %c0_i32 = arith.constant 0 : i32
    %c0_i32_0 = arith.constant 0 : i32
    return %arg0, %c0_i32 : i32, i32
  }
}

</mosaic_0001>

<sc_bundles>
// kernel: kernel.10.cloned.1.call-start
scs
__scs_entry_jumppad:
0x0: {  	(pc) =	sbr.rel $0x88, $3  }
0x1: {  	(tag) =	ssettag $0x0;
	lr =	simm.s32 $0x1  }
0x2: {  	[smem:$0x3F95] =	sst lr;
	_ =	strace $0xD0000000  }
0x3: {  	_ = 	snop  }
0x4: {  	_ = 	snop  }
0x5: {  	_ = 	snop  }
0x6: {  	_ = 	snop  }
0x7: {  	_ = 	snop  }
__scs_overlays_trampoline_lowered:
0x8: {  	[smem:$0x3FA4] =	sst s0  }
0x9: {  	[smem:$0x3FA5] =	sst s1  }
0xa: {  	[smem:$0x3FA6] =	sst s2  }
0xb: {  	[smem:$0x3FA7] =	sst s3  }
0xc: {  	[smem:$0x3FA8] =	sst s4  }
0xd: {  	[smem:$0x3FA9] =	sst s5  }
0xe: {  	[smem:$0x3FAA] =	sst s6  }
0xf: {  	[smem:$0x3FAB] =	sst s7  }
0x10: {  	[smem:$0x3FAC] =	sst s8  }
0x11: {  	[smem:$0x3FAD] =	sst s9;
	s0 =	simm.s32 @!p0 $0x0  }
0x12: {  	s1 =	sld [smem:$0x3F93];
	s0 =	simm.s32 @p0 $0x1  }
0x13: {  	[smem:$0x3FAE] =	sst s0;
	s0 =	simm.s32 @!p1 $0x0  }
0x14: {  	s2 =	sld [smem:$0x3F92];
	s0 =	simm.s32 @p1 $0x1  }
0x15: {  	[smem:$0x3FAF] =	sst s0;
	s0 =	simm.s32 @!p2 $0x0  }
0x16: {  	s3 =	sld [smem:$0x3FDB];
	s0 =	simm.s32 @p2 $0x1  }
0x17: {  	s4 =	simm.s32 $0x1BF5;
	[smem:$0x3FB1] =	sst s0  }
0x18: {  	s0 =	sld [smem:$0x3F94];
	_ =	swait.ge [sflag:s4], $0x0  }
0x19: {  	s7 =	sld [smem:$0x3F95]  }
0x1a: {  	s8 =	sadd.s32 $0xFFFFE003, lr  }
0x1b: {  	s9 =	sadd.s32 $0xFFFFFEF7, lr;
	s5 =	simm.s32 $0xFFFFFFFF;
	p2 =	slt.u32 s8, $0xFFFFF086  }
0x1c: {  	p1 =	slt.u32 s9, $0xF7A;
	s5 =	simm.s32 @!p2 $0x0  }
0x1d: {  	s5 =	simm.s32 @p1 $0x1;
	p0 =	seq.s32 s7, s2  }
0x1e: {  	s7 =	smul.u32 @!p0 $0xF7A, s2;
	p2 =	seq.s32 @!p0 s5, $0x0  }
0x1f: {  	s9 =	smul.u32 $0xF7A, s1;
	s8 =	simm.s32 @!p0 $0x1BF5;
	p2 =	por !p2, p0  }
0x20: {  	[sflag:s8] =	ssyncset.s32 @!p0 $0xFFFFF086;
	s6 =	sadd.s32 @!p0 s3, s7;
	s7 =	simm.s32 @!p0 $0x108  }
0x21: {  	s3 =	sadd.s32 s3, s9;
	s6 =	sadd.s32 @!p0 $0x88, s6;
	s7 =	simm.s32 @p2 $0x1082  }
0x22: {  	[simem:s7], [sflag:s8] =	dma.local @!p0 [hbm:s6], $0xF7A  }
0x23: {  	s9 =	sor.u32 $0xD0000000, s2;
	s6 =	simm.s32 $0x108;
	_ =	swait.ge @!p0 [sflag:s8], $0x0  }
0x24: {  	s3 =	sadd.s32 $0x88, s3;
	s6 =	simm.s32 @!p1 $0x1082;
	[sflag:s4] =	ssyncset.s32 $0xFFFFF086  }
0x25: {  	[simem:s6], [sflag:s4] =	dma.local [hbm:s3], $0xF7A  }
0x26: {  	[smem:$0x3F95] =	sst s1;
	(tag) =	ssettag s2;
	_ =	strace s9  }
0x27: {  	s1 =	sld [smem:$0x3FA5]  }
0x28: {  	s2 =	sld [smem:$0x3FA6]  }
0x29: {  	s4 =	sld [smem:$0x3FA8]  }
0x2a: {  	p0 =	seq.s32 s5, $0x0;
	s5 =	sld [smem:$0x3FA9]  }
0x2b: {  	s6 =	sld [smem:$0x3FAA]  }
0x2c: {  	s7 =	sld [smem:$0x3FAB]  }
0x2d: {  	s3 =	simm.s32 $0x108;
	s8 =	sld [smem:$0x3FAC]  }
0x2e: {  	s3 =	simm.s32 @!p0 $0x1082;
	s9 =	sld [smem:$0x3FAD]  }
0x2f: {  	lr =	sadd.s32 s0, s3;
	s0 =	sld [smem:$0x3FA4]  }
0x30: {  	s3 =	sld [smem:$0x3FA7]  }
0x31: {  	[smem:$0x3FB0] =	sst s10  }
0x32: {  	s10 =	sld [smem:$0x3FAE];
	_ =	sdelay $0x3  }
0x33: {  	p0 =	seq.s32 s10, $0x1;
	s10 =	sld [smem:$0x3FB0];
	_ =	sdelay $0x3  }
0x34: {  	[smem:$0x3FB0] =	sst s10  }
0x35: {  	s10 =	sld [smem:$0x3FAF];
	_ =	sdelay $0x3  }
0x36: {  	p1 =	seq.s32 s10, $0x1;
	s10 =	sld [smem:$0x3FB0];
	_ =	sdelay $0x3  }
0x37: {  	[smem:$0x3FB0] =	sst s10  }
0x38: {  	s10 =	sld [smem:$0x3FB1]  }
0x39: {  	_ = 	snop;
	(pc) =	sbr.ind lr, $3  }
0x3a: {  	_ = 	snop  }
0x3b: {  	_ = 	snop  }
0x3c: {  	p2 =	seq.s32 s10, $0x1;
	s10 =	sld [smem:$0x3FB0]  }
0x3d: {  	_ =	shalt  }
0x3e: {  	_ =	shalt  }
0x3f: {  	_ =	shalt  }
0x40: {  	_ =	shalt  }
0x41: {  	_ =	shalt  }
0x42: {  	_ =	shalt  }
0x43: {  	_ =	shalt  }
0x44: {  	_ =	shalt  }
0x45: {  	_ =	shalt  }
0x46: {  	_ =	shalt  }
0x47: {  	_ =	shalt  }
0x48: {  	_ =	shalt  }
0x49: {  	_ =	shalt  }
0x4a: {  	_ =	shalt  }
0x4b: {  	_ =	shalt  }
0x4c: {  	_ =	shalt  }
0x4d: {  	_ =	shalt  }
0x4e: {  	_ =	shalt  }
0x4f: {  	_ =	shalt  }
0x50: {  	_ =	shalt  }
0x51: {  	_ =	shalt  }
0x52: {  	_ =	shalt  }
0x53: {  	_ =	shalt  }
0x54: {  	_ =	shalt  }
0x55: {  	_ =	shalt  }
0x56: {  	_ =	shalt  }
0x57: {  	_ =	shalt  }
0x58: {  	_ =	shalt  }
0x59: {  	_ =	shalt  }
0x5a: {  	_ =	shalt  }
0x5b: {  	_ =	shalt  }
0x5c: {  	_ =	shalt  }
0x5d: {  	_ =	shalt  }
0x5e: {  	_ =	shalt  }
0x5f: {  	_ =	shalt  }
0x60: {  	_ =	shalt  }
0x61: {  	_ =	shalt  }
0x62: {  	_ =	shalt  }
0x63: {  	_ =	shalt  }
0x64: {  	_ =	shalt  }
0x65: {  	_ =	shalt  }
0x66: {  	_ =	shalt  }
0x67: {  	_ =	shalt  }
0x68: {  	_ =	shalt  }
0x69: {  	_ =	shalt  }
0x6a: {  	_ =	shalt  }
0x6b: {  	_ =	shalt  }
0x6c: {  	_ =	shalt  }
0x6d: {  	_ =	shalt  }
0x6e: {  	_ =	shalt  }
0x6f: {  	_ =	shalt  }
0x70: {  	_ =	shalt  }
0x71: {  	_ =	shalt  }
0x72: {  	_ =	shalt  }
0x73: {  	_ =	shalt  }
0x74: {  	_ =	shalt  }
0x75: {  	_ =	shalt  }
0x76: {  	_ =	shalt  }
0x77: {  	_ =	shalt  }
0x78: {  	_ =	shalt  }
0x79: {  	_ =	shalt  }
0x7a: {  	_ =	shalt  }
0x7b: {  	_ =	shalt  }
0x7c: {  	_ =	shalt  }
0x7d: {  	_ =	shalt  }
0x7e: {  	_ =	shalt  }
0x7f: {  	_ =	shalt  }
0x80: {  	_ =	shalt  }
0x81: {  	_ =	shalt  }
0x82: {  	_ =	shalt  }
0x83: {  	_ =	shalt  }
0x84: {  	_ =	shalt  }
0x85: {  	_ =	shalt  }
0x86: {  	_ =	shalt  }
0x87: {  	_ =	shalt  }
.Lfunc_end0:
.L_simem_size_0:
called_computation_lowered:
.L_overlay_start_0:
0x88: {  	s2 =	sld [smem:$0x3FD9]  }
0x89: {  	s3 =	sld [smem:$0x3FFE];
	_ =	sdelay $0x1  }
0x8a: {  	s1 =	srdreg.scid  }
0x8b: {  	s0 =	sand.u32 $0x1, s1  }
0x8c: {  	s17 =	sshll.u32 s0, $0xA;
	s2 =	sadd.s32 s3, s2  }
0x8d: {  	s2 =	sadd.s32 s2, s17  }
0x8e: {  	[smem:$0x3FBC] =	sst s2  }
0x8f: {  	_ = 	snop  }
0x90: {  	s2 =	sld [smem:$0x3FD0];
	(tm) =	ssettm $0x1  }
0x91: {  	s18 =	sld [smem:$0x3FFB];
	_ =	sdelay $0x3  }
0x92: {  	_ =	strace s18  }
0x93: {  	s3 =	sld [smem:$0x3FFC];
	_ =	sdelay $0x3  }
0x94: {  	_ =	strace s3  }
0x95: {  	s3 =	sld [smem:$0x3FFD];
	_ =	sdelay $0x3  }
0x96: {  	_ =	strace s3  }
0x97: {  	_ =	strace $0x8FFFFFFF  }
0x98: {  	s19 =	sld [smem:$0x3FDB];
	_ =	sdelay $0x1  }
0x99: {  	s4 =	simm.s32 $_scs_section_size  }
0x9a: {  	s5 =	simm.s32 $_size__tile_overlayer_lowered;
	s6 =	simm.s32 $_tile_overlayer_lowered  }
0x9b: {  	s22 =	simm.s32 $0x1BFF;
	s21 =	sshll.u32 s6, $0x1;
	s3 =	sadd.s32 s4, s19  }
0x9c: {  	s7 =	simm.s32 $0x0;
	s20 =	sshll.u32 s5, $0x1;
	s5 =	sadd.s32 s21, s3  }
0x9d: {  	[timem:s7], [sflag:s22] =	dma.local [hbm:s5], s20  }
0x9e: {  	_ =	swait.ge [sflag:s22], s20  }
0x9f: {  	s4 =	ssub.s32 $0x0, s20;
	[sflag:s22] =	ssyncset.done $0x0  }
0xa0: {  	[sflag:s22] =	ssyncadd.s32 s4;
	_ =	sdelay $0x1  }
0xa1: {  	s23 =	simm.s32 $0x1B8B  }
0xa2: {  	_ =	swait.ge [sflag:s23], $0x1  }
0xa3: {  	[sflag:s23] =	ssyncset.done $0x0  }
0xa4: {  	s25 =	simm.s32 $0x1B8E;
	s24 =	sld [smem:$0x3FFE];
	[sflag:s23] =	ssyncadd.s32 $0xFFFFFFFF  }
0xa5: {  	s26 =	simm.s32 $execute0_lowered;
	[smem:$0x3FD2] =	sst s25  }
0xa6: {  	s5 =	sshll.u32 s26, $0x1;
	_ =	strace $0x80000046;
	[dreg:$0x1] =	wrdreg $0xFFFFFFFF  }
0xa7: {  	s28 =	simm.s32 $_size_execute0_lowered;
	s3 =	sadd.s32 s3, s5;
	[dreg:$0x0] =	wrdreg $0x0  }
0xa8: {  	s5 =	sshll.u32 s28, $0x1;
	[dreg:$0x2] =	wrdreg s3  }
0xa9: {  	[dreg:$0x3] =	wrdreg s5  }
0xaa: {  	[dreg:$0x4] =	wrdreg $0xC0  }
0xab: {  	_ =	task [dreg:s7], $0x5FFFF  }
0xac: {  	[dreg:$0x1] =	wrdreg $0xFFFFFFFF  }
0xad: {  	[dreg:$0x0] =	wrdreg $0x60  }
0xae: {  	[dreg:$0x2] =	wrdreg s2  }
0xaf: {  	[dreg:$0x3] =	wrdreg s24  }
0xb0: {  	[dreg:$0x4] =	wrdreg $0x8000  }
0xb1: {  	[dreg:$0x5] =	wrdreg $0x9  }
0xb2: {  	_ =	task.clear_ibuf [dreg:s7], $0x6FFFF;
	_ =	strace $0x90000046  }
0xb3: {  	s29 =	simm.s32 $0x9;
	_ =	strace $0x80000048  }
0xb4: {  	_ =	swait.ge [sflag:s29], $0x1  }
0xb5: {  	[sflag:s29] =	ssyncadd.s32 $0xFFFFFFFF  }
0xb6: {  	_ =	strace $0x90000048  }
0xb7: {  	_ =	sfence  }
0xb8: {  	s30 =	sld [smem:$0x0];
	_ =	sdelay $0x2  }
0xb9: {  	s31 =	sshll.u32 s1, $0xD;
	s1 =	sshrl.u32 s1, $0x2  }
0xba: {  	s3 =	sand.u32 $0x4000, s31;
	s1 =	sadd.s32 s1, s30  }
0xbb: {  	s0 =	sor.u32 s3, s0;
	s1 =	sshll.u32 s1, $0x11  }
0xbc: {  	s0 =	sor.u32 s1, s0  }
0xbd: {  	s0 =	sadd.s32 $0x8F2B, s0  }
0xbe: {  	[sflag:s0] =	ssyncadd.remote.s32 $0x1  }
0xbf: {  	_ =	sfence.sel $0xFFFF  }
0xc0: {  	[dreg:$0x0] =	wrdreg $0xFFFFFFFF;
	(pc) =	sbr.abs _section_cstart, $3  }
0xc1: {  	[dreg:$0x1] =	wrdreg $0xFFFFFFFF  }
0xc2: {  	_ =	task.clear_ibuf [dreg:s7], $0x2FFFF;
	_ =	strace $0x9FFFFFFF  }
0xc3: {  	(tm) =	ssettm $0x7FFFFFFF  }
tec
execute0_lowered:
.L_overlay_start_1:
0x0: {  	(tag) =	ssettag $0x1  }
0x1: {  	s0 =	rddreg [dreg:$0x0]  }
0x2: {  	s3 =	rddreg [dreg:$0x1]  }
0x3: {  	s1 =	rddreg [dreg:$0x2]  }
0x4: {  	s2 =	simm.s32 $0x0;
	s22 =	stileid.u32;
	s6 =	srdreg.scid  }
0x5: {  	s14 =	simm.s32 $0x400;
	s15 =	simm.s32 $0x1;
	s16 =	simm.s32 $0x200  }
0x6: {  	s17 =	simm.s32 $0x80;
	s18 =	simm.s32 $0x3;
	s19 =	simm.s32 $0x4  }
0x7: {  	s20 =	simm.s32 $0x5;
	s21 =	simm.s32 $0x6;
	s29 =	simm.s32 $0x0  }
0x8: {  	[smem:$0x7FF] =	sst s2;
	s4 =	sadd.s32 $0x2E00, s3;
	s7 =	smul.u32 $0x280, s22  }
0x9: {  	s5 =	sadd.s32 $0x2A00, s3;
	s8 =	sand.u32 $0x1, s6;
	s10 =	smul.u32 $0x5000, s22  }
0xa: {  	s23 =	sshll.u32 s22, $0x1;
	s28 =	sshll.u32 s22, $0x6;
	s30 =	smul.u32 $0xA00, s22  }
0xb: {  	_ =	strace $0x80000047;
	[dreg:$0x4] =	wrdreg s4;
	s26 =	smul.u32 $0x2800, s8  }
0xc: {  	s9 =	ssub.s32 $0x2, s8;
	s6 =	sor.u32 s8, s23;
	s31 =	smul.u32 $0x500, s8  }
0xd: {  	s3 =	sadd.s32 s7, s3;
	s24 =	sshrl.u32 s9, $0x1;
	s11 =	smul.u32 $0x500, s6  }
0xe: {  	s25 =	sshrl.u32 s10, $0x2;
	s6 =	sor.u32 $0x1C07, s28;
	s12 =	ssub.s32 s9, s24  }
0xf: {  	s13 =	sadd.s32 s25, s1;
	s3 =	sadd.s32 s26, s3;
	s24 =	simm.s32 $0x2  }
0x10: {  	s7 =	sadd.s32 s0, s11;
	s0 =	sadd.s32 s30, s0;
	s9 =	sadd.s32 $0x3000, s3  }
0x11: {  	s10 =	smax.u32 s12, $0x1;
	s12 =	sshrl.u32 s13, $0x3;
	s0 =	sadd.s32 s31, s0  }
0x12: {  	s13 =	simm.s32 $0x7;
	s8 =	sadd.s32 $0x40, s7;
	s22 =	sadd.s32 $0x80, s0  }
.LBB2_1:
0x13: {  	[spmem:s12], [sflag:s6] =	dma.local [hbm:s5], $0x280  }
0x14: {  	_ =	swait.ge [sflag:s13], $0x280  }
0x15: {  	[sflag:s13] =	ssyncset.done $0x0  }
0x16: {  	s0 =	rddreg [dreg:$0x4];
	[sflag:s13] =	ssyncadd.s32 $0xFFFFFD80  }
0x17: {  	[tilespmem:s14], [sflag:$0x7] =	stream.linear.gather [hbm4b:s0+s2], $0x400, $0x38;
	[tilespmem:$0x1C00] =	vst v63  }
0x18: {  	_ =	swait.ge [sflag:s13], $0x400  }
0x19: {  	[sflag:s13] =	ssyncset.done $0x0  }
0x1a: {  	[sflag:s13] =	ssyncadd.s32 $0xFFFFFC00  }
0x1b: {  	[tilespmem:s2], [sflag:$0x1] =	stream.linear.gather [hbm4b:s7+s2], $0x200, $0x38;
	[tilespmem:$0x1C00] =	vst v63  }
0x1c: {  	_ =	swait.ge [sflag:s15], $0x200  }
0x1d: {  	[sflag:s15] =	ssyncset.done $0x0  }
0x1e: {  	s11 =	sand.u32 $0x1, s2;
	[sflag:s15] =	ssyncadd.s32 $0xFFFFFE00  }
0x1f: {  	[tilespmem:s16], [sflag:$0x2] =	stream.linear.gather [hbm4b:s8+s2], $0x200, $0x38;
	[tilespmem:$0x1C00] =	vst v63  }
0x20: {  	s0 =	sshll.u32 s11, $0x9;
	[bflag:$0x0] =	sbarrier.arrive $0xFFFF  }
0x21: {  	[spmem:s1] =	stream.indirect.scatter.add.f32 [tilespmem:s14], [sflag:$0x3], $0x8, s0, s17, $0xb8;
	[tilespmem:$0x1C00] =	vst v63  }
0x22: {  	s3 =	sor.u32 $0x80, s0  }
0x23: {  	[spmem:s1] =	stream.indirect.scatter.add.f32 [tilespmem:s14], [sflag:$0x4], $0x8, s3, s17, $0xb8;
	[tilespmem:$0x1C00] =	vst v63  }
0x24: {  	s25 =	sxor.u32 $0x1, s11;
	s23 =	sor.u32 $0x100, s0  }
0x25: {  	[spmem:s1] =	stream.indirect.scatter.add.f32 [tilespmem:s14], [sflag:$0x5], $0x8, s23, s17, $0xb8;
	[tilespmem:$0x1C00] =	vst v63  }
0x26: {  	s26 =	sor.u32 $0x180, s0;
	s3 =	sadd.s32 $0x1, s25  }
0x27: {  	[spmem:s1] =	stream.indirect.scatter.add.f32 [tilespmem:s14], [sflag:$0x6], $0x8, s26, s17, $0xb8;
	[tilespmem:$0x1C00] =	vst v63  }
0x28: {  	_ =	swait.ge [sflag:s3], $0x200  }
0x29: {  	[sflag:s3] =	ssyncset.done $0x0  }
0x2a: {  	[sflag:s3] =	ssyncadd.s32 $0xFFFFFE00  }
0x2b: {  	_ =	swait.ge [sflag:s18], $0x400  }
0x2c: {  	[sflag:s18] =	ssyncset.done $0x0  }
0x2d: {  	[sflag:s18] =	ssyncadd.s32 $0xFFFFFC00  }
0x2e: {  	_ =	swait.ge [sflag:s19], $0x400  }
0x2f: {  	[sflag:s19] =	ssyncset.done $0x0  }
0x30: {  	[sflag:s19] =	ssyncadd.s32 $0xFFFFFC00  }
0x31: {  	_ =	swait.ge [sflag:s20], $0x400  }
0x32: {  	[sflag:s20] =	ssyncset.done $0x0  }
0x33: {  	s28 =	simm.s32 $0x1;
	[sflag:s20] =	ssyncadd.s32 $0xFFFFFC00  }
0x34: {  	s31 =	sadd.s32 $0x40, s22;
	s30 =	sand.u32 $0x1, s28;
	_ =	swait.ge [sflag:s21], $0x400  }
0x35: {  	s25 =	sadd.s32 $0x1, s11;
	s11 =	smov.u32 s22;
	[sflag:s21] =	ssyncset.done $0x0  }
0x36: {  	s23 =	simm.s32 $0x2;
	s3 =	sxor.u32 $0x1, s30;
	[sflag:s21] =	ssyncadd.s32 $0xFFFFFC00  }
.LBB2_2:
0x37: {  	[tilespmem:s0], [sflag:s25] =	stream.linear.gather [hbm4b:s11+s2], $0x200, $0x38;
	[tilespmem:$0x1C00] =	vst v63  }
0x38: {  	s25 =	smov.u32 s30;
	s0 =	smov.u32 s23;
	s11 =	smov.u32 s31  }
0x39: {  	s26 =	sadd.s32 $0x1, s23;
	s30 =	sand.u32 $0x1, s0;
	s0 =	sshll.u32 s25, $0x9  }
0x3a: {  	[spmem:s1] =	stream.indirect.scatter.add.f32 [tilespmem:s14], [sflag:$0x3], $0x8, s0, s17, $0xb8;
	[tilespmem:$0x1C00] =	vst v63  }
0x3b: {  	p0 =	sne.s32 s23, $0x11;
	s28 =	sxor.u32 $0x1, s30;
	s23 =	sor.u32 $0x80, s0  }
0x3c: {  	[spmem:s1] =	stream.indirect.scatter.add.f32 [tilespmem:s14], [sflag:$0x4], $0x8, s23, s17, $0xb8;
	[tilespmem:$0x1C00] =	vst v63  }
0x3d: {  	s23 =	sor.u32 $0x100, s0  }
0x3e: {  	[spmem:s1] =	stream.indirect.scatter.add.f32 [tilespmem:s14], [sflag:$0x5], $0x8, s23, s17, $0xb8;
	[tilespmem:$0x1C00] =	vst v63  }
0x3f: {  	s4 =	sadd.s32 $0x1, s3;
	s3 =	smov.u32 s28;
	s23 =	sor.u32 $0x180, s0  }
0x40: {  	[spmem:s1] =	stream.indirect.scatter.add.f32 [tilespmem:s14], [sflag:$0x6], $0x8, s23, s17, $0xb8;
	[tilespmem:$0x1C00] =	vst v63  }
0x41: {  	_ =	swait.ge [sflag:s4], $0x200  }
0x42: {  	[sflag:s4] =	ssyncset.done $0x0  }
0x43: {  	[sflag:s4] =	ssyncadd.s32 $0xFFFFFE00  }
0x44: {  	_ =	swait.ge [sflag:s18], $0x400  }
0x45: {  	[sflag:s18] =	ssyncset.done $0x0  }
0x46: {  	[sflag:s18] =	ssyncadd.s32 $0xFFFFFC00  }
0x47: {  	_ =	swait.ge [sflag:s19], $0x400  }
0x48: {  	[sflag:s19] =	ssyncset.done $0x0  }
0x49: {  	[sflag:s19] =	ssyncadd.s32 $0xFFFFFC00  }
0x4a: {  	_ =	swait.ge [sflag:s20], $0x400  }
.Ltmp0:
0x4b: {  	[sflag:s20] =	ssyncset.done $0x0;
	(pc) =	sbr.rel @p0 .LBB2_2-.Ltmp0, $4  }
0x4c: {  	[sflag:s20] =	ssyncadd.s32 $0xFFFFFC00  }
0x4d: {  	_ =	swait.ge [sflag:s21], $0x400  }
0x4e: {  	s31 =	sadd.s32 $0x40, s31;
	[sflag:s21] =	ssyncset.done $0x0  }
0x4f: {  	s25 =	sadd.s32 $0x1, s25;
	s23 =	smov.u32 s26;
	[sflag:s21] =	ssyncadd.s32 $0xFFFFFC00  }
0x50: {  	[tilespmem:s0], [sflag:s25] =	stream.linear.gather [hbm4b:s11+s2], $0x200, $0x38;
	[tilespmem:$0x1C00] =	vst v63  }
0x51: {  	s26 =	sshll.u32 s30, $0x9  }
0x52: {  	[spmem:s1] =	stream.indirect.scatter.add.f32 [tilespmem:s14], [sflag:$0x3], $0x8, s26, s17, $0xb8;
	[tilespmem:$0x1C00] =	vst v63  }
0x53: {  	s4 =	sor.u32 $0x80, s26  }
0x54: {  	[spmem:s1] =	stream.indirect.scatter.add.f32 [tilespmem:s14], [sflag:$0x4], $0x8, s4, s17, $0xb8;
	[tilespmem:$0x1C00] =	vst v63  }
0x55: {  	s28 =	sor.u32 $0x100, s26  }
0x56: {  	[spmem:s1] =	stream.indirect.scatter.add.f32 [tilespmem:s14], [sflag:$0x5], $0x8, s28, s17, $0xb8;
	[tilespmem:$0x1C00] =	vst v63  }
0x57: {  	s3 =	sadd.s32 $0x1, s3;
	s11 =	sor.u32 $0x180, s26  }
0x58: {  	[spmem:s1] =	stream.indirect.scatter.add.f32 [tilespmem:s14], [sflag:$0x6], $0x8, s11, s17, $0xb8;
	[tilespmem:$0x1C00] =	vst v63  }
0x59: {  	_ =	swait.ge [sflag:s3], $0x200  }
0x5a: {  	[sflag:s3] =	ssyncset.done $0x0  }
0x5b: {  	[sflag:s3] =	ssyncadd.s32 $0xFFFFFE00  }
0x5c: {  	_ =	swait.ge [sflag:s18], $0x400  }
0x5d: {  	[sflag:s18] =	ssyncset.done $0x0  }
0x5e: {  	[sflag:s18] =	ssyncadd.s32 $0xFFFFFC00  }
0x5f: {  	_ =	swait.ge [sflag:s19], $0x400  }
0x60: {  	[sflag:s19] =	ssyncset.done $0x0  }
0x61: {  	[sflag:s19] =	ssyncadd.s32 $0xFFFFFC00  }
0x62: {  	_ =	swait.ge [sflag:s20], $0x400  }
0x63: {  	[sflag:s20] =	ssyncset.done $0x0  }
0x64: {  	[sflag:s20] =	ssyncadd.s32 $0xFFFFFC00  }
0x65: {  	_ =	swait.ge [sflag:s21], $0x400  }
0x66: {  	[sflag:s21] =	ssyncset.done $0x0  }
0x67: {  	s23 =	sadd.s32 $0x1, s30;
	[sflag:s21] =	ssyncadd.s32 $0xFFFFFC00  }
0x68: {  	[tilespmem:s26], [sflag:s23] =	stream.linear.gather [hbm4b:s31+s2], $0x200, $0x38;
	[tilespmem:$0x1C00] =	vst v63  }
0x69: {  	_ = 	snop  }
0x6a: {  	[spmem:s1] =	stream.indirect.scatter.add.f32 [tilespmem:s14], [sflag:$0x3], $0x8, s2, s17, $0xb8;
	[tilespmem:$0x1C00] =	vst v63  }
0x6b: {  	_ = 	snop  }
0x6c: {  	[spmem:s1] =	stream.indirect.scatter.add.f32 [tilespmem:s14], [sflag:$0x4], $0x8, s17, s17, $0xb8;
	[tilespmem:$0x1C00] =	vst v63  }
0x6d: {  	s25 =	simm.s32 $0x100  }
0x6e: {  	[spmem:s1] =	stream.indirect.scatter.add.f32 [tilespmem:s14], [sflag:$0x5], $0x8, s25, s17, $0xb8;
	[tilespmem:$0x1C00] =	vst v63  }
0x6f: {  	s26 =	simm.s32 $0x180  }
0x70: {  	[spmem:s1] =	stream.indirect.scatter.add.f32 [tilespmem:s14], [sflag:$0x6], $0x8, s26, s17, $0xb8;
	[tilespmem:$0x1C00] =	vst v63  }
0x71: {  	_ =	swait.ge [sflag:s24], $0x200  }
0x72: {  	[sflag:s24] =	ssyncset.done $0x0  }
0x73: {  	[sflag:s24] =	ssyncadd.s32 $0xFFFFFE00  }
0x74: {  	_ =	swait.ge [sflag:s18], $0x400  }
0x75: {  	[sflag:s18] =	ssyncset.done $0x0  }
0x76: {  	[sflag:s18] =	ssyncadd.s32 $0xFFFFFC00  }
0x77: {  	_ =	swait.ge [sflag:s19], $0x400  }
0x78: {  	[sflag:s19] =	ssyncset.done $0x0  }
0x79: {  	[sflag:s19] =	ssyncadd.s32 $0xFFFFFC00  }
0x7a: {  	_ =	swait.ge [sflag:s20], $0x400  }
0x7b: {  	[sflag:s20] =	ssyncset.done $0x0  }
0x7c: {  	[sflag:s20] =	ssyncadd.s32 $0xFFFFFC00  }
0x7d: {  	_ =	swait.ge [sflag:s21], $0x400  }
0x7e: {  	[sflag:s21] =	ssyncset.done $0x0  }
0x7f: {  	[sflag:s21] =	ssyncadd.s32 $0xFFFFFC00  }
0x80: {  	[spmem:s1] =	stream.indirect.scatter.add.f32 [tilespmem:s14], [sflag:$0x3], $0x8, s16, s17, $0xb8;
	[tilespmem:$0x1C00] =	vst v63  }
0x81: {  	s28 =	simm.s32 $0x280  }
0x82: {  	[spmem:s1] =	stream.indirect.scatter.add.f32 [tilespmem:s14], [sflag:$0x4], $0x8, s28, s17, $0xb8;
	[tilespmem:$0x1C00] =	vst v63  }
0x83: {  	s30 =	simm.s32 $0x300  }
0x84: {  	[spmem:s1] =	stream.indirect.scatter.add.f32 [tilespmem:s14], [sflag:$0x5], $0x8, s30, s17, $0xb8;
	[tilespmem:$0x1C00] =	vst v63  }
0x85: {  	s31 =	simm.s32 $0x380  }
0x86: {  	[spmem:s1] =	stream.indirect.scatter.add.f32 [tilespmem:s14], [sflag:$0x6], $0x8, s31, s17, $0xb8;
	[tilespmem:$0x1C00] =	vst v63  }
0x87: {  	_ =	swait.ge [sflag:s18], $0x400  }
0x88: {  	[sflag:s18] =	ssyncset.done $0x0  }
0x89: {  	[sflag:s18] =	ssyncadd.s32 $0xFFFFFC00  }
0x8a: {  	_ =	swait.ge [sflag:s19], $0x400  }
0x8b: {  	[sflag:s19] =	ssyncset.done $0x0  }
0x8c: {  	[sflag:s19] =	ssyncadd.s32 $0xFFFFFC00  }
0x8d: {  	_ =	swait.ge [sflag:s20], $0x400  }
0x8e: {  	[sflag:s20] =	ssyncset.done $0x0  }
0x8f: {  	[sflag:s20] =	ssyncadd.s32 $0xFFFFFC00  }
0x90: {  	_ =	swait.ge [sflag:s21], $0x400  }
0x91: {  	s29 =	sadd.s32 $0x1, s29;
	[sflag:s21] =	ssyncset.done $0x0  }
0x92: {  	p0 =	sne.s32 s29, s10;
	[sflag:s21] =	ssyncadd.s32 $0xFFFFFC00  }
.Ltmp1:
0x93: {  	[bflag:$0x0] =	sbarrier.arrive $0xFFFF;
	(pc) =	sbr.rel @p0 .LBB2_1-.Ltmp1, $4  }
0x94: {  	[hbm:s9], [sflag:s6] =	dma.local [spmem:s12], $0x280  }
0x95: {  	_ =	swait.ge [sflag:s13], $0x280  }
0x96: {  	[sflag:s13] =	ssyncset.done $0x0  }
0x97: {  	[sflag:s13] =	ssyncadd.s32 $0xFFFFFD80  }
0x98: {  	_ =	sfence.sel $0x180000  }
0x99: {  	[bflag:$0x0] =	sbarrier.arrive $0xFFFF  }
0x9a: {  	_ =	strace $0x90000047  }
0x9b: {  	s0 =	stileid.u32;
	[bflag:$0x2] =	sbarrier.arrive $0xFFFF  }
0x9c: {  	p0 =	sne.s32 s0, $0x0;
	s0 =	rddreg [dreg:$0x3]  }
0x9d: {  	s0 =	sadd.s32 @!p0 $0x100000, s0  }
0x9e: {  	[sflag:s0] =	ssyncadd.tile.s32 @!p0 $0x1;
	_ =	shalt  }
.Lfunc_end2:
_tile_overlayer_lowered:
.L_overlay_start_2:
0x9f: {  	(tag) =	ssettag $0x2  }
0xa0: {  	s0 =	rddreg [dreg:$0x0];
	s2 =	stileid.u32  }
0xa1: {  	s1 =	rddreg [dreg:$0x1];
	p0 =	sne.s32 s2, $0x0  }
0xa2: {  	s3 =	rddreg [dreg:$0x2];
	[bflag:$0x3] =	sbarrier.arrive $0xFFFF;
	s2 =	simm.s32 @!p0 $0x1C07  }
0xa3: {  	[timem:s3], [sflag:s2] =	dma.local @!p0 [hbm:s0], s1  }
0xa4: {  	s0 =	simm.s32 @!p0 $0x7  }
0xa5: {  	_ =	swait.ge @!p0 [sflag:s0], s1  }
0xa6: {  	s1 =	ssub.s32 @!p0 $0x0, s1;
	[sflag:s0] =	ssyncset.done @!p0 $0x0  }
0xa7: {  	[sflag:s0] =	ssyncadd.s32 @!p0 s1  }
0xa8: {  	[bflag:$0x3] =	sbarrier.arrive $0xFFFF  }
0xa9: {  	_ =	shalt  }

// kernel: kernel.13.cloned.1.call-start
scs
__scs_entry_jumppad:
0x0: {  	(pc) =	sbr.rel $0x88, $3  }
0x1: {  	(tag) =	ssettag $0x0;
	lr =	simm.s32 $0x1  }
0x2: {  	[smem:$0x3F95] =	sst lr;
	_ =	strace $0xD0000000  }
0x3: {  	_ = 	snop  }
0x4: {  	_ = 	snop  }
0x5: {  	_ = 	snop  }
0x6: {  	_ = 	snop  }
0x7: {  	_ = 	snop  }
__scs_overlays_trampoline_lowered:
0x8: {  	[smem:$0x3FA4] =	sst s0  }
0x9: {  	[smem:$0x3FA5] =	sst s1  }
0xa: {  	[smem:$0x3FA6] =	sst s2  }
0xb: {  	[smem:$0x3FA7] =	sst s3  }
0xc: {  	[smem:$0x3FA8] =	sst s4  }
0xd: {  	[smem:$0x3FA9] =	sst s5  }
0xe: {  	[smem:$0x3FAA] =	sst s6  }
0xf: {  	[smem:$0x3FAB] =	sst s7  }
0x10: {  	[smem:$0x3FAC] =	sst s8  }
0x11: {  	[smem:$0x3FAD] =	sst s9;
	s0 =	simm.s32 @!p0 $0x0  }
0x12: {  	s1 =	sld [smem:$0x3F93];
	s0 =	simm.s32 @p0 $0x1  }
0x13: {  	[smem:$0x3FAE] =	sst s0;
	s0 =	simm.s32 @!p1 $0x0  }
0x14: {  	s2 =	sld [smem:$0x3F92];
	s0 =	simm.s32 @p1 $0x1  }
0x15: {  	[smem:$0x3FAF] =	sst s0;
	s0 =	simm.s32 @!p2 $0x0  }
0x16: {  	s3 =	sld [smem:$0x3FDB];
	s0 =	simm.s32 @p2 $0x1  }
0x17: {  	s4 =	simm.s32 $0x1BF5;
	[smem:$0x3FB1] =	sst s0  }
0x18: {  	s0 =	sld [smem:$0x3F94];
	_ =	swait.ge [sflag:s4], $0x0  }
0x19: {  	s7 =	sld [smem:$0x3F95]  }
0x1a: {  	s8 =	sadd.s32 $0xFFFFE003, lr  }
0x1b: {  	s9 =	sadd.s32 $0xFFFFFEF7, lr;
	s5 =	simm.s32 $0xFFFFFFFF;
	p2 =	slt.u32 s8, $0xFFFFF086  }
0x1c: {  	p1 =	slt.u32 s9, $0xF7A;
	s5 =	simm.s32 @!p2 $0x0  }
0x1d: {  	s5 =	simm.s32 @p1 $0x1;
	p0 =	seq.s32 s7, s2  }
0x1e: {  	s7 =	smul.u32 @!p0 $0xF7A, s2;
	p2 =	seq.s32 @!p0 s5, $0x0  }
0x1f: {  	s9 =	smul.u32 $0xF7A, s1;
	s8 =	simm.s32 @!p0 $0x1BF5;
	p2 =	por !p2, p0  }
0x20: {  	[sflag:s8] =	ssyncset.s32 @!p0 $0xFFFFF086;
	s6 =	sadd.s32 @!p0 s3, s7;
	s7 =	simm.s32 @!p0 $0x108  }
0x21: {  	s3 =	sadd.s32 s3, s9;
	s6 =	sadd.s32 @!p0 $0x88, s6;
	s7 =	simm.s32 @p2 $0x1082  }
0x22: {  	[simem:s7], [sflag:s8] =	dma.local @!p0 [hbm:s6], $0xF7A  }
0x23: {  	s9 =	sor.u32 $0xD0000000, s2;
	s6 =	simm.s32 $0x108;
	_ =	swait.ge @!p0 [sflag:s8], $0x0  }
0x24: {  	s3 =	sadd.s32 $0x88, s3;
	s6 =	simm.s32 @!p1 $0x1082;
	[sflag:s4] =	ssyncset.s32 $0xFFFFF086  }
0x25: {  	[simem:s6], [sflag:s4] =	dma.local [hbm:s3], $0xF7A  }
0x26: {  	[smem:$0x3F95] =	sst s1;
	(tag) =	ssettag s2;
	_ =	strace s9  }
0x27: {  	s1 =	sld [smem:$0x3FA5]  }
0x28: {  	s2 =	sld [smem:$0x3FA6]  }
0x29: {  	s4 =	sld [smem:$0x3FA8]  }
0x2a: {  	p0 =	seq.s32 s5, $0x0;
	s5 =	sld [smem:$0x3FA9]  }
0x2b: {  	s6 =	sld [smem:$0x3FAA]  }
0x2c: {  	s7 =	sld [smem:$0x3FAB]  }
0x2d: {  	s3 =	simm.s32 $0x108;
	s8 =	sld [smem:$0x3FAC]  }
0x2e: {  	s3 =	simm.s32 @!p0 $0x1082;
	s9 =	sld [smem:$0x3FAD]  }
0x2f: {  	lr =	sadd.s32 s0, s3;
	s0 =	sld [smem:$0x3FA4]  }
0x30: {  	s3 =	sld [smem:$0x3FA7]  }
0x31: {  	[smem:$0x3FB0] =	sst s10  }
0x32: {  	s10 =	sld [smem:$0x3FAE];
	_ =	sdelay $0x3  }
0x33: {  	p0 =	seq.s32 s10, $0x1;
	s10 =	sld [smem:$0x3FB0];
	_ =	sdelay $0x3  }
0x34: {  	[smem:$0x3FB0] =	sst s10  }
0x35: {  	s10 =	sld [smem:$0x3FAF];
	_ =	sdelay $0x3  }
0x36: {  	p1 =	seq.s32 s10, $0x1;
	s10 =	sld [smem:$0x3FB0];
	_ =	sdelay $0x3  }
0x37: {  	[smem:$0x3FB0] =	sst s10  }
0x38: {  	s10 =	sld [smem:$0x3FB1]  }
0x39: {  	_ = 	snop;
	(pc) =	sbr.ind lr, $3  }
0x3a: {  	_ = 	snop  }
0x3b: {  	_ = 	snop  }
0x3c: {  	p2 =	seq.s32 s10, $0x1;
	s10 =	sld [smem:$0x3FB0]  }
0x3d: {  	_ =	shalt  }
0x3e: {  	_ =	shalt  }
0x3f: {  	_ =	shalt  }
0x40: {  	_ =	shalt  }
0x41: {  	_ =	shalt  }
0x42: {  	_ =	shalt  }
0x43: {  	_ =	shalt  }
0x44: {  	_ =	shalt  }
0x45: {  	_ =	shalt  }
0x46: {  	_ =	shalt  }
0x47: {  	_ =	shalt  }
0x48: {  	_ =	shalt  }
0x49: {  	_ =	shalt  }
0x4a: {  	_ =	shalt  }
0x4b: {  	_ =	shalt  }
0x4c: {  	_ =	shalt  }
0x4d: {  	_ =	shalt  }
0x4e: {  	_ =	shalt  }
0x4f: {  	_ =	shalt  }
0x50: {  	_ =	shalt  }
0x51: {  	_ =	shalt  }
0x52: {  	_ =	shalt  }
0x53: {  	_ =	shalt  }
0x54: {  	_ =	shalt  }
0x55: {  	_ =	shalt  }
0x56: {  	_ =	shalt  }
0x57: {  	_ =	shalt  }
0x58: {  	_ =	shalt  }
0x59: {  	_ =	shalt  }
0x5a: {  	_ =	shalt  }
0x5b: {  	_ =	shalt  }
0x5c: {  	_ =	shalt  }
0x5d: {  	_ =	shalt  }
0x5e: {  	_ =	shalt  }
0x5f: {  	_ =	shalt  }
0x60: {  	_ =	shalt  }
0x61: {  	_ =	shalt  }
0x62: {  	_ =	shalt  }
0x63: {  	_ =	shalt  }
0x64: {  	_ =	shalt  }
0x65: {  	_ =	shalt  }
0x66: {  	_ =	shalt  }
0x67: {  	_ =	shalt  }
0x68: {  	_ =	shalt  }
0x69: {  	_ =	shalt  }
0x6a: {  	_ =	shalt  }
0x6b: {  	_ =	shalt  }
0x6c: {  	_ =	shalt  }
0x6d: {  	_ =	shalt  }
0x6e: {  	_ =	shalt  }
0x6f: {  	_ =	shalt  }
0x70: {  	_ =	shalt  }
0x71: {  	_ =	shalt  }
0x72: {  	_ =	shalt  }
0x73: {  	_ =	shalt  }
0x74: {  	_ =	shalt  }
0x75: {  	_ =	shalt  }
0x76: {  	_ =	shalt  }
0x77: {  	_ =	shalt  }
0x78: {  	_ =	shalt  }
0x79: {  	_ =	shalt  }
0x7a: {  	_ =	shalt  }
0x7b: {  	_ =	shalt  }
0x7c: {  	_ =	shalt  }
0x7d: {  	_ =	shalt  }
0x7e: {  	_ =	shalt  }
0x7f: {  	_ =	shalt  }
0x80: {  	_ =	shalt  }
0x81: {  	_ =	shalt  }
0x82: {  	_ =	shalt  }
0x83: {  	_ =	shalt  }
0x84: {  	_ =	shalt  }
0x85: {  	_ =	shalt  }
0x86: {  	_ =	shalt  }
0x87: {  	_ =	shalt  }
.Lfunc_end0:
.L_simem_size_0:
called_computation.1_lowered:
.L_overlay_start_0:
0x88: {  	s2 =	sld [smem:$0x3FD9]  }
0x89: {  	s3 =	sld [smem:$0x3FFE];
	_ =	sdelay $0x1  }
0x8a: {  	s1 =	srdreg.scid  }
0x8b: {  	s0 =	sand.u32 $0x1, s1  }
0x8c: {  	s17 =	sshll.u32 s0, $0xA;
	s2 =	sadd.s32 s3, s2  }
0x8d: {  	s2 =	sadd.s32 s2, s17  }
0x8e: {  	[smem:$0x3FBC] =	sst s2  }
0x8f: {  	_ = 	snop  }
0x90: {  	s2 =	sld [smem:$0x3FD0];
	(tm) =	ssettm $0x1  }
0x91: {  	s18 =	sld [smem:$0x3FFB];
	_ =	sdelay $0x3  }
0x92: {  	_ =	strace s18  }
0x93: {  	s3 =	sld [smem:$0x3FFC];
	_ =	sdelay $0x3  }
0x94: {  	_ =	strace s3  }
0x95: {  	s3 =	sld [smem:$0x3FFD];
	_ =	sdelay $0x3  }
0x96: {  	_ =	strace s3  }
0x97: {  	_ =	strace $0x8FFFFFFF  }
0x98: {  	s19 =	sld [smem:$0x3FDB];
	_ =	sdelay $0x1  }
0x99: {  	s4 =	simm.s32 $_scs_section_size  }
0x9a: {  	s5 =	simm.s32 $_size__tile_overlayer_lowered;
	s6 =	simm.s32 $_tile_overlayer_lowered  }
0x9b: {  	s22 =	simm.s32 $0x1BFF;
	s21 =	sshll.u32 s6, $0x1;
	s3 =	sadd.s32 s4, s19  }
0x9c: {  	s7 =	simm.s32 $0x0;
	s20 =	sshll.u32 s5, $0x1;
	s5 =	sadd.s32 s21, s3  }
0x9d: {  	[timem:s7], [sflag:s22] =	dma.local [hbm:s5], s20  }
0x9e: {  	_ =	swait.ge [sflag:s22], s20  }
0x9f: {  	s4 =	ssub.s32 $0x0, s20;
	[sflag:s22] =	ssyncset.done $0x0  }
0xa0: {  	[sflag:s22] =	ssyncadd.s32 s4;
	_ =	sdelay $0x1  }
0xa1: {  	s23 =	simm.s32 $0x1B8B  }
0xa2: {  	_ =	swait.ge [sflag:s23], $0x1  }
0xa3: {  	[sflag:s23] =	ssyncset.done $0x0  }
0xa4: {  	s25 =	simm.s32 $0x1B8E;
	s24 =	sld [smem:$0x3FFE];
	[sflag:s23] =	ssyncadd.s32 $0xFFFFFFFF  }
0xa5: {  	s26 =	simm.s32 $execute0_lowered;
	[smem:$0x3FD2] =	sst s25  }
0xa6: {  	s5 =	sshll.u32 s26, $0x1;
	_ =	strace $0x80000049;
	[dreg:$0x1] =	wrdreg $0xFFFFFFFF  }
0xa7: {  	s28 =	simm.s32 $_size_execute0_lowered;
	s3 =	sadd.s32 s3, s5;
	[dreg:$0x0] =	wrdreg $0x0  }
0xa8: {  	s5 =	sshll.u32 s28, $0x1;
	[dreg:$0x2] =	wrdreg s3  }
0xa9: {  	[dreg:$0x3] =	wrdreg s5  }
0xaa: {  	[dreg:$0x4] =	wrdreg $0xC0  }
0xab: {  	_ =	task [dreg:s7], $0x5FFFF  }
0xac: {  	[dreg:$0x1] =	wrdreg $0xFFFFFFFF  }
0xad: {  	[dreg:$0x0] =	wrdreg $0x60  }
0xae: {  	[dreg:$0x2] =	wrdreg s24  }
0xaf: {  	[dreg:$0x3] =	wrdreg s2  }
0xb0: {  	[dreg:$0x4] =	wrdreg $0x88000  }
0xb1: {  	[dreg:$0x5] =	wrdreg $0x9  }
0xb2: {  	_ =	task.clear_ibuf [dreg:s7], $0x6FFFF;
	_ =	strace $0x90000049  }
0xb3: {  	s29 =	simm.s32 $0x9;
	_ =	strace $0x8000004B  }
0xb4: {  	_ =	swait.ge [sflag:s29], $0x1  }
0xb5: {  	[sflag:s29] =	ssyncadd.s32 $0xFFFFFFFF  }
0xb6: {  	_ =	strace $0x9000004B  }
0xb7: {  	_ =	sfence  }
0xb8: {  	s30 =	sld [smem:$0x0];
	_ =	sdelay $0x2  }
0xb9: {  	s31 =	sshll.u32 s1, $0xD;
	s1 =	sshrl.u32 s1, $0x2  }
0xba: {  	s3 =	sand.u32 $0x4000, s31;
	s1 =	sadd.s32 s1, s30  }
0xbb: {  	s0 =	sor.u32 s3, s0;
	s1 =	sshll.u32 s1, $0x11  }
0xbc: {  	s0 =	sor.u32 s1, s0  }
0xbd: {  	s0 =	sadd.s32 $0x8F2B, s0  }
0xbe: {  	[sflag:s0] =	ssyncadd.remote.s32 $0x1  }
0xbf: {  	_ =	sfence.sel $0xFFFF  }
0xc0: {  	[dreg:$0x0] =	wrdreg $0xFFFFFFFF;
	(pc) =	sbr.abs _section_cstart, $3  }
0xc1: {  	[dreg:$0x1] =	wrdreg $0xFFFFFFFF  }
0xc2: {  	_ =	task.clear_ibuf [dreg:s7], $0x2FFFF;
	_ =	strace $0x9FFFFFFF  }
0xc3: {  	(tm) =	ssettm $0x7FFFFFFF  }
tec
execute0_lowered:
.L_overlay_start_1:
0x0: {  	(tag) =	ssettag $0x1  }
0x1: {  	s0 =	rddreg [dreg:$0x0]  }
0x2: {  	s1 =	rddreg [dreg:$0x1]  }
0x3: {  	s2 =	rddreg [dreg:$0x2]  }
0x4: {  	s4 =	srdreg.scid;
	s12 =	stileid.u32  }
0x5: {  	s3 =	simm.s32 $0x0;
	s28 =	simm.s32 $0x6800;
	s29 =	simm.s32 $0x3  }
0x6: {  	s30 =	simm.s32 $0x4;
	s31 =	simm.s32 $0x5;
	s6 =	smul.u32 $0x1400, s12  }
0x7: {  	s5 =	sand.u32 $0x1, s4;
	[smem:$0x7FF] =	sst s3;
	s8 =	smul.u32 $0x28000, s12  }
0x8: {  	s4 =	sadd.s32 $0xBC000, s0;
	s9 =	sadd.s32 $0x8000, s0;
	s11 =	smul.u32 $0xA0, s12  }
0x9: {  	s13 =	sadd.s32 $0x2A00, s0;
	s22 =	smul.u32 $0xA00, s12;
	s23 =	sshll.u32 s12, $0x6  }
0xa: {  	s12 =	simm.s32 $0x200;
	s7 =	smul.u32 $0x14000, s5;
	_ =	strace $0x8000004A  }
0xb: {  	s10 =	smul.u32 $0xA00, s5;
	s16 =	ssub.s32 $0x2, s5;
	[dreg:$0x4] =	wrdreg s13  }
0xc: {  	s5 =	smul.u32 $0xA000, s5;
	s13 =	simm.s32 $0x600;
	s17 =	sshrl.u32 s16, $0x1  }
0xd: {  	s18 =	sshrl.u32 s8, $0x2;
	s1 =	sadd.s32 s1, s22;
	s8 =	simm.s32 $0x400  }
0xe: {  	s6 =	sadd.s32 s6, s7;
	s19 =	sadd.s32 s11, s10;
	s20 =	sadd.s32 s18, s2  }
0xf: {  	s11 =	sor.u32 $0x1C0B, s23;
	s24 =	sadd.s32 $0x40, s1;
	s25 =	sadd.s32 s5, s9  }
0x10: {  	[dreg:$0x6] =	wrdreg s1;
	s1 =	sadd.s32 $0x80, s1;
	s18 =	simm.s32 $0x1  }
0x11: {  	s23 =	simm.s32 $0x2800;
	s5 =	simm.s32 $0xA;
	s10 =	simm.s32 $0x0  }
0x12: {  	s0 =	sadd.s32 s6, s0;
	s6 =	ssub.s32 s16, s17;
	[dreg:$0x8] =	wrdreg s24  }
0x13: {  	s21 =	sshll.u32 s19, $0x4;
	[dreg:$0xb] =	wrdreg s1;
	s16 =	simm.s32 $0xB  }
0x14: {  	s1 =	simm.s32 $0x7;
	s24 =	simm.s32 $0x8;
	s7 =	sadd.s32 s9, s21  }
0x15: {  	s0 =	sadd.s32 $0xE4000, s0;
	s26 =	smax.u32 s6, $0x1;
	[dreg:$0x5] =	wrdreg s7  }
0x16: {  	s21 =	simm.s32 $0x80;
	s9 =	simm.s32 $0x2;
	[dreg:$0x9] =	wrdreg s0  }
0x17: {  	s7 =	sadd.s32 $0x40, s7;
	[dreg:$0xa] =	wrdreg s26;
	s0 =	sadd.s32 s22, s25  }
0x18: {  	s22 =	simm.s32 $0x800;
	[dreg:$0x7] =	wrdreg s7;
	s0 =	sadd.s32 $0x80, s0  }
0x19: {  	s25 =	simm.s32 $0x4800;
	s7 =	sshrl.u32 s20, $0x3;
	[dreg:$0xc] =	wrdreg s0  }
0x1a: {  	s26 =	simm.s32 $0x9;
	s0 =	simm.s32 $0x6;
	[dreg:$0xd] =	wrdreg s7  }
.LBB2_1:
0x1b: {  	s6 =	rddreg [dreg:$0x4]  }
0x1c: {  	[spmem:s7], [sflag:s11] =	dma.local [hbm:s6], $0x1400  }
0x1d: {  	_ =	swait.ge [sflag:s16], $0x1400  }
0x1e: {  	[sflag:s16] =	ssyncset.done $0x0  }
0x1f: {  	s17 =	rddreg [dreg:$0x5];
	[sflag:s16] =	ssyncadd.s32 $0xFFFFEC00  }
0x20: {  	[tilespmem:s3], [sflag:$0x1] =	stream.linear.gather [hbm4b:s17+s3], $0x200, $0x38;
	[tilespmem:$0x12800] =	vst v63  }
0x21: {  	s19 =	rddreg [dreg:$0x6]  }
0x22: {  	[tilespmem:s8], [sflag:$0x1] =	stream.linear.gather [hbm4b:s19+s3], $0x200, $0x38;
	[tilespmem:$0x12800] =	vst v63  }
0x23: {  	_ =	swait.ge [sflag:s18], $0x200  }
0x24: {  	[sflag:s18] =	ssyncset.done $0x0  }
0x25: {  	[sflag:s18] =	ssyncadd.s32 $0xFFFFFE00  }
0x26: {  	_ =	swait.ge [sflag:s18], $0x200  }
0x27: {  	[sflag:s18] =	ssyncset.done $0x0  }
0x28: {  	s7 =	rddreg [dreg:$0x7];
	[sflag:s18] =	ssyncadd.s32 $0xFFFFFE00  }
0x29: {  	[tilespmem:s12], [sflag:$0x2] =	stream.linear.gather [hbm4b:s7+s3], $0x200, $0x38;
	[tilespmem:$0x12800] =	vst v63  }
0x2a: {  	s8 =	rddreg [dreg:$0x8]  }
0x2b: {  	[tilespmem:s13], [sflag:$0x2] =	stream.linear.gather [hbm4b:s8+s3], $0x200, $0x38;
	[tilespmem:$0x12800] =	vst v63  }
0x2c: {  	[bflag:$0x0] =	sbarrier.arrive $0xFFFF  }
0x2d: {  	[tilespmem:s22], [sflag:$0x3] =	stream.indirect.gather [hbm4b:s4+s21], $0x40, s3, s21, $0xb8;
	[tilespmem:$0x12800] =	vst v63  }
0x2e: {  	_ = 	snop  }
0x2f: {  	[tilespmem:s23], [sflag:$0x4] =	stream.indirect.gather [hbm4b:s4+s21], $0x40, s21, s21, $0xb8;
	[tilespmem:$0x12800] =	vst v63  }
0x30: {  	s20 =	smov.u32 s11;
	s11 =	simm.s32 $0x100  }
0x31: {  	[tilespmem:s25], [sflag:$0x5] =	stream.indirect.gather [hbm4b:s4+s21], $0x40, s11, s21, $0xb8;
	[tilespmem:$0x12800] =	vst v63  }
0x32: {  	s12 =	simm.s32 $0x180  }
0x33: {  	[tilespmem:s28], [sflag:$0x6] =	stream.indirect.gather [hbm4b:s4+s21], $0x40, s12, s21, $0xb8;
	[tilespmem:$0x12800] =	vst v63  }
0x34: {  	s6 =	sand.u32 $0x1, s3;
	_ =	swait.ge [sflag:s29], $0x2000  }
0x35: {  	s8 =	sshll.u32 s6, $0x9;
	[sflag:s29] =	ssyncset.done $0x0  }
0x36: {  	s11 =	sor.u32 $0x400, s8;
	[sflag:s29] =	ssyncadd.s32 $0xFFFFE000  }
0x37: {  	[spmem:s2] =	stream.indirect.scatter.add.f32 [tilespmem:s22], [sflag:$0x7], $0x40, s11, s21, $0xb8;
	[tilespmem:$0x12800] =	vst v63  }
0x38: {  	_ =	swait.ge [sflag:s30], $0x2000  }
0x39: {  	[sflag:s30] =	ssyncset.done $0x0  }
0x3a: {  	s13 =	sor.u32 $0x480, s8;
	[sflag:s30] =	ssyncadd.s32 $0xFFFFE000  }
0x3b: {  	[spmem:s2] =	stream.indirect.scatter.add.f32 [tilespmem:s23], [sflag:$0x8], $0x40, s13, s21, $0xb8;
	[tilespmem:$0x12800] =	vst v63  }
0x3c: {  	_ =	swait.ge [sflag:s31], $0x2000  }
0x3d: {  	[sflag:s31] =	ssyncset.done $0x0  }
0x3e: {  	s14 =	sor.u32 $0x500, s8;
	[sflag:s31] =	ssyncadd.s32 $0xFFFFE000  }
0x3f: {  	[spmem:s2] =	stream.indirect.scatter.add.f32 [tilespmem:s25], [sflag:$0x9], $0x40, s14, s21, $0xb8;
	[tilespmem:$0x12800] =	vst v63  }
0x40: {  	_ =	swait.ge [sflag:s0], $0x2000  }
0x41: {  	s15 =	sxor.u32 $0x1, s6;
	[sflag:s0] =	ssyncset.done $0x0  }
0x42: {  	s17 =	sadd.s32 $0x1, s15;
	s19 =	sor.u32 $0x580, s8;
	[sflag:s0] =	ssyncadd.s32 $0xFFFFE000  }
0x43: {  	[spmem:s2] =	stream.indirect.scatter.add.f32 [tilespmem:s28], [sflag:$0xA], $0x40, s19, s21, $0xb8;
	[tilespmem:$0x12800] =	vst v63  }
0x44: {  	_ =	swait.ge [sflag:s17], $0x200  }
0x45: {  	[sflag:s17] =	ssyncset.done $0x0  }
0x46: {  	[sflag:s17] =	ssyncadd.s32 $0xFFFFFE00  }
0x47: {  	_ =	swait.ge [sflag:s17], $0x200  }
0x48: {  	[sflag:s17] =	ssyncset.done $0x0  }
0x49: {  	[sflag:s17] =	ssyncadd.s32 $0xFFFFFE00  }
0x4a: {  	_ =	swait.ge [sflag:s1], $0x2000  }
0x4b: {  	[sflag:s1] =	ssyncset.done $0x0  }
0x4c: {  	s12 =	sshll.u32 s15, $0x9;
	[sflag:s1] =	ssyncadd.s32 $0xFFFFE000  }
0x4d: {  	[tilespmem:s22], [sflag:$0x3] =	stream.indirect.gather [hbm4b:s4+s21], $0x40, s12, s21, $0xb8;
	[tilespmem:$0x12800] =	vst v63  }
0x4e: {  	_ =	swait.ge [sflag:s24], $0x2000  }
0x4f: {  	[sflag:s24] =	ssyncset.done $0x0  }
0x50: {  	s7 =	sor.u32 $0x80, s12;
	[sflag:s24] =	ssyncadd.s32 $0xFFFFE000  }
0x51: {  	[tilespmem:s23], [sflag:$0x4] =	stream.indirect.gather [hbm4b:s4+s21], $0x40, s7, s21, $0xb8;
	[tilespmem:$0x12800] =	vst v63  }
0x52: {  	_ =	swait.ge [sflag:s26], $0x2000  }
0x53: {  	[sflag:s26] =	ssyncset.done $0x0  }
0x54: {  	s14 =	sor.u32 $0x100, s12;
	[sflag:s26] =	ssyncadd.s32 $0xFFFFE000  }
0x55: {  	[tilespmem:s25], [sflag:$0x5] =	stream.indirect.gather [hbm4b:s4+s21], $0x40, s14, s21, $0xb8;
	[tilespmem:$0x12800] =	vst v63  }
0x56: {  	_ =	swait.ge [sflag:s5], $0x2000  }
0x57: {  	s19 =	sadd.s32 $0x1, s6;
	[sflag:s5] =	ssyncset.done $0x0;
	s15 =	rddreg [dreg:$0xc]  }
0x58: {  	s12 =	sor.u32 $0x180, s12;
	s13 =	rddreg [dreg:$0xb];
	[sflag:s5] =	ssyncadd.s32 $0xFFFFE000  }
0x59: {  	[tilespmem:s28], [sflag:$0x6] =	stream.indirect.gather [hbm4b:s4+s21], $0x40, s12, s21, $0xb8;
	[tilespmem:$0x12800] =	vst v63  }
0x5a: {  	s17 =	sadd.s32 $0x40, s13;
	s6 =	sadd.s32 $0x40, s15;
	s12 =	simm.s32 $0x1  }
0x5b: {  	[tilespmem:s8], [sflag:s19] =	stream.linear.gather [hbm4b:s15+s3], $0x200, $0x38;
	[tilespmem:$0x12800] =	vst v63  }
.LBB2_2:
0x5c: {  	[tilespmem:s11], [sflag:s19] =	stream.linear.gather [hbm4b:s13+s3], $0x200, $0x38;
	[tilespmem:$0x12800] =	vst v63  }
0x5d: {  	s19 =	sand.u32 $0x1, s12;
	p0 =	sne.s32 s12, $0x25;
	_ =	swait.ge [sflag:s29], $0x2000  }
0x5e: {  	s7 =	sxor.u32 $0x1, s19;
	s8 =	sshll.u32 s19, $0x9;
	[sflag:s29] =	ssyncset.done $0x0  }
0x5f: {  	s12 =	sadd.s32 $0x1, s12;
	s11 =	sor.u32 $0x400, s8;
	[sflag:s29] =	ssyncadd.s32 $0xFFFFE000  }
0x60: {  	[spmem:s2] =	stream.indirect.scatter.add.f32 [tilespmem:s22], [sflag:$0x7], $0x40, s11, s21, $0xb8;
	[tilespmem:$0x12800] =	vst v63  }
0x61: {  	s13 =	smov.u32 s17;
	_ =	swait.ge [sflag:s30], $0x2000  }
0x62: {  	[sflag:s30] =	ssyncset.done $0x0  }
0x63: {  	s14 =	sor.u32 $0x480, s8;
	[sflag:s30] =	ssyncadd.s32 $0xFFFFE000  }
0x64: {  	[spmem:s2] =	stream.indirect.scatter.add.f32 [tilespmem:s23], [sflag:$0x8], $0x40, s14, s21, $0xb8;
	[tilespmem:$0x12800] =	vst v63  }
0x65: {  	_ =	swait.ge [sflag:s31], $0x2000  }
0x66: {  	[sflag:s31] =	ssyncset.done $0x0  }
0x67: {  	s14 =	sor.u32 $0x500, s8;
	[sflag:s31] =	ssyncadd.s32 $0xFFFFE000  }
0x68: {  	[spmem:s2] =	stream.indirect.scatter.add.f32 [tilespmem:s25], [sflag:$0x9], $0x40, s14, s21, $0xb8;
	[tilespmem:$0x12800] =	vst v63  }
0x69: {  	_ =	swait.ge [sflag:s0], $0x2000  }
0x6a: {  	[sflag:s0] =	ssyncset.done $0x0  }
0x6b: {  	s15 =	sadd.s32 $0x1, s7;
	s14 =	sor.u32 $0x580, s8;
	[sflag:s0] =	ssyncadd.s32 $0xFFFFE000  }
0x6c: {  	[spmem:s2] =	stream.indirect.scatter.add.f32 [tilespmem:s28], [sflag:$0xA], $0x40, s14, s21, $0xb8;
	[tilespmem:$0x12800] =	vst v63  }
0x6d: {  	_ =	swait.ge [sflag:s15], $0x200  }
0x6e: {  	[sflag:s15] =	ssyncset.done $0x0  }
0x6f: {  	[sflag:s15] =	ssyncadd.s32 $0xFFFFFE00  }
0x70: {  	_ =	swait.ge [sflag:s15], $0x200  }
0x71: {  	[sflag:s15] =	ssyncset.done $0x0  }
0x72: {  	[sflag:s15] =	ssyncadd.s32 $0xFFFFFE00  }
0x73: {  	_ =	swait.ge [sflag:s1], $0x2000  }
0x74: {  	[sflag:s1] =	ssyncset.done $0x0  }
0x75: {  	s7 =	sshll.u32 s7, $0x9;
	[sflag:s1] =	ssyncadd.s32 $0xFFFFE000  }
0x76: {  	[tilespmem:s22], [sflag:$0x3] =	stream.indirect.gather [hbm4b:s4+s21], $0x40, s7, s21, $0xb8;
	[tilespmem:$0x12800] =	vst v63  }
0x77: {  	_ =	swait.ge [sflag:s24], $0x2000  }
0x78: {  	[sflag:s24] =	ssyncset.done $0x0  }
0x79: {  	s14 =	sor.u32 $0x80, s7;
	[sflag:s24] =	ssyncadd.s32 $0xFFFFE000  }
0x7a: {  	[tilespmem:s23], [sflag:$0x4] =	stream.indirect.gather [hbm4b:s4+s21], $0x40, s14, s21, $0xb8;
	[tilespmem:$0x12800] =	vst v63  }
0x7b: {  	_ =	swait.ge [sflag:s26], $0x2000  }
0x7c: {  	[sflag:s26] =	ssyncset.done $0x0  }
0x7d: {  	s14 =	sor.u32 $0x100, s7;
	[sflag:s26] =	ssyncadd.s32 $0xFFFFE000  }
0x7e: {  	[tilespmem:s25], [sflag:$0x5] =	stream.indirect.gather [hbm4b:s4+s21], $0x40, s14, s21, $0xb8;
	[tilespmem:$0x12800] =	vst v63  }
0x7f: {  	_ =	swait.ge [sflag:s5], $0x2000  }
0x80: {  	[sflag:s5] =	ssyncset.done $0x0  }
.Ltmp0:
0x81: {  	s7 =	sor.u32 $0x180, s7;
	[sflag:s5] =	ssyncadd.s32 $0xFFFFE000;
	(pc) =	sbr.rel @p0 .LBB2_2-.Ltmp0, $4  }
0x82: {  	[tilespmem:s28], [sflag:$0x6] =	stream.indirect.gather [hbm4b:s4+s21], $0x40, s7, s21, $0xb8;
	[tilespmem:$0x12800] =	vst v63  }
0x83: {  	s19 =	sadd.s32 $0x1, s19  }
0x84: {  	[tilespmem:s8], [sflag:s19] =	stream.linear.gather [hbm4b:s6+s3], $0x200, $0x38;
	[tilespmem:$0x12800] =	vst v63  }
0x85: {  	s17 =	sadd.s32 $0x40, s17;
	s6 =	sadd.s32 $0x40, s6  }
0x86: {  	[tilespmem:s11], [sflag:s19] =	stream.linear.gather [hbm4b:s13+s3], $0x200, $0x38;
	[tilespmem:$0x12800] =	vst v63  }
0x87: {  	_ =	swait.ge [sflag:s29], $0x2000  }
0x88: {  	[sflag:s29] =	ssyncset.done $0x0  }
0x89: {  	s8 =	simm.s32 $0x400;
	[sflag:s29] =	ssyncadd.s32 $0xFFFFE000  }
0x8a: {  	[spmem:s2] =	stream.indirect.scatter.add.f32 [tilespmem:s22], [sflag:$0x7], $0x40, s8, s21, $0xb8;
	[tilespmem:$0x12800] =	vst v63  }
0x8b: {  	_ =	swait.ge [sflag:s30], $0x2000  }
0x8c: {  	[sflag:s30] =	ssyncset.done $0x0  }
0x8d: {  	s6 =	simm.s32 $0x480;
	[sflag:s30] =	ssyncadd.s32 $0xFFFFE000  }
0x8e: {  	[spmem:s2] =	stream.indirect.scatter.add.f32 [tilespmem:s23], [sflag:$0x8], $0x40, s6, s21, $0xb8;
	[tilespmem:$0x12800] =	vst v63  }
0x8f: {  	_ =	swait.ge [sflag:s31], $0x2000  }
0x90: {  	[sflag:s31] =	ssyncset.done $0x0  }
0x91: {  	s17 =	simm.s32 $0x500;
	[sflag:s31] =	ssyncadd.s32 $0xFFFFE000  }
0x92: {  	[spmem:s2] =	stream.indirect.scatter.add.f32 [tilespmem:s25], [sflag:$0x9], $0x40, s17, s21, $0xb8;
	[tilespmem:$0x12800] =	vst v63  }
0x93: {  	_ =	swait.ge [sflag:s0], $0x2000  }
0x94: {  	[sflag:s0] =	ssyncset.done $0x0  }
0x95: {  	s19 =	simm.s32 $0x580;
	[sflag:s0] =	ssyncadd.s32 $0xFFFFE000  }
0x96: {  	[spmem:s2] =	stream.indirect.scatter.add.f32 [tilespmem:s28], [sflag:$0xA], $0x40, s19, s21, $0xb8;
	[tilespmem:$0x12800] =	vst v63  }
0x97: {  	_ =	swait.ge [sflag:s9], $0x200  }
0x98: {  	[sflag:s9] =	ssyncset.done $0x0  }
0x99: {  	[sflag:s9] =	ssyncadd.s32 $0xFFFFFE00  }
0x9a: {  	_ =	swait.ge [sflag:s9], $0x200  }
0x9b: {  	[sflag:s9] =	ssyncset.done $0x0  }
0x9c: {  	[sflag:s9] =	ssyncadd.s32 $0xFFFFFE00  }
0x9d: {  	_ =	swait.ge [sflag:s1], $0x2000  }
0x9e: {  	[sflag:s1] =	ssyncset.done $0x0  }
0x9f: {  	s12 =	simm.s32 $0x200;
	[sflag:s1] =	ssyncadd.s32 $0xFFFFE000  }
0xa0: {  	[tilespmem:s22], [sflag:$0x3] =	stream.indirect.gather [hbm4b:s4+s21], $0x40, s12, s21, $0xb8;
	[tilespmem:$0x12800] =	vst v63  }
0xa1: {  	_ =	swait.ge [sflag:s24], $0x2000  }
0xa2: {  	[sflag:s24] =	ssyncset.done $0x0  }
0xa3: {  	s7 =	simm.s32 $0x280;
	[sflag:s24] =	ssyncadd.s32 $0xFFFFE000  }
0xa4: {  	[tilespmem:s23], [sflag:$0x4] =	stream.indirect.gather [hbm4b:s4+s21], $0x40, s7, s21, $0xb8;
	[tilespmem:$0x12800] =	vst v63  }
0xa5: {  	_ =	swait.ge [sflag:s26], $0x2000  }
0xa6: {  	[sflag:s26] =	ssyncset.done $0x0  }
0xa7: {  	s11 =	simm.s32 $0x300;
	[sflag:s26] =	ssyncadd.s32 $0xFFFFE000  }
0xa8: {  	[tilespmem:s25], [sflag:$0x5] =	stream.indirect.gather [hbm4b:s4+s21], $0x40, s11, s21, $0xb8;
	[tilespmem:$0x12800] =	vst v63  }
0xa9: {  	_ =	swait.ge [sflag:s5], $0x2000  }
0xaa: {  	[sflag:s5] =	ssyncset.done $0x0  }
0xab: {  	s13 =	simm.s32 $0x380;
	[sflag:s5] =	ssyncadd.s32 $0xFFFFE000  }
0xac: {  	[tilespmem:s28], [sflag:$0x6] =	stream.indirect.gather [hbm4b:s4+s21], $0x40, s13, s21, $0xb8;
	[tilespmem:$0x12800] =	vst v63  }
0xad: {  	_ =	swait.ge [sflag:s29], $0x2000  }
0xae: {  	[sflag:s29] =	ssyncset.done $0x0  }
0xaf: {  	s13 =	simm.s32 $0x600;
	[sflag:s29] =	ssyncadd.s32 $0xFFFFE000  }
0xb0: {  	[spmem:s2] =	stream.indirect.scatter.add.f32 [tilespmem:s22], [sflag:$0x7], $0x40, s13, s21, $0xb8;
	[tilespmem:$0x12800] =	vst v63  }
0xb1: {  	_ =	swait.ge [sflag:s30], $0x2000  }
0xb2: {  	[sflag:s30] =	ssyncset.done $0x0  }
0xb3: {  	s14 =	simm.s32 $0x680;
	[sflag:s30] =	ssyncadd.s32 $0xFFFFE000  }
0xb4: {  	[spmem:s2] =	stream.indirect.scatter.add.f32 [tilespmem:s23], [sflag:$0x8], $0x40, s14, s21, $0xb8;
	[tilespmem:$0x12800] =	vst v63  }
0xb5: {  	_ =	swait.ge [sflag:s31], $0x2000  }
0xb6: {  	[sflag:s31] =	ssyncset.done $0x0  }
0xb7: {  	s15 =	simm.s32 $0x700;
	[sflag:s31] =	ssyncadd.s32 $0xFFFFE000  }
0xb8: {  	[spmem:s2] =	stream.indirect.scatter.add.f32 [tilespmem:s25], [sflag:$0x9], $0x40, s15, s21, $0xb8;
	[tilespmem:$0x12800] =	vst v63  }
0xb9: {  	_ =	swait.ge [sflag:s0], $0x2000  }
0xba: {  	[sflag:s0] =	ssyncset.done $0x0  }
0xbb: {  	s17 =	simm.s32 $0x780;
	[sflag:s0] =	ssyncadd.s32 $0xFFFFE000  }
0xbc: {  	[spmem:s2] =	stream.indirect.scatter.add.f32 [tilespmem:s28], [sflag:$0xA], $0x40, s17, s21, $0xb8;
	[tilespmem:$0x12800] =	vst v63  }
0xbd: {  	_ =	swait.ge [sflag:s1], $0x2000  }
0xbe: {  	[sflag:s1] =	ssyncset.done $0x0  }
0xbf: {  	[sflag:s1] =	ssyncadd.s32 $0xFFFFE000  }
0xc0: {  	_ =	swait.ge [sflag:s24], $0x2000  }
0xc1: {  	[sflag:s24] =	ssyncset.done $0x0  }
0xc2: {  	[sflag:s24] =	ssyncadd.s32 $0xFFFFE000  }
0xc3: {  	_ =	swait.ge [sflag:s26], $0x2000  }
0xc4: {  	[sflag:s26] =	ssyncset.done $0x0  }
0xc5: {  	[sflag:s26] =	ssyncadd.s32 $0xFFFFE000  }
0xc6: {  	_ =	swait.ge [sflag:s5], $0x2000  }
0xc7: {  	[sflag:s5] =	ssyncset.done $0x0  }
0xc8: {  	[sflag:s5] =	ssyncadd.s32 $0xFFFFE000  }
0xc9: {  	[bflag:$0x0] =	sbarrier.arrive $0xFFFF  }
0xca: {  	s19 =	rddreg [dreg:$0x9]  }
0xcb: {  	s7 =	rddreg [dreg:$0xd]  }
0xcc: {  	[hbm:s19], [sflag:s20] =	dma.local [spmem:s7], $0x1400  }
0xcd: {  	_ =	swait.ge [sflag:s16], $0x1400  }
0xce: {  	s10 =	sadd.s32 $0x1, s10;
	s11 =	smov.u32 s20;
	s20 =	rddreg [dreg:$0xa]  }
0xcf: {  	p0 =	sne.s32 s10, s20  }
.Ltmp1:
0xd0: {  	_ = 	snop;
	(pc) =	sbr.rel @p0 .LBB2_1-.Ltmp1, $3  }
0xd1: {  	_ =	sdelay $0x1  }
0xd2: {  	[sflag:s16] =	ssyncset.done $0x0  }
0xd3: {  	[sflag:s16] =	ssyncadd.s32 $0xFFFFEC00  }
0xd4: {  	_ =	sfence.sel $0x180000  }
0xd5: {  	[bflag:$0x0] =	sbarrier.arrive $0xFFFF  }
0xd6: {  	_ =	strace $0x9000004A  }
0xd7: {  	s0 =	stileid.u32;
	[bflag:$0x2] =	sbarrier.arrive $0xFFFF  }
0xd8: {  	p0 =	sne.s32 s0, $0x0;
	s0 =	rddreg [dreg:$0x3]  }
0xd9: {  	s0 =	sadd.s32 @!p0 $0x100000, s0  }
0xda: {  	[sflag:s0] =	ssyncadd.tile.s32 @!p0 $0x1;
	_ =	shalt  }
.Lfunc_end2:
_tile_overlayer_lowered:
.L_overlay_start_2:
0xdb: {  	(tag) =	ssettag $0x2  }
0xdc: {  	s0 =	rddreg [dreg:$0x0];
	s2 =	stileid.u32  }
0xdd: {  	s1 =	rddreg [dreg:$0x1];
	p0 =	sne.s32 s2, $0x0  }
0xde: {  	s3 =	rddreg [dreg:$0x2];
	[bflag:$0x3] =	sbarrier.arrive $0xFFFF;
	s2 =	simm.s32 @!p0 $0x1C0B  }
0xdf: {  	[timem:s3], [sflag:s2] =	dma.local @!p0 [hbm:s0], s1  }
0xe0: {  	s0 =	simm.s32 @!p0 $0xB  }
0xe1: {  	_ =	swait.ge @!p0 [sflag:s0], s1  }
0xe2: {  	s1 =	ssub.s32 @!p0 $0x0, s1;
	[sflag:s0] =	ssyncset.done @!p0 $0x0  }
0xe3: {  	[sflag:s0] =	ssyncadd.s32 @!p0 s1  }
0xe4: {  	[bflag:$0x3] =	sbarrier.arrive $0xFFFF  }
0xe5: {  	_ =	shalt  }

// kernel: kernel.16.cloned.1.call-start
scs
__scs_entry_jumppad:
0x0: {  	(pc) =	sbr.rel $0x88, $3  }
0x1: {  	(tag) =	ssettag $0x0;
	lr =	simm.s32 $0x1  }
0x2: {  	[smem:$0x3F95] =	sst lr;
	_ =	strace $0xD0000000  }
0x3: {  	_ = 	snop  }
0x4: {  	_ = 	snop  }
0x5: {  	_ = 	snop  }
0x6: {  	_ = 	snop  }
0x7: {  	_ = 	snop  }
__scs_overlays_trampoline_lowered:
0x8: {  	[smem:$0x3FA4] =	sst s0  }
0x9: {  	[smem:$0x3FA5] =	sst s1  }
0xa: {  	[smem:$0x3FA6] =	sst s2  }
0xb: {  	[smem:$0x3FA7] =	sst s3  }
0xc: {  	[smem:$0x3FA8] =	sst s4  }
0xd: {  	[smem:$0x3FA9] =	sst s5  }
0xe: {  	[smem:$0x3FAA] =	sst s6  }
0xf: {  	[smem:$0x3FAB] =	sst s7  }
0x10: {  	[smem:$0x3FAC] =	sst s8  }
0x11: {  	[smem:$0x3FAD] =	sst s9;
	s0 =	simm.s32 @!p0 $0x0  }
0x12: {  	s1 =	sld [smem:$0x3F93];
	s0 =	simm.s32 @p0 $0x1  }
0x13: {  	[smem:$0x3FAE] =	sst s0;
	s0 =	simm.s32 @!p1 $0x0  }
0x14: {  	s2 =	sld [smem:$0x3F92];
	s0 =	simm.s32 @p1 $0x1  }
0x15: {  	[smem:$0x3FAF] =	sst s0;
	s0 =	simm.s32 @!p2 $0x0  }
0x16: {  	s3 =	sld [smem:$0x3FDB];
	s0 =	simm.s32 @p2 $0x1  }
0x17: {  	s4 =	simm.s32 $0x1BF5;
	[smem:$0x3FB1] =	sst s0  }
0x18: {  	s0 =	sld [smem:$0x3F94];
	_ =	swait.ge [sflag:s4], $0x0  }
0x19: {  	s7 =	sld [smem:$0x3F95]  }
0x1a: {  	s8 =	sadd.s32 $0xFFFFE003, lr  }
0x1b: {  	s9 =	sadd.s32 $0xFFFFFEF7, lr;
	s5 =	simm.s32 $0xFFFFFFFF;
	p2 =	slt.u32 s8, $0xFFFFF086  }
0x1c: {  	p1 =	slt.u32 s9, $0xF7A;
	s5 =	simm.s32 @!p2 $0x0  }
0x1d: {  	s5 =	simm.s32 @p1 $0x1;
	p0 =	seq.s32 s7, s2  }
0x1e: {  	s7 =	smul.u32 @!p0 $0xF7A, s2;
	p2 =	seq.s32 @!p0 s5, $0x0  }
0x1f: {  	s9 =	smul.u32 $0xF7A, s1;
	s8 =	simm.s32 @!p0 $0x1BF5;
	p2 =	por !p2, p0  }
0x20: {  	[sflag:s8] =	ssyncset.s32 @!p0 $0xFFFFF086;
	s6 =	sadd.s32 @!p0 s3, s7;
	s7 =	simm.s32 @!p0 $0x108  }
0x21: {  	s3 =	sadd.s32 s3, s9;
	s6 =	sadd.s32 @!p0 $0x88, s6;
	s7 =	simm.s32 @p2 $0x1082  }
0x22: {  	[simem:s7], [sflag:s8] =	dma.local @!p0 [hbm:s6], $0xF7A  }
0x23: {  	s9 =	sor.u32 $0xD0000000, s2;
	s6 =	simm.s32 $0x108;
	_ =	swait.ge @!p0 [sflag:s8], $0x0  }
0x24: {  	s3 =	sadd.s32 $0x88, s3;
	s6 =	simm.s32 @!p1 $0x1082;
	[sflag:s4] =	ssyncset.s32 $0xFFFFF086  }
0x25: {  	[simem:s6], [sflag:s4] =	dma.local [hbm:s3], $0xF7A  }
0x26: {  	[smem:$0x3F95] =	sst s1;
	(tag) =	ssettag s2;
	_ =	strace s9  }
0x27: {  	s1 =	sld [smem:$0x3FA5]  }
0x28: {  	s2 =	sld [smem:$0x3FA6]  }
0x29: {  	s4 =	sld [smem:$0x3FA8]  }
0x2a: {  	p0 =	seq.s32 s5, $0x0;
	s5 =	sld [smem:$0x3FA9]  }
0x2b: {  	s6 =	sld [smem:$0x3FAA]  }
0x2c: {  	s7 =	sld [smem:$0x3FAB]  }
0x2d: {  	s3 =	simm.s32 $0x108;
	s8 =	sld [smem:$0x3FAC]  }
0x2e: {  	s3 =	simm.s32 @!p0 $0x1082;
	s9 =	sld [smem:$0x3FAD]  }
0x2f: {  	lr =	sadd.s32 s0, s3;
	s0 =	sld [smem:$0x3FA4]  }
0x30: {  	s3 =	sld [smem:$0x3FA7]  }
0x31: {  	[smem:$0x3FB0] =	sst s10  }
0x32: {  	s10 =	sld [smem:$0x3FAE];
	_ =	sdelay $0x3  }
0x33: {  	p0 =	seq.s32 s10, $0x1;
	s10 =	sld [smem:$0x3FB0];
	_ =	sdelay $0x3  }
0x34: {  	[smem:$0x3FB0] =	sst s10  }
0x35: {  	s10 =	sld [smem:$0x3FAF];
	_ =	sdelay $0x3  }
0x36: {  	p1 =	seq.s32 s10, $0x1;
	s10 =	sld [smem:$0x3FB0];
	_ =	sdelay $0x3  }
0x37: {  	[smem:$0x3FB0] =	sst s10  }
0x38: {  	s10 =	sld [smem:$0x3FB1]  }
0x39: {  	_ = 	snop;
	(pc) =	sbr.ind lr, $3  }
0x3a: {  	_ = 	snop  }
0x3b: {  	_ = 	snop  }
0x3c: {  	p2 =	seq.s32 s10, $0x1;
	s10 =	sld [smem:$0x3FB0]  }
0x3d: {  	_ =	shalt  }
0x3e: {  	_ =	shalt  }
0x3f: {  	_ =	shalt  }
0x40: {  	_ =	shalt  }
0x41: {  	_ =	shalt  }
0x42: {  	_ =	shalt  }
0x43: {  	_ =	shalt  }
0x44: {  	_ =	shalt  }
0x45: {  	_ =	shalt  }
0x46: {  	_ =	shalt  }
0x47: {  	_ =	shalt  }
0x48: {  	_ =	shalt  }
0x49: {  	_ =	shalt  }
0x4a: {  	_ =	shalt  }
0x4b: {  	_ =	shalt  }
0x4c: {  	_ =	shalt  }
0x4d: {  	_ =	shalt  }
0x4e: {  	_ =	shalt  }
0x4f: {  	_ =	shalt  }
0x50: {  	_ =	shalt  }
0x51: {  	_ =	shalt  }
0x52: {  	_ =	shalt  }
0x53: {  	_ =	shalt  }
0x54: {  	_ =	shalt  }
0x55: {  	_ =	shalt  }
0x56: {  	_ =	shalt  }
0x57: {  	_ =	shalt  }
0x58: {  	_ =	shalt  }
0x59: {  	_ =	shalt  }
0x5a: {  	_ =	shalt  }
0x5b: {  	_ =	shalt  }
0x5c: {  	_ =	shalt  }
0x5d: {  	_ =	shalt  }
0x5e: {  	_ =	shalt  }
0x5f: {  	_ =	shalt  }
0x60: {  	_ =	shalt  }
0x61: {  	_ =	shalt  }
0x62: {  	_ =	shalt  }
0x63: {  	_ =	shalt  }
0x64: {  	_ =	shalt  }
0x65: {  	_ =	shalt  }
0x66: {  	_ =	shalt  }
0x67: {  	_ =	shalt  }
0x68: {  	_ =	shalt  }
0x69: {  	_ =	shalt  }
0x6a: {  	_ =	shalt  }
0x6b: {  	_ =	shalt  }
0x6c: {  	_ =	shalt  }
0x6d: {  	_ =	shalt  }
0x6e: {  	_ =	shalt  }
0x6f: {  	_ =	shalt  }
0x70: {  	_ =	shalt  }
0x71: {  	_ =	shalt  }
0x72: {  	_ =	shalt  }
0x73: {  	_ =	shalt  }
0x74: {  	_ =	shalt  }
0x75: {  	_ =	shalt  }
0x76: {  	_ =	shalt  }
0x77: {  	_ =	shalt  }
0x78: {  	_ =	shalt  }
0x79: {  	_ =	shalt  }
0x7a: {  	_ =	shalt  }
0x7b: {  	_ =	shalt  }
0x7c: {  	_ =	shalt  }
0x7d: {  	_ =	shalt  }
0x7e: {  	_ =	shalt  }
0x7f: {  	_ =	shalt  }
0x80: {  	_ =	shalt  }
0x81: {  	_ =	shalt  }
0x82: {  	_ =	shalt  }
0x83: {  	_ =	shalt  }
0x84: {  	_ =	shalt  }
0x85: {  	_ =	shalt  }
0x86: {  	_ =	shalt  }
0x87: {  	_ =	shalt  }
.Lfunc_end0:
.L_simem_size_0:
called_computation.2_lowered:
.L_overlay_start_0:
0x88: {  	s2 =	sld [smem:$0x3FD9]  }
0x89: {  	s3 =	sld [smem:$0x3FFE];
	_ =	sdelay $0x1  }
0x8a: {  	s1 =	srdreg.scid  }
0x8b: {  	s0 =	sand.u32 $0x1, s1  }
0x8c: {  	s17 =	sshll.u32 s0, $0xA;
	s2 =	sadd.s32 s3, s2  }
0x8d: {  	s2 =	sadd.s32 s2, s17  }
0x8e: {  	[smem:$0x3FBC] =	sst s2  }
0x8f: {  	_ = 	snop  }
0x90: {  	s2 =	sld [smem:$0x3FD0];
	(tm) =	ssettm $0x1  }
0x91: {  	s18 =	sld [smem:$0x3FFB];
	_ =	sdelay $0x3  }
0x92: {  	_ =	strace s18  }
0x93: {  	s3 =	sld [smem:$0x3FFC];
	_ =	sdelay $0x3  }
0x94: {  	_ =	strace s3  }
0x95: {  	s3 =	sld [smem:$0x3FFD];
	_ =	sdelay $0x3  }
0x96: {  	_ =	strace s3  }
0x97: {  	_ =	strace $0x8FFFFFFF  }
0x98: {  	s19 =	sld [smem:$0x3FDB];
	_ =	sdelay $0x1  }
0x99: {  	s4 =	simm.s32 $_scs_section_size  }
0x9a: {  	s5 =	simm.s32 $_size__tile_overlayer_lowered;
	s6 =	simm.s32 $_tile_overlayer_lowered  }
0x9b: {  	s22 =	simm.s32 $0x1BFF;
	s21 =	sshll.u32 s6, $0x1;
	s3 =	sadd.s32 s4, s19  }
0x9c: {  	s7 =	simm.s32 $0x0;
	s20 =	sshll.u32 s5, $0x1;
	s5 =	sadd.s32 s21, s3  }
0x9d: {  	[timem:s7], [sflag:s22] =	dma.local [hbm:s5], s20  }
0x9e: {  	_ =	swait.ge [sflag:s22], s20  }
0x9f: {  	s4 =	ssub.s32 $0x0, s20;
	[sflag:s22] =	ssyncset.done $0x0  }
0xa0: {  	[sflag:s22] =	ssyncadd.s32 s4;
	_ =	sdelay $0x1  }
0xa1: {  	s23 =	simm.s32 $0x1B8B  }
0xa2: {  	_ =	swait.ge [sflag:s23], $0x1  }
0xa3: {  	[sflag:s23] =	ssyncset.done $0x0  }
0xa4: {  	s25 =	simm.s32 $0x1B8E;
	s24 =	sld [smem:$0x3FFE];
	[sflag:s23] =	ssyncadd.s32 $0xFFFFFFFF  }
0xa5: {  	s26 =	simm.s32 $execute0_lowered;
	[smem:$0x3FD2] =	sst s25  }
0xa6: {  	s5 =	sshll.u32 s26, $0x1;
	_ =	strace $0x8000004C;
	[dreg:$0x1] =	wrdreg $0xFFFFFFFF  }
0xa7: {  	s28 =	simm.s32 $_size_execute0_lowered;
	s3 =	sadd.s32 s3, s5;
	[dreg:$0x0] =	wrdreg $0x0  }
0xa8: {  	s5 =	sshll.u32 s28, $0x1;
	[dreg:$0x2] =	wrdreg s3  }
0xa9: {  	[dreg:$0x3] =	wrdreg s5  }
0xaa: {  	[dreg:$0x4] =	wrdreg $0xC0  }
0xab: {  	_ =	task [dreg:s7], $0x5FFFF  }
0xac: {  	[dreg:$0x1] =	wrdreg $0xFFFFFFFF  }
0xad: {  	[dreg:$0x0] =	wrdreg $0x60  }
0xae: {  	[dreg:$0x2] =	wrdreg s24  }
0xaf: {  	[dreg:$0x3] =	wrdreg s2  }
0xb0: {  	[dreg:$0x4] =	wrdreg $0x88000  }
0xb1: {  	[dreg:$0x5] =	wrdreg $0x9  }
0xb2: {  	_ =	task.clear_ibuf [dreg:s7], $0x6FFFF;
	_ =	strace $0x9000004C  }
0xb3: {  	s29 =	simm.s32 $0x9;
	_ =	strace $0x8000004E  }
0xb4: {  	_ =	swait.ge [sflag:s29], $0x1  }
0xb5: {  	[sflag:s29] =	ssyncadd.s32 $0xFFFFFFFF  }
0xb6: {  	_ =	strace $0x9000004E  }
0xb7: {  	_ =	sfence  }
0xb8: {  	s30 =	sld [smem:$0x0];
	_ =	sdelay $0x2  }
0xb9: {  	s31 =	sshll.u32 s1, $0xD;
	s1 =	sshrl.u32 s1, $0x2  }
0xba: {  	s3 =	sand.u32 $0x4000, s31;
	s1 =	sadd.s32 s1, s30  }
0xbb: {  	s0 =	sor.u32 s3, s0;
	s1 =	sshll.u32 s1, $0x11  }
0xbc: {  	s0 =	sor.u32 s1, s0  }
0xbd: {  	s0 =	sadd.s32 $0x8F2B, s0  }
0xbe: {  	[sflag:s0] =	ssyncadd.remote.s32 $0x1  }
0xbf: {  	_ =	sfence.sel $0xFFFF  }
0xc0: {  	[dreg:$0x0] =	wrdreg $0xFFFFFFFF;
	(pc) =	sbr.abs _section_cstart, $3  }
0xc1: {  	[dreg:$0x1] =	wrdreg $0xFFFFFFFF  }
0xc2: {  	_ =	task.clear_ibuf [dreg:s7], $0x2FFFF;
	_ =	strace $0x9FFFFFFF  }
0xc3: {  	(tm) =	ssettm $0x7FFFFFFF  }
tec
execute0_lowered:
.L_overlay_start_1:
0x0: {  	(tag) =	ssettag $0x1  }
0x1: {  	s0 =	rddreg [dreg:$0x0]  }
0x2: {  	s1 =	rddreg [dreg:$0x1]  }
0x3: {  	s2 =	rddreg [dreg:$0x2]  }
0x4: {  	s4 =	srdreg.scid;
	s12 =	stileid.u32  }
0x5: {  	s3 =	simm.s32 $0x0;
	s28 =	simm.s32 $0x6800;
	s29 =	simm.s32 $0x3  }
0x6: {  	s30 =	simm.s32 $0x4;
	s31 =	simm.s32 $0x5;
	s6 =	smul.u32 $0x1400, s12  }
0x7: {  	s5 =	sand.u32 $0x1, s4;
	[smem:$0x7FF] =	sst s3;
	s8 =	smul.u32 $0x28000, s12  }
0x8: {  	s4 =	sadd.s32 $0xBC000, s0;
	s9 =	sadd.s32 $0x8000, s0;
	s11 =	smul.u32 $0xA0, s12  }
0x9: {  	s13 =	sadd.s32 $0x2A00, s0;
	s22 =	smul.u32 $0xA00, s12;
	s23 =	sshll.u32 s12, $0x6  }
0xa: {  	s12 =	simm.s32 $0x200;
	s7 =	smul.u32 $0x14000, s5;
	_ =	strace $0x8000004D  }
0xb: {  	s10 =	smul.u32 $0xA00, s5;
	s16 =	ssub.s32 $0x2, s5;
	[dreg:$0x4] =	wrdreg s13  }
0xc: {  	s5 =	smul.u32 $0xA000, s5;
	s13 =	simm.s32 $0x600;
	s17 =	sshrl.u32 s16, $0x1  }
0xd: {  	s18 =	sshrl.u32 s8, $0x2;
	s1 =	sadd.s32 s1, s22;
	s8 =	simm.s32 $0x400  }
0xe: {  	s6 =	sadd.s32 s6, s7;
	s19 =	sadd.s32 s11, s10;
	s20 =	sadd.s32 s18, s2  }
0xf: {  	s11 =	sor.u32 $0x1C0B, s23;
	s24 =	sadd.s32 $0x40, s1;
	s25 =	sadd.s32 s5, s9  }
0x10: {  	[dreg:$0x6] =	wrdreg s1;
	s1 =	sadd.s32 $0x80, s1;
	s18 =	simm.s32 $0x1  }
0x11: {  	s23 =	simm.s32 $0x2800;
	s5 =	simm.s32 $0xA;
	s10 =	simm.s32 $0x0  }
0x12: {  	s0 =	sadd.s32 s6, s0;
	s6 =	ssub.s32 s16, s17;
	[dreg:$0x8] =	wrdreg s24  }
0x13: {  	s21 =	sshll.u32 s19, $0x4;
	[dreg:$0xb] =	wrdreg s1;
	s16 =	simm.s32 $0xB  }
0x14: {  	s1 =	simm.s32 $0x7;
	s24 =	simm.s32 $0x8;
	s7 =	sadd.s32 s9, s21  }
0x15: {  	s0 =	sadd.s32 $0xE4000, s0;
	s26 =	smax.u32 s6, $0x1;
	[dreg:$0x5] =	wrdreg s7  }
0x16: {  	s21 =	simm.s32 $0x80;
	s9 =	simm.s32 $0x2;
	[dreg:$0x9] =	wrdreg s0  }
0x17: {  	s7 =	sadd.s32 $0x40, s7;
	[dreg:$0xa] =	wrdreg s26;
	s0 =	sadd.s32 s22, s25  }
0x18: {  	s22 =	simm.s32 $0x800;
	[dreg:$0x7] =	wrdreg s7;
	s0 =	sadd.s32 $0x80, s0  }
0x19: {  	s25 =	simm.s32 $0x4800;
	s7 =	sshrl.u32 s20, $0x3;
	[dreg:$0xc] =	wrdreg s0  }
0x1a: {  	s26 =	simm.s32 $0x9;
	s0 =	simm.s32 $0x6;
	[dreg:$0xd] =	wrdreg s7  }
.LBB2_1:
0x1b: {  	s6 =	rddreg [dreg:$0x4]  }
0x1c: {  	[spmem:s7], [sflag:s11] =	dma.local [hbm:s6], $0x1400  }
0x1d: {  	_ =	swait.ge [sflag:s16], $0x1400  }
0x1e: {  	[sflag:s16] =	ssyncset.done $0x0  }
0x1f: {  	s17 =	rddreg [dreg:$0x5];
	[sflag:s16] =	ssyncadd.s32 $0xFFFFEC00  }
0x20: {  	[tilespmem:s3], [sflag:$0x1] =	stream.linear.gather [hbm4b:s17+s3], $0x200, $0x38;
	[tilespmem:$0x12800] =	vst v63  }
0x21: {  	s19 =	rddreg [dreg:$0x6]  }
0x22: {  	[tilespmem:s8], [sflag:$0x1] =	stream.linear.gather [hbm4b:s19+s3], $0x200, $0x38;
	[tilespmem:$0x12800] =	vst v63  }
0x23: {  	_ =	swait.ge [sflag:s18], $0x200  }
0x24: {  	[sflag:s18] =	ssyncset.done $0x0  }
0x25: {  	[sflag:s18] =	ssyncadd.s32 $0xFFFFFE00  }
0x26: {  	_ =	swait.ge [sflag:s18], $0x200  }
0x27: {  	[sflag:s18] =	ssyncset.done $0x0  }
0x28: {  	s7 =	rddreg [dreg:$0x7];
	[sflag:s18] =	ssyncadd.s32 $0xFFFFFE00  }
0x29: {  	[tilespmem:s12], [sflag:$0x2] =	stream.linear.gather [hbm4b:s7+s3], $0x200, $0x38;
	[tilespmem:$0x12800] =	vst v63  }
0x2a: {  	s8 =	rddreg [dreg:$0x8]  }
0x2b: {  	[tilespmem:s13], [sflag:$0x2] =	stream.linear.gather [hbm4b:s8+s3], $0x200, $0x38;
	[tilespmem:$0x12800] =	vst v63  }
0x2c: {  	[bflag:$0x0] =	sbarrier.arrive $0xFFFF  }
0x2d: {  	[tilespmem:s22], [sflag:$0x3] =	stream.indirect.gather [hbm4b:s4+s21], $0x40, s3, s21, $0xb8;
	[tilespmem:$0x12800] =	vst v63  }
0x2e: {  	_ = 	snop  }
0x2f: {  	[tilespmem:s23], [sflag:$0x4] =	stream.indirect.gather [hbm4b:s4+s21], $0x40, s21, s21, $0xb8;
	[tilespmem:$0x12800] =	vst v63  }
0x30: {  	s20 =	smov.u32 s11;
	s11 =	simm.s32 $0x100  }
0x31: {  	[tilespmem:s25], [sflag:$0x5] =	stream.indirect.gather [hbm4b:s4+s21], $0x40, s11, s21, $0xb8;
	[tilespmem:$0x12800] =	vst v63  }
0x32: {  	s12 =	simm.s32 $0x180  }
0x33: {  	[tilespmem:s28], [sflag:$0x6] =	stream.indirect.gather [hbm4b:s4+s21], $0x40, s12, s21, $0xb8;
	[tilespmem:$0x12800] =	vst v63  }
0x34: {  	s6 =	sand.u32 $0x1, s3;
	_ =	swait.ge [sflag:s29], $0x2000  }
0x35: {  	s8 =	sshll.u32 s6, $0x9;
	[sflag:s29] =	ssyncset.done $0x0  }
0x36: {  	s11 =	sor.u32 $0x400, s8;
	[sflag:s29] =	ssyncadd.s32 $0xFFFFE000  }
0x37: {  	[spmem:s2] =	stream.indirect.scatter.add.f32 [tilespmem:s22], [sflag:$0x7], $0x40, s11, s21, $0xb8;
	[tilespmem:$0x12800] =	vst v63  }
0x38: {  	_ =	swait.ge [sflag:s30], $0x2000  }
0x39: {  	[sflag:s30] =	ssyncset.done $0x0  }
0x3a: {  	s13 =	sor.u32 $0x480, s8;
	[sflag:s30] =	ssyncadd.s32 $0xFFFFE000  }
0x3b: {  	[spmem:s2] =	stream.indirect.scatter.add.f32 [tilespmem:s23], [sflag:$0x8], $0x40, s13, s21, $0xb8;
	[tilespmem:$0x12800] =	vst v63  }
0x3c: {  	_ =	swait.ge [sflag:s31], $0x2000  }
0x3d: {  	[sflag:s31] =	ssyncset.done $0x0  }
0x3e: {  	s14 =	sor.u32 $0x500, s8;
	[sflag:s31] =	ssyncadd.s32 $0xFFFFE000  }
0x3f: {  	[spmem:s2] =	stream.indirect.scatter.add.f32 [tilespmem:s25], [sflag:$0x9], $0x40, s14, s21, $0xb8;
	[tilespmem:$0x12800] =	vst v63  }
0x40: {  	_ =	swait.ge [sflag:s0], $0x2000  }
0x41: {  	s15 =	sxor.u32 $0x1, s6;
	[sflag:s0] =	ssyncset.done $0x0  }
0x42: {  	s17 =	sadd.s32 $0x1, s15;
	s19 =	sor.u32 $0x580, s8;
	[sflag:s0] =	ssyncadd.s32 $0xFFFFE000  }
0x43: {  	[spmem:s2] =	stream.indirect.scatter.add.f32 [tilespmem:s28], [sflag:$0xA], $0x40, s19, s21, $0xb8;
	[tilespmem:$0x12800] =	vst v63  }
0x44: {  	_ =	swait.ge [sflag:s17], $0x200  }
0x45: {  	[sflag:s17] =	ssyncset.done $0x0  }
0x46: {  	[sflag:s17] =	ssyncadd.s32 $0xFFFFFE00  }
0x47: {  	_ =	swait.ge [sflag:s17], $0x200  }
0x48: {  	[sflag:s17] =	ssyncset.done $0x0  }
0x49: {  	[sflag:s17] =	ssyncadd.s32 $0xFFFFFE00  }
0x4a: {  	_ =	swait.ge [sflag:s1], $0x2000  }
0x4b: {  	[sflag:s1] =	ssyncset.done $0x0  }
0x4c: {  	s12 =	sshll.u32 s15, $0x9;
	[sflag:s1] =	ssyncadd.s32 $0xFFFFE000  }
0x4d: {  	[tilespmem:s22], [sflag:$0x3] =	stream.indirect.gather [hbm4b:s4+s21], $0x40, s12, s21, $0xb8;
	[tilespmem:$0x12800] =	vst v63  }
0x4e: {  	_ =	swait.ge [sflag:s24], $0x2000  }
0x4f: {  	[sflag:s24] =	ssyncset.done $0x0  }
0x50: {  	s7 =	sor.u32 $0x80, s12;
	[sflag:s24] =	ssyncadd.s32 $0xFFFFE000  }
0x51: {  	[tilespmem:s23], [sflag:$0x4] =	stream.indirect.gather [hbm4b:s4+s21], $0x40, s7, s21, $0xb8;
	[tilespmem:$0x12800] =	vst v63  }
0x52: {  	_ =	swait.ge [sflag:s26], $0x2000  }
0x53: {  	[sflag:s26] =	ssyncset.done $0x0  }
0x54: {  	s14 =	sor.u32 $0x100, s12;
	[sflag:s26] =	ssyncadd.s32 $0xFFFFE000  }
0x55: {  	[tilespmem:s25], [sflag:$0x5] =	stream.indirect.gather [hbm4b:s4+s21], $0x40, s14, s21, $0xb8;
	[tilespmem:$0x12800] =	vst v63  }
0x56: {  	_ =	swait.ge [sflag:s5], $0x2000  }
0x57: {  	s19 =	sadd.s32 $0x1, s6;
	[sflag:s5] =	ssyncset.done $0x0;
	s15 =	rddreg [dreg:$0xc]  }
0x58: {  	s12 =	sor.u32 $0x180, s12;
	s13 =	rddreg [dreg:$0xb];
	[sflag:s5] =	ssyncadd.s32 $0xFFFFE000  }
0x59: {  	[tilespmem:s28], [sflag:$0x6] =	stream.indirect.gather [hbm4b:s4+s21], $0x40, s12, s21, $0xb8;
	[tilespmem:$0x12800] =	vst v63  }
0x5a: {  	s17 =	sadd.s32 $0x40, s13;
	s6 =	sadd.s32 $0x40, s15;
	s12 =	simm.s32 $0x1  }
0x5b: {  	[tilespmem:s8], [sflag:s19] =	stream.linear.gather [hbm4b:s15+s3], $0x200, $0x38;
	[tilespmem:$0x12800] =	vst v63  }
.LBB2_2:
0x5c: {  	[tilespmem:s11], [sflag:s19] =	stream.linear.gather [hbm4b:s13+s3], $0x200, $0x38;
	[tilespmem:$0x12800] =	vst v63  }
0x5d: {  	s19 =	sand.u32 $0x1, s12;
	p0 =	sne.s32 s12, $0x25;
	_ =	swait.ge [sflag:s29], $0x2000  }
0x5e: {  	s7 =	sxor.u32 $0x1, s19;
	s8 =	sshll.u32 s19, $0x9;
	[sflag:s29] =	ssyncset.done $0x0  }
0x5f: {  	s12 =	sadd.s32 $0x1, s12;
	s11 =	sor.u32 $0x400, s8;
	[sflag:s29] =	ssyncadd.s32 $0xFFFFE000  }
0x60: {  	[spmem:s2] =	stream.indirect.scatter.add.f32 [tilespmem:s22], [sflag:$0x7], $0x40, s11, s21, $0xb8;
	[tilespmem:$0x12800] =	vst v63  }
0x61: {  	s13 =	smov.u32 s17;
	_ =	swait.ge [sflag:s30], $0x2000  }
0x62: {  	[sflag:s30] =	ssyncset.done $0x0  }
0x63: {  	s14 =	sor.u32 $0x480, s8;
	[sflag:s30] =	ssyncadd.s32 $0xFFFFE000  }
0x64: {  	[spmem:s2] =	stream.indirect.scatter.add.f32 [tilespmem:s23], [sflag:$0x8], $0x40, s14, s21, $0xb8;
	[tilespmem:$0x12800] =	vst v63  }
0x65: {  	_ =	swait.ge [sflag:s31], $0x2000  }
0x66: {  	[sflag:s31] =	ssyncset.done $0x0  }
0x67: {  	s14 =	sor.u32 $0x500, s8;
	[sflag:s31] =	ssyncadd.s32 $0xFFFFE000  }
0x68: {  	[spmem:s2] =	stream.indirect.scatter.add.f32 [tilespmem:s25], [sflag:$0x9], $0x40, s14, s21, $0xb8;
	[tilespmem:$0x12800] =	vst v63  }
0x69: {  	_ =	swait.ge [sflag:s0], $0x2000  }
0x6a: {  	[sflag:s0] =	ssyncset.done $0x0  }
0x6b: {  	s15 =	sadd.s32 $0x1, s7;
	s14 =	sor.u32 $0x580, s8;
	[sflag:s0] =	ssyncadd.s32 $0xFFFFE000  }
0x6c: {  	[spmem:s2] =	stream.indirect.scatter.add.f32 [tilespmem:s28], [sflag:$0xA], $0x40, s14, s21, $0xb8;
	[tilespmem:$0x12800] =	vst v63  }
0x6d: {  	_ =	swait.ge [sflag:s15], $0x200  }
0x6e: {  	[sflag:s15] =	ssyncset.done $0x0  }
0x6f: {  	[sflag:s15] =	ssyncadd.s32 $0xFFFFFE00  }
0x70: {  	_ =	swait.ge [sflag:s15], $0x200  }
0x71: {  	[sflag:s15] =	ssyncset.done $0x0  }
0x72: {  	[sflag:s15] =	ssyncadd.s32 $0xFFFFFE00  }
0x73: {  	_ =	swait.ge [sflag:s1], $0x2000  }
0x74: {  	[sflag:s1] =	ssyncset.done $0x0  }
0x75: {  	s7 =	sshll.u32 s7, $0x9;
	[sflag:s1] =	ssyncadd.s32 $0xFFFFE000  }
0x76: {  	[tilespmem:s22], [sflag:$0x3] =	stream.indirect.gather [hbm4b:s4+s21], $0x40, s7, s21, $0xb8;
	[tilespmem:$0x12800] =	vst v63  }
0x77: {  	_ =	swait.ge [sflag:s24], $0x2000  }
0x78: {  	[sflag:s24] =	ssyncset.done $0x0  }
0x79: {  	s14 =	sor.u32 $0x80, s7;
	[sflag:s24] =	ssyncadd.s32 $0xFFFFE000  }
0x7a: {  	[tilespmem:s23], [sflag:$0x4] =	stream.indirect.gather [hbm4b:s4+s21], $0x40, s14, s21, $0xb8;
	[tilespmem:$0x12800] =	vst v63  }
0x7b: {  	_ =	swait.ge [sflag:s26], $0x2000  }
0x7c: {  	[sflag:s26] =	ssyncset.done $0x0  }
0x7d: {  	s14 =	sor.u32 $0x100, s7;
	[sflag:s26] =	ssyncadd.s32 $0xFFFFE000  }
0x7e: {  	[tilespmem:s25], [sflag:$0x5] =	stream.indirect.gather [hbm4b:s4+s21], $0x40, s14, s21, $0xb8;
	[tilespmem:$0x12800] =	vst v63  }
0x7f: {  	_ =	swait.ge [sflag:s5], $0x2000  }
0x80: {  	[sflag:s5] =	ssyncset.done $0x0  }
.Ltmp0:
0x81: {  	s7 =	sor.u32 $0x180, s7;
	[sflag:s5] =	ssyncadd.s32 $0xFFFFE000;
	(pc) =	sbr.rel @p0 .LBB2_2-.Ltmp0, $4  }
0x82: {  	[tilespmem:s28], [sflag:$0x6] =	stream.indirect.gather [hbm4b:s4+s21], $0x40, s7, s21, $0xb8;
	[tilespmem:$0x12800] =	vst v63  }
0x83: {  	s19 =	sadd.s32 $0x1, s19  }
0x84: {  	[tilespmem:s8], [sflag:s19] =	stream.linear.gather [hbm4b:s6+s3], $0x200, $0x38;
	[tilespmem:$0x12800] =	vst v63  }
0x85: {  	s17 =	sadd.s32 $0x40, s17;
	s6 =	sadd.s32 $0x40, s6  }
0x86: {  	[tilespmem:s11], [sflag:s19] =	stream.linear.gather [hbm4b:s13+s3], $0x200, $0x38;
	[tilespmem:$0x12800] =	vst v63  }
0x87: {  	_ =	swait.ge [sflag:s29], $0x2000  }
0x88: {  	[sflag:s29] =	ssyncset.done $0x0  }
0x89: {  	s8 =	simm.s32 $0x400;
	[sflag:s29] =	ssyncadd.s32 $0xFFFFE000  }
0x8a: {  	[spmem:s2] =	stream.indirect.scatter.add.f32 [tilespmem:s22], [sflag:$0x7], $0x40, s8, s21, $0xb8;
	[tilespmem:$0x12800] =	vst v63  }
0x8b: {  	_ =	swait.ge [sflag:s30], $0x2000  }
0x8c: {  	[sflag:s30] =	ssyncset.done $0x0  }
0x8d: {  	s6 =	simm.s32 $0x480;
	[sflag:s30] =	ssyncadd.s32 $0xFFFFE000  }
0x8e: {  	[spmem:s2] =	stream.indirect.scatter.add.f32 [tilespmem:s23], [sflag:$0x8], $0x40, s6, s21, $0xb8;
	[tilespmem:$0x12800] =	vst v63  }
0x8f: {  	_ =	swait.ge [sflag:s31], $0x2000  }
0x90: {  	[sflag:s31] =	ssyncset.done $0x0  }
0x91: {  	s17 =	simm.s32 $0x500;
	[sflag:s31] =	ssyncadd.s32 $0xFFFFE000  }
0x92: {  	[spmem:s2] =	stream.indirect.scatter.add.f32 [tilespmem:s25], [sflag:$0x9], $0x40, s17, s21, $0xb8;
	[tilespmem:$0x12800] =	vst v63  }
0x93: {  	_ =	swait.ge [sflag:s0], $0x2000  }
0x94: {  	[sflag:s0] =	ssyncset.done $0x0  }
0x95: {  	s19 =	simm.s32 $0x580;
	[sflag:s0] =	ssyncadd.s32 $0xFFFFE000  }
0x96: {  	[spmem:s2] =	stream.indirect.scatter.add.f32 [tilespmem:s28], [sflag:$0xA], $0x40, s19, s21, $0xb8;
	[tilespmem:$0x12800] =	vst v63  }
0x97: {  	_ =	swait.ge [sflag:s9], $0x200  }
0x98: {  	[sflag:s9] =	ssyncset.done $0x0  }
0x99: {  	[sflag:s9] =	ssyncadd.s32 $0xFFFFFE00  }
0x9a: {  	_ =	swait.ge [sflag:s9], $0x200  }
0x9b: {  	[sflag:s9] =	ssyncset.done $0x0  }
0x9c: {  	[sflag:s9] =	ssyncadd.s32 $0xFFFFFE00  }
0x9d: {  	_ =	swait.ge [sflag:s1], $0x2000  }
0x9e: {  	[sflag:s1] =	ssyncset.done $0x0  }
0x9f: {  	s12 =	simm.s32 $0x200;
	[sflag:s1] =	ssyncadd.s32 $0xFFFFE000  }
0xa0: {  	[tilespmem:s22], [sflag:$0x3] =	stream.indirect.gather [hbm4b:s4+s21], $0x40, s12, s21, $0xb8;
	[tilespmem:$0x12800] =	vst v63  }
0xa1: {  	_ =	swait.ge [sflag:s24], $0x2000  }
0xa2: {  	[sflag:s24] =	ssyncset.done $0x0  }
0xa3: {  	s7 =	simm.s32 $0x280;
	[sflag:s24] =	ssyncadd.s32 $0xFFFFE000  }
0xa4: {  	[tilespmem:s23], [sflag:$0x4] =	stream.indirect.gather [hbm4b:s4+s21], $0x40, s7, s21, $0xb8;
	[tilespmem:$0x12800] =	vst v63  }
0xa5: {  	_ =	swait.ge [sflag:s26], $0x2000  }
0xa6: {  	[sflag:s26] =	ssyncset.done $0x0  }
0xa7: {  	s11 =	simm.s32 $0x300;
	[sflag:s26] =	ssyncadd.s32 $0xFFFFE000  }
0xa8: {  	[tilespmem:s25], [sflag:$0x5] =	stream.indirect.gather [hbm4b:s4+s21], $0x40, s11, s21, $0xb8;
	[tilespmem:$0x12800] =	vst v63  }
0xa9: {  	_ =	swait.ge [sflag:s5], $0x2000  }
0xaa: {  	[sflag:s5] =	ssyncset.done $0x0  }
0xab: {  	s13 =	simm.s32 $0x380;
	[sflag:s5] =	ssyncadd.s32 $0xFFFFE000  }
0xac: {  	[tilespmem:s28], [sflag:$0x6] =	stream.indirect.gather [hbm4b:s4+s21], $0x40, s13, s21, $0xb8;
	[tilespmem:$0x12800] =	vst v63  }
0xad: {  	_ =	swait.ge [sflag:s29], $0x2000  }
0xae: {  	[sflag:s29] =	ssyncset.done $0x0  }
0xaf: {  	s13 =	simm.s32 $0x600;
	[sflag:s29] =	ssyncadd.s32 $0xFFFFE000  }
0xb0: {  	[spmem:s2] =	stream.indirect.scatter.add.f32 [tilespmem:s22], [sflag:$0x7], $0x40, s13, s21, $0xb8;
	[tilespmem:$0x12800] =	vst v63  }
0xb1: {  	_ =	swait.ge [sflag:s30], $0x2000  }
0xb2: {  	[sflag:s30] =	ssyncset.done $0x0  }
0xb3: {  	s14 =	simm.s32 $0x680;
	[sflag:s30] =	ssyncadd.s32 $0xFFFFE000  }
0xb4: {  	[spmem:s2] =	stream.indirect.scatter.add.f32 [tilespmem:s23], [sflag:$0x8], $0x40, s14, s21, $0xb8;
	[tilespmem:$0x12800] =	vst v63  }
0xb5: {  	_ =	swait.ge [sflag:s31], $0x2000  }
0xb6: {  	[sflag:s31] =	ssyncset.done $0x0  }
0xb7: {  	s15 =	simm.s32 $0x700;
	[sflag:s31] =	ssyncadd.s32 $0xFFFFE000  }
0xb8: {  	[spmem:s2] =	stream.indirect.scatter.add.f32 [tilespmem:s25], [sflag:$0x9], $0x40, s15, s21, $0xb8;
	[tilespmem:$0x12800] =	vst v63  }
0xb9: {  	_ =	swait.ge [sflag:s0], $0x2000  }
0xba: {  	[sflag:s0] =	ssyncset.done $0x0  }
0xbb: {  	s17 =	simm.s32 $0x780;
	[sflag:s0] =	ssyncadd.s32 $0xFFFFE000  }
0xbc: {  	[spmem:s2] =	stream.indirect.scatter.add.f32 [tilespmem:s28], [sflag:$0xA], $0x40, s17, s21, $0xb8;
	[tilespmem:$0x12800] =	vst v63  }
0xbd: {  	_ =	swait.ge [sflag:s1], $0x2000  }
0xbe: {  	[sflag:s1] =	ssyncset.done $0x0  }
0xbf: {  	[sflag:s1] =	ssyncadd.s32 $0xFFFFE000  }
0xc0: {  	_ =	swait.ge [sflag:s24], $0x2000  }
0xc1: {  	[sflag:s24] =	ssyncset.done $0x0  }
0xc2: {  	[sflag:s24] =	ssyncadd.s32 $0xFFFFE000  }
0xc3: {  	_ =	swait.ge [sflag:s26], $0x2000  }
0xc4: {  	[sflag:s26] =	ssyncset.done $0x0  }
0xc5: {  	[sflag:s26] =	ssyncadd.s32 $0xFFFFE000  }
0xc6: {  	_ =	swait.ge [sflag:s5], $0x2000  }
0xc7: {  	[sflag:s5] =	ssyncset.done $0x0  }
0xc8: {  	[sflag:s5] =	ssyncadd.s32 $0xFFFFE000  }
0xc9: {  	[bflag:$0x0] =	sbarrier.arrive $0xFFFF  }
0xca: {  	s19 =	rddreg [dreg:$0x9]  }
0xcb: {  	s7 =	rddreg [dreg:$0xd]  }
0xcc: {  	[hbm:s19], [sflag:s20] =	dma.local [spmem:s7], $0x1400  }
0xcd: {  	_ =	swait.ge [sflag:s16], $0x1400  }
0xce: {  	s10 =	sadd.s32 $0x1, s10;
	s11 =	smov.u32 s20;
	s20 =	rddreg [dreg:$0xa]  }
0xcf: {  	p0 =	sne.s32 s10, s20  }
.Ltmp1:
0xd0: {  	_ = 	snop;
	(pc) =	sbr.rel @p0 .LBB2_1-.Ltmp1, $3  }
0xd1: {  	_ =	sdelay $0x1  }
0xd2: {  	[sflag:s16] =	ssyncset.done $0x0  }
0xd3: {  	[sflag:s16] =	ssyncadd.s32 $0xFFFFEC00  }
0xd4: {  	_ =	sfence.sel $0x180000  }
0xd5: {  	[bflag:$0x0] =	sbarrier.arrive $0xFFFF  }
0xd6: {  	_ =	strace $0x9000004D  }
0xd7: {  	s0 =	stileid.u32;
	[bflag:$0x2] =	sbarrier.arrive $0xFFFF  }
0xd8: {  	p0 =	sne.s32 s0, $0x0;
	s0 =	rddreg [dreg:$0x3]  }
0xd9: {  	s0 =	sadd.s32 @!p0 $0x100000, s0  }
0xda: {  	[sflag:s0] =	ssyncadd.tile.s32 @!p0 $0x1;
	_ =	shalt  }
.Lfunc_end2:
_tile_overlayer_lowered:
.L_overlay_start_2:
0xdb: {  	(tag) =	ssettag $0x2  }
0xdc: {  	s0 =	rddreg [dreg:$0x0];
	s2 =	stileid.u32  }
0xdd: {  	s1 =	rddreg [dreg:$0x1];
	p0 =	sne.s32 s2, $0x0  }
0xde: {  	s3 =	rddreg [dreg:$0x2];
	[bflag:$0x3] =	sbarrier.arrive $0xFFFF;
	s2 =	simm.s32 @!p0 $0x1C0B  }
0xdf: {  	[timem:s3], [sflag:s2] =	dma.local @!p0 [hbm:s0], s1  }
0xe0: {  	s0 =	simm.s32 @!p0 $0xB  }
0xe1: {  	_ =	swait.ge @!p0 [sflag:s0], s1  }
0xe2: {  	s1 =	ssub.s32 @!p0 $0x0, s1;
	[sflag:s0] =	ssyncset.done @!p0 $0x0  }
0xe3: {  	[sflag:s0] =	ssyncadd.s32 @!p0 s1  }
0xe4: {  	[bflag:$0x3] =	sbarrier.arrive $0xFFFF  }
0xe5: {  	_ =	shalt  }

// kernel: kernel.19.cloned.1.call-start
scs
__scs_entry_jumppad:
0x0: {  	(pc) =	sbr.rel $0x88, $3  }
0x1: {  	(tag) =	ssettag $0x0;
	lr =	simm.s32 $0x1  }
0x2: {  	[smem:$0x3F95] =	sst lr;
	_ =	strace $0xD0000000  }
0x3: {  	_ = 	snop  }
0x4: {  	_ = 	snop  }
0x5: {  	_ = 	snop  }
0x6: {  	_ = 	snop  }
0x7: {  	_ = 	snop  }
__scs_overlays_trampoline_lowered:
0x8: {  	[smem:$0x3FA4] =	sst s0  }
0x9: {  	[smem:$0x3FA5] =	sst s1  }
0xa: {  	[smem:$0x3FA6] =	sst s2  }
0xb: {  	[smem:$0x3FA7] =	sst s3  }
0xc: {  	[smem:$0x3FA8] =	sst s4  }
0xd: {  	[smem:$0x3FA9] =	sst s5  }
0xe: {  	[smem:$0x3FAA] =	sst s6  }
0xf: {  	[smem:$0x3FAB] =	sst s7  }
0x10: {  	[smem:$0x3FAC] =	sst s8  }
0x11: {  	[smem:$0x3FAD] =	sst s9;
	s0 =	simm.s32 @!p0 $0x0  }
0x12: {  	s1 =	sld [smem:$0x3F93];
	s0 =	simm.s32 @p0 $0x1  }
0x13: {  	[smem:$0x3FAE] =	sst s0;
	s0 =	simm.s32 @!p1 $0x0  }
0x14: {  	s2 =	sld [smem:$0x3F92];
	s0 =	simm.s32 @p1 $0x1  }
0x15: {  	[smem:$0x3FAF] =	sst s0;
	s0 =	simm.s32 @!p2 $0x0  }
0x16: {  	s3 =	sld [smem:$0x3FDB];
	s0 =	simm.s32 @p2 $0x1  }
0x17: {  	s4 =	simm.s32 $0x1BF5;
	[smem:$0x3FB1] =	sst s0  }
0x18: {  	s0 =	sld [smem:$0x3F94];
	_ =	swait.ge [sflag:s4], $0x0  }
0x19: {  	s7 =	sld [smem:$0x3F95]  }
0x1a: {  	s8 =	sadd.s32 $0xFFFFE003, lr  }
0x1b: {  	s9 =	sadd.s32 $0xFFFFFEF7, lr;
	s5 =	simm.s32 $0xFFFFFFFF;
	p2 =	slt.u32 s8, $0xFFFFF086  }
0x1c: {  	p1 =	slt.u32 s9, $0xF7A;
	s5 =	simm.s32 @!p2 $0x0  }
0x1d: {  	s5 =	simm.s32 @p1 $0x1;
	p0 =	seq.s32 s7, s2  }
0x1e: {  	s7 =	smul.u32 @!p0 $0xF7A, s2;
	p2 =	seq.s32 @!p0 s5, $0x0  }
0x1f: {  	s9 =	smul.u32 $0xF7A, s1;
	s8 =	simm.s32 @!p0 $0x1BF5;
	p2 =	por !p2, p0  }
0x20: {  	[sflag:s8] =	ssyncset.s32 @!p0 $0xFFFFF086;
	s6 =	sadd.s32 @!p0 s3, s7;
	s7 =	simm.s32 @!p0 $0x108  }
0x21: {  	s3 =	sadd.s32 s3, s9;
	s6 =	sadd.s32 @!p0 $0x88, s6;
	s7 =	simm.s32 @p2 $0x1082  }
0x22: {  	[simem:s7], [sflag:s8] =	dma.local @!p0 [hbm:s6], $0xF7A  }
0x23: {  	s9 =	sor.u32 $0xD0000000, s2;
	s6 =	simm.s32 $0x108;
	_ =	swait.ge @!p0 [sflag:s8], $0x0  }
0x24: {  	s3 =	sadd.s32 $0x88, s3;
	s6 =	simm.s32 @!p1 $0x1082;
	[sflag:s4] =	ssyncset.s32 $0xFFFFF086  }
0x25: {  	[simem:s6], [sflag:s4] =	dma.local [hbm:s3], $0xF7A  }
0x26: {  	[smem:$0x3F95] =	sst s1;
	(tag) =	ssettag s2;
	_ =	strace s9  }
0x27: {  	s1 =	sld [smem:$0x3FA5]  }
0x28: {  	s2 =	sld [smem:$0x3FA6]  }
0x29: {  	s4 =	sld [smem:$0x3FA8]  }
0x2a: {  	p0 =	seq.s32 s5, $0x0;
	s5 =	sld [smem:$0x3FA9]  }
0x2b: {  	s6 =	sld [smem:$0x3FAA]  }
0x2c: {  	s7 =	sld [smem:$0x3FAB]  }
0x2d: {  	s3 =	simm.s32 $0x108;
	s8 =	sld [smem:$0x3FAC]  }
0x2e: {  	s3 =	simm.s32 @!p0 $0x1082;
	s9 =	sld [smem:$0x3FAD]  }
0x2f: {  	lr =	sadd.s32 s0, s3;
	s0 =	sld [smem:$0x3FA4]  }
0x30: {  	s3 =	sld [smem:$0x3FA7]  }
0x31: {  	[smem:$0x3FB0] =	sst s10  }
0x32: {  	s10 =	sld [smem:$0x3FAE];
	_ =	sdelay $0x3  }
0x33: {  	p0 =	seq.s32 s10, $0x1;
	s10 =	sld [smem:$0x3FB0];
	_ =	sdelay $0x3  }
0x34: {  	[smem:$0x3FB0] =	sst s10  }
0x35: {  	s10 =	sld [smem:$0x3FAF];
	_ =	sdelay $0x3  }
0x36: {  	p1 =	seq.s32 s10, $0x1;
	s10 =	sld [smem:$0x3FB0];
	_ =	sdelay $0x3  }
0x37: {  	[smem:$0x3FB0] =	sst s10  }
0x38: {  	s10 =	sld [smem:$0x3FB1]  }
0x39: {  	_ = 	snop;
	(pc) =	sbr.ind lr, $3  }
0x3a: {  	_ = 	snop  }
0x3b: {  	_ = 	snop  }
0x3c: {  	p2 =	seq.s32 s10, $0x1;
	s10 =	sld [smem:$0x3FB0]  }
0x3d: {  	_ =	shalt  }
0x3e: {  	_ =	shalt  }
0x3f: {  	_ =	shalt  }
0x40: {  	_ =	shalt  }
0x41: {  	_ =	shalt  }
0x42: {  	_ =	shalt  }
0x43: {  	_ =	shalt  }
0x44: {  	_ =	shalt  }
0x45: {  	_ =	shalt  }
0x46: {  	_ =	shalt  }
0x47: {  	_ =	shalt  }
0x48: {  	_ =	shalt  }
0x49: {  	_ =	shalt  }
0x4a: {  	_ =	shalt  }
0x4b: {  	_ =	shalt  }
0x4c: {  	_ =	shalt  }
0x4d: {  	_ =	shalt  }
0x4e: {  	_ =	shalt  }
0x4f: {  	_ =	shalt  }
0x50: {  	_ =	shalt  }
0x51: {  	_ =	shalt  }
0x52: {  	_ =	shalt  }
0x53: {  	_ =	shalt  }
0x54: {  	_ =	shalt  }
0x55: {  	_ =	shalt  }
0x56: {  	_ =	shalt  }
0x57: {  	_ =	shalt  }
0x58: {  	_ =	shalt  }
0x59: {  	_ =	shalt  }
0x5a: {  	_ =	shalt  }
0x5b: {  	_ =	shalt  }
0x5c: {  	_ =	shalt  }
0x5d: {  	_ =	shalt  }
0x5e: {  	_ =	shalt  }
0x5f: {  	_ =	shalt  }
0x60: {  	_ =	shalt  }
0x61: {  	_ =	shalt  }
0x62: {  	_ =	shalt  }
0x63: {  	_ =	shalt  }
0x64: {  	_ =	shalt  }
0x65: {  	_ =	shalt  }
0x66: {  	_ =	shalt  }
0x67: {  	_ =	shalt  }
0x68: {  	_ =	shalt  }
0x69: {  	_ =	shalt  }
0x6a: {  	_ =	shalt  }
0x6b: {  	_ =	shalt  }
0x6c: {  	_ =	shalt  }
0x6d: {  	_ =	shalt  }
0x6e: {  	_ =	shalt  }
0x6f: {  	_ =	shalt  }
0x70: {  	_ =	shalt  }
0x71: {  	_ =	shalt  }
0x72: {  	_ =	shalt  }
0x73: {  	_ =	shalt  }
0x74: {  	_ =	shalt  }
0x75: {  	_ =	shalt  }
0x76: {  	_ =	shalt  }
0x77: {  	_ =	shalt  }
0x78: {  	_ =	shalt  }
0x79: {  	_ =	shalt  }
0x7a: {  	_ =	shalt  }
0x7b: {  	_ =	shalt  }
0x7c: {  	_ =	shalt  }
0x7d: {  	_ =	shalt  }
0x7e: {  	_ =	shalt  }
0x7f: {  	_ =	shalt  }
0x80: {  	_ =	shalt  }
0x81: {  	_ =	shalt  }
0x82: {  	_ =	shalt  }
0x83: {  	_ =	shalt  }
0x84: {  	_ =	shalt  }
0x85: {  	_ =	shalt  }
0x86: {  	_ =	shalt  }
0x87: {  	_ =	shalt  }
.Lfunc_end0:
.L_simem_size_0:
called_computation.3_lowered:
.L_overlay_start_0:
0x88: {  	s2 =	sld [smem:$0x3FD9]  }
0x89: {  	s3 =	sld [smem:$0x3FFE];
	_ =	sdelay $0x1  }
0x8a: {  	s1 =	srdreg.scid  }
0x8b: {  	s0 =	sand.u32 $0x1, s1  }
0x8c: {  	s17 =	sshll.u32 s0, $0xA;
	s2 =	sadd.s32 s3, s2  }
0x8d: {  	s2 =	sadd.s32 s2, s17  }
0x8e: {  	[smem:$0x3FBC] =	sst s2  }
0x8f: {  	_ = 	snop  }
0x90: {  	s2 =	sld [smem:$0x3FD0];
	(tm) =	ssettm $0x1  }
0x91: {  	s18 =	sld [smem:$0x3FFB];
	_ =	sdelay $0x3  }
0x92: {  	_ =	strace s18  }
0x93: {  	s3 =	sld [smem:$0x3FFC];
	_ =	sdelay $0x3  }
0x94: {  	_ =	strace s3  }
0x95: {  	s3 =	sld [smem:$0x3FFD];
	_ =	sdelay $0x3  }
0x96: {  	_ =	strace s3  }
0x97: {  	_ =	strace $0x8FFFFFFF  }
0x98: {  	s19 =	sld [smem:$0x3FDB];
	_ =	sdelay $0x1  }
0x99: {  	s4 =	simm.s32 $_scs_section_size  }
0x9a: {  	s5 =	simm.s32 $_size__tile_overlayer_lowered;
	s6 =	simm.s32 $_tile_overlayer_lowered  }
0x9b: {  	s22 =	simm.s32 $0x1BFF;
	s21 =	sshll.u32 s6, $0x1;
	s3 =	sadd.s32 s4, s19  }
0x9c: {  	s7 =	simm.s32 $0x0;
	s20 =	sshll.u32 s5, $0x1;
	s5 =	sadd.s32 s21, s3  }
0x9d: {  	[timem:s7], [sflag:s22] =	dma.local [hbm:s5], s20  }
0x9e: {  	_ =	swait.ge [sflag:s22], s20  }
0x9f: {  	s4 =	ssub.s32 $0x0, s20;
	[sflag:s22] =	ssyncset.done $0x0  }
0xa0: {  	[sflag:s22] =	ssyncadd.s32 s4;
	_ =	sdelay $0x1  }
0xa1: {  	s23 =	simm.s32 $0x1B8B  }
0xa2: {  	_ =	swait.ge [sflag:s23], $0x1  }
0xa3: {  	[sflag:s23] =	ssyncset.done $0x0  }
0xa4: {  	s25 =	simm.s32 $0x1B8E;
	s24 =	sld [smem:$0x3FFE];
	[sflag:s23] =	ssyncadd.s32 $0xFFFFFFFF  }
0xa5: {  	s26 =	simm.s32 $execute0_lowered;
	[smem:$0x3FD2] =	sst s25  }
0xa6: {  	s5 =	sshll.u32 s26, $0x1;
	_ =	strace $0x8000004F;
	[dreg:$0x1] =	wrdreg $0xFFFFFFFF  }
0xa7: {  	s28 =	simm.s32 $_size_execute0_lowered;
	s3 =	sadd.s32 s3, s5;
	[dreg:$0x0] =	wrdreg $0x0  }
0xa8: {  	s5 =	sshll.u32 s28, $0x1;
	[dreg:$0x2] =	wrdreg s3  }
0xa9: {  	[dreg:$0x3] =	wrdreg s5  }
0xaa: {  	[dreg:$0x4] =	wrdreg $0xC0  }
0xab: {  	_ =	task [dreg:s7], $0x5FFFF  }
0xac: {  	[dreg:$0x1] =	wrdreg $0xFFFFFFFF  }
0xad: {  	[dreg:$0x0] =	wrdreg $0x60  }
0xae: {  	[dreg:$0x2] =	wrdreg s24  }
0xaf: {  	[dreg:$0x3] =	wrdreg s2  }
0xb0: {  	[dreg:$0x4] =	wrdreg $0x48000  }
0xb1: {  	[dreg:$0x5] =	wrdreg $0x9  }
0xb2: {  	_ =	task.clear_ibuf [dreg:s7], $0x6FFFF;
	_ =	strace $0x9000004F  }
0xb3: {  	s29 =	simm.s32 $0x9;
	_ =	strace $0x80000051  }
0xb4: {  	_ =	swait.ge [sflag:s29], $0x1  }
0xb5: {  	[sflag:s29] =	ssyncadd.s32 $0xFFFFFFFF  }
0xb6: {  	_ =	strace $0x90000051  }
0xb7: {  	_ =	sfence  }
0xb8: {  	s30 =	sld [smem:$0x0];
	_ =	sdelay $0x2  }
0xb9: {  	s31 =	sshll.u32 s1, $0xD;
	s1 =	sshrl.u32 s1, $0x2  }
0xba: {  	s3 =	sand.u32 $0x4000, s31;
	s1 =	sadd.s32 s1, s30  }
0xbb: {  	s0 =	sor.u32 s3, s0;
	s1 =	sshll.u32 s1, $0x11  }
0xbc: {  	s0 =	sor.u32 s1, s0  }
0xbd: {  	s0 =	sadd.s32 $0x8F2B, s0  }
0xbe: {  	[sflag:s0] =	ssyncadd.remote.s32 $0x1  }
0xbf: {  	_ =	sfence.sel $0xFFFF  }
0xc0: {  	[dreg:$0x0] =	wrdreg $0xFFFFFFFF;
	(pc) =	sbr.abs _section_cstart, $3  }
0xc1: {  	[dreg:$0x1] =	wrdreg $0xFFFFFFFF  }
0xc2: {  	_ =	task.clear_ibuf [dreg:s7], $0x2FFFF;
	_ =	strace $0x9FFFFFFF  }
0xc3: {  	(tm) =	ssettm $0x7FFFFFFF  }
tec
execute0_lowered:
.L_overlay_start_1:
0x0: {  	(tag) =	ssettag $0x1  }
0x1: {  	s0 =	rddreg [dreg:$0x0]  }
0x2: {  	s1 =	rddreg [dreg:$0x1]  }
0x3: {  	s2 =	rddreg [dreg:$0x2]  }
0x4: {  	s4 =	srdreg.scid;
	s13 =	stileid.u32  }
0x5: {  	s3 =	simm.s32 $0x0;
	s16 =	simm.s32 $0xB;
	s18 =	simm.s32 $0x1  }
0x6: {  	s14 =	simm.s32 $0x600;
	s28 =	simm.s32 $0x3800;
	s29 =	simm.s32 $0x3  }
0x7: {  	s30 =	simm.s32 $0x4;
	s31 =	simm.s32 $0x5;
	s7 =	smul.u32 $0xA00, s13  }
0x8: {  	s5 =	sand.u32 $0x1, s4;
	[smem:$0x7FF] =	sst s3;
	s8 =	smul.u32 $0x14000, s13  }
0x9: {  	s4 =	sadd.s32 $0xBC000, s0;
	s9 =	sadd.s32 $0x8000, s0;
	s19 =	smul.u32 $0xA0, s13  }
0xa: {  	s12 =	sadd.s32 $0x2A00, s0;
	s21 =	sshll.u32 s13, $0x6;
	s6 =	smul.u32 $0xA000, s5  }
0xb: {  	_ =	strace $0x80000050;
	s10 =	smul.u32 $0xA00, s5;
	s5 =	ssub.s32 $0x2, s5  }
0xc: {  	[dreg:$0x4] =	wrdreg s12;
	s13 =	sor.u32 $0x1C0B, s21;
	s12 =	simm.s32 $0x200  }
0xd: {  	s21 =	simm.s32 $0x80;
	s20 =	sshrl.u32 s5, $0x1;
	s8 =	sshrl.u32 s8, $0x2  }
0xe: {  	s1 =	sadd.s32 s1, s7;
	s11 =	sadd.s32 s7, s6;
	s5 =	ssub.s32 s5, s20  }
0xf: {  	s6 =	sadd.s32 s19, s10;
	s8 =	sadd.s32 s8, s2;
	s23 =	sadd.s32 $0x40, s1  }
0x10: {  	[dreg:$0x6] =	wrdreg s1;
	s25 =	sadd.s32 $0x80, s1;
	s1 =	simm.s32 $0x7  }
0x11: {  	s10 =	simm.s32 $0x0;
	s0 =	sadd.s32 s11, s0;
	[dreg:$0x8] =	wrdreg s23  }
0x12: {  	s22 =	sshll.u32 s6, $0x4;
	s24 =	smax.u32 s5, $0x1;
	[dreg:$0xb] =	wrdreg s25  }
0x13: {  	s26 =	sadd.s32 s9, s11;
	s8 =	sshrl.u32 s8, $0x3;
	s11 =	simm.s32 $0x400  }
0x14: {  	s23 =	simm.s32 $0x1800;
	s25 =	simm.s32 $0x2800;
	[dreg:$0xa] =	wrdreg s24  }
0x15: {  	s5 =	simm.s32 $0xA;
	s6 =	sadd.s32 s9, s22;
	[dreg:$0xd] =	wrdreg s8  }
0x16: {  	s0 =	sadd.s32 $0xD0000, s0;
	s22 =	simm.s32 $0x800;
	[dreg:$0x5] =	wrdreg s6  }
0x17: {  	s24 =	simm.s32 $0x8;
	s6 =	sadd.s32 $0x40, s6;
	[dreg:$0x9] =	wrdreg s0  }
0x18: {  	s9 =	simm.s32 $0x2;
	s0 =	sadd.s32 $0x80, s26;
	[dreg:$0x7] =	wrdreg s6  }
0x19: {  	s26 =	simm.s32 $0x9;
	[dreg:$0xc] =	wrdreg s0;
	s0 =	simm.s32 $0x6  }
.LBB2_1:
0x1a: {  	s6 =	rddreg [dreg:$0x4]  }
0x1b: {  	[spmem:s8], [sflag:s13] =	dma.local [hbm:s6], $0xA00  }
0x1c: {  	_ =	swait.ge [sflag:s16], $0xA00  }
0x1d: {  	[sflag:s16] =	ssyncset.done $0x0  }
0x1e: {  	s20 =	rddreg [dreg:$0x5];
	[sflag:s16] =	ssyncadd.s32 $0xFFFFF600  }
0x1f: {  	[tilespmem:s3], [sflag:$0x1] =	stream.linear.gather [hbm4b:s20+s3], $0x200, $0x38;
	[tilespmem:$0x9800] =	vst v63  }
0x20: {  	s8 =	rddreg [dreg:$0x6]  }
0x21: {  	[tilespmem:s11], [sflag:$0x1] =	stream.linear.gather [hbm4b:s8+s3], $0x200, $0x38;
	[tilespmem:$0x9800] =	vst v63  }
0x22: {  	_ =	swait.ge [sflag:s18], $0x200  }
0x23: {  	[sflag:s18] =	ssyncset.done $0x0  }
0x24: {  	[sflag:s18] =	ssyncadd.s32 $0xFFFFFE00  }
0x25: {  	_ =	swait.ge [sflag:s18], $0x200  }
0x26: {  	[sflag:s18] =	ssyncset.done $0x0  }
0x27: {  	s11 =	rddreg [dreg:$0x7];
	[sflag:s18] =	ssyncadd.s32 $0xFFFFFE00  }
0x28: {  	[tilespmem:s12], [sflag:$0x2] =	stream.linear.gather [hbm4b:s11+s3], $0x200, $0x38;
	[tilespmem:$0x9800] =	vst v63  }
0x29: {  	s7 =	smov.u32 s13;
	s13 =	rddreg [dreg:$0x8]  }
0x2a: {  	[tilespmem:s14], [sflag:$0x2] =	stream.linear.gather [hbm4b:s13+s3], $0x200, $0x38;
	[tilespmem:$0x9800] =	vst v63  }
0x2b: {  	[bflag:$0x0] =	sbarrier.arrive $0xFFFF  }
0x2c: {  	[tilespmem:s22], [sflag:$0x3] =	stream.indirect.gather [hbm4b:s4+s21], $0x20, s3, s21, $0xb8;
	[tilespmem:$0x9800] =	vst v63  }
0x2d: {  	_ = 	snop  }
0x2e: {  	[tilespmem:s23], [sflag:$0x4] =	stream.indirect.gather [hbm4b:s4+s21], $0x20, s21, s21, $0xb8;
	[tilespmem:$0x9800] =	vst v63  }
0x2f: {  	s15 =	simm.s32 $0x100  }
0x30: {  	[tilespmem:s25], [sflag:$0x5] =	stream.indirect.gather [hbm4b:s4+s21], $0x20, s15, s21, $0xb8;
	[tilespmem:$0x9800] =	vst v63  }
0x31: {  	s17 =	simm.s32 $0x180  }
0x32: {  	[tilespmem:s28], [sflag:$0x6] =	stream.indirect.gather [hbm4b:s4+s21], $0x20, s17, s21, $0xb8;
	[tilespmem:$0x9800] =	vst v63  }
0x33: {  	s8 =	sand.u32 $0x1, s3;
	_ =	swait.ge [sflag:s29], $0x1000  }
0x34: {  	s12 =	sshll.u32 s8, $0x9;
	[sflag:s29] =	ssyncset.done $0x0  }
0x35: {  	s11 =	sor.u32 $0x400, s12;
	[sflag:s29] =	ssyncadd.s32 $0xFFFFF000  }
0x36: {  	[spmem:s2] =	stream.indirect.scatter.add.f32 [tilespmem:s22], [sflag:$0x7], $0x20, s11, s21, $0xb8;
	[tilespmem:$0x9800] =	vst v63  }
0x37: {  	_ =	swait.ge [sflag:s30], $0x1000  }
0x38: {  	[sflag:s30] =	ssyncset.done $0x0  }
0x39: {  	s19 =	sor.u32 $0x480, s12;
	[sflag:s30] =	ssyncadd.s32 $0xFFFFF000  }
0x3a: {  	[spmem:s2] =	stream.indirect.scatter.add.f32 [tilespmem:s23], [sflag:$0x8], $0x20, s19, s21, $0xb8;
	[tilespmem:$0x9800] =	vst v63  }
0x3b: {  	_ =	swait.ge [sflag:s31], $0x1000  }
0x3c: {  	[sflag:s31] =	ssyncset.done $0x0  }
0x3d: {  	s20 =	sor.u32 $0x500, s12;
	[sflag:s31] =	ssyncadd.s32 $0xFFFFF000  }
0x3e: {  	[spmem:s2] =	stream.indirect.scatter.add.f32 [tilespmem:s25], [sflag:$0x9], $0x20, s20, s21, $0xb8;
	[tilespmem:$0x9800] =	vst v63  }
0x3f: {  	_ =	swait.ge [sflag:s0], $0x1000  }
0x40: {  	s6 =	sxor.u32 $0x1, s8;
	[sflag:s0] =	ssyncset.done $0x0  }
0x41: {  	s17 =	sor.u32 $0x580, s12;
	s19 =	sadd.s32 $0x1, s6;
	[sflag:s0] =	ssyncadd.s32 $0xFFFFF000  }
0x42: {  	[spmem:s2] =	stream.indirect.scatter.add.f32 [tilespmem:s28], [sflag:$0xA], $0x20, s17, s21, $0xb8;
	[tilespmem:$0x9800] =	vst v63  }
0x43: {  	_ =	swait.ge [sflag:s19], $0x200  }
0x44: {  	[sflag:s19] =	ssyncset.done $0x0  }
0x45: {  	[sflag:s19] =	ssyncadd.s32 $0xFFFFFE00  }
0x46: {  	_ =	swait.ge [sflag:s19], $0x200  }
0x47: {  	[sflag:s19] =	ssyncset.done $0x0  }
0x48: {  	[sflag:s19] =	ssyncadd.s32 $0xFFFFFE00  }
0x49: {  	_ =	swait.ge [sflag:s1], $0x1000  }
0x4a: {  	[sflag:s1] =	ssyncset.done $0x0  }
0x4b: {  	s13 =	sshll.u32 s6, $0x9;
	[sflag:s1] =	ssyncadd.s32 $0xFFFFF000  }
0x4c: {  	[tilespmem:s22], [sflag:$0x3] =	stream.indirect.gather [hbm4b:s4+s21], $0x20, s13, s21, $0xb8;
	[tilespmem:$0x9800] =	vst v63  }
0x4d: {  	_ =	swait.ge [sflag:s24], $0x1000  }
0x4e: {  	[sflag:s24] =	ssyncset.done $0x0  }
0x4f: {  	s14 =	sor.u32 $0x80, s13;
	[sflag:s24] =	ssyncadd.s32 $0xFFFFF000  }
0x50: {  	[tilespmem:s23], [sflag:$0x4] =	stream.indirect.gather [hbm4b:s4+s21], $0x20, s14, s21, $0xb8;
	[tilespmem:$0x9800] =	vst v63  }
0x51: {  	_ =	swait.ge [sflag:s26], $0x1000  }
0x52: {  	[sflag:s26] =	ssyncset.done $0x0  }
0x53: {  	s15 =	sor.u32 $0x100, s13;
	[sflag:s26] =	ssyncadd.s32 $0xFFFFF000  }
0x54: {  	[tilespmem:s25], [sflag:$0x5] =	stream.indirect.gather [hbm4b:s4+s21], $0x20, s15, s21, $0xb8;
	[tilespmem:$0x9800] =	vst v63  }
0x55: {  	_ =	swait.ge [sflag:s5], $0x1000  }
0x56: {  	[sflag:s5] =	ssyncset.done $0x0  }
0x57: {  	s13 =	sor.u32 $0x180, s13;
	s19 =	rddreg [dreg:$0xc];
	[sflag:s5] =	ssyncadd.s32 $0xFFFFF000  }
0x58: {  	[tilespmem:s28], [sflag:$0x6] =	stream.indirect.gather [hbm4b:s4+s21], $0x20, s13, s21, $0xb8;
	[tilespmem:$0x9800] =	vst v63  }
0x59: {  	s20 =	sadd.s32 $0x1, s8;
	s13 =	rddreg [dreg:$0xb]  }
0x5a: {  	[tilespmem:s12], [sflag:s20] =	stream.linear.gather [hbm4b:s19+s3], $0x200, $0x38;
	[tilespmem:$0x9800] =	vst v63  }
0x5b: {  	s17 =	sadd.s32 $0x40, s13;
	s12 =	simm.s32 $0x1;
	s19 =	sadd.s32 $0x40, s19  }
.LBB2_2:
0x5c: {  	[tilespmem:s11], [sflag:s20] =	stream.linear.gather [hbm4b:s13+s3], $0x200, $0x38;
	[tilespmem:$0x9800] =	vst v63  }
0x5d: {  	s20 =	sand.u32 $0x1, s12;
	p0 =	sne.s32 s12, $0x25;
	_ =	swait.ge [sflag:s29], $0x1000  }
0x5e: {  	s6 =	sxor.u32 $0x1, s20;
	s8 =	sshll.u32 s20, $0x9;
	[sflag:s29] =	ssyncset.done $0x0  }
0x5f: {  	s12 =	sadd.s32 $0x1, s12;
	s11 =	sor.u32 $0x400, s8;
	[sflag:s29] =	ssyncadd.s32 $0xFFFFF000  }
0x60: {  	[spmem:s2] =	stream.indirect.scatter.add.f32 [tilespmem:s22], [sflag:$0x7], $0x20, s11, s21, $0xb8;
	[tilespmem:$0x9800] =	vst v63  }
0x61: {  	s13 =	smov.u32 s17;
	_ =	swait.ge [sflag:s30], $0x1000  }
0x62: {  	[sflag:s30] =	ssyncset.done $0x0  }
0x63: {  	s14 =	sor.u32 $0x480, s8;
	[sflag:s30] =	ssyncadd.s32 $0xFFFFF000  }
0x64: {  	[spmem:s2] =	stream.indirect.scatter.add.f32 [tilespmem:s23], [sflag:$0x8], $0x20, s14, s21, $0xb8;
	[tilespmem:$0x9800] =	vst v63  }
0x65: {  	_ =	swait.ge [sflag:s31], $0x1000  }
0x66: {  	[sflag:s31] =	ssyncset.done $0x0  }
0x67: {  	s14 =	sor.u32 $0x500, s8;
	[sflag:s31] =	ssyncadd.s32 $0xFFFFF000  }
0x68: {  	[spmem:s2] =	stream.indirect.scatter.add.f32 [tilespmem:s25], [sflag:$0x9], $0x20, s14, s21, $0xb8;
	[tilespmem:$0x9800] =	vst v63  }
0x69: {  	_ =	swait.ge [sflag:s0], $0x1000  }
0x6a: {  	[sflag:s0] =	ssyncset.done $0x0  }
0x6b: {  	s15 =	sadd.s32 $0x1, s6;
	s14 =	sor.u32 $0x580, s8;
	[sflag:s0] =	ssyncadd.s32 $0xFFFFF000  }
0x6c: {  	[spmem:s2] =	stream.indirect.scatter.add.f32 [tilespmem:s28], [sflag:$0xA], $0x20, s14, s21, $0xb8;
	[tilespmem:$0x9800] =	vst v63  }
0x6d: {  	_ =	swait.ge [sflag:s15], $0x200  }
0x6e: {  	[sflag:s15] =	ssyncset.done $0x0  }
0x6f: {  	[sflag:s15] =	ssyncadd.s32 $0xFFFFFE00  }
0x70: {  	_ =	swait.ge [sflag:s15], $0x200  }
0x71: {  	[sflag:s15] =	ssyncset.done $0x0  }
0x72: {  	[sflag:s15] =	ssyncadd.s32 $0xFFFFFE00  }
0x73: {  	_ =	swait.ge [sflag:s1], $0x1000  }
0x74: {  	[sflag:s1] =	ssyncset.done $0x0  }
0x75: {  	s6 =	sshll.u32 s6, $0x9;
	[sflag:s1] =	ssyncadd.s32 $0xFFFFF000  }
0x76: {  	[tilespmem:s22], [sflag:$0x3] =	stream.indirect.gather [hbm4b:s4+s21], $0x20, s6, s21, $0xb8;
	[tilespmem:$0x9800] =	vst v63  }
0x77: {  	_ =	swait.ge [sflag:s24], $0x1000  }
0x78: {  	[sflag:s24] =	ssyncset.done $0x0  }
0x79: {  	s14 =	sor.u32 $0x80, s6;
	[sflag:s24] =	ssyncadd.s32 $0xFFFFF000  }
0x7a: {  	[tilespmem:s23], [sflag:$0x4] =	stream.indirect.gather [hbm4b:s4+s21], $0x20, s14, s21, $0xb8;
	[tilespmem:$0x9800] =	vst v63  }
0x7b: {  	_ =	swait.ge [sflag:s26], $0x1000  }
0x7c: {  	[sflag:s26] =	ssyncset.done $0x0  }
0x7d: {  	s14 =	sor.u32 $0x100, s6;
	[sflag:s26] =	ssyncadd.s32 $0xFFFFF000  }
0x7e: {  	[tilespmem:s25], [sflag:$0x5] =	stream.indirect.gather [hbm4b:s4+s21], $0x20, s14, s21, $0xb8;
	[tilespmem:$0x9800] =	vst v63  }
0x7f: {  	_ =	swait.ge [sflag:s5], $0x1000  }
0x80: {  	[sflag:s5] =	ssyncset.done $0x0  }
.Ltmp0:
0x81: {  	s6 =	sor.u32 $0x180, s6;
	[sflag:s5] =	ssyncadd.s32 $0xFFFFF000;
	(pc) =	sbr.rel @p0 .LBB2_2-.Ltmp0, $4  }
0x82: {  	[tilespmem:s28], [sflag:$0x6] =	stream.indirect.gather [hbm4b:s4+s21], $0x20, s6, s21, $0xb8;
	[tilespmem:$0x9800] =	vst v63  }
0x83: {  	s20 =	sadd.s32 $0x1, s20  }
0x84: {  	[tilespmem:s8], [sflag:s20] =	stream.linear.gather [hbm4b:s19+s3], $0x200, $0x38;
	[tilespmem:$0x9800] =	vst v63  }
0x85: {  	s17 =	sadd.s32 $0x40, s17;
	s19 =	sadd.s32 $0x40, s19  }
0x86: {  	[tilespmem:s11], [sflag:s20] =	stream.linear.gather [hbm4b:s13+s3], $0x200, $0x38;
	[tilespmem:$0x9800] =	vst v63  }
0x87: {  	_ =	swait.ge [sflag:s29], $0x1000  }
0x88: {  	[sflag:s29] =	ssyncset.done $0x0  }
0x89: {  	s11 =	simm.s32 $0x400;
	[sflag:s29] =	ssyncadd.s32 $0xFFFFF000  }
0x8a: {  	[spmem:s2] =	stream.indirect.scatter.add.f32 [tilespmem:s22], [sflag:$0x7], $0x20, s11, s21, $0xb8;
	[tilespmem:$0x9800] =	vst v63  }
0x8b: {  	_ =	swait.ge [sflag:s30], $0x1000  }
0x8c: {  	[sflag:s30] =	ssyncset.done $0x0  }
0x8d: {  	s6 =	simm.s32 $0x480;
	[sflag:s30] =	ssyncadd.s32 $0xFFFFF000  }
0x8e: {  	[spmem:s2] =	stream.indirect.scatter.add.f32 [tilespmem:s23], [sflag:$0x8], $0x20, s6, s21, $0xb8;
	[tilespmem:$0x9800] =	vst v63  }
0x8f: {  	_ =	swait.ge [sflag:s31], $0x1000  }
0x90: {  	[sflag:s31] =	ssyncset.done $0x0  }
0x91: {  	s15 =	simm.s32 $0x500;
	[sflag:s31] =	ssyncadd.s32 $0xFFFFF000  }
0x92: {  	[spmem:s2] =	stream.indirect.scatter.add.f32 [tilespmem:s25], [sflag:$0x9], $0x20, s15, s21, $0xb8;
	[tilespmem:$0x9800] =	vst v63  }
0x93: {  	_ =	swait.ge [sflag:s0], $0x1000  }
0x94: {  	[sflag:s0] =	ssyncset.done $0x0  }
0x95: {  	s17 =	simm.s32 $0x580;
	[sflag:s0] =	ssyncadd.s32 $0xFFFFF000  }
0x96: {  	[spmem:s2] =	stream.indirect.scatter.add.f32 [tilespmem:s28], [sflag:$0xA], $0x20, s17, s21, $0xb8;
	[tilespmem:$0x9800] =	vst v63  }
0x97: {  	_ =	swait.ge [sflag:s9], $0x200  }
0x98: {  	[sflag:s9] =	ssyncset.done $0x0  }
0x99: {  	[sflag:s9] =	ssyncadd.s32 $0xFFFFFE00  }
0x9a: {  	_ =	swait.ge [sflag:s9], $0x200  }
0x9b: {  	[sflag:s9] =	ssyncset.done $0x0  }
0x9c: {  	[sflag:s9] =	ssyncadd.s32 $0xFFFFFE00  }
0x9d: {  	_ =	swait.ge [sflag:s1], $0x1000  }
0x9e: {  	[sflag:s1] =	ssyncset.done $0x0  }
0x9f: {  	s12 =	simm.s32 $0x200;
	[sflag:s1] =	ssyncadd.s32 $0xFFFFF000  }
0xa0: {  	[tilespmem:s22], [sflag:$0x3] =	stream.indirect.gather [hbm4b:s4+s21], $0x20, s12, s21, $0xb8;
	[tilespmem:$0x9800] =	vst v63  }
0xa1: {  	_ =	swait.ge [sflag:s24], $0x1000  }
0xa2: {  	[sflag:s24] =	ssyncset.done $0x0  }
0xa3: {  	s19 =	simm.s32 $0x280;
	[sflag:s24] =	ssyncadd.s32 $0xFFFFF000  }
0xa4: {  	[tilespmem:s23], [sflag:$0x4] =	stream.indirect.gather [hbm4b:s4+s21], $0x20, s19, s21, $0xb8;
	[tilespmem:$0x9800] =	vst v63  }
0xa5: {  	_ =	swait.ge [sflag:s26], $0x1000  }
0xa6: {  	[sflag:s26] =	ssyncset.done $0x0  }
0xa7: {  	s20 =	simm.s32 $0x300;
	[sflag:s26] =	ssyncadd.s32 $0xFFFFF000  }
0xa8: {  	[tilespmem:s25], [sflag:$0x5] =	stream.indirect.gather [hbm4b:s4+s21], $0x20, s20, s21, $0xb8;
	[tilespmem:$0x9800] =	vst v63  }
0xa9: {  	_ =	swait.ge [sflag:s5], $0x1000  }
0xaa: {  	[sflag:s5] =	ssyncset.done $0x0  }
0xab: {  	s8 =	simm.s32 $0x380;
	[sflag:s5] =	ssyncadd.s32 $0xFFFFF000  }
0xac: {  	[tilespmem:s28], [sflag:$0x6] =	stream.indirect.gather [hbm4b:s4+s21], $0x20, s8, s21, $0xb8;
	[tilespmem:$0x9800] =	vst v63  }
0xad: {  	_ =	swait.ge [sflag:s29], $0x1000  }
0xae: {  	[sflag:s29] =	ssyncset.done $0x0  }
0xaf: {  	s14 =	simm.s32 $0x600;
	[sflag:s29] =	ssyncadd.s32 $0xFFFFF000  }
0xb0: {  	[spmem:s2] =	stream.indirect.scatter.add.f32 [tilespmem:s22], [sflag:$0x7], $0x20, s14, s21, $0xb8;
	[tilespmem:$0x9800] =	vst v63  }
0xb1: {  	_ =	swait.ge [sflag:s30], $0x1000  }
0xb2: {  	[sflag:s30] =	ssyncset.done $0x0  }
0xb3: {  	s13 =	simm.s32 $0x680;
	[sflag:s30] =	ssyncadd.s32 $0xFFFFF000  }
0xb4: {  	[spmem:s2] =	stream.indirect.scatter.add.f32 [tilespmem:s23], [sflag:$0x8], $0x20, s13, s21, $0xb8;
	[tilespmem:$0x9800] =	vst v63  }
0xb5: {  	_ =	swait.ge [sflag:s31], $0x1000  }
0xb6: {  	[sflag:s31] =	ssyncset.done $0x0  }
0xb7: {  	s15 =	simm.s32 $0x700;
	[sflag:s31] =	ssyncadd.s32 $0xFFFFF000  }
0xb8: {  	[spmem:s2] =	stream.indirect.scatter.add.f32 [tilespmem:s25], [sflag:$0x9], $0x20, s15, s21, $0xb8;
	[tilespmem:$0x9800] =	vst v63  }
0xb9: {  	_ =	swait.ge [sflag:s0], $0x1000  }
0xba: {  	[sflag:s0] =	ssyncset.done $0x0  }
0xbb: {  	s17 =	simm.s32 $0x780;
	[sflag:s0] =	ssyncadd.s32 $0xFFFFF000  }
0xbc: {  	[spmem:s2] =	stream.indirect.scatter.add.f32 [tilespmem:s28], [sflag:$0xA], $0x20, s17, s21, $0xb8;
	[tilespmem:$0x9800] =	vst v63  }
0xbd: {  	_ =	swait.ge [sflag:s1], $0x1000  }
0xbe: {  	[sflag:s1] =	ssyncset.done $0x0  }
0xbf: {  	[sflag:s1] =	ssyncadd.s32 $0xFFFFF000  }
0xc0: {  	_ =	swait.ge [sflag:s24], $0x1000  }
0xc1: {  	[sflag:s24] =	ssyncset.done $0x0  }
0xc2: {  	[sflag:s24] =	ssyncadd.s32 $0xFFFFF000  }
0xc3: {  	_ =	swait.ge [sflag:s26], $0x1000  }
0xc4: {  	[sflag:s26] =	ssyncset.done $0x0  }
0xc5: {  	[sflag:s26] =	ssyncadd.s32 $0xFFFFF000  }
0xc6: {  	_ =	swait.ge [sflag:s5], $0x1000  }
0xc7: {  	[sflag:s5] =	ssyncset.done $0x0  }
0xc8: {  	[sflag:s5] =	ssyncadd.s32 $0xFFFFF000  }
0xc9: {  	[bflag:$0x0] =	sbarrier.arrive $0xFFFF  }
0xca: {  	s19 =	rddreg [dreg:$0x9]  }
0xcb: {  	s8 =	rddreg [dreg:$0xd]  }
0xcc: {  	[hbm:s19], [sflag:s7] =	dma.local [spmem:s8], $0xA00  }
0xcd: {  	_ =	swait.ge [sflag:s16], $0xA00  }
0xce: {  	s10 =	sadd.s32 $0x1, s10;
	s20 =	rddreg [dreg:$0xa]  }
0xcf: {  	p0 =	sne.s32 s10, s20  }
.Ltmp1:
0xd0: {  	_ = 	snop;
	(pc) =	sbr.rel @p0 .LBB2_1-.Ltmp1, $3  }
0xd1: {  	_ =	sdelay $0x1  }
0xd2: {  	[sflag:s16] =	ssyncset.done $0x0  }
0xd3: {  	s13 =	smov.u32 s7;
	[sflag:s16] =	ssyncadd.s32 $0xFFFFF600  }
0xd4: {  	_ =	sfence.sel $0x180000  }
0xd5: {  	[bflag:$0x0] =	sbarrier.arrive $0xFFFF  }
0xd6: {  	_ =	strace $0x90000050  }
0xd7: {  	s0 =	stileid.u32;
	[bflag:$0x2] =	sbarrier.arrive $0xFFFF  }
0xd8: {  	p0 =	sne.s32 s0, $0x0;
	s0 =	rddreg [dreg:$0x3]  }
0xd9: {  	s0 =	sadd.s32 @!p0 $0x100000, s0  }
0xda: {  	[sflag:s0] =	ssyncadd.tile.s32 @!p0 $0x1;
	_ =	shalt  }
.Lfunc_end2:
_tile_overlayer_lowered:
.L_overlay_start_2:
0xdb: {  	(tag) =	ssettag $0x2  }
0xdc: {  	s0 =	rddreg [dreg:$0x0];
	s2 =	stileid.u32  }
0xdd: {  	s1 =	rddreg [dreg:$0x1];
	p0 =	sne.s32 s2, $0x0  }
0xde: {  	s3 =	rddreg [dreg:$0x2];
	[bflag:$0x3] =	sbarrier.arrive $0xFFFF;
	s2 =	simm.s32 @!p0 $0x1C0B  }
0xdf: {  	[timem:s3], [sflag:s2] =	dma.local @!p0 [hbm:s0], s1  }
0xe0: {  	s0 =	simm.s32 @!p0 $0xB  }
0xe1: {  	_ =	swait.ge @!p0 [sflag:s0], s1  }
0xe2: {  	s1 =	ssub.s32 @!p0 $0x0, s1;
	[sflag:s0] =	ssyncset.done @!p0 $0x0  }
0xe3: {  	[sflag:s0] =	ssyncadd.s32 @!p0 s1  }
0xe4: {  	[bflag:$0x3] =	sbarrier.arrive $0xFFFF  }
0xe5: {  	_ =	shalt  }

</sc_bundles>
